<compile_context>
chip_gen: v7x
topology: tpu7x:2x2x1
jax: 0.10.2.dev20260603
libtpu: 0.0.44.dev20260713+nightly
codegen_flags: <defaults>
</compile_context>

<pallas_src>
import functools
import math

import jax
import jax.numpy as jnp
from jax.experimental import pallas as pl
from jax.experimental.pallas import tpu as pltpu
from jax.experimental.pallas import tpu_sc as plsc

_B = 64
_T1 = 2000
_T2 = 4000
_NEG = float("-inf")
_NEG_F = -1e30
_BF = jnp.bfloat16
_F = jnp.float32


_NW = 32
_RPW = 3128
_C = 640
_NCHUNK = 5
_L = 16


def _sc_segmax(x_hbm, b_hbm, out_hbm, xbuf, bbuf, tab):
    d = x_hbm.shape[1]
    nj = d // _L
    n = x_hbm.shape[0]
    wid = jax.lax.axis_index("s") * 2 + jax.lax.axis_index("c")

    def init_row(r, c):
        for j in range(nj):
            tab[r, pl.ds(j * _L, _L)] = jnp.full((_L,), _NEG, jnp.float32)
        return c

    jax.lax.fori_loop(0, _B, init_row, 0)

    base = wid * _RPW

    def chunk_body(ci, carry):
        start = jnp.minimum(base + ci * _C, n - _C)
        pltpu.sync_copy(x_hbm.at[pl.ds(start, _C), :], xbuf)
        pltpu.sync_copy(b_hbm.at[pl.ds(start, _C)], bbuf)

        def grp(g, carry2):
            sv = bbuf[pl.ds(g * _L, _L)]
            c3 = carry2
            for u in range(_L):
                cur = c3[0]
                acc = c3[1:]
                s = sv[u]
                change = s != cur

                @pl.when(change)
                def _(cur=cur, acc=acc):
                    rt = jnp.maximum(cur, 0)
                    for j in range(nj):
                        tab[rt, pl.ds(j * _L, _L)] = jnp.maximum(
                            tab[rt, pl.ds(j * _L, _L)], acc[j])

                r = g * _L + u
                new_acc = tuple(
                    jnp.maximum(jnp.where(change,
                                          jnp.full((_L,), _NEG, jnp.float32),
                                          acc[j]),
                                xbuf[r, pl.ds(j * _L, _L)])
                    for j in range(nj))
                c3 = (s,) + new_acc
            return c3

        return jax.lax.fori_loop(0, _C // _L, grp, carry)

    init = (jnp.int32(0),) + tuple(
        jnp.full((_L,), _NEG, jnp.float32) for _ in range(nj))
    fin = jax.lax.fori_loop(0, _NCHUNK, chunk_body, init)
    cur = fin[0]
    acc = fin[1:]
    rt = jnp.maximum(cur, 0)
    for j in range(nj):
        tab[rt, pl.ds(j * _L, _L)] = jnp.maximum(
            tab[rt, pl.ds(j * _L, _L)], acc[j])
    pltpu.sync_copy(tab, out_hbm.at[wid])


def _sc_segmax_call(x, b32):
    n, d = x.shape
    fn = functools.partial(
        pl.kernel,
        out_type=jax.ShapeDtypeStruct((_NW, _B, d), jnp.float32),
        mesh=plsc.VectorSubcoreMesh(core_axis_name="c", subcore_axis_name="s"),
        scratch_types=[
            pltpu.VMEM((_C, d), jnp.float32),
            pltpu.VMEM((_C,), jnp.int32),
            pltpu.VMEM((_B, d), jnp.float32),
        ],
    )(_sc_segmax)
    return fn(x, b32)


def _pass1(bcol_ref, brow_ref, x_ref, wa_ref,
           hsum_ref, cnt_ref, smax_ref):
    i = pl.program_id(0)

    @pl.when(i == 0)
    def _():
        z = jnp.zeros_like(hsum_ref)
        hsum_ref[...] = z
        cnt_ref[...] = z
        smax_ref[...] = jnp.full_like(smax_ref, _NEG_F)

    x = x_ref[...]
    b = bcol_ref[0]
    brow = brow_ref[0]
    t = x.shape[0]
    d = x.shape[1]
    x16 = x.astype(_BF)
    st = jax.lax.dot_general(wa_ref[...].astype(_BF), x16,
                             (((1,), (1,)), ((), ())),
                             preferred_element_type=_F)
    seg = jax.lax.broadcasted_iota(jnp.int32, (_B, t), 0)
    ot16 = (seg == brow).astype(_BF)
    hsum_ref[...] += jnp.dot(ot16, x16, preferred_element_type=_F)

    lo = bcol_ref[0, 0, 0]
    hi = jnp.minimum(bcol_ref[0, t - 1, 0], _B - 1)

    def body(s, c):
        maskr = brow == s
        tm = jnp.max(jnp.where(maskr, st, _NEG), axis=1, keepdims=True)
        smax_ref[pl.ds(s, 1), :] = jnp.maximum(
            smax_ref[pl.ds(s, 1), :], jnp.broadcast_to(tm, (1, d)))
        c_s = jnp.sum(jnp.where(maskr, 1.0, 0.0), axis=1, keepdims=True)
        cnt_ref[pl.ds(s, 1), :] += jnp.broadcast_to(c_s, (1, d))
        return c

    jax.lax.fori_loop(lo, hi + 1, body, 0)


def _pass2(bcol_ref, brow_ref, x_ref, wk_ref, bk_ref, wq_ref, bq_ref,
           hsum_ref, cnt_ref, hmax32_ref, smax_ref,
           wa_ref, w1t_ref, b1_ref, w2t_ref, b2_ref,
           out_ref,
           qt_scr, m2_scr, den2_scr, num2t_scr, numa_scr, dena_scr):
    i = pl.program_id(0)
    nt = pl.num_programs(0)
    rsd = 1.0 / math.sqrt(x_ref.shape[1])

    @pl.when(i == 0)
    def _():
        den2_scr[...] = jnp.zeros_like(den2_scr)
        num2t_scr[...] = jnp.zeros_like(num2t_scr)
        numa_scr[...] = jnp.zeros_like(numa_scr)
        dena_scr[...] = jnp.zeros_like(dena_scr)
        m2_scr[...] = jnp.full_like(m2_scr, _NEG_F)
        hmean = hsum_ref[...] / cnt_ref[...]
        qt_scr[...] = jax.lax.dot_general(
            wq_ref[...], hmean, (((1,), (1,)), ((), ())),
            preferred_element_type=_F) + bq_ref[...]

    x = x_ref[...]
    brow = brow_ref[0]
    t = x.shape[0]
    d = x.shape[1]
    lo = bcol_ref[0, 0, 0]
    hi = jnp.minimum(bcol_ref[0, t - 1, 0], _B - 1)
    x16 = x.astype(_BF)

    kt = jax.lax.dot_general(wk_ref[...].astype(_BF), x16,
                             (((1,), (1,)), ((), ())),
                             preferred_element_type=_F) + bk_ref[...]
    st = jax.lax.dot_general(wa_ref[...].astype(_BF), x16,
                             (((1,), (1,)), ((), ())),
                             preferred_element_type=_F)
    seg = jax.lax.broadcasted_iota(jnp.int32, (_B, t), 0)
    ot16 = (seg == brow).astype(_BF)
    qcols = jnp.dot(qt_scr[...].astype(_BF), ot16, preferred_element_type=_F)
    s2t = jnp.sum(kt * qcols, axis=0, keepdims=True) * rsd

    lane = jax.lax.broadcasted_iota(jnp.int32, (1, _B), 1)

    def body_a(s, carry):
        ea_t, e2_t = carry
        maskr = brow == s
        tm = jnp.max(jnp.where(maskr, s2t, _NEG), axis=1, keepdims=True)
        olds = m2_scr[pl.ds(s, 1), :]
        news = jnp.maximum(olds, jnp.broadcast_to(tm, (1, d)))
        scale = jnp.exp(olds - news)
        m2_scr[pl.ds(s, 1), :] = news
        fac = jnp.where(lane == s, scale[:, 0:1], 1.0)
        num2t_scr[...] = num2t_scr[...] * fac
        den2_scr[...] = den2_scr[...] * fac
        e2_s = jnp.exp(s2t - news[:, 0:1])
        den2_scr[...] += jnp.where(
            lane == s,
            jnp.sum(jnp.where(maskr, e2_s, 0.0), axis=1, keepdims=True), 0.0)
        sxs = smax_ref[pl.ds(s, 1), :][:, 0:1]
        ea_s = jnp.exp(st - sxs)
        dena_scr[pl.ds(s, 1), :] += jnp.broadcast_to(
            jnp.sum(jnp.where(maskr, ea_s, 0.0), axis=1, keepdims=True),
            (1, d))
        return (jnp.where(maskr, ea_s, ea_t), jnp.where(maskr, e2_s, e2_t))

    zrow = jnp.zeros((1, t), dtype=_F)
    ea_t, e2_t = jax.lax.fori_loop(lo, hi + 1, body_a, (zrow, zrow))

    ote_a = ot16 * ea_t.astype(_BF)
    ote_2 = ot16 * e2_t.astype(_BF)
    numa_scr[...] += jnp.dot(ote_a, x16, preferred_element_type=_F)
    num2t_scr[...] += jax.lax.dot_general(
        kt.astype(_BF), ote_2, (((1,), (1,)), ((), ())),
        preferred_element_type=_F)

    @pl.when(i == nt - 1)
    def _():
        hmean = hsum_ref[...] / cnt_ref[...]
        hattn = numa_scr[...] / dena_scr[...]
        eye = (jax.lax.broadcasted_iota(jnp.int32, (_B, _B), 0) ==
               jax.lax.broadcasted_iota(jnp.int32, (_B, _B), 1)).astype(_F)
        num2 = jax.lax.dot_general(eye, num2t_scr[...],
                                   (((1,), (1,)), ((), ())),
                                   preferred_element_type=_F)
        den2 = jax.lax.dot_general(eye, jnp.broadcast_to(den2_scr[...],
                                                         (d, _B)),
                                   (((1,), (1,)), ((), ())),
                                   preferred_element_type=_F)
        hs2s = num2 / den2
        comb = jnp.concatenate(
            [hmean, jnp.max(hmax32_ref[...], axis=0), hsum_ref[...],
             hattn, hs2s], axis=-1)
        h = jnp.dot(comb, w1t_ref[...],
                    preferred_element_type=_F) + b1_ref[...]
        h = 0.5 * h * (1.0 + jax.lax.erf(h * (1.0 / math.sqrt(2.0))))
        out_ref[...] = jnp.dot(h, w2t_ref[...],
                               preferred_element_type=_F) + b2_ref[...]


def kernel(x, batch, Wa, ba, Wq, bq, Wk, bk, W1, b1, W2, b2):
    n, d = x.shape
    t1, t2 = _T1, _T2
    nt1 = -(-n // t1)
    nt2 = -(-n // t2)
    npad = max(nt1 * t1, nt2 * t2)
    nt1 = npad // t1
    nt2 = npad // t2
    b32 = batch.astype(jnp.int32)
    if npad != n:
        x = jnp.pad(x, ((0, npad - n), (0, 0)))
        b32 = jnp.pad(b32, (0, npad - n), constant_values=_B)
    bcol1 = b32.reshape(nt1, t1, 1)
    brow1 = b32.reshape(nt1, 1, t1)
    bcol2 = b32.reshape(nt2, t2, 1)
    brow2 = b32.reshape(nt2, 1, t2)

    w1t = W1.T
    w2t = W2.T
    wa2 = Wa.reshape(1, d)
    bkc = bk.reshape(d, 1)
    bqc = bq.reshape(d, 1)
    b12 = b1.reshape(1, b1.shape[0])
    b22 = b2.reshape(1, b2.shape[0])

    params = pltpu.CompilerParams(dimension_semantics=("arbitrary",))
    stat_shape = jax.ShapeDtypeStruct((_B, d), jnp.float32)
    stat_spec = pl.BlockSpec((_B, d), lambda i: (0, 0))
    hmax32 = _sc_segmax_call(x, b32)
    hsum, cnt, smax = pl.pallas_call(
        _pass1,
        grid=(nt1,),
        in_specs=[
            pl.BlockSpec((1, t1, 1), lambda i: (i, 0, 0)),
            pl.BlockSpec((1, 1, t1), lambda i: (i, 0, 0)),
            pl.BlockSpec((t1, d), lambda i: (i, 0)),
            pl.BlockSpec((1, d), lambda i: (0, 0)),
        ],
        out_specs=[stat_spec] * 3,
        out_shape=[stat_shape] * 3,
        compiler_params=params,
    )(bcol1, brow1, x, wa2)

    out = pl.pallas_call(
        _pass2,
        grid=(nt2,),
        in_specs=[
            pl.BlockSpec((1, t2, 1), lambda i: (i, 0, 0)),
            pl.BlockSpec((1, 1, t2), lambda i: (i, 0, 0)),
            pl.BlockSpec((t2, d), lambda i: (i, 0)),
            pl.BlockSpec((d, d), lambda i: (0, 0)),
            pl.BlockSpec((d, 1), lambda i: (0, 0)),
            pl.BlockSpec((d, d), lambda i: (0, 0)),
            pl.BlockSpec((d, 1), lambda i: (0, 0)),
            stat_spec, stat_spec,
            pl.BlockSpec((_NW, _B, d), lambda i: (0, 0, 0)),
            stat_spec,
            pl.BlockSpec((1, d), lambda i: (0, 0)),
            pl.BlockSpec(w1t.shape, lambda i: (0, 0)),
            pl.BlockSpec(b12.shape, lambda i: (0, 0)),
            pl.BlockSpec(w2t.shape, lambda i: (0, 0)),
            pl.BlockSpec(b22.shape, lambda i: (0, 0)),
        ],
        out_specs=pl.BlockSpec((_B, d), lambda i: (0, 0)),
        out_shape=jax.ShapeDtypeStruct((_B, d), jnp.float32),
        scratch_shapes=[
            pltpu.VMEM((d, _B), jnp.float32),
            pltpu.VMEM((_B, d), jnp.float32),
            pltpu.VMEM((1, _B), jnp.float32),
            pltpu.VMEM((d, _B), jnp.float32),
            pltpu.VMEM((_B, d), jnp.float32),
            pltpu.VMEM((_B, d), jnp.float32),
        ],
        compiler_params=params,
    )(bcol2, brow2, x, Wk, bkc, Wq, bqc, hsum, cnt, hmax32, smax,
      wa2, w1t, b12, w2t, b22)
    return out

# --- scband reference (transcript-rebuilt; emitter-appended) ---
"""Pipeline reference for scband-hierarchical-pooling-38654705664490 (READ-ONLY COPY).

The authoritative reference and input builder live on the scoring server;
editing this copy changes nothing except your own understanding.
"""

import jax, jax.numpy as jnp
import numpy as np
import math


def setup_inputs(seed: int = 0) -> dict:
    key = jax.random.key(seed)
    ks = jax.random.split(key, 12)
    N, D, B = 100000, 128, 64
    s = 0.02
    x = jax.random.normal(ks[0], (N, D), dtype=jnp.float32)
    batch = jnp.sort(jax.random.randint(ks[1], (N,), 0, B)).astype(jnp.int64)
    Wa = jax.random.normal(ks[2], (1, D), dtype=jnp.float32) * s
    ba = jnp.zeros((1,), dtype=jnp.float32)
    Wq = jax.random.normal(ks[3], (D, D), dtype=jnp.float32) * s
    bq = jnp.zeros((D,), dtype=jnp.float32)
    Wk = jax.random.normal(ks[4], (D, D), dtype=jnp.float32) * s
    bk = jnp.zeros((D,), dtype=jnp.float32)
    W1 = jax.random.normal(ks[5], (2 * D, 5 * D), dtype=jnp.float32) * s
    b1 = jnp.zeros((2 * D,), dtype=jnp.float32)
    W2 = jax.random.normal(ks[6], (D, 2 * D), dtype=jnp.float32) * s
    b2 = jnp.zeros((D,), dtype=jnp.float32)
    return {"x": x, "batch": batch, "Wa": Wa, "ba": ba, "Wq": Wq, "bq": bq, "Wk": Wk, "bk": bk, "W1": W1, "b1": b1, "W2": W2, "b2": b2}


def _segment_softmax(scores, batch, num_segments):
    smax = jax.ops.segment_max(scores, batch, num_segments=num_segments)
    e = jnp.exp(scores - smax[batch])
    den = jax.ops.segment_sum(e, batch, num_segments=num_segments)
    return e / den[batch]


def reference(x, batch, Wa, ba, Wq, bq, Wk, bk, W1, b1, W2, b2):
    B = 64
    D = x.shape[1]
    ones = jnp.ones((x.shape[0],), dtype=x.dtype)
    counts = jax.ops.segment_sum(ones, batch, num_segments=B)
    h_sum = jax.ops.segment_sum(x, batch, num_segments=B)
    h_mean = h_sum / counts[:, None]
    h_max = jax.ops.segment_max(x, batch, num_segments=B)
    # attention pooling
    scores = (x @ Wa.T + ba)[:, 0]
    aw = _segment_softmax(scores, batch, B)
    h_attn = jax.ops.segment_sum(x * aw[:, None], batch, num_segments=B)
    # set2set-style attention (vectorized equivalent of the per-graph loop)
    q = h_mean @ Wq.T + bq
    k = x @ Wk.T + bk
    s2 = jnp.sum(k * q[batch], axis=-1) / math.sqrt(D)
    w2 = _segment_softmax(s2, batch, B)
    h_s2s = jax.ops.segment_sum(k * w2[:, None], batch, num_segments=B)
    combined = jnp.concatenate([h_mean, h_max, h_sum, h_attn, h_s2s], axis=-1)
    h = combined @ W1.T + b1
    h = jax.nn.gelu(h, approximate=False)
    out = h @ W2.T + b2
    return out

if __name__ == "__main__":
    import jax
    _d = setup_inputs()
    print(jax.jit(kernel)(*tuple(_d.values())))

</pallas_src>

<mosaic_0001>
#map = affine_map<(d0, d1) -> (0, 0)>
#map1 = affine_map<(d0, d1) -> (0)>
#map2 = affine_map<(d0, d1) -> (0, 0, 0)>
module attributes {stable_mosaic.version = 14 : i64} {
  func.func @_sc_segmax(%arg0: i32, %arg1: i32, %arg2: memref<100000x128xf32, #tpu.memory_space<hbm>>, %arg3: memref<100000xi32, #tpu.memory_space<hbm>>, %arg4: memref<32x64x128xf32, #tpu.memory_space<hbm>>, %arg5: memref<640x128xf32, #tpu.memory_space<vmem>>, %arg6: memref<640xi32, #tpu.memory_space<vmem>>, %arg7: memref<64x128xf32, #tpu.memory_space<vmem>>) attributes {dimension_semantics = [#tpu.dimension_semantics<core_parallel>, #tpu.dimension_semantics<subcore_parallel>], iteration_bounds = array<i64: 2, 16>, scalar_prefetch = 0 : i64, scratch_operands = 3 : i64, tpu.core_type = #tpu.core_type<sc_vector_subcore>, window_params = [{transform_indices = #map}, {transform_indices = #map1}, {transform_indices = #map2}]} {
    %mul3A = arith.constant 2 : i32
    %mul3A_0 = arith.muli %arg1, %mul3A : i32
    %add3A = arith.addi %mul3A_0, %arg0 : i32
    %scan3A = arith.constant 0 : i32
    %scan3A_1 = arith.constant 0 : i32
    %scan3A_2 = arith.constant 64 : i32
    %scan3A_3 = arith.addi %scan3A_1, %scan3A_2 : i32
    %scan3A_4 = arith.constant 1 : i32
    scf.for %scan3A_109 = %scan3A_1 to %scan3A_3 step %scan3A_4  : i32 {
      %broadcast_in_dim3A_110 = arith.constant 0xFF800000 : f32
      %broadcast_in_dim3A_111 = vector.broadcast %broadcast_in_dim3A_110 : f32 to vector<16xf32>
      %swap3A_112 = arith.index_cast %scan3A_109 : i32 to index
      %swap3A_113 = arith.constant 0 : index
      %swap3A_114 = tpu.vector_load %arg7[%swap3A_112, %swap3A_113] {strides = array<i32>} : memref<64x128xf32, #tpu.memory_space<vmem>>, vector<1x16xf32>,
      %swap3A_115 = vector.shape_cast %swap3A_114 : vector<1x16xf32> to vector<16xf32>
      %swap3A_116 = vector.shape_cast %broadcast_in_dim3A_111 : vector<16xf32> to vector<1x16xf32>
      tpu.vector_store %arg7[%swap3A_112, %swap3A_113], %swap3A_116 {strides = array<i32>} : memref<64x128xf32, #tpu.memory_space<vmem>>, vector<1x16xf32>,
      %broadcast_in_dim3A_117 = arith.constant 0xFF800000 : f32
      %broadcast_in_dim3A_118 = vector.broadcast %broadcast_in_dim3A_117 : f32 to vector<16xf32>
      %swap3A_119 = arith.index_cast %scan3A_109 : i32 to index
      %swap3A_120 = arith.constant 16 : index
      %swap3A_121 = tpu.vector_load %arg7[%swap3A_119, %swap3A_120] {strides = array<i32>} : memref<64x128xf32, #tpu.memory_space<vmem>>, vector<1x16xf32>,
      %swap3A_122 = vector.shape_cast %swap3A_121 : vector<1x16xf32> to vector<16xf32>
      %swap3A_123 = vector.shape_cast %broadcast_in_dim3A_118 : vector<16xf32> to vector<1x16xf32>
      tpu.vector_store %arg7[%swap3A_119, %swap3A_120], %swap3A_123 {strides = array<i32>} : memref<64x128xf32, #tpu.memory_space<vmem>>, vector<1x16xf32>,
      %broadcast_in_dim3A_124 = arith.constant 0xFF800000 : f32
      %broadcast_in_dim3A_125 = vector.broadcast %broadcast_in_dim3A_124 : f32 to vector<16xf32>
      %swap3A_126 = arith.index_cast %scan3A_109 : i32 to index
      %swap3A_127 = arith.constant 32 : index
      %swap3A_128 = tpu.vector_load %arg7[%swap3A_126, %swap3A_127] {strides = array<i32>} : memref<64x128xf32, #tpu.memory_space<vmem>>, vector<1x16xf32>,
      %swap3A_129 = vector.shape_cast %swap3A_128 : vector<1x16xf32> to vector<16xf32>
      %swap3A_130 = vector.shape_cast %broadcast_in_dim3A_125 : vector<16xf32> to vector<1x16xf32>
      tpu.vector_store %arg7[%swap3A_126, %swap3A_127], %swap3A_130 {strides = array<i32>} : memref<64x128xf32, #tpu.memory_space<vmem>>, vector<1x16xf32>,
      %broadcast_in_dim3A_131 = arith.constant 0xFF800000 : f32
      %broadcast_in_dim3A_132 = vector.broadcast %broadcast_in_dim3A_131 : f32 to vector<16xf32>
      %swap3A_133 = arith.index_cast %scan3A_109 : i32 to index
      %swap3A_134 = arith.constant 48 : index
      %swap3A_135 = tpu.vector_load %arg7[%swap3A_133, %swap3A_134] {strides = array<i32>} : memref<64x128xf32, #tpu.memory_space<vmem>>, vector<1x16xf32>,
      %swap3A_136 = vector.shape_cast %swap3A_135 : vector<1x16xf32> to vector<16xf32>
      %swap3A_137 = vector.shape_cast %broadcast_in_dim3A_132 : vector<16xf32> to vector<1x16xf32>
      tpu.vector_store %arg7[%swap3A_133, %swap3A_134], %swap3A_137 {strides = array<i32>} : memref<64x128xf32, #tpu.memory_space<vmem>>, vector<1x16xf32>,
      %broadcast_in_dim3A_138 = arith.constant 0xFF800000 : f32
      %broadcast_in_dim3A_139 = vector.broadcast %broadcast_in_dim3A_138 : f32 to vector<16xf32>
      %swap3A_140 = arith.index_cast %scan3A_109 : i32 to index
      %swap3A_141 = arith.constant 64 : index
      %swap3A_142 = tpu.vector_load %arg7[%swap3A_140, %swap3A_141] {strides = array<i32>} : memref<64x128xf32, #tpu.memory_space<vmem>>, vector<1x16xf32>,
      %swap3A_143 = vector.shape_cast %swap3A_142 : vector<1x16xf32> to vector<16xf32>
      %swap3A_144 = vector.shape_cast %broadcast_in_dim3A_139 : vector<16xf32> to vector<1x16xf32>
      tpu.vector_store %arg7[%swap3A_140, %swap3A_141], %swap3A_144 {strides = array<i32>} : memref<64x128xf32, #tpu.memory_space<vmem>>, vector<1x16xf32>,
      %broadcast_in_dim3A_145 = arith.constant 0xFF800000 : f32
      %broadcast_in_dim3A_146 = vector.broadcast %broadcast_in_dim3A_145 : f32 to vector<16xf32>
      %swap3A_147 = arith.index_cast %scan3A_109 : i32 to index
      %swap3A_148 = arith.constant 80 : index
      %swap3A_149 = tpu.vector_load %arg7[%swap3A_147, %swap3A_148] {strides = array<i32>} : memref<64x128xf32, #tpu.memory_space<vmem>>, vector<1x16xf32>,
      %swap3A_150 = vector.shape_cast %swap3A_149 : vector<1x16xf32> to vector<16xf32>
      %swap3A_151 = vector.shape_cast %broadcast_in_dim3A_146 : vector<16xf32> to vector<1x16xf32>
      tpu.vector_store %arg7[%swap3A_147, %swap3A_148], %swap3A_151 {strides = array<i32>} : memref<64x128xf32, #tpu.memory_space<vmem>>, vector<1x16xf32>,
      %broadcast_in_dim3A_152 = arith.constant 0xFF800000 : f32
      %broadcast_in_dim3A_153 = vector.broadcast %broadcast_in_dim3A_152 : f32 to vector<16xf32>
      %swap3A_154 = arith.index_cast %scan3A_109 : i32 to index
      %swap3A_155 = arith.constant 96 : index
      %swap3A_156 = tpu.vector_load %arg7[%swap3A_154, %swap3A_155] {strides = array<i32>} : memref<64x128xf32, #tpu.memory_space<vmem>>, vector<1x16xf32>,
      %swap3A_157 = vector.shape_cast %swap3A_156 : vector<1x16xf32> to vector<16xf32>
      %swap3A_158 = vector.shape_cast %broadcast_in_dim3A_153 : vector<16xf32> to vector<1x16xf32>
      tpu.vector_store %arg7[%swap3A_154, %swap3A_155], %swap3A_158 {strides = array<i32>} : memref<64x128xf32, #tpu.memory_space<vmem>>, vector<1x16xf32>,
      %broadcast_in_dim3A_159 = arith.constant 0xFF800000 : f32
      %broadcast_in_dim3A_160 = vector.broadcast %broadcast_in_dim3A_159 : f32 to vector<16xf32>
      %swap3A_161 = arith.index_cast %scan3A_109 : i32 to index
      %swap3A_162 = arith.constant 112 : index
      %swap3A_163 = tpu.vector_load %arg7[%swap3A_161, %swap3A_162] {strides = array<i32>} : memref<64x128xf32, #tpu.memory_space<vmem>>, vector<1x16xf32>,
      %swap3A_164 = vector.shape_cast %swap3A_163 : vector<1x16xf32> to vector<16xf32>
      %swap3A_165 = vector.shape_cast %broadcast_in_dim3A_160 : vector<16xf32> to vector<1x16xf32>
      tpu.vector_store %arg7[%swap3A_161, %swap3A_162], %swap3A_165 {strides = array<i32>} : memref<64x128xf32, #tpu.memory_space<vmem>>, vector<1x16xf32>,
    }
    %scan3A_5 = arith.constant 64 : i32
    %mul3A_6 = arith.constant 3128 : i32
    %mul3A_7 = arith.muli %add3A, %mul3A_6 : i32
    %broadcast_in_dim3A = arith.constant 0xFF800000 : f32
    %broadcast_in_dim3A_8 = vector.broadcast %broadcast_in_dim3A : f32 to vector<16xf32>
    %broadcast_in_dim3A_9 = arith.constant 0xFF800000 : f32
    %broadcast_in_dim3A_10 = vector.broadcast %broadcast_in_dim3A_9 : f32 to vector<16xf32>
    %broadcast_in_dim3A_11 = arith.constant 0xFF800000 : f32
    %broadcast_in_dim3A_12 = vector.broadcast %broadcast_in_dim3A_11 : f32 to vector<16xf32>
    %broadcast_in_dim3A_13 = arith.constant 0xFF800000 : f32
    %broadcast_in_dim3A_14 = vector.broadcast %broadcast_in_dim3A_13 : f32 to vector<16xf32>
    %broadcast_in_dim3A_15 = arith.constant 0xFF800000 : f32
    %broadcast_in_dim3A_16 = vector.broadcast %broadcast_in_dim3A_15 : f32 to vector<16xf32>
    %broadcast_in_dim3A_17 = arith.constant 0xFF800000 : f32
    %broadcast_in_dim3A_18 = vector.broadcast %broadcast_in_dim3A_17 : f32 to vector<16xf32>
    %broadcast_in_dim3A_19 = arith.constant 0xFF800000 : f32
    %broadcast_in_dim3A_20 = vector.broadcast %broadcast_in_dim3A_19 : f32 to vector<16xf32>
    %broadcast_in_dim3A_21 = arith.constant 0xFF800000 : f32
    %broadcast_in_dim3A_22 = vector.broadcast %broadcast_in_dim3A_21 : f32 to vector<16xf32>
    %scan3A_23 = arith.constant 0 : i32
    %scan3A_24 = arith.constant 0 : i32
    %scan3A_25 = arith.constant 5 : i32
    %scan3A_26 = arith.addi %scan3A_24, %scan3A_25 : i32
    %scan3A_27 = arith.constant 1 : i32
    %scan3A_28:9 = scf.for %scan3A_109 = %scan3A_24 to %scan3A_26 step %scan3A_27 iter_args(%scan3A_110 = %scan3A_23, %scan3A_111 = %broadcast_in_dim3A_8, %scan3A_112 = %broadcast_in_dim3A_10, %scan3A_113 = %broadcast_in_dim3A_12, %scan3A_114 = %broadcast_in_dim3A_14, %scan3A_115 = %broadcast_in_dim3A_16, %scan3A_116 = %broadcast_in_dim3A_18, %scan3A_117 = %broadcast_in_dim3A_20, %scan3A_118 = %broadcast_in_dim3A_22) -> (i32, vector<16xf32>, vector<16xf32>, vector<16xf32>, vector<16xf32>, vector<16xf32>, vector<16xf32>, vector<16xf32>, vector<16xf32>)  : i32 {
      %mul3A_119 = arith.constant 640 : i32
      %mul3A_120 = arith.muli %scan3A_109, %mul3A_119 : i32
      %add3A_121 = arith.addi %mul3A_7, %mul3A_120 : i32
      %min3A = arith.constant 99360 : i32
      %min3A_122 = arith.minsi %add3A_121, %min3A : i32
      "tpu.region"() ({
        %run_scoped3A = tpu.sem_alloc : memref<!tpu.dma_semaphore, #tpu.memory_space<semaphore_mem>>
        %dma_start3A = arith.constant 0 : i32
        %dma_start3A_129 = tpu.memref_slice %arg2[%min3A_122, %dma_start3A] : memref<100000x128xf32, #tpu.memory_space<hbm>> -> memref<640x128xf32, #tpu.memory_space<hbm>>
        %dma_start3A_130 = arith.constant 0 : i32
        %dma_start3A_131 = tpu.memref_slice %arg2[%min3A_122, %dma_start3A_130] : memref<100000x128xf32, #tpu.memory_space<hbm>> -> memref<640x128xf32, #tpu.memory_space<hbm>>
        tpu.enqueue_dma source(%dma_start3A_131 : memref<640x128xf32, #tpu.memory_space<hbm>>) target(%arg5 : memref<640x128xf32, #tpu.memory_space<vmem>>) target_semaphore(%run_scoped3A : memref<!tpu.dma_semaphore, #tpu.memory_space<semaphore_mem>>)
        %dma_wait3A = arith.constant 0 : i32
        %dma_wait3A_132 = tpu.memref_slice %arg2[%min3A_122, %dma_wait3A] : memref<100000x128xf32, #tpu.memory_space<hbm>> -> memref<640x128xf32, #tpu.memory_space<hbm>>
        %dma_wait3A_133 = arith.constant 0 : i32
        %dma_wait3A_134 = tpu.memref_slice %arg2[%min3A_122, %dma_wait3A_133] : memref<100000x128xf32, #tpu.memory_space<hbm>> -> memref<640x128xf32, #tpu.memory_space<hbm>>
        tpu.wait_dma2 semaphore(%run_scoped3A : memref<!tpu.dma_semaphore, #tpu.memory_space<semaphore_mem>>) src(%dma_wait3A_134 : memref<640x128xf32, #tpu.memory_space<hbm>>) dst(%arg5 : memref<640x128xf32, #tpu.memory_space<vmem>>)
        tpu.yield
      }) : () -> ()
      "tpu.region"() ({
        %run_scoped3A = tpu.sem_alloc : memref<!tpu.dma_semaphore, #tpu.memory_space<semaphore_mem>>
        %dma_start3A = tpu.memref_slice %arg3[%min3A_122] : memref<100000xi32, #tpu.memory_space<hbm>> -> memref<640xi32, #tpu.memory_space<hbm>>
        %dma_start3A_129 = tpu.memref_slice %arg3[%min3A_122] : memref<100000xi32, #tpu.memory_space<hbm>> -> memref<640xi32, #tpu.memory_space<hbm>>
        tpu.enqueue_dma source(%dma_start3A_129 : memref<640xi32, #tpu.memory_space<hbm>>) target(%arg6 : memref<640xi32, #tpu.memory_space<vmem>>) target_semaphore(%run_scoped3A : memref<!tpu.dma_semaphore, #tpu.memory_space<semaphore_mem>>)
        %dma_wait3A = tpu.memref_slice %arg3[%min3A_122] : memref<100000xi32, #tpu.memory_space<hbm>> -> memref<640xi32, #tpu.memory_space<hbm>>
        %dma_wait3A_130 = tpu.memref_slice %arg3[%min3A_122] : memref<100000xi32, #tpu.memory_space<hbm>> -> memref<640xi32, #tpu.memory_space<hbm>>
        tpu.wait_dma2 semaphore(%run_scoped3A : memref<!tpu.dma_semaphore, #tpu.memory_space<semaphore_mem>>) src(%dma_wait3A_130 : memref<640xi32, #tpu.memory_space<hbm>>) dst(%arg6 : memref<640xi32, #tpu.memory_space<vmem>>)
        tpu.yield
      }) : () -> ()
      %scan3A_123 = arith.constant 0 : i32
      %scan3A_124 = arith.constant 40 : i32
      %scan3A_125 = arith.addi %scan3A_123, %scan3A_124 : i32
      %scan3A_126 = arith.constant 1 : i32
      %scan3A_127:9 = scf.for %scan3A_129 = %scan3A_123 to %scan3A_125 step %scan3A_126 iter_args(%scan3A_130 = %scan3A_110, %scan3A_131 = %scan3A_111, %scan3A_132 = %scan3A_112, %scan3A_133 = %scan3A_113, %scan3A_134 = %scan3A_114, %scan3A_135 = %scan3A_115, %scan3A_136 = %scan3A_116, %scan3A_137 = %scan3A_117, %scan3A_138 = %scan3A_118) -> (i32, vector<16xf32>, vector<16xf32>, vector<16xf32>, vector<16xf32>, vector<16xf32>, vector<16xf32>, vector<16xf32>, vector<16xf32>)  : i32 {
        %mul3A_139 = arith.constant 16 : i32
        %mul3A_140 = arith.muli %scan3A_129, %mul3A_139 : i32
        %get3A_141 = arith.index_cast %mul3A_140 : i32 to index
        %get3A_142 = tpu.vector_load %arg6[%get3A_141] {strides = array<i32>} : memref<640xi32, #tpu.memory_space<vmem>>, vector<16xi32>,
        %get3A_143 = vector.shape_cast %get3A_142 : vector<16xi32> to vector<16xi32>
        %slice3A = vector.extract_strided_slice %get3A_143 {offsets = [0], sizes = [1], strides = [1]} : vector<16xi32> to vector<1xi32>
        %squeeze3A = vector.extract %slice3A[0] : i32 from vector<1xi32>
        %ne3A = arith.cmpi ne, %squeeze3A, %scan3A_130 : i32
        %convert_element_type3A = arith.extui %ne3A : i1 to i32
        %cond3A = arith.constant 0 : i32
        %cond3A_144 = arith.cmpi ne, %convert_element_type3A, %cond3A : i32
        scf.if %cond3A_144 {
          %max3A_1322 = arith.constant 0 : i32
          %max3A_1323 = arith.maxsi %scan3A_130, %max3A_1322 : i32
          %get3A_1324 = arith.index_cast %max3A_1323 : i32 to index
          %get3A_1325 = arith.constant 0 : index
          %get3A_1326 = tpu.vector_load %arg7[%get3A_1324, %get3A_1325] {strides = array<i32>} : memref<64x128xf32, #tpu.memory_space<vmem>>, vector<1x16xf32>,
          %get3A_1327 = vector.shape_cast %get3A_1326 : vector<1x16xf32> to vector<16xf32>
          %max3A_1328 = arith.maximumf %get3A_1327, %scan3A_131 : vector<16xf32>
          %swap3A_1329 = arith.index_cast %max3A_1323 : i32 to index
          %swap3A_1330 = arith.constant 0 : index
          %swap3A_1331 = tpu.vector_load %arg7[%swap3A_1329, %swap3A_1330] {strides = array<i32>} : memref<64x128xf32, #tpu.memory_space<vmem>>, vector<1x16xf32>,
          %swap3A_1332 = vector.shape_cast %swap3A_1331 : vector<1x16xf32> to vector<16xf32>
          %swap3A_1333 = vector.shape_cast %max3A_1328 : vector<16xf32> to vector<1x16xf32>
          tpu.vector_store %arg7[%swap3A_1329, %swap3A_1330], %swap3A_1333 {strides = array<i32>} : memref<64x128xf32, #tpu.memory_space<vmem>>, vector<1x16xf32>,
          %get3A_1334 = arith.index_cast %max3A_1323 : i32 to index
          %get3A_1335 = arith.constant 16 : index
          %get3A_1336 = tpu.vector_load %arg7[%get3A_1334, %get3A_1335] {strides = array<i32>} : memref<64x128xf32, #tpu.memory_space<vmem>>, vector<1x16xf32>,
          %get3A_1337 = vector.shape_cast %get3A_1336 : vector<1x16xf32> to vector<16xf32>
          %max3A_1338 = arith.maximumf %get3A_1337, %scan3A_132 : vector<16xf32>
          %swap3A_1339 = arith.index_cast %max3A_1323 : i32 to index
          %swap3A_1340 = arith.constant 16 : index
          %swap3A_1341 = tpu.vector_load %arg7[%swap3A_1339, %swap3A_1340] {strides = array<i32>} : memref<64x128xf32, #tpu.memory_space<vmem>>, vector<1x16xf32>,
          %swap3A_1342 = vector.shape_cast %swap3A_1341 : vector<1x16xf32> to vector<16xf32>
          %swap3A_1343 = vector.shape_cast %max3A_1338 : vector<16xf32> to vector<1x16xf32>
          tpu.vector_store %arg7[%swap3A_1339, %swap3A_1340], %swap3A_1343 {strides = array<i32>} : memref<64x128xf32, #tpu.memory_space<vmem>>, vector<1x16xf32>,
          %get3A_1344 = arith.index_cast %max3A_1323 : i32 to index
          %get3A_1345 = arith.constant 32 : index
          %get3A_1346 = tpu.vector_load %arg7[%get3A_1344, %get3A_1345] {strides = array<i32>} : memref<64x128xf32, #tpu.memory_space<vmem>>, vector<1x16xf32>,
          %get3A_1347 = vector.shape_cast %get3A_1346 : vector<1x16xf32> to vector<16xf32>
          %max3A_1348 = arith.maximumf %get3A_1347, %scan3A_133 : vector<16xf32>
          %swap3A_1349 = arith.index_cast %max3A_1323 : i32 to index
          %swap3A_1350 = arith.constant 32 : index
          %swap3A_1351 = tpu.vector_load %arg7[%swap3A_1349, %swap3A_1350] {strides = array<i32>} : memref<64x128xf32, #tpu.memory_space<vmem>>, vector<1x16xf32>,
          %swap3A_1352 = vector.shape_cast %swap3A_1351 : vector<1x16xf32> to vector<16xf32>
          %swap3A_1353 = vector.shape_cast %max3A_1348 : vector<16xf32> to vector<1x16xf32>
          tpu.vector_store %arg7[%swap3A_1349, %swap3A_1350], %swap3A_1353 {strides = array<i32>} : memref<64x128xf32, #tpu.memory_space<vmem>>, vector<1x16xf32>,
          %get3A_1354 = arith.index_cast %max3A_1323 : i32 to index
          %get3A_1355 = arith.constant 48 : index
          %get3A_1356 = tpu.vector_load %arg7[%get3A_1354, %get3A_1355] {strides = array<i32>} : memref<64x128xf32, #tpu.memory_space<vmem>>, vector<1x16xf32>,
          %get3A_1357 = vector.shape_cast %get3A_1356 : vector<1x16xf32> to vector<16xf32>
          %max3A_1358 = arith.maximumf %get3A_1357, %scan3A_134 : vector<16xf32>
          %swap3A_1359 = arith.index_cast %max3A_1323 : i32 to index
          %swap3A_1360 = arith.constant 48 : index
          %swap3A_1361 = tpu.vector_load %arg7[%swap3A_1359, %swap3A_1360] {strides = array<i32>} : memref<64x128xf32, #tpu.memory_space<vmem>>, vector<1x16xf32>,
          %swap3A_1362 = vector.shape_cast %swap3A_1361 : vector<1x16xf32> to vector<16xf32>
          %swap3A_1363 = vector.shape_cast %max3A_1358 : vector<16xf32> to vector<1x16xf32>
          tpu.vector_store %arg7[%swap3A_1359, %swap3A_1360], %swap3A_1363 {strides = array<i32>} : memref<64x128xf32, #tpu.memory_space<vmem>>, vector<1x16xf32>,
          %get3A_1364 = arith.index_cast %max3A_1323 : i32 to index
          %get3A_1365 = arith.constant 64 : index
          %get3A_1366 = tpu.vector_load %arg7[%get3A_1364, %get3A_1365] {strides = array<i32>} : memref<64x128xf32, #tpu.memory_space<vmem>>, vector<1x16xf32>,
          %get3A_1367 = vector.shape_cast %get3A_1366 : vector<1x16xf32> to vector<16xf32>
          %max3A_1368 = arith.maximumf %get3A_1367, %scan3A_135 : vector<16xf32>
          %swap3A_1369 = arith.index_cast %max3A_1323 : i32 to index
          %swap3A_1370 = arith.constant 64 : index
          %swap3A_1371 = tpu.vector_load %arg7[%swap3A_1369, %swap3A_1370] {strides = array<i32>} : memref<64x128xf32, #tpu.memory_space<vmem>>, vector<1x16xf32>,
          %swap3A_1372 = vector.shape_cast %swap3A_1371 : vector<1x16xf32> to vector<16xf32>
          %swap3A_1373 = vector.shape_cast %max3A_1368 : vector<16xf32> to vector<1x16xf32>
          tpu.vector_store %arg7[%swap3A_1369, %swap3A_1370], %swap3A_1373 {strides = array<i32>} : memref<64x128xf32, #tpu.memory_space<vmem>>, vector<1x16xf32>,
          %get3A_1374 = arith.index_cast %max3A_1323 : i32 to index
          %get3A_1375 = arith.constant 80 : index
          %get3A_1376 = tpu.vector_load %arg7[%get3A_1374, %get3A_1375] {strides = array<i32>} : memref<64x128xf32, #tpu.memory_space<vmem>>, vector<1x16xf32>,
          %get3A_1377 = vector.shape_cast %get3A_1376 : vector<1x16xf32> to vector<16xf32>
          %max3A_1378 = arith.maximumf %get3A_1377, %scan3A_136 : vector<16xf32>
          %swap3A_1379 = arith.index_cast %max3A_1323 : i32 to index
          %swap3A_1380 = arith.constant 80 : index
          %swap3A_1381 = tpu.vector_load %arg7[%swap3A_1379, %swap3A_1380] {strides = array<i32>} : memref<64x128xf32, #tpu.memory_space<vmem>>, vector<1x16xf32>,
          %swap3A_1382 = vector.shape_cast %swap3A_1381 : vector<1x16xf32> to vector<16xf32>
          %swap3A_1383 = vector.shape_cast %max3A_1378 : vector<16xf32> to vector<1x16xf32>
          tpu.vector_store %arg7[%swap3A_1379, %swap3A_1380], %swap3A_1383 {strides = array<i32>} : memref<64x128xf32, #tpu.memory_space<vmem>>, vector<1x16xf32>,
          %get3A_1384 = arith.index_cast %max3A_1323 : i32 to index
          %get3A_1385 = arith.constant 96 : index
          %get3A_1386 = tpu.vector_load %arg7[%get3A_1384, %get3A_1385] {strides = array<i32>} : memref<64x128xf32, #tpu.memory_space<vmem>>, vector<1x16xf32>,
          %get3A_1387 = vector.shape_cast %get3A_1386 : vector<1x16xf32> to vector<16xf32>
          %max3A_1388 = arith.maximumf %get3A_1387, %scan3A_137 : vector<16xf32>
          %swap3A_1389 = arith.index_cast %max3A_1323 : i32 to index
          %swap3A_1390 = arith.constant 96 : index
          %swap3A_1391 = tpu.vector_load %arg7[%swap3A_1389, %swap3A_1390] {strides = array<i32>} : memref<64x128xf32, #tpu.memory_space<vmem>>, vector<1x16xf32>,
          %swap3A_1392 = vector.shape_cast %swap3A_1391 : vector<1x16xf32> to vector<16xf32>
          %swap3A_1393 = vector.shape_cast %max3A_1388 : vector<16xf32> to vector<1x16xf32>
          tpu.vector_store %arg7[%swap3A_1389, %swap3A_1390], %swap3A_1393 {strides = array<i32>} : memref<64x128xf32, #tpu.memory_space<vmem>>, vector<1x16xf32>,
          %get3A_1394 = arith.index_cast %max3A_1323 : i32 to index
          %get3A_1395 = arith.constant 112 : index
          %get3A_1396 = tpu.vector_load %arg7[%get3A_1394, %get3A_1395] {strides = array<i32>} : memref<64x128xf32, #tpu.memory_space<vmem>>, vector<1x16xf32>,
          %get3A_1397 = vector.shape_cast %get3A_1396 : vector<1x16xf32> to vector<16xf32>
          %max3A_1398 = arith.maximumf %get3A_1397, %scan3A_138 : vector<16xf32>
          %swap3A_1399 = arith.index_cast %max3A_1323 : i32 to index
          %swap3A_1400 = arith.constant 112 : index
          %swap3A_1401 = tpu.vector_load %arg7[%swap3A_1399, %swap3A_1400] {strides = array<i32>} : memref<64x128xf32, #tpu.memory_space<vmem>>, vector<1x16xf32>,
          %swap3A_1402 = vector.shape_cast %swap3A_1401 : vector<1x16xf32> to vector<16xf32>
          %swap3A_1403 = vector.shape_cast %max3A_1398 : vector<16xf32> to vector<1x16xf32>
          tpu.vector_store %arg7[%swap3A_1399, %swap3A_1400], %swap3A_1403 {strides = array<i32>} : memref<64x128xf32, #tpu.memory_space<vmem>>, vector<1x16xf32>,
        } else {
        }
        %mul3A_145 = arith.constant 16 : i32
        %mul3A_146 = arith.muli %scan3A_129, %mul3A_145 : i32
        %add3A_147 = arith.constant 0 : i32
        %add3A_148 = arith.addi %mul3A_146, %add3A_147 : i32
        %broadcast_in_dim3A_149 = arith.constant 0xFF800000 : f32
        %broadcast_in_dim3A_150 = vector.broadcast %broadcast_in_dim3A_149 : f32 to vector<16xf32>
        %select_n3A = arith.select %ne3A, %broadcast_in_dim3A_150, %scan3A_131 : vector<16xf32>
        %get3A_151 = arith.index_cast %add3A_148 : i32 to index
        %get3A_152 = arith.constant 0 : index
        %get3A_153 = tpu.vector_load %arg5[%get3A_151, %get3A_152] {strides = array<i32>} : memref<640x128xf32, #tpu.memory_space<vmem>>, vector<1x16xf32>,
        %get3A_154 = vector.shape_cast %get3A_153 : vector<1x16xf32> to vector<16xf32>
        %max3A_155 = arith.maximumf %select_n3A, %get3A_154 : vector<16xf32>
        %broadcast_in_dim3A_156 = arith.constant 0xFF800000 : f32
        %broadcast_in_dim3A_157 = vector.broadcast %broadcast_in_dim3A_156 : f32 to vector<16xf32>
        %select_n3A_158 = arith.select %ne3A, %broadcast_in_dim3A_157, %scan3A_132 : vector<16xf32>
        %get3A_159 = arith.index_cast %add3A_148 : i32 to index
        %get3A_160 = arith.constant 16 : index
        %get3A_161 = tpu.vector_load %arg5[%get3A_159, %get3A_160] {strides = array<i32>} : memref<640x128xf32, #tpu.memory_space<vmem>>, vector<1x16xf32>,
        %get3A_162 = vector.shape_cast %get3A_161 : vector<1x16xf32> to vector<16xf32>
        %max3A_163 = arith.maximumf %select_n3A_158, %get3A_162 : vector<16xf32>
        %broadcast_in_dim3A_164 = arith.constant 0xFF800000 : f32
        %broadcast_in_dim3A_165 = vector.broadcast %broadcast_in_dim3A_164 : f32 to vector<16xf32>
        %select_n3A_166 = arith.select %ne3A, %broadcast_in_dim3A_165, %scan3A_133 : vector<16xf32>
        %get3A_167 = arith.index_cast %add3A_148 : i32 to index
        %get3A_168 = arith.constant 32 : index
        %get3A_169 = tpu.vector_load %arg5[%get3A_167, %get3A_168] {strides = array<i32>} : memref<640x128xf32, #tpu.memory_space<vmem>>, vector<1x16xf32>,
        %get3A_170 = vector.shape_cast %get3A_169 : vector<1x16xf32> to vector<16xf32>
        %max3A_171 = arith.maximumf %select_n3A_166, %get3A_170 : vector<16xf32>
        %broadcast_in_dim3A_172 = arith.constant 0xFF800000 : f32
        %broadcast_in_dim3A_173 = vector.broadcast %broadcast_in_dim3A_172 : f32 to vector<16xf32>
        %select_n3A_174 = arith.select %ne3A, %broadcast_in_dim3A_173, %scan3A_134 : vector<16xf32>
        %get3A_175 = arith.index_cast %add3A_148 : i32 to index
        %get3A_176 = arith.constant 48 : index
        %get3A_177 = tpu.vector_load %arg5[%get3A_175, %get3A_176] {strides = array<i32>} : memref<640x128xf32, #tpu.memory_space<vmem>>, vector<1x16xf32>,
        %get3A_178 = vector.shape_cast %get3A_177 : vector<1x16xf32> to vector<16xf32>
        %max3A_179 = arith.maximumf %select_n3A_174, %get3A_178 : vector<16xf32>
        %broadcast_in_dim3A_180 = arith.constant 0xFF800000 : f32
        %broadcast_in_dim3A_181 = vector.broadcast %broadcast_in_dim3A_180 : f32 to vector<16xf32>
        %select_n3A_182 = arith.select %ne3A, %broadcast_in_dim3A_181, %scan3A_135 : vector<16xf32>
        %get3A_183 = arith.index_cast %add3A_148 : i32 to index
        %get3A_184 = arith.constant 64 : index
        %get3A_185 = tpu.vector_load %arg5[%get3A_183, %get3A_184] {strides = array<i32>} : memref<640x128xf32, #tpu.memory_space<vmem>>, vector<1x16xf32>,
        %get3A_186 = vector.shape_cast %get3A_185 : vector<1x16xf32> to vector<16xf32>
        %max3A_187 = arith.maximumf %select_n3A_182, %get3A_186 : vector<16xf32>
        %broadcast_in_dim3A_188 = arith.constant 0xFF800000 : f32
        %broadcast_in_dim3A_189 = vector.broadcast %broadcast_in_dim3A_188 : f32 to vector<16xf32>
        %select_n3A_190 = arith.select %ne3A, %broadcast_in_dim3A_189, %scan3A_136 : vector<16xf32>
        %get3A_191 = arith.index_cast %add3A_148 : i32 to index
        %get3A_192 = arith.constant 80 : index
        %get3A_193 = tpu.vector_load %arg5[%get3A_191, %get3A_192] {strides = array<i32>} : memref<640x128xf32, #tpu.memory_space<vmem>>, vector<1x16xf32>,
        %get3A_194 = vector.shape_cast %get3A_193 : vector<1x16xf32> to vector<16xf32>
        %max3A_195 = arith.maximumf %select_n3A_190, %get3A_194 : vector<16xf32>
        %broadcast_in_dim3A_196 = arith.constant 0xFF800000 : f32
        %broadcast_in_dim3A_197 = vector.broadcast %broadcast_in_dim3A_196 : f32 to vector<16xf32>
        %select_n3A_198 = arith.select %ne3A, %broadcast_in_dim3A_197, %scan3A_137 : vector<16xf32>
        %get3A_199 = arith.index_cast %add3A_148 : i32 to index
        %get3A_200 = arith.constant 96 : index
        %get3A_201 = tpu.vector_load %arg5[%get3A_199, %get3A_200] {strides = array<i32>} : memref<640x128xf32, #tpu.memory_space<vmem>>, vector<1x16xf32>,
        %get3A_202 = vector.shape_cast %get3A_201 : vector<1x16xf32> to vector<16xf32>
        %max3A_203 = arith.maximumf %select_n3A_198, %get3A_202 : vector<16xf32>
        %broadcast_in_dim3A_204 = arith.constant 0xFF800000 : f32
        %broadcast_in_dim3A_205 = vector.broadcast %broadcast_in_dim3A_204 : f32 to vector<16xf32>
        %select_n3A_206 = arith.select %ne3A, %broadcast_in_dim3A_205, %scan3A_138 : vector<16xf32>
        %get3A_207 = arith.index_cast %add3A_148 : i32 to index
        %get3A_208 = arith.constant 112 : index
        %get3A_209 = tpu.vector_load %arg5[%get3A_207, %get3A_208] {strides = array<i32>} : memref<640x128xf32, #tpu.memory_space<vmem>>, vector<1x16xf32>,
        %get3A_210 = vector.shape_cast %get3A_209 : vector<1x16xf32> to vector<16xf32>
        %max3A_211 = arith.maximumf %select_n3A_206, %get3A_210 : vector<16xf32>
        %slice3A_212 = vector.extract_strided_slice %get3A_143 {offsets = [1], sizes = [1], strides = [1]} : vector<16xi32> to vector<1xi32>
        %squeeze3A_213 = vector.extract %slice3A_212[0] : i32 from vector<1xi32>
        %ne3A_214 = arith.cmpi ne, %squeeze3A_213, %squeeze3A : i32
        %convert_element_type3A_215 = arith.extui %ne3A_214 : i1 to i32
        %cond3A_216 = arith.constant 0 : i32
        %cond3A_217 = arith.cmpi ne, %convert_element_type3A_215, %cond3A_216 : i32
        scf.if %cond3A_217 {
          %max3A_1322 = arith.constant 0 : i32
          %max3A_1323 = arith.maxsi %squeeze3A, %max3A_1322 : i32
          %get3A_1324 = arith.index_cast %max3A_1323 : i32 to index
          %get3A_1325 = arith.constant 0 : index
          %get3A_1326 = tpu.vector_load %arg7[%get3A_1324, %get3A_1325] {strides = array<i32>} : memref<64x128xf32, #tpu.memory_space<vmem>>, vector<1x16xf32>,
          %get3A_1327 = vector.shape_cast %get3A_1326 : vector<1x16xf32> to vector<16xf32>
          %max3A_1328 = arith.maximumf %get3A_1327, %max3A_155 : vector<16xf32>
          %swap3A_1329 = arith.index_cast %max3A_1323 : i32 to index
          %swap3A_1330 = arith.constant 0 : index
          %swap3A_1331 = tpu.vector_load %arg7[%swap3A_1329, %swap3A_1330] {strides = array<i32>} : memref<64x128xf32, #tpu.memory_space<vmem>>, vector<1x16xf32>,
          %swap3A_1332 = vector.shape_cast %swap3A_1331 : vector<1x16xf32> to vector<16xf32>
          %swap3A_1333 = vector.shape_cast %max3A_1328 : vector<16xf32> to vector<1x16xf32>
          tpu.vector_store %arg7[%swap3A_1329, %swap3A_1330], %swap3A_1333 {strides = array<i32>} : memref<64x128xf32, #tpu.memory_space<vmem>>, vector<1x16xf32>,
          %get3A_1334 = arith.index_cast %max3A_1323 : i32 to index
          %get3A_1335 = arith.constant 16 : index
          %get3A_1336 = tpu.vector_load %arg7[%get3A_1334, %get3A_1335] {strides = array<i32>} : memref<64x128xf32, #tpu.memory_space<vmem>>, vector<1x16xf32>,
          %get3A_1337 = vector.shape_cast %get3A_1336 : vector<1x16xf32> to vector<16xf32>
          %max3A_1338 = arith.maximumf %get3A_1337, %max3A_163 : vector<16xf32>
          %swap3A_1339 = arith.index_cast %max3A_1323 : i32 to index
          %swap3A_1340 = arith.constant 16 : index
          %swap3A_1341 = tpu.vector_load %arg7[%swap3A_1339, %swap3A_1340] {strides = array<i32>} : memref<64x128xf32, #tpu.memory_space<vmem>>, vector<1x16xf32>,
          %swap3A_1342 = vector.shape_cast %swap3A_1341 : vector<1x16xf32> to vector<16xf32>
          %swap3A_1343 = vector.shape_cast %max3A_1338 : vector<16xf32> to vector<1x16xf32>
          tpu.vector_store %arg7[%swap3A_1339, %swap3A_1340], %swap3A_1343 {strides = array<i32>} : memref<64x128xf32, #tpu.memory_space<vmem>>, vector<1x16xf32>,
          %get3A_1344 = arith.index_cast %max3A_1323 : i32 to index
          %get3A_1345 = arith.constant 32 : index
          %get3A_1346 = tpu.vector_load %arg7[%get3A_1344, %get3A_1345] {strides = array<i32>} : memref<64x128xf32, #tpu.memory_space<vmem>>, vector<1x16xf32>,
          %get3A_1347 = vector.shape_cast %get3A_1346 : vector<1x16xf32> to vector<16xf32>
          %max3A_1348 = arith.maximumf %get3A_1347, %max3A_171 : vector<16xf32>
          %swap3A_1349 = arith.index_cast %max3A_1323 : i32 to index
          %swap3A_1350 = arith.constant 32 : index
          %swap3A_1351 = tpu.vector_load %arg7[%swap3A_1349, %swap3A_1350] {strides = array<i32>} : memref<64x128xf32, #tpu.memory_space<vmem>>, vector<1x16xf32>,
          %swap3A_1352 = vector.shape_cast %swap3A_1351 : vector<1x16xf32> to vector<16xf32>
          %swap3A_1353 = vector.shape_cast %max3A_1348 : vector<16xf32> to vector<1x16xf32>
          tpu.vector_store %arg7[%swap3A_1349, %swap3A_1350], %swap3A_1353 {strides = array<i32>} : memref<64x128xf32, #tpu.memory_space<vmem>>, vector<1x16xf32>,
          %get3A_1354 = arith.index_cast %max3A_1323 : i32 to index
          %get3A_1355 = arith.constant 48 : index
          %get3A_1356 = tpu.vector_load %arg7[%get3A_1354, %get3A_1355] {strides = array<i32>} : memref<64x128xf32, #tpu.memory_space<vmem>>, vector<1x16xf32>,
          %get3A_1357 = vector.shape_cast %get3A_1356 : vector<1x16xf32> to vector<16xf32>
          %max3A_1358 = arith.maximumf %get3A_1357, %max3A_179 : vector<16xf32>
          %swap3A_1359 = arith.index_cast %max3A_1323 : i32 to index
          %swap3A_1360 = arith.constant 48 : index
          %swap3A_1361 = tpu.vector_load %arg7[%swap3A_1359, %swap3A_1360] {strides = array<i32>} : memref<64x128xf32, #tpu.memory_space<vmem>>, vector<1x16xf32>,
          %swap3A_1362 = vector.shape_cast %swap3A_1361 : vector<1x16xf32> to vector<16xf32>
          %swap3A_1363 = vector.shape_cast %max3A_1358 : vector<16xf32> to vector<1x16xf32>
          tpu.vector_store %arg7[%swap3A_1359, %swap3A_1360], %swap3A_1363 {strides = array<i32>} : memref<64x128xf32, #tpu.memory_space<vmem>>, vector<1x16xf32>,
          %get3A_1364 = arith.index_cast %max3A_1323 : i32 to index
          %get3A_1365 = arith.constant 64 : index
          %get3A_1366 = tpu.vector_load %arg7[%get3A_1364, %get3A_1365] {strides = array<i32>} : memref<64x128xf32, #tpu.memory_space<vmem>>, vector<1x16xf32>,
          %get3A_1367 = vector.shape_cast %get3A_1366 : vector<1x16xf32> to vector<16xf32>
          %max3A_1368 = arith.maximumf %get3A_1367, %max3A_187 : vector<16xf32>
          %swap3A_1369 = arith.index_cast %max3A_1323 : i32 to index
          %swap3A_1370 = arith.constant 64 : index
          %swap3A_1371 = tpu.vector_load %arg7[%swap3A_1369, %swap3A_1370] {strides = array<i32>} : memref<64x128xf32, #tpu.memory_space<vmem>>, vector<1x16xf32>,
          %swap3A_1372 = vector.shape_cast %swap3A_1371 : vector<1x16xf32> to vector<16xf32>
          %swap3A_1373 = vector.shape_cast %max3A_1368 : vector<16xf32> to vector<1x16xf32>
          tpu.vector_store %arg7[%swap3A_1369, %swap3A_1370], %swap3A_1373 {strides = array<i32>} : memref<64x128xf32, #tpu.memory_space<vmem>>, vector<1x16xf32>,
          %get3A_1374 = arith.index_cast %max3A_1323 : i32 to index
          %get3A_1375 = arith.constant 80 : index
          %get3A_1376 = tpu.vector_load %arg7[%get3A_1374, %get3A_1375] {strides = array<i32>} : memref<64x128xf32, #tpu.memory_space<vmem>>, vector<1x16xf32>,
          %get3A_1377 = vector.shape_cast %get3A_1376 : vector<1x16xf32> to vector<16xf32>
          %max3A_1378 = arith.maximumf %get3A_1377, %max3A_195 : vector<16xf32>
          %swap3A_1379 = arith.index_cast %max3A_1323 : i32 to index
          %swap3A_1380 = arith.constant 80 : index
          %swap3A_1381 = tpu.vector_load %arg7[%swap3A_1379, %swap3A_1380] {strides = array<i32>} : memref<64x128xf32, #tpu.memory_space<vmem>>, vector<1x16xf32>,
          %swap3A_1382 = vector.shape_cast %swap3A_1381 : vector<1x16xf32> to vector<16xf32>
          %swap3A_1383 = vector.shape_cast %max3A_1378 : vector<16xf32> to vector<1x16xf32>
          tpu.vector_store %arg7[%swap3A_1379, %swap3A_1380], %swap3A_1383 {strides = array<i32>} : memref<64x128xf32, #tpu.memory_space<vmem>>, vector<1x16xf32>,
          %get3A_1384 = arith.index_cast %max3A_1323 : i32 to index
          %get3A_1385 = arith.constant 96 : index
          %get3A_1386 = tpu.vector_load %arg7[%get3A_1384, %get3A_1385] {strides = array<i32>} : memref<64x128xf32, #tpu.memory_space<vmem>>, vector<1x16xf32>,
          %get3A_1387 = vector.shape_cast %get3A_1386 : vector<1x16xf32> to vector<16xf32>
          %max3A_1388 = arith.maximumf %get3A_1387, %max3A_203 : vector<16xf32>
          %swap3A_1389 = arith.index_cast %max3A_1323 : i32 to index
          %swap3A_1390 = arith.constant 96 : index
          %swap3A_1391 = tpu.vector_load %arg7[%swap3A_1389, %swap3A_1390] {strides = array<i32>} : memref<64x128xf32, #tpu.memory_space<vmem>>, vector<1x16xf32>,
          %swap3A_1392 = vector.shape_cast %swap3A_1391 : vector<1x16xf32> to vector<16xf32>
          %swap3A_1393 = vector.shape_cast %max3A_1388 : vector<16xf32> to vector<1x16xf32>
          tpu.vector_store %arg7[%swap3A_1389, %swap3A_1390], %swap3A_1393 {strides = array<i32>} : memref<64x128xf32, #tpu.memory_space<vmem>>, vector<1x16xf32>,
          %get3A_1394 = arith.index_cast %max3A_1323 : i32 to index
          %get3A_1395 = arith.constant 112 : index
          %get3A_1396 = tpu.vector_load %arg7[%get3A_1394, %get3A_1395] {strides = array<i32>} : memref<64x128xf32, #tpu.memory_space<vmem>>, vector<1x16xf32>,
          %get3A_1397 = vector.shape_cast %get3A_1396 : vector<1x16xf32> to vector<16xf32>
          %max3A_1398 = arith.maximumf %get3A_1397, %max3A_211 : vector<16xf32>
          %swap3A_1399 = arith.index_cast %max3A_1323 : i32 to index
          %swap3A_1400 = arith.constant 112 : index
          %swap3A_1401 = tpu.vector_load %arg7[%swap3A_1399, %swap3A_1400] {strides = array<i32>} : memref<64x128xf32, #tpu.memory_space<vmem>>, vector<1x16xf32>,
          %swap3A_1402 = vector.shape_cast %swap3A_1401 : vector<1x16xf32> to vector<16xf32>
          %swap3A_1403 = vector.shape_cast %max3A_1398 : vector<16xf32> to vector<1x16xf32>
          tpu.vector_store %arg7[%swap3A_1399, %swap3A_1400], %swap3A_1403 {strides = array<i32>} : memref<64x128xf32, #tpu.memory_space<vmem>>, vector<1x16xf32>,
        } else {
        }
        %mul3A_218 = arith.constant 16 : i32
        %mul3A_219 = arith.muli %scan3A_129, %mul3A_218 : i32
        %add3A_220 = arith.constant 1 : i32
        %add3A_221 = arith.addi %mul3A_219, %add3A_220 : i32
        %broadcast_in_dim3A_222 = arith.constant 0xFF800000 : f32
        %broadcast_in_dim3A_223 = vector.broadcast %broadcast_in_dim3A_222 : f32 to vector<16xf32>
        %select_n3A_224 = arith.select %ne3A_214, %broadcast_in_dim3A_223, %max3A_155 : vector<16xf32>
        %get3A_225 = arith.index_cast %add3A_221 : i32 to index
        %get3A_226 = arith.constant 0 : index
        %get3A_227 = tpu.vector_load %arg5[%get3A_225, %get3A_226] {strides = array<i32>} : memref<640x128xf32, #tpu.memory_space<vmem>>, vector<1x16xf32>,
        %get3A_228 = vector.shape_cast %get3A_227 : vector<1x16xf32> to vector<16xf32>
        %max3A_229 = arith.maximumf %select_n3A_224, %get3A_228 : vector<16xf32>
        %broadcast_in_dim3A_230 = arith.constant 0xFF800000 : f32
        %broadcast_in_dim3A_231 = vector.broadcast %broadcast_in_dim3A_230 : f32 to vector<16xf32>
        %select_n3A_232 = arith.select %ne3A_214, %broadcast_in_dim3A_231, %max3A_163 : vector<16xf32>
        %get3A_233 = arith.index_cast %add3A_221 : i32 to index
        %get3A_234 = arith.constant 16 : index
        %get3A_235 = tpu.vector_load %arg5[%get3A_233, %get3A_234] {strides = array<i32>} : memref<640x128xf32, #tpu.memory_space<vmem>>, vector<1x16xf32>,
        %get3A_236 = vector.shape_cast %get3A_235 : vector<1x16xf32> to vector<16xf32>
        %max3A_237 = arith.maximumf %select_n3A_232, %get3A_236 : vector<16xf32>
        %broadcast_in_dim3A_238 = arith.constant 0xFF800000 : f32
        %broadcast_in_dim3A_239 = vector.broadcast %broadcast_in_dim3A_238 : f32 to vector<16xf32>
        %select_n3A_240 = arith.select %ne3A_214, %broadcast_in_dim3A_239, %max3A_171 : vector<16xf32>
        %get3A_241 = arith.index_cast %add3A_221 : i32 to index
        %get3A_242 = arith.constant 32 : index
        %get3A_243 = tpu.vector_load %arg5[%get3A_241, %get3A_242] {strides = array<i32>} : memref<640x128xf32, #tpu.memory_space<vmem>>, vector<1x16xf32>,
        %get3A_244 = vector.shape_cast %get3A_243 : vector<1x16xf32> to vector<16xf32>
        %max3A_245 = arith.maximumf %select_n3A_240, %get3A_244 : vector<16xf32>
        %broadcast_in_dim3A_246 = arith.constant 0xFF800000 : f32
        %broadcast_in_dim3A_247 = vector.broadcast %broadcast_in_dim3A_246 : f32 to vector<16xf32>
        %select_n3A_248 = arith.select %ne3A_214, %broadcast_in_dim3A_247, %max3A_179 : vector<16xf32>
        %get3A_249 = arith.index_cast %add3A_221 : i32 to index
        %get3A_250 = arith.constant 48 : index
        %get3A_251 = tpu.vector_load %arg5[%get3A_249, %get3A_250] {strides = array<i32>} : memref<640x128xf32, #tpu.memory_space<vmem>>, vector<1x16xf32>,
        %get3A_252 = vector.shape_cast %get3A_251 : vector<1x16xf32> to vector<16xf32>
        %max3A_253 = arith.maximumf %select_n3A_248, %get3A_252 : vector<16xf32>
        %broadcast_in_dim3A_254 = arith.constant 0xFF800000 : f32
        %broadcast_in_dim3A_255 = vector.broadcast %broadcast_in_dim3A_254 : f32 to vector<16xf32>
        %select_n3A_256 = arith.select %ne3A_214, %broadcast_in_dim3A_255, %max3A_187 : vector<16xf32>
        %get3A_257 = arith.index_cast %add3A_221 : i32 to index
        %get3A_258 = arith.constant 64 : index
        %get3A_259 = tpu.vector_load %arg5[%get3A_257, %get3A_258] {strides = array<i32>} : memref<640x128xf32, #tpu.memory_space<vmem>>, vector<1x16xf32>,
        %get3A_260 = vector.shape_cast %get3A_259 : vector<1x16xf32> to vector<16xf32>
        %max3A_261 = arith.maximumf %select_n3A_256, %get3A_260 : vector<16xf32>
        %broadcast_in_dim3A_262 = arith.constant 0xFF800000 : f32
        %broadcast_in_dim3A_263 = vector.broadcast %broadcast_in_dim3A_262 : f32 to vector<16xf32>
        %select_n3A_264 = arith.select %ne3A_214, %broadcast_in_dim3A_263, %max3A_195 : vector<16xf32>
        %get3A_265 = arith.index_cast %add3A_221 : i32 to index
        %get3A_266 = arith.constant 80 : index
        %get3A_267 = tpu.vector_load %arg5[%get3A_265, %get3A_266] {strides = array<i32>} : memref<640x128xf32, #tpu.memory_space<vmem>>, vector<1x16xf32>,
        %get3A_268 = vector.shape_cast %get3A_267 : vector<1x16xf32> to vector<16xf32>
        %max3A_269 = arith.maximumf %select_n3A_264, %get3A_268 : vector<16xf32>
        %broadcast_in_dim3A_270 = arith.constant 0xFF800000 : f32
        %broadcast_in_dim3A_271 = vector.broadcast %broadcast_in_dim3A_270 : f32 to vector<16xf32>
        %select_n3A_272 = arith.select %ne3A_214, %broadcast_in_dim3A_271, %max3A_203 : vector<16xf32>
        %get3A_273 = arith.index_cast %add3A_221 : i32 to index
        %get3A_274 = arith.constant 96 : index
        %get3A_275 = tpu.vector_load %arg5[%get3A_273, %get3A_274] {strides = array<i32>} : memref<640x128xf32, #tpu.memory_space<vmem>>, vector<1x16xf32>,
        %get3A_276 = vector.shape_cast %get3A_275 : vector<1x16xf32> to vector<16xf32>
        %max3A_277 = arith.maximumf %select_n3A_272, %get3A_276 : vector<16xf32>
        %broadcast_in_dim3A_278 = arith.constant 0xFF800000 : f32
        %broadcast_in_dim3A_279 = vector.broadcast %broadcast_in_dim3A_278 : f32 to vector<16xf32>
        %select_n3A_280 = arith.select %ne3A_214, %broadcast_in_dim3A_279, %max3A_211 : vector<16xf32>
        %get3A_281 = arith.index_cast %add3A_221 : i32 to index
        %get3A_282 = arith.constant 112 : index
        %get3A_283 = tpu.vector_load %arg5[%get3A_281, %get3A_282] {strides = array<i32>} : memref<640x128xf32, #tpu.memory_space<vmem>>, vector<1x16xf32>,
        %get3A_284 = vector.shape_cast %get3A_283 : vector<1x16xf32> to vector<16xf32>
        %max3A_285 = arith.maximumf %select_n3A_280, %get3A_284 : vector<16xf32>
        %slice3A_286 = vector.extract_strided_slice %get3A_143 {offsets = [2], sizes = [1], strides = [1]} : vector<16xi32> to vector<1xi32>
        %squeeze3A_287 = vector.extract %slice3A_286[0] : i32 from vector<1xi32>
        %ne3A_288 = arith.cmpi ne, %squeeze3A_287, %squeeze3A_213 : i32
        %convert_element_type3A_289 = arith.extui %ne3A_288 : i1 to i32
        %cond3A_290 = arith.constant 0 : i32
        %cond3A_291 = arith.cmpi ne, %convert_element_type3A_289, %cond3A_290 : i32
        scf.if %cond3A_291 {
          %max3A_1322 = arith.constant 0 : i32
          %max3A_1323 = arith.maxsi %squeeze3A_213, %max3A_1322 : i32
          %get3A_1324 = arith.index_cast %max3A_1323 : i32 to index
          %get3A_1325 = arith.constant 0 : index
          %get3A_1326 = tpu.vector_load %arg7[%get3A_1324, %get3A_1325] {strides = array<i32>} : memref<64x128xf32, #tpu.memory_space<vmem>>, vector<1x16xf32>,
          %get3A_1327 = vector.shape_cast %get3A_1326 : vector<1x16xf32> to vector<16xf32>
          %max3A_1328 = arith.maximumf %get3A_1327, %max3A_229 : vector<16xf32>
          %swap3A_1329 = arith.index_cast %max3A_1323 : i32 to index
          %swap3A_1330 = arith.constant 0 : index
          %swap3A_1331 = tpu.vector_load %arg7[%swap3A_1329, %swap3A_1330] {strides = array<i32>} : memref<64x128xf32, #tpu.memory_space<vmem>>, vector<1x16xf32>,
          %swap3A_1332 = vector.shape_cast %swap3A_1331 : vector<1x16xf32> to vector<16xf32>
          %swap3A_1333 = vector.shape_cast %max3A_1328 : vector<16xf32> to vector<1x16xf32>
          tpu.vector_store %arg7[%swap3A_1329, %swap3A_1330], %swap3A_1333 {strides = array<i32>} : memref<64x128xf32, #tpu.memory_space<vmem>>, vector<1x16xf32>,
          %get3A_1334 = arith.index_cast %max3A_1323 : i32 to index
          %get3A_1335 = arith.constant 16 : index
          %get3A_1336 = tpu.vector_load %arg7[%get3A_1334, %get3A_1335] {strides = array<i32>} : memref<64x128xf32, #tpu.memory_space<vmem>>, vector<1x16xf32>,
          %get3A_1337 = vector.shape_cast %get3A_1336 : vector<1x16xf32> to vector<16xf32>
          %max3A_1338 = arith.maximumf %get3A_1337, %max3A_237 : vector<16xf32>
          %swap3A_1339 = arith.index_cast %max3A_1323 : i32 to index
          %swap3A_1340 = arith.constant 16 : index
          %swap3A_1341 = tpu.vector_load %arg7[%swap3A_1339, %swap3A_1340] {strides = array<i32>} : memref<64x128xf32, #tpu.memory_space<vmem>>, vector<1x16xf32>,
          %swap3A_1342 = vector.shape_cast %swap3A_1341 : vector<1x16xf32> to vector<16xf32>
          %swap3A_1343 = vector.shape_cast %max3A_1338 : vector<16xf32> to vector<1x16xf32>
          tpu.vector_store %arg7[%swap3A_1339, %swap3A_1340], %swap3A_1343 {strides = array<i32>} : memref<64x128xf32, #tpu.memory_space<vmem>>, vector<1x16xf32>,
          %get3A_1344 = arith.index_cast %max3A_1323 : i32 to index
          %get3A_1345 = arith.constant 32 : index
          %get3A_1346 = tpu.vector_load %arg7[%get3A_1344, %get3A_1345] {strides = array<i32>} : memref<64x128xf32, #tpu.memory_space<vmem>>, vector<1x16xf32>,
          %get3A_1347 = vector.shape_cast %get3A_1346 : vector<1x16xf32> to vector<16xf32>
          %max3A_1348 = arith.maximumf %get3A_1347, %max3A_245 : vector<16xf32>
          %swap3A_1349 = arith.index_cast %max3A_1323 : i32 to index
          %swap3A_1350 = arith.constant 32 : index
          %swap3A_1351 = tpu.vector_load %arg7[%swap3A_1349, %swap3A_1350] {strides = array<i32>} : memref<64x128xf32, #tpu.memory_space<vmem>>, vector<1x16xf32>,
          %swap3A_1352 = vector.shape_cast %swap3A_1351 : vector<1x16xf32> to vector<16xf32>
          %swap3A_1353 = vector.shape_cast %max3A_1348 : vector<16xf32> to vector<1x16xf32>
          tpu.vector_store %arg7[%swap3A_1349, %swap3A_1350], %swap3A_1353 {strides = array<i32>} : memref<64x128xf32, #tpu.memory_space<vmem>>, vector<1x16xf32>,
          %get3A_1354 = arith.index_cast %max3A_1323 : i32 to index
          %get3A_1355 = arith.constant 48 : index
          %get3A_1356 = tpu.vector_load %arg7[%get3A_1354, %get3A_1355] {strides = array<i32>} : memref<64x128xf32, #tpu.memory_space<vmem>>, vector<1x16xf32>,
          %get3A_1357 = vector.shape_cast %get3A_1356 : vector<1x16xf32> to vector<16xf32>
          %max3A_1358 = arith.maximumf %get3A_1357, %max3A_253 : vector<16xf32>
          %swap3A_1359 = arith.index_cast %max3A_1323 : i32 to index
          %swap3A_1360 = arith.constant 48 : index
          %swap3A_1361 = tpu.vector_load %arg7[%swap3A_1359, %swap3A_1360] {strides = array<i32>} : memref<64x128xf32, #tpu.memory_space<vmem>>, vector<1x16xf32>,
          %swap3A_1362 = vector.shape_cast %swap3A_1361 : vector<1x16xf32> to vector<16xf32>
          %swap3A_1363 = vector.shape_cast %max3A_1358 : vector<16xf32> to vector<1x16xf32>
          tpu.vector_store %arg7[%swap3A_1359, %swap3A_1360], %swap3A_1363 {strides = array<i32>} : memref<64x128xf32, #tpu.memory_space<vmem>>, vector<1x16xf32>,
          %get3A_1364 = arith.index_cast %max3A_1323 : i32 to index
          %get3A_1365 = arith.constant 64 : index
          %get3A_1366 = tpu.vector_load %arg7[%get3A_1364, %get3A_1365] {strides = array<i32>} : memref<64x128xf32, #tpu.memory_space<vmem>>, vector<1x16xf32>,
          %get3A_1367 = vector.shape_cast %get3A_1366 : vector<1x16xf32> to vector<16xf32>
          %max3A_1368 = arith.maximumf %get3A_1367, %max3A_261 : vector<16xf32>
          %swap3A_1369 = arith.index_cast %max3A_1323 : i32 to index
          %swap3A_1370 = arith.constant 64 : index
          %swap3A_1371 = tpu.vector_load %arg7[%swap3A_1369, %swap3A_1370] {strides = array<i32>} : memref<64x128xf32, #tpu.memory_space<vmem>>, vector<1x16xf32>,
          %swap3A_1372 = vector.shape_cast %swap3A_1371 : vector<1x16xf32> to vector<16xf32>
          %swap3A_1373 = vector.shape_cast %max3A_1368 : vector<16xf32> to vector<1x16xf32>
          tpu.vector_store %arg7[%swap3A_1369, %swap3A_1370], %swap3A_1373 {strides = array<i32>} : memref<64x128xf32, #tpu.memory_space<vmem>>, vector<1x16xf32>,
          %get3A_1374 = arith.index_cast %max3A_1323 : i32 to index
          %get3A_1375 = arith.constant 80 : index
          %get3A_1376 = tpu.vector_load %arg7[%get3A_1374, %get3A_1375] {strides = array<i32>} : memref<64x128xf32, #tpu.memory_space<vmem>>, vector<1x16xf32>,
          %get3A_1377 = vector.shape_cast %get3A_1376 : vector<1x16xf32> to vector<16xf32>
          %max3A_1378 = arith.maximumf %get3A_1377, %max3A_269 : vector<16xf32>
          %swap3A_1379 = arith.index_cast %max3A_1323 : i32 to index
          %swap3A_1380 = arith.constant 80 : index
          %swap3A_1381 = tpu.vector_load %arg7[%swap3A_1379, %swap3A_1380] {strides = array<i32>} : memref<64x128xf32, #tpu.memory_space<vmem>>, vector<1x16xf32>,
          %swap3A_1382 = vector.shape_cast %swap3A_1381 : vector<1x16xf32> to vector<16xf32>
          %swap3A_1383 = vector.shape_cast %max3A_1378 : vector<16xf32> to vector<1x16xf32>
          tpu.vector_store %arg7[%swap3A_1379, %swap3A_1380], %swap3A_1383 {strides = array<i32>} : memref<64x128xf32, #tpu.memory_space<vmem>>, vector<1x16xf32>,
          %get3A_1384 = arith.index_cast %max3A_1323 : i32 to index
          %get3A_1385 = arith.constant 96 : index
          %get3A_1386 = tpu.vector_load %arg7[%get3A_1384, %get3A_1385] {strides = array<i32>} : memref<64x128xf32, #tpu.memory_space<vmem>>, vector<1x16xf32>,
          %get3A_1387 = vector.shape_cast %get3A_1386 : vector<1x16xf32> to vector<16xf32>
          %max3A_1388 = arith.maximumf %get3A_1387, %max3A_277 : vector<16xf32>
          %swap3A_1389 = arith.index_cast %max3A_1323 : i32 to index
          %swap3A_1390 = arith.constant 96 : index
          %swap3A_1391 = tpu.vector_load %arg7[%swap3A_1389, %swap3A_1390] {strides = array<i32>} : memref<64x128xf32, #tpu.memory_space<vmem>>, vector<1x16xf32>,
          %swap3A_1392 = vector.shape_cast %swap3A_1391 : vector<1x16xf32> to vector<16xf32>
          %swap3A_1393 = vector.shape_cast %max3A_1388 : vector<16xf32> to vector<1x16xf32>
          tpu.vector_store %arg7[%swap3A_1389, %swap3A_1390], %swap3A_1393 {strides = array<i32>} : memref<64x128xf32, #tpu.memory_space<vmem>>, vector<1x16xf32>,
          %get3A_1394 = arith.index_cast %max3A_1323 : i32 to index
          %get3A_1395 = arith.constant 112 : index
          %get3A_1396 = tpu.vector_load %arg7[%get3A_1394, %get3A_1395] {strides = array<i32>} : memref<64x128xf32, #tpu.memory_space<vmem>>, vector<1x16xf32>,
          %get3A_1397 = vector.shape_cast %get3A_1396 : vector<1x16xf32> to vector<16xf32>
          %max3A_1398 = arith.maximumf %get3A_1397, %max3A_285 : vector<16xf32>
          %swap3A_1399 = arith.index_cast %max3A_1323 : i32 to index
          %swap3A_1400 = arith.constant 112 : index
          %swap3A_1401 = tpu.vector_load %arg7[%swap3A_1399, %swap3A_1400] {strides = array<i32>} : memref<64x128xf32, #tpu.memory_space<vmem>>, vector<1x16xf32>,
          %swap3A_1402 = vector.shape_cast %swap3A_1401 : vector<1x16xf32> to vector<16xf32>
          %swap3A_1403 = vector.shape_cast %max3A_1398 : vector<16xf32> to vector<1x16xf32>
          tpu.vector_store %arg7[%swap3A_1399, %swap3A_1400], %swap3A_1403 {strides = array<i32>} : memref<64x128xf32, #tpu.memory_space<vmem>>, vector<1x16xf32>,
        } else {
        }
        %mul3A_292 = arith.constant 16 : i32
        %mul3A_293 = arith.muli %scan3A_129, %mul3A_292 : i32
        %add3A_294 = arith.constant 2 : i32
        %add3A_295 = arith.addi %mul3A_293, %add3A_294 : i32
        %broadcast_in_dim3A_296 = arith.constant 0xFF800000 : f32
        %broadcast_in_dim3A_297 = vector.broadcast %broadcast_in_dim3A_296 : f32 to vector<16xf32>
        %select_n3A_298 = arith.select %ne3A_288, %broadcast_in_dim3A_297, %max3A_229 : vector<16xf32>
        %get3A_299 = arith.index_cast %add3A_295 : i32 to index
        %get3A_300 = arith.constant 0 : index
        %get3A_301 = tpu.vector_load %arg5[%get3A_299, %get3A_300] {strides = array<i32>} : memref<640x128xf32, #tpu.memory_space<vmem>>, vector<1x16xf32>,
        %get3A_302 = vector.shape_cast %get3A_301 : vector<1x16xf32> to vector<16xf32>
        %max3A_303 = arith.maximumf %select_n3A_298, %get3A_302 : vector<16xf32>
        %broadcast_in_dim3A_304 = arith.constant 0xFF800000 : f32
        %broadcast_in_dim3A_305 = vector.broadcast %broadcast_in_dim3A_304 : f32 to vector<16xf32>
        %select_n3A_306 = arith.select %ne3A_288, %broadcast_in_dim3A_305, %max3A_237 : vector<16xf32>
        %get3A_307 = arith.index_cast %add3A_295 : i32 to index
        %get3A_308 = arith.constant 16 : index
        %get3A_309 = tpu.vector_load %arg5[%get3A_307, %get3A_308] {strides = array<i32>} : memref<640x128xf32, #tpu.memory_space<vmem>>, vector<1x16xf32>,
        %get3A_310 = vector.shape_cast %get3A_309 : vector<1x16xf32> to vector<16xf32>
        %max3A_311 = arith.maximumf %select_n3A_306, %get3A_310 : vector<16xf32>
        %broadcast_in_dim3A_312 = arith.constant 0xFF800000 : f32
        %broadcast_in_dim3A_313 = vector.broadcast %broadcast_in_dim3A_312 : f32 to vector<16xf32>
        %select_n3A_314 = arith.select %ne3A_288, %broadcast_in_dim3A_313, %max3A_245 : vector<16xf32>
        %get3A_315 = arith.index_cast %add3A_295 : i32 to index
        %get3A_316 = arith.constant 32 : index
        %get3A_317 = tpu.vector_load %arg5[%get3A_315, %get3A_316] {strides = array<i32>} : memref<640x128xf32, #tpu.memory_space<vmem>>, vector<1x16xf32>,
        %get3A_318 = vector.shape_cast %get3A_317 : vector<1x16xf32> to vector<16xf32>
        %max3A_319 = arith.maximumf %select_n3A_314, %get3A_318 : vector<16xf32>
        %broadcast_in_dim3A_320 = arith.constant 0xFF800000 : f32
        %broadcast_in_dim3A_321 = vector.broadcast %broadcast_in_dim3A_320 : f32 to vector<16xf32>
        %select_n3A_322 = arith.select %ne3A_288, %broadcast_in_dim3A_321, %max3A_253 : vector<16xf32>
        %get3A_323 = arith.index_cast %add3A_295 : i32 to index
        %get3A_324 = arith.constant 48 : index
        %get3A_325 = tpu.vector_load %arg5[%get3A_323, %get3A_324] {strides = array<i32>} : memref<640x128xf32, #tpu.memory_space<vmem>>, vector<1x16xf32>,
        %get3A_326 = vector.shape_cast %get3A_325 : vector<1x16xf32> to vector<16xf32>
        %max3A_327 = arith.maximumf %select_n3A_322, %get3A_326 : vector<16xf32>
        %broadcast_in_dim3A_328 = arith.constant 0xFF800000 : f32
        %broadcast_in_dim3A_329 = vector.broadcast %broadcast_in_dim3A_328 : f32 to vector<16xf32>
        %select_n3A_330 = arith.select %ne3A_288, %broadcast_in_dim3A_329, %max3A_261 : vector<16xf32>
        %get3A_331 = arith.index_cast %add3A_295 : i32 to index
        %get3A_332 = arith.constant 64 : index
        %get3A_333 = tpu.vector_load %arg5[%get3A_331, %get3A_332] {strides = array<i32>} : memref<640x128xf32, #tpu.memory_space<vmem>>, vector<1x16xf32>,
        %get3A_334 = vector.shape_cast %get3A_333 : vector<1x16xf32> to vector<16xf32>
        %max3A_335 = arith.maximumf %select_n3A_330, %get3A_334 : vector<16xf32>
        %broadcast_in_dim3A_336 = arith.constant 0xFF800000 : f32
        %broadcast_in_dim3A_337 = vector.broadcast %broadcast_in_dim3A_336 : f32 to vector<16xf32>
        %select_n3A_338 = arith.select %ne3A_288, %broadcast_in_dim3A_337, %max3A_269 : vector<16xf32>
        %get3A_339 = arith.index_cast %add3A_295 : i32 to index
        %get3A_340 = arith.constant 80 : index
        %get3A_341 = tpu.vector_load %arg5[%get3A_339, %get3A_340] {strides = array<i32>} : memref<640x128xf32, #tpu.memory_space<vmem>>, vector<1x16xf32>,
        %get3A_342 = vector.shape_cast %get3A_341 : vector<1x16xf32> to vector<16xf32>
        %max3A_343 = arith.maximumf %select_n3A_338, %get3A_342 : vector<16xf32>
        %broadcast_in_dim3A_344 = arith.constant 0xFF800000 : f32
        %broadcast_in_dim3A_345 = vector.broadcast %broadcast_in_dim3A_344 : f32 to vector<16xf32>
        %select_n3A_346 = arith.select %ne3A_288, %broadcast_in_dim3A_345, %max3A_277 : vector<16xf32>
        %get3A_347 = arith.index_cast %add3A_295 : i32 to index
        %get3A_348 = arith.constant 96 : index
        %get3A_349 = tpu.vector_load %arg5[%get3A_347, %get3A_348] {strides = array<i32>} : memref<640x128xf32, #tpu.memory_space<vmem>>, vector<1x16xf32>,
        %get3A_350 = vector.shape_cast %get3A_349 : vector<1x16xf32> to vector<16xf32>
        %max3A_351 = arith.maximumf %select_n3A_346, %get3A_350 : vector<16xf32>
        %broadcast_in_dim3A_352 = arith.constant 0xFF800000 : f32
        %broadcast_in_dim3A_353 = vector.broadcast %broadcast_in_dim3A_352 : f32 to vector<16xf32>
        %select_n3A_354 = arith.select %ne3A_288, %broadcast_in_dim3A_353, %max3A_285 : vector<16xf32>
        %get3A_355 = arith.index_cast %add3A_295 : i32 to index
        %get3A_356 = arith.constant 112 : index
        %get3A_357 = tpu.vector_load %arg5[%get3A_355, %get3A_356] {strides = array<i32>} : memref<640x128xf32, #tpu.memory_space<vmem>>, vector<1x16xf32>,
        %get3A_358 = vector.shape_cast %get3A_357 : vector<1x16xf32> to vector<16xf32>
        %max3A_359 = arith.maximumf %select_n3A_354, %get3A_358 : vector<16xf32>
        %slice3A_360 = vector.extract_strided_slice %get3A_143 {offsets = [3], sizes = [1], strides = [1]} : vector<16xi32> to vector<1xi32>
        %squeeze3A_361 = vector.extract %slice3A_360[0] : i32 from vector<1xi32>
        %ne3A_362 = arith.cmpi ne, %squeeze3A_361, %squeeze3A_287 : i32
        %convert_element_type3A_363 = arith.extui %ne3A_362 : i1 to i32
        %cond3A_364 = arith.constant 0 : i32
        %cond3A_365 = arith.cmpi ne, %convert_element_type3A_363, %cond3A_364 : i32
        scf.if %cond3A_365 {
          %max3A_1322 = arith.constant 0 : i32
          %max3A_1323 = arith.maxsi %squeeze3A_287, %max3A_1322 : i32
          %get3A_1324 = arith.index_cast %max3A_1323 : i32 to index
          %get3A_1325 = arith.constant 0 : index
          %get3A_1326 = tpu.vector_load %arg7[%get3A_1324, %get3A_1325] {strides = array<i32>} : memref<64x128xf32, #tpu.memory_space<vmem>>, vector<1x16xf32>,
          %get3A_1327 = vector.shape_cast %get3A_1326 : vector<1x16xf32> to vector<16xf32>
          %max3A_1328 = arith.maximumf %get3A_1327, %max3A_303 : vector<16xf32>
          %swap3A_1329 = arith.index_cast %max3A_1323 : i32 to index
          %swap3A_1330 = arith.constant 0 : index
          %swap3A_1331 = tpu.vector_load %arg7[%swap3A_1329, %swap3A_1330] {strides = array<i32>} : memref<64x128xf32, #tpu.memory_space<vmem>>, vector<1x16xf32>,
          %swap3A_1332 = vector.shape_cast %swap3A_1331 : vector<1x16xf32> to vector<16xf32>
          %swap3A_1333 = vector.shape_cast %max3A_1328 : vector<16xf32> to vector<1x16xf32>
          tpu.vector_store %arg7[%swap3A_1329, %swap3A_1330], %swap3A_1333 {strides = array<i32>} : memref<64x128xf32, #tpu.memory_space<vmem>>, vector<1x16xf32>,
          %get3A_1334 = arith.index_cast %max3A_1323 : i32 to index
          %get3A_1335 = arith.constant 16 : index
          %get3A_1336 = tpu.vector_load %arg7[%get3A_1334, %get3A_1335] {strides = array<i32>} : memref<64x128xf32, #tpu.memory_space<vmem>>, vector<1x16xf32>,
          %get3A_1337 = vector.shape_cast %get3A_1336 : vector<1x16xf32> to vector<16xf32>
          %max3A_1338 = arith.maximumf %get3A_1337, %max3A_311 : vector<16xf32>
          %swap3A_1339 = arith.index_cast %max3A_1323 : i32 to index
          %swap3A_1340 = arith.constant 16 : index
          %swap3A_1341 = tpu.vector_load %arg7[%swap3A_1339, %swap3A_1340] {strides = array<i32>} : memref<64x128xf32, #tpu.memory_space<vmem>>, vector<1x16xf32>,
          %swap3A_1342 = vector.shape_cast %swap3A_1341 : vector<1x16xf32> to vector<16xf32>
          %swap3A_1343 = vector.shape_cast %max3A_1338 : vector<16xf32> to vector<1x16xf32>
          tpu.vector_store %arg7[%swap3A_1339, %swap3A_1340], %swap3A_1343 {strides = array<i32>} : memref<64x128xf32, #tpu.memory_space<vmem>>, vector<1x16xf32>,
          %get3A_1344 = arith.index_cast %max3A_1323 : i32 to index
          %get3A_1345 = arith.constant 32 : index
          %get3A_1346 = tpu.vector_load %arg7[%get3A_1344, %get3A_1345] {strides = array<i32>} : memref<64x128xf32, #tpu.memory_space<vmem>>, vector<1x16xf32>,
          %get3A_1347 = vector.shape_cast %get3A_1346 : vector<1x16xf32> to vector<16xf32>
          %max3A_1348 = arith.maximumf %get3A_1347, %max3A_319 : vector<16xf32>
          %swap3A_1349 = arith.index_cast %max3A_1323 : i32 to index
          %swap3A_1350 = arith.constant 32 : index
          %swap3A_1351 = tpu.vector_load %arg7[%swap3A_1349, %swap3A_1350] {strides = array<i32>} : memref<64x128xf32, #tpu.memory_space<vmem>>, vector<1x16xf32>,
          %swap3A_1352 = vector.shape_cast %swap3A_1351 : vector<1x16xf32> to vector<16xf32>
          %swap3A_1353 = vector.shape_cast %max3A_1348 : vector<16xf32> to vector<1x16xf32>
          tpu.vector_store %arg7[%swap3A_1349, %swap3A_1350], %swap3A_1353 {strides = array<i32>} : memref<64x128xf32, #tpu.memory_space<vmem>>, vector<1x16xf32>,
          %get3A_1354 = arith.index_cast %max3A_1323 : i32 to index
          %get3A_1355 = arith.constant 48 : index
          %get3A_1356 = tpu.vector_load %arg7[%get3A_1354, %get3A_1355] {strides = array<i32>} : memref<64x128xf32, #tpu.memory_space<vmem>>, vector<1x16xf32>,
          %get3A_1357 = vector.shape_cast %get3A_1356 : vector<1x16xf32> to vector<16xf32>
          %max3A_1358 = arith.maximumf %get3A_1357, %max3A_327 : vector<16xf32>
          %swap3A_1359 = arith.index_cast %max3A_1323 : i32 to index
          %swap3A_1360 = arith.constant 48 : index
          %swap3A_1361 = tpu.vector_load %arg7[%swap3A_1359, %swap3A_1360] {strides = array<i32>} : memref<64x128xf32, #tpu.memory_space<vmem>>, vector<1x16xf32>,
          %swap3A_1362 = vector.shape_cast %swap3A_1361 : vector<1x16xf32> to vector<16xf32>
          %swap3A_1363 = vector.shape_cast %max3A_1358 : vector<16xf32> to vector<1x16xf32>
          tpu.vector_store %arg7[%swap3A_1359, %swap3A_1360], %swap3A_1363 {strides = array<i32>} : memref<64x128xf32, #tpu.memory_space<vmem>>, vector<1x16xf32>,
          %get3A_1364 = arith.index_cast %max3A_1323 : i32 to index
          %get3A_1365 = arith.constant 64 : index
          %get3A_1366 = tpu.vector_load %arg7[%get3A_1364, %get3A_1365] {strides = array<i32>} : memref<64x128xf32, #tpu.memory_space<vmem>>, vector<1x16xf32>,
          %get3A_1367 = vector.shape_cast %get3A_1366 : vector<1x16xf32> to vector<16xf32>
          %max3A_1368 = arith.maximumf %get3A_1367, %max3A_335 : vector<16xf32>
          %swap3A_1369 = arith.index_cast %max3A_1323 : i32 to index
          %swap3A_1370 = arith.constant 64 : index
          %swap3A_1371 = tpu.vector_load %arg7[%swap3A_1369, %swap3A_1370] {strides = array<i32>} : memref<64x128xf32, #tpu.memory_space<vmem>>, vector<1x16xf32>,
          %swap3A_1372 = vector.shape_cast %swap3A_1371 : vector<1x16xf32> to vector<16xf32>
          %swap3A_1373 = vector.shape_cast %max3A_1368 : vector<16xf32> to vector<1x16xf32>
          tpu.vector_store %arg7[%swap3A_1369, %swap3A_1370], %swap3A_1373 {strides = array<i32>} : memref<64x128xf32, #tpu.memory_space<vmem>>, vector<1x16xf32>,
          %get3A_1374 = arith.index_cast %max3A_1323 : i32 to index
          %get3A_1375 = arith.constant 80 : index
          %get3A_1376 = tpu.vector_load %arg7[%get3A_1374, %get3A_1375] {strides = array<i32>} : memref<64x128xf32, #tpu.memory_space<vmem>>, vector<1x16xf32>,
          %get3A_1377 = vector.shape_cast %get3A_1376 : vector<1x16xf32> to vector<16xf32>
          %max3A_1378 = arith.maximumf %get3A_1377, %max3A_343 : vector<16xf32>
          %swap3A_1379 = arith.index_cast %max3A_1323 : i32 to index
          %swap3A_1380 = arith.constant 80 : index
          %swap3A_1381 = tpu.vector_load %arg7[%swap3A_1379, %swap3A_1380] {strides = array<i32>} : memref<64x128xf32, #tpu.memory_space<vmem>>, vector<1x16xf32>,
          %swap3A_1382 = vector.shape_cast %swap3A_1381 : vector<1x16xf32> to vector<16xf32>
          %swap3A_1383 = vector.shape_cast %max3A_1378 : vector<16xf32> to vector<1x16xf32>
          tpu.vector_store %arg7[%swap3A_1379, %swap3A_1380], %swap3A_1383 {strides = array<i32>} : memref<64x128xf32, #tpu.memory_space<vmem>>, vector<1x16xf32>,
          %get3A_1384 = arith.index_cast %max3A_1323 : i32 to index
          %get3A_1385 = arith.constant 96 : index
          %get3A_1386 = tpu.vector_load %arg7[%get3A_1384, %get3A_1385] {strides = array<i32>} : memref<64x128xf32, #tpu.memory_space<vmem>>, vector<1x16xf32>,
          %get3A_1387 = vector.shape_cast %get3A_1386 : vector<1x16xf32> to vector<16xf32>
          %max3A_1388 = arith.maximumf %get3A_1387, %max3A_351 : vector<16xf32>
          %swap3A_1389 = arith.index_cast %max3A_1323 : i32 to index
          %swap3A_1390 = arith.constant 96 : index
          %swap3A_1391 = tpu.vector_load %arg7[%swap3A_1389, %swap3A_1390] {strides = array<i32>} : memref<64x128xf32, #tpu.memory_space<vmem>>, vector<1x16xf32>,
          %swap3A_1392 = vector.shape_cast %swap3A_1391 : vector<1x16xf32> to vector<16xf32>
          %swap3A_1393 = vector.shape_cast %max3A_1388 : vector<16xf32> to vector<1x16xf32>
          tpu.vector_store %arg7[%swap3A_1389, %swap3A_1390], %swap3A_1393 {strides = array<i32>} : memref<64x128xf32, #tpu.memory_space<vmem>>, vector<1x16xf32>,
          %get3A_1394 = arith.index_cast %max3A_1323 : i32 to index
          %get3A_1395 = arith.constant 112 : index
          %get3A_1396 = tpu.vector_load %arg7[%get3A_1394, %get3A_1395] {strides = array<i32>} : memref<64x128xf32, #tpu.memory_space<vmem>>, vector<1x16xf32>,
          %get3A_1397 = vector.shape_cast %get3A_1396 : vector<1x16xf32> to vector<16xf32>
          %max3A_1398 = arith.maximumf %get3A_1397, %max3A_359 : vector<16xf32>
          %swap3A_1399 = arith.index_cast %max3A_1323 : i32 to index
          %swap3A_1400 = arith.constant 112 : index
          %swap3A_1401 = tpu.vector_load %arg7[%swap3A_1399, %swap3A_1400] {strides = array<i32>} : memref<64x128xf32, #tpu.memory_space<vmem>>, vector<1x16xf32>,
          %swap3A_1402 = vector.shape_cast %swap3A_1401 : vector<1x16xf32> to vector<16xf32>
          %swap3A_1403 = vector.shape_cast %max3A_1398 : vector<16xf32> to vector<1x16xf32>
          tpu.vector_store %arg7[%swap3A_1399, %swap3A_1400], %swap3A_1403 {strides = array<i32>} : memref<64x128xf32, #tpu.memory_space<vmem>>, vector<1x16xf32>,
        } else {
        }
        %mul3A_366 = arith.constant 16 : i32
        %mul3A_367 = arith.muli %scan3A_129, %mul3A_366 : i32
        %add3A_368 = arith.constant 3 : i32
        %add3A_369 = arith.addi %mul3A_367, %add3A_368 : i32
        %broadcast_in_dim3A_370 = arith.constant 0xFF800000 : f32
        %broadcast_in_dim3A_371 = vector.broadcast %broadcast_in_dim3A_370 : f32 to vector<16xf32>
        %select_n3A_372 = arith.select %ne3A_362, %broadcast_in_dim3A_371, %max3A_303 : vector<16xf32>
        %get3A_373 = arith.index_cast %add3A_369 : i32 to index
        %get3A_374 = arith.constant 0 : index
        %get3A_375 = tpu.vector_load %arg5[%get3A_373, %get3A_374] {strides = array<i32>} : memref<640x128xf32, #tpu.memory_space<vmem>>, vector<1x16xf32>,
        %get3A_376 = vector.shape_cast %get3A_375 : vector<1x16xf32> to vector<16xf32>
        %max3A_377 = arith.maximumf %select_n3A_372, %get3A_376 : vector<16xf32>
        %broadcast_in_dim3A_378 = arith.constant 0xFF800000 : f32
        %broadcast_in_dim3A_379 = vector.broadcast %broadcast_in_dim3A_378 : f32 to vector<16xf32>
        %select_n3A_380 = arith.select %ne3A_362, %broadcast_in_dim3A_379, %max3A_311 : vector<16xf32>
        %get3A_381 = arith.index_cast %add3A_369 : i32 to index
        %get3A_382 = arith.constant 16 : index
        %get3A_383 = tpu.vector_load %arg5[%get3A_381, %get3A_382] {strides = array<i32>} : memref<640x128xf32, #tpu.memory_space<vmem>>, vector<1x16xf32>,
        %get3A_384 = vector.shape_cast %get3A_383 : vector<1x16xf32> to vector<16xf32>
        %max3A_385 = arith.maximumf %select_n3A_380, %get3A_384 : vector<16xf32>
        %broadcast_in_dim3A_386 = arith.constant 0xFF800000 : f32
        %broadcast_in_dim3A_387 = vector.broadcast %broadcast_in_dim3A_386 : f32 to vector<16xf32>
        %select_n3A_388 = arith.select %ne3A_362, %broadcast_in_dim3A_387, %max3A_319 : vector<16xf32>
        %get3A_389 = arith.index_cast %add3A_369 : i32 to index
        %get3A_390 = arith.constant 32 : index
        %get3A_391 = tpu.vector_load %arg5[%get3A_389, %get3A_390] {strides = array<i32>} : memref<640x128xf32, #tpu.memory_space<vmem>>, vector<1x16xf32>,
        %get3A_392 = vector.shape_cast %get3A_391 : vector<1x16xf32> to vector<16xf32>
        %max3A_393 = arith.maximumf %select_n3A_388, %get3A_392 : vector<16xf32>
        %broadcast_in_dim3A_394 = arith.constant 0xFF800000 : f32
        %broadcast_in_dim3A_395 = vector.broadcast %broadcast_in_dim3A_394 : f32 to vector<16xf32>
        %select_n3A_396 = arith.select %ne3A_362, %broadcast_in_dim3A_395, %max3A_327 : vector<16xf32>
        %get3A_397 = arith.index_cast %add3A_369 : i32 to index
        %get3A_398 = arith.constant 48 : index
        %get3A_399 = tpu.vector_load %arg5[%get3A_397, %get3A_398] {strides = array<i32>} : memref<640x128xf32, #tpu.memory_space<vmem>>, vector<1x16xf32>,
        %get3A_400 = vector.shape_cast %get3A_399 : vector<1x16xf32> to vector<16xf32>
        %max3A_401 = arith.maximumf %select_n3A_396, %get3A_400 : vector<16xf32>
        %broadcast_in_dim3A_402 = arith.constant 0xFF800000 : f32
        %broadcast_in_dim3A_403 = vector.broadcast %broadcast_in_dim3A_402 : f32 to vector<16xf32>
        %select_n3A_404 = arith.select %ne3A_362, %broadcast_in_dim3A_403, %max3A_335 : vector<16xf32>
        %get3A_405 = arith.index_cast %add3A_369 : i32 to index
        %get3A_406 = arith.constant 64 : index
        %get3A_407 = tpu.vector_load %arg5[%get3A_405, %get3A_406] {strides = array<i32>} : memref<640x128xf32, #tpu.memory_space<vmem>>, vector<1x16xf32>,
        %get3A_408 = vector.shape_cast %get3A_407 : vector<1x16xf32> to vector<16xf32>
        %max3A_409 = arith.maximumf %select_n3A_404, %get3A_408 : vector<16xf32>
        %broadcast_in_dim3A_410 = arith.constant 0xFF800000 : f32
        %broadcast_in_dim3A_411 = vector.broadcast %broadcast_in_dim3A_410 : f32 to vector<16xf32>
        %select_n3A_412 = arith.select %ne3A_362, %broadcast_in_dim3A_411, %max3A_343 : vector<16xf32>
        %get3A_413 = arith.index_cast %add3A_369 : i32 to index
        %get3A_414 = arith.constant 80 : index
        %get3A_415 = tpu.vector_load %arg5[%get3A_413, %get3A_414] {strides = array<i32>} : memref<640x128xf32, #tpu.memory_space<vmem>>, vector<1x16xf32>,
        %get3A_416 = vector.shape_cast %get3A_415 : vector<1x16xf32> to vector<16xf32>
        %max3A_417 = arith.maximumf %select_n3A_412, %get3A_416 : vector<16xf32>
        %broadcast_in_dim3A_418 = arith.constant 0xFF800000 : f32
        %broadcast_in_dim3A_419 = vector.broadcast %broadcast_in_dim3A_418 : f32 to vector<16xf32>
        %select_n3A_420 = arith.select %ne3A_362, %broadcast_in_dim3A_419, %max3A_351 : vector<16xf32>
        %get3A_421 = arith.index_cast %add3A_369 : i32 to index
        %get3A_422 = arith.constant 96 : index
        %get3A_423 = tpu.vector_load %arg5[%get3A_421, %get3A_422] {strides = array<i32>} : memref<640x128xf32, #tpu.memory_space<vmem>>, vector<1x16xf32>,
        %get3A_424 = vector.shape_cast %get3A_423 : vector<1x16xf32> to vector<16xf32>
        %max3A_425 = arith.maximumf %select_n3A_420, %get3A_424 : vector<16xf32>
        %broadcast_in_dim3A_426 = arith.constant 0xFF800000 : f32
        %broadcast_in_dim3A_427 = vector.broadcast %broadcast_in_dim3A_426 : f32 to vector<16xf32>
        %select_n3A_428 = arith.select %ne3A_362, %broadcast_in_dim3A_427, %max3A_359 : vector<16xf32>
        %get3A_429 = arith.index_cast %add3A_369 : i32 to index
        %get3A_430 = arith.constant 112 : index
        %get3A_431 = tpu.vector_load %arg5[%get3A_429, %get3A_430] {strides = array<i32>} : memref<640x128xf32, #tpu.memory_space<vmem>>, vector<1x16xf32>,
        %get3A_432 = vector.shape_cast %get3A_431 : vector<1x16xf32> to vector<16xf32>
        %max3A_433 = arith.maximumf %select_n3A_428, %get3A_432 : vector<16xf32>
        %slice3A_434 = vector.extract_strided_slice %get3A_143 {offsets = [4], sizes = [1], strides = [1]} : vector<16xi32> to vector<1xi32>
        %squeeze3A_435 = vector.extract %slice3A_434[0] : i32 from vector<1xi32>
        %ne3A_436 = arith.cmpi ne, %squeeze3A_435, %squeeze3A_361 : i32
        %convert_element_type3A_437 = arith.extui %ne3A_436 : i1 to i32
        %cond3A_438 = arith.constant 0 : i32
        %cond3A_439 = arith.cmpi ne, %convert_element_type3A_437, %cond3A_438 : i32
        scf.if %cond3A_439 {
          %max3A_1322 = arith.constant 0 : i32
          %max3A_1323 = arith.maxsi %squeeze3A_361, %max3A_1322 : i32
          %get3A_1324 = arith.index_cast %max3A_1323 : i32 to index
          %get3A_1325 = arith.constant 0 : index
          %get3A_1326 = tpu.vector_load %arg7[%get3A_1324, %get3A_1325] {strides = array<i32>} : memref<64x128xf32, #tpu.memory_space<vmem>>, vector<1x16xf32>,
          %get3A_1327 = vector.shape_cast %get3A_1326 : vector<1x16xf32> to vector<16xf32>
          %max3A_1328 = arith.maximumf %get3A_1327, %max3A_377 : vector<16xf32>
          %swap3A_1329 = arith.index_cast %max3A_1323 : i32 to index
          %swap3A_1330 = arith.constant 0 : index
          %swap3A_1331 = tpu.vector_load %arg7[%swap3A_1329, %swap3A_1330] {strides = array<i32>} : memref<64x128xf32, #tpu.memory_space<vmem>>, vector<1x16xf32>,
          %swap3A_1332 = vector.shape_cast %swap3A_1331 : vector<1x16xf32> to vector<16xf32>
          %swap3A_1333 = vector.shape_cast %max3A_1328 : vector<16xf32> to vector<1x16xf32>
          tpu.vector_store %arg7[%swap3A_1329, %swap3A_1330], %swap3A_1333 {strides = array<i32>} : memref<64x128xf32, #tpu.memory_space<vmem>>, vector<1x16xf32>,
          %get3A_1334 = arith.index_cast %max3A_1323 : i32 to index
          %get3A_1335 = arith.constant 16 : index
          %get3A_1336 = tpu.vector_load %arg7[%get3A_1334, %get3A_1335] {strides = array<i32>} : memref<64x128xf32, #tpu.memory_space<vmem>>, vector<1x16xf32>,
          %get3A_1337 = vector.shape_cast %get3A_1336 : vector<1x16xf32> to vector<16xf32>
          %max3A_1338 = arith.maximumf %get3A_1337, %max3A_385 : vector<16xf32>
          %swap3A_1339 = arith.index_cast %max3A_1323 : i32 to index
          %swap3A_1340 = arith.constant 16 : index
          %swap3A_1341 = tpu.vector_load %arg7[%swap3A_1339, %swap3A_1340] {strides = array<i32>} : memref<64x128xf32, #tpu.memory_space<vmem>>, vector<1x16xf32>,
          %swap3A_1342 = vector.shape_cast %swap3A_1341 : vector<1x16xf32> to vector<16xf32>
          %swap3A_1343 = vector.shape_cast %max3A_1338 : vector<16xf32> to vector<1x16xf32>
          tpu.vector_store %arg7[%swap3A_1339, %swap3A_1340], %swap3A_1343 {strides = array<i32>} : memref<64x128xf32, #tpu.memory_space<vmem>>, vector<1x16xf32>,
          %get3A_1344 = arith.index_cast %max3A_1323 : i32 to index
          %get3A_1345 = arith.constant 32 : index
          %get3A_1346 = tpu.vector_load %arg7[%get3A_1344, %get3A_1345] {strides = array<i32>} : memref<64x128xf32, #tpu.memory_space<vmem>>, vector<1x16xf32>,
          %get3A_1347 = vector.shape_cast %get3A_1346 : vector<1x16xf32> to vector<16xf32>
          %max3A_1348 = arith.maximumf %get3A_1347, %max3A_393 : vector<16xf32>
          %swap3A_1349 = arith.index_cast %max3A_1323 : i32 to index
          %swap3A_1350 = arith.constant 32 : index
          %swap3A_1351 = tpu.vector_load %arg7[%swap3A_1349, %swap3A_1350] {strides = array<i32>} : memref<64x128xf32, #tpu.memory_space<vmem>>, vector<1x16xf32>,
          %swap3A_1352 = vector.shape_cast %swap3A_1351 : vector<1x16xf32> to vector<16xf32>
          %swap3A_1353 = vector.shape_cast %max3A_1348 : vector<16xf32> to vector<1x16xf32>
          tpu.vector_store %arg7[%swap3A_1349, %swap3A_1350], %swap3A_1353 {strides = array<i32>} : memref<64x128xf32, #tpu.memory_space<vmem>>, vector<1x16xf32>,
          %get3A_1354 = arith.index_cast %max3A_1323 : i32 to index
          %get3A_1355 = arith.constant 48 : index
          %get3A_1356 = tpu.vector_load %arg7[%get3A_1354, %get3A_1355] {strides = array<i32>} : memref<64x128xf32, #tpu.memory_space<vmem>>, vector<1x16xf32>,
          %get3A_1357 = vector.shape_cast %get3A_1356 : vector<1x16xf32> to vector<16xf32>
          %max3A_1358 = arith.maximumf %get3A_1357, %max3A_401 : vector<16xf32>
          %swap3A_1359 = arith.index_cast %max3A_1323 : i32 to index
          %swap3A_1360 = arith.constant 48 : index
          %swap3A_1361 = tpu.vector_load %arg7[%swap3A_1359, %swap3A_1360] {strides = array<i32>} : memref<64x128xf32, #tpu.memory_space<vmem>>, vector<1x16xf32>,
          %swap3A_1362 = vector.shape_cast %swap3A_1361 : vector<1x16xf32> to vector<16xf32>
          %swap3A_1363 = vector.shape_cast %max3A_1358 : vector<16xf32> to vector<1x16xf32>
          tpu.vector_store %arg7[%swap3A_1359, %swap3A_1360], %swap3A_1363 {strides = array<i32>} : memref<64x128xf32, #tpu.memory_space<vmem>>, vector<1x16xf32>,
          %get3A_1364 = arith.index_cast %max3A_1323 : i32 to index
          %get3A_1365 = arith.constant 64 : index
          %get3A_1366 = tpu.vector_load %arg7[%get3A_1364, %get3A_1365] {strides = array<i32>} : memref<64x128xf32, #tpu.memory_space<vmem>>, vector<1x16xf32>,
          %get3A_1367 = vector.shape_cast %get3A_1366 : vector<1x16xf32> to vector<16xf32>
          %max3A_1368 = arith.maximumf %get3A_1367, %max3A_409 : vector<16xf32>
          %swap3A_1369 = arith.index_cast %max3A_1323 : i32 to index
          %swap3A_1370 = arith.constant 64 : index
          %swap3A_1371 = tpu.vector_load %arg7[%swap3A_1369, %swap3A_1370] {strides = array<i32>} : memref<64x128xf32, #tpu.memory_space<vmem>>, vector<1x16xf32>,
          %swap3A_1372 = vector.shape_cast %swap3A_1371 : vector<1x16xf32> to vector<16xf32>
          %swap3A_1373 = vector.shape_cast %max3A_1368 : vector<16xf32> to vector<1x16xf32>
          tpu.vector_store %arg7[%swap3A_1369, %swap3A_1370], %swap3A_1373 {strides = array<i32>} : memref<64x128xf32, #tpu.memory_space<vmem>>, vector<1x16xf32>,
          %get3A_1374 = arith.index_cast %max3A_1323 : i32 to index
          %get3A_1375 = arith.constant 80 : index
          %get3A_1376 = tpu.vector_load %arg7[%get3A_1374, %get3A_1375] {strides = array<i32>} : memref<64x128xf32, #tpu.memory_space<vmem>>, vector<1x16xf32>,
          %get3A_1377 = vector.shape_cast %get3A_1376 : vector<1x16xf32> to vector<16xf32>
          %max3A_1378 = arith.maximumf %get3A_1377, %max3A_417 : vector<16xf32>
          %swap3A_1379 = arith.index_cast %max3A_1323 : i32 to index
          %swap3A_1380 = arith.constant 80 : index
          %swap3A_1381 = tpu.vector_load %arg7[%swap3A_1379, %swap3A_1380] {strides = array<i32>} : memref<64x128xf32, #tpu.memory_space<vmem>>, vector<1x16xf32>,
          %swap3A_1382 = vector.shape_cast %swap3A_1381 : vector<1x16xf32> to vector<16xf32>
          %swap3A_1383 = vector.shape_cast %max3A_1378 : vector<16xf32> to vector<1x16xf32>
          tpu.vector_store %arg7[%swap3A_1379, %swap3A_1380], %swap3A_1383 {strides = array<i32>} : memref<64x128xf32, #tpu.memory_space<vmem>>, vector<1x16xf32>,
          %get3A_1384 = arith.index_cast %max3A_1323 : i32 to index
          %get3A_1385 = arith.constant 96 : index
          %get3A_1386 = tpu.vector_load %arg7[%get3A_1384, %get3A_1385] {strides = array<i32>} : memref<64x128xf32, #tpu.memory_space<vmem>>, vector<1x16xf32>,
          %get3A_1387 = vector.shape_cast %get3A_1386 : vector<1x16xf32> to vector<16xf32>
          %max3A_1388 = arith.maximumf %get3A_1387, %max3A_425 : vector<16xf32>
          %swap3A_1389 = arith.index_cast %max3A_1323 : i32 to index
          %swap3A_1390 = arith.constant 96 : index
          %swap3A_1391 = tpu.vector_load %arg7[%swap3A_1389, %swap3A_1390] {strides = array<i32>} : memref<64x128xf32, #tpu.memory_space<vmem>>, vector<1x16xf32>,
          %swap3A_1392 = vector.shape_cast %swap3A_1391 : vector<1x16xf32> to vector<16xf32>
          %swap3A_1393 = vector.shape_cast %max3A_1388 : vector<16xf32> to vector<1x16xf32>
          tpu.vector_store %arg7[%swap3A_1389, %swap3A_1390], %swap3A_1393 {strides = array<i32>} : memref<64x128xf32, #tpu.memory_space<vmem>>, vector<1x16xf32>,
          %get3A_1394 = arith.index_cast %max3A_1323 : i32 to index
          %get3A_1395 = arith.constant 112 : index
          %get3A_1396 = tpu.vector_load %arg7[%get3A_1394, %get3A_1395] {strides = array<i32>} : memref<64x128xf32, #tpu.memory_space<vmem>>, vector<1x16xf32>,
          %get3A_1397 = vector.shape_cast %get3A_1396 : vector<1x16xf32> to vector<16xf32>
          %max3A_1398 = arith.maximumf %get3A_1397, %max3A_433 : vector<16xf32>
          %swap3A_1399 = arith.index_cast %max3A_1323 : i32 to index
          %swap3A_1400 = arith.constant 112 : index
          %swap3A_1401 = tpu.vector_load %arg7[%swap3A_1399, %swap3A_1400] {strides = array<i32>} : memref<64x128xf32, #tpu.memory_space<vmem>>, vector<1x16xf32>,
          %swap3A_1402 = vector.shape_cast %swap3A_1401 : vector<1x16xf32> to vector<16xf32>
          %swap3A_1403 = vector.shape_cast %max3A_1398 : vector<16xf32> to vector<1x16xf32>
          tpu.vector_store %arg7[%swap3A_1399, %swap3A_1400], %swap3A_1403 {strides = array<i32>} : memref<64x128xf32, #tpu.memory_space<vmem>>, vector<1x16xf32>,
        } else {
        }
        %mul3A_440 = arith.constant 16 : i32
        %mul3A_441 = arith.muli %scan3A_129, %mul3A_440 : i32
        %add3A_442 = arith.constant 4 : i32
        %add3A_443 = arith.addi %mul3A_441, %add3A_442 : i32
        %broadcast_in_dim3A_444 = arith.constant 0xFF800000 : f32
        %broadcast_in_dim3A_445 = vector.broadcast %broadcast_in_dim3A_444 : f32 to vector<16xf32>
        %select_n3A_446 = arith.select %ne3A_436, %broadcast_in_dim3A_445, %max3A_377 : vector<16xf32>
        %get3A_447 = arith.index_cast %add3A_443 : i32 to index
        %get3A_448 = arith.constant 0 : index
        %get3A_449 = tpu.vector_load %arg5[%get3A_447, %get3A_448] {strides = array<i32>} : memref<640x128xf32, #tpu.memory_space<vmem>>, vector<1x16xf32>,
        %get3A_450 = vector.shape_cast %get3A_449 : vector<1x16xf32> to vector<16xf32>
        %max3A_451 = arith.maximumf %select_n3A_446, %get3A_450 : vector<16xf32>
        %broadcast_in_dim3A_452 = arith.constant 0xFF800000 : f32
        %broadcast_in_dim3A_453 = vector.broadcast %broadcast_in_dim3A_452 : f32 to vector<16xf32>
        %select_n3A_454 = arith.select %ne3A_436, %broadcast_in_dim3A_453, %max3A_385 : vector<16xf32>
        %get3A_455 = arith.index_cast %add3A_443 : i32 to index
        %get3A_456 = arith.constant 16 : index
        %get3A_457 = tpu.vector_load %arg5[%get3A_455, %get3A_456] {strides = array<i32>} : memref<640x128xf32, #tpu.memory_space<vmem>>, vector<1x16xf32>,
        %get3A_458 = vector.shape_cast %get3A_457 : vector<1x16xf32> to vector<16xf32>
        %max3A_459 = arith.maximumf %select_n3A_454, %get3A_458 : vector<16xf32>
        %broadcast_in_dim3A_460 = arith.constant 0xFF800000 : f32
        %broadcast_in_dim3A_461 = vector.broadcast %broadcast_in_dim3A_460 : f32 to vector<16xf32>
        %select_n3A_462 = arith.select %ne3A_436, %broadcast_in_dim3A_461, %max3A_393 : vector<16xf32>
        %get3A_463 = arith.index_cast %add3A_443 : i32 to index
        %get3A_464 = arith.constant 32 : index
        %get3A_465 = tpu.vector_load %arg5[%get3A_463, %get3A_464] {strides = array<i32>} : memref<640x128xf32, #tpu.memory_space<vmem>>, vector<1x16xf32>,
        %get3A_466 = vector.shape_cast %get3A_465 : vector<1x16xf32> to vector<16xf32>
        %max3A_467 = arith.maximumf %select_n3A_462, %get3A_466 : vector<16xf32>
        %broadcast_in_dim3A_468 = arith.constant 0xFF800000 : f32
        %broadcast_in_dim3A_469 = vector.broadcast %broadcast_in_dim3A_468 : f32 to vector<16xf32>
        %select_n3A_470 = arith.select %ne3A_436, %broadcast_in_dim3A_469, %max3A_401 : vector<16xf32>
        %get3A_471 = arith.index_cast %add3A_443 : i32 to index
        %get3A_472 = arith.constant 48 : index
        %get3A_473 = tpu.vector_load %arg5[%get3A_471, %get3A_472] {strides = array<i32>} : memref<640x128xf32, #tpu.memory_space<vmem>>, vector<1x16xf32>,
        %get3A_474 = vector.shape_cast %get3A_473 : vector<1x16xf32> to vector<16xf32>
        %max3A_475 = arith.maximumf %select_n3A_470, %get3A_474 : vector<16xf32>
        %broadcast_in_dim3A_476 = arith.constant 0xFF800000 : f32
        %broadcast_in_dim3A_477 = vector.broadcast %broadcast_in_dim3A_476 : f32 to vector<16xf32>
        %select_n3A_478 = arith.select %ne3A_436, %broadcast_in_dim3A_477, %max3A_409 : vector<16xf32>
        %get3A_479 = arith.index_cast %add3A_443 : i32 to index
        %get3A_480 = arith.constant 64 : index
        %get3A_481 = tpu.vector_load %arg5[%get3A_479, %get3A_480] {strides = array<i32>} : memref<640x128xf32, #tpu.memory_space<vmem>>, vector<1x16xf32>,
        %get3A_482 = vector.shape_cast %get3A_481 : vector<1x16xf32> to vector<16xf32>
        %max3A_483 = arith.maximumf %select_n3A_478, %get3A_482 : vector<16xf32>
        %broadcast_in_dim3A_484 = arith.constant 0xFF800000 : f32
        %broadcast_in_dim3A_485 = vector.broadcast %broadcast_in_dim3A_484 : f32 to vector<16xf32>
        %select_n3A_486 = arith.select %ne3A_436, %broadcast_in_dim3A_485, %max3A_417 : vector<16xf32>
        %get3A_487 = arith.index_cast %add3A_443 : i32 to index
        %get3A_488 = arith.constant 80 : index
        %get3A_489 = tpu.vector_load %arg5[%get3A_487, %get3A_488] {strides = array<i32>} : memref<640x128xf32, #tpu.memory_space<vmem>>, vector<1x16xf32>,
        %get3A_490 = vector.shape_cast %get3A_489 : vector<1x16xf32> to vector<16xf32>
        %max3A_491 = arith.maximumf %select_n3A_486, %get3A_490 : vector<16xf32>
        %broadcast_in_dim3A_492 = arith.constant 0xFF800000 : f32
        %broadcast_in_dim3A_493 = vector.broadcast %broadcast_in_dim3A_492 : f32 to vector<16xf32>
        %select_n3A_494 = arith.select %ne3A_436, %broadcast_in_dim3A_493, %max3A_425 : vector<16xf32>
        %get3A_495 = arith.index_cast %add3A_443 : i32 to index
        %get3A_496 = arith.constant 96 : index
        %get3A_497 = tpu.vector_load %arg5[%get3A_495, %get3A_496] {strides = array<i32>} : memref<640x128xf32, #tpu.memory_space<vmem>>, vector<1x16xf32>,
        %get3A_498 = vector.shape_cast %get3A_497 : vector<1x16xf32> to vector<16xf32>
        %max3A_499 = arith.maximumf %select_n3A_494, %get3A_498 : vector<16xf32>
        %broadcast_in_dim3A_500 = arith.constant 0xFF800000 : f32
        %broadcast_in_dim3A_501 = vector.broadcast %broadcast_in_dim3A_500 : f32 to vector<16xf32>
        %select_n3A_502 = arith.select %ne3A_436, %broadcast_in_dim3A_501, %max3A_433 : vector<16xf32>
        %get3A_503 = arith.index_cast %add3A_443 : i32 to index
        %get3A_504 = arith.constant 112 : index
        %get3A_505 = tpu.vector_load %arg5[%get3A_503, %get3A_504] {strides = array<i32>} : memref<640x128xf32, #tpu.memory_space<vmem>>, vector<1x16xf32>,
        %get3A_506 = vector.shape_cast %get3A_505 : vector<1x16xf32> to vector<16xf32>
        %max3A_507 = arith.maximumf %select_n3A_502, %get3A_506 : vector<16xf32>
        %slice3A_508 = vector.extract_strided_slice %get3A_143 {offsets = [5], sizes = [1], strides = [1]} : vector<16xi32> to vector<1xi32>
        %squeeze3A_509 = vector.extract %slice3A_508[0] : i32 from vector<1xi32>
        %ne3A_510 = arith.cmpi ne, %squeeze3A_509, %squeeze3A_435 : i32
        %convert_element_type3A_511 = arith.extui %ne3A_510 : i1 to i32
        %cond3A_512 = arith.constant 0 : i32
        %cond3A_513 = arith.cmpi ne, %convert_element_type3A_511, %cond3A_512 : i32
        scf.if %cond3A_513 {
          %max3A_1322 = arith.constant 0 : i32
          %max3A_1323 = arith.maxsi %squeeze3A_435, %max3A_1322 : i32
          %get3A_1324 = arith.index_cast %max3A_1323 : i32 to index
          %get3A_1325 = arith.constant 0 : index
          %get3A_1326 = tpu.vector_load %arg7[%get3A_1324, %get3A_1325] {strides = array<i32>} : memref<64x128xf32, #tpu.memory_space<vmem>>, vector<1x16xf32>,
          %get3A_1327 = vector.shape_cast %get3A_1326 : vector<1x16xf32> to vector<16xf32>
          %max3A_1328 = arith.maximumf %get3A_1327, %max3A_451 : vector<16xf32>
          %swap3A_1329 = arith.index_cast %max3A_1323 : i32 to index
          %swap3A_1330 = arith.constant 0 : index
          %swap3A_1331 = tpu.vector_load %arg7[%swap3A_1329, %swap3A_1330] {strides = array<i32>} : memref<64x128xf32, #tpu.memory_space<vmem>>, vector<1x16xf32>,
          %swap3A_1332 = vector.shape_cast %swap3A_1331 : vector<1x16xf32> to vector<16xf32>
          %swap3A_1333 = vector.shape_cast %max3A_1328 : vector<16xf32> to vector<1x16xf32>
          tpu.vector_store %arg7[%swap3A_1329, %swap3A_1330], %swap3A_1333 {strides = array<i32>} : memref<64x128xf32, #tpu.memory_space<vmem>>, vector<1x16xf32>,
          %get3A_1334 = arith.index_cast %max3A_1323 : i32 to index
          %get3A_1335 = arith.constant 16 : index
          %get3A_1336 = tpu.vector_load %arg7[%get3A_1334, %get3A_1335] {strides = array<i32>} : memref<64x128xf32, #tpu.memory_space<vmem>>, vector<1x16xf32>,
          %get3A_1337 = vector.shape_cast %get3A_1336 : vector<1x16xf32> to vector<16xf32>
          %max3A_1338 = arith.maximumf %get3A_1337, %max3A_459 : vector<16xf32>
          %swap3A_1339 = arith.index_cast %max3A_1323 : i32 to index
          %swap3A_1340 = arith.constant 16 : index
          %swap3A_1341 = tpu.vector_load %arg7[%swap3A_1339, %swap3A_1340] {strides = array<i32>} : memref<64x128xf32, #tpu.memory_space<vmem>>, vector<1x16xf32>,
          %swap3A_1342 = vector.shape_cast %swap3A_1341 : vector<1x16xf32> to vector<16xf32>
          %swap3A_1343 = vector.shape_cast %max3A_1338 : vector<16xf32> to vector<1x16xf32>
          tpu.vector_store %arg7[%swap3A_1339, %swap3A_1340], %swap3A_1343 {strides = array<i32>} : memref<64x128xf32, #tpu.memory_space<vmem>>, vector<1x16xf32>,
          %get3A_1344 = arith.index_cast %max3A_1323 : i32 to index
          %get3A_1345 = arith.constant 32 : index
          %get3A_1346 = tpu.vector_load %arg7[%get3A_1344, %get3A_1345] {strides = array<i32>} : memref<64x128xf32, #tpu.memory_space<vmem>>, vector<1x16xf32>,
          %get3A_1347 = vector.shape_cast %get3A_1346 : vector<1x16xf32> to vector<16xf32>
          %max3A_1348 = arith.maximumf %get3A_1347, %max3A_467 : vector<16xf32>
          %swap3A_1349 = arith.index_cast %max3A_1323 : i32 to index
          %swap3A_1350 = arith.constant 32 : index
          %swap3A_1351 = tpu.vector_load %arg7[%swap3A_1349, %swap3A_1350] {strides = array<i32>} : memref<64x128xf32, #tpu.memory_space<vmem>>, vector<1x16xf32>,
          %swap3A_1352 = vector.shape_cast %swap3A_1351 : vector<1x16xf32> to vector<16xf32>
          %swap3A_1353 = vector.shape_cast %max3A_1348 : vector<16xf32> to vector<1x16xf32>
          tpu.vector_store %arg7[%swap3A_1349, %swap3A_1350], %swap3A_1353 {strides = array<i32>} : memref<64x128xf32, #tpu.memory_space<vmem>>, vector<1x16xf32>,
          %get3A_1354 = arith.index_cast %max3A_1323 : i32 to index
          %get3A_1355 = arith.constant 48 : index
          %get3A_1356 = tpu.vector_load %arg7[%get3A_1354, %get3A_1355] {strides = array<i32>} : memref<64x128xf32, #tpu.memory_space<vmem>>, vector<1x16xf32>,
          %get3A_1357 = vector.shape_cast %get3A_1356 : vector<1x16xf32> to vector<16xf32>
          %max3A_1358 = arith.maximumf %get3A_1357, %max3A_475 : vector<16xf32>
          %swap3A_1359 = arith.index_cast %max3A_1323 : i32 to index
          %swap3A_1360 = arith.constant 48 : index
          %swap3A_1361 = tpu.vector_load %arg7[%swap3A_1359, %swap3A_1360] {strides = array<i32>} : memref<64x128xf32, #tpu.memory_space<vmem>>, vector<1x16xf32>,
          %swap3A_1362 = vector.shape_cast %swap3A_1361 : vector<1x16xf32> to vector<16xf32>
          %swap3A_1363 = vector.shape_cast %max3A_1358 : vector<16xf32> to vector<1x16xf32>
          tpu.vector_store %arg7[%swap3A_1359, %swap3A_1360], %swap3A_1363 {strides = array<i32>} : memref<64x128xf32, #tpu.memory_space<vmem>>, vector<1x16xf32>,
          %get3A_1364 = arith.index_cast %max3A_1323 : i32 to index
          %get3A_1365 = arith.constant 64 : index
          %get3A_1366 = tpu.vector_load %arg7[%get3A_1364, %get3A_1365] {strides = array<i32>} : memref<64x128xf32, #tpu.memory_space<vmem>>, vector<1x16xf32>,
          %get3A_1367 = vector.shape_cast %get3A_1366 : vector<1x16xf32> to vector<16xf32>
          %max3A_1368 = arith.maximumf %get3A_1367, %max3A_483 : vector<16xf32>
          %swap3A_1369 = arith.index_cast %max3A_1323 : i32 to index
          %swap3A_1370 = arith.constant 64 : index
          %swap3A_1371 = tpu.vector_load %arg7[%swap3A_1369, %swap3A_1370] {strides = array<i32>} : memref<64x128xf32, #tpu.memory_space<vmem>>, vector<1x16xf32>,
          %swap3A_1372 = vector.shape_cast %swap3A_1371 : vector<1x16xf32> to vector<16xf32>
          %swap3A_1373 = vector.shape_cast %max3A_1368 : vector<16xf32> to vector<1x16xf32>
          tpu.vector_store %arg7[%swap3A_1369, %swap3A_1370], %swap3A_1373 {strides = array<i32>} : memref<64x128xf32, #tpu.memory_space<vmem>>, vector<1x16xf32>,
          %get3A_1374 = arith.index_cast %max3A_1323 : i32 to index
          %get3A_1375 = arith.constant 80 : index
          %get3A_1376 = tpu.vector_load %arg7[%get3A_1374, %get3A_1375] {strides = array<i32>} : memref<64x128xf32, #tpu.memory_space<vmem>>, vector<1x16xf32>,
          %get3A_1377 = vector.shape_cast %get3A_1376 : vector<1x16xf32> to vector<16xf32>
          %max3A_1378 = arith.maximumf %get3A_1377, %max3A_491 : vector<16xf32>
          %swap3A_1379 = arith.index_cast %max3A_1323 : i32 to index
          %swap3A_1380 = arith.constant 80 : index
          %swap3A_1381 = tpu.vector_load %arg7[%swap3A_1379, %swap3A_1380] {strides = array<i32>} : memref<64x128xf32, #tpu.memory_space<vmem>>, vector<1x16xf32>,
          %swap3A_1382 = vector.shape_cast %swap3A_1381 : vector<1x16xf32> to vector<16xf32>
          %swap3A_1383 = vector.shape_cast %max3A_1378 : vector<16xf32> to vector<1x16xf32>
          tpu.vector_store %arg7[%swap3A_1379, %swap3A_1380], %swap3A_1383 {strides = array<i32>} : memref<64x128xf32, #tpu.memory_space<vmem>>, vector<1x16xf32>,
          %get3A_1384 = arith.index_cast %max3A_1323 : i32 to index
          %get3A_1385 = arith.constant 96 : index
          %get3A_1386 = tpu.vector_load %arg7[%get3A_1384, %get3A_1385] {strides = array<i32>} : memref<64x128xf32, #tpu.memory_space<vmem>>, vector<1x16xf32>,
          %get3A_1387 = vector.shape_cast %get3A_1386 : vector<1x16xf32> to vector<16xf32>
          %max3A_1388 = arith.maximumf %get3A_1387, %max3A_499 : vector<16xf32>
          %swap3A_1389 = arith.index_cast %max3A_1323 : i32 to index
          %swap3A_1390 = arith.constant 96 : index
          %swap3A_1391 = tpu.vector_load %arg7[%swap3A_1389, %swap3A_1390] {strides = array<i32>} : memref<64x128xf32, #tpu.memory_space<vmem>>, vector<1x16xf32>,
          %swap3A_1392 = vector.shape_cast %swap3A_1391 : vector<1x16xf32> to vector<16xf32>
          %swap3A_1393 = vector.shape_cast %max3A_1388 : vector<16xf32> to vector<1x16xf32>
          tpu.vector_store %arg7[%swap3A_1389, %swap3A_1390], %swap3A_1393 {strides = array<i32>} : memref<64x128xf32, #tpu.memory_space<vmem>>, vector<1x16xf32>,
          %get3A_1394 = arith.index_cast %max3A_1323 : i32 to index
          %get3A_1395 = arith.constant 112 : index
          %get3A_1396 = tpu.vector_load %arg7[%get3A_1394, %get3A_1395] {strides = array<i32>} : memref<64x128xf32, #tpu.memory_space<vmem>>, vector<1x16xf32>,
          %get3A_1397 = vector.shape_cast %get3A_1396 : vector<1x16xf32> to vector<16xf32>
          %max3A_1398 = arith.maximumf %get3A_1397, %max3A_507 : vector<16xf32>
          %swap3A_1399 = arith.index_cast %max3A_1323 : i32 to index
          %swap3A_1400 = arith.constant 112 : index
          %swap3A_1401 = tpu.vector_load %arg7[%swap3A_1399, %swap3A_1400] {strides = array<i32>} : memref<64x128xf32, #tpu.memory_space<vmem>>, vector<1x16xf32>,
          %swap3A_1402 = vector.shape_cast %swap3A_1401 : vector<1x16xf32> to vector<16xf32>
          %swap3A_1403 = vector.shape_cast %max3A_1398 : vector<16xf32> to vector<1x16xf32>
          tpu.vector_store %arg7[%swap3A_1399, %swap3A_1400], %swap3A_1403 {strides = array<i32>} : memref<64x128xf32, #tpu.memory_space<vmem>>, vector<1x16xf32>,
        } else {
        }
        %mul3A_514 = arith.constant 16 : i32
        %mul3A_515 = arith.muli %scan3A_129, %mul3A_514 : i32
        %add3A_516 = arith.constant 5 : i32
        %add3A_517 = arith.addi %mul3A_515, %add3A_516 : i32
        %broadcast_in_dim3A_518 = arith.constant 0xFF800000 : f32
        %broadcast_in_dim3A_519 = vector.broadcast %broadcast_in_dim3A_518 : f32 to vector<16xf32>
        %select_n3A_520 = arith.select %ne3A_510, %broadcast_in_dim3A_519, %max3A_451 : vector<16xf32>
        %get3A_521 = arith.index_cast %add3A_517 : i32 to index
        %get3A_522 = arith.constant 0 : index
        %get3A_523 = tpu.vector_load %arg5[%get3A_521, %get3A_522] {strides = array<i32>} : memref<640x128xf32, #tpu.memory_space<vmem>>, vector<1x16xf32>,
        %get3A_524 = vector.shape_cast %get3A_523 : vector<1x16xf32> to vector<16xf32>
        %max3A_525 = arith.maximumf %select_n3A_520, %get3A_524 : vector<16xf32>
        %broadcast_in_dim3A_526 = arith.constant 0xFF800000 : f32
        %broadcast_in_dim3A_527 = vector.broadcast %broadcast_in_dim3A_526 : f32 to vector<16xf32>
        %select_n3A_528 = arith.select %ne3A_510, %broadcast_in_dim3A_527, %max3A_459 : vector<16xf32>
        %get3A_529 = arith.index_cast %add3A_517 : i32 to index
        %get3A_530 = arith.constant 16 : index
        %get3A_531 = tpu.vector_load %arg5[%get3A_529, %get3A_530] {strides = array<i32>} : memref<640x128xf32, #tpu.memory_space<vmem>>, vector<1x16xf32>,
        %get3A_532 = vector.shape_cast %get3A_531 : vector<1x16xf32> to vector<16xf32>
        %max3A_533 = arith.maximumf %select_n3A_528, %get3A_532 : vector<16xf32>
        %broadcast_in_dim3A_534 = arith.constant 0xFF800000 : f32
        %broadcast_in_dim3A_535 = vector.broadcast %broadcast_in_dim3A_534 : f32 to vector<16xf32>
        %select_n3A_536 = arith.select %ne3A_510, %broadcast_in_dim3A_535, %max3A_467 : vector<16xf32>
        %get3A_537 = arith.index_cast %add3A_517 : i32 to index
        %get3A_538 = arith.constant 32 : index
        %get3A_539 = tpu.vector_load %arg5[%get3A_537, %get3A_538] {strides = array<i32>} : memref<640x128xf32, #tpu.memory_space<vmem>>, vector<1x16xf32>,
        %get3A_540 = vector.shape_cast %get3A_539 : vector<1x16xf32> to vector<16xf32>
        %max3A_541 = arith.maximumf %select_n3A_536, %get3A_540 : vector<16xf32>
        %broadcast_in_dim3A_542 = arith.constant 0xFF800000 : f32
        %broadcast_in_dim3A_543 = vector.broadcast %broadcast_in_dim3A_542 : f32 to vector<16xf32>
        %select_n3A_544 = arith.select %ne3A_510, %broadcast_in_dim3A_543, %max3A_475 : vector<16xf32>
        %get3A_545 = arith.index_cast %add3A_517 : i32 to index
        %get3A_546 = arith.constant 48 : index
        %get3A_547 = tpu.vector_load %arg5[%get3A_545, %get3A_546] {strides = array<i32>} : memref<640x128xf32, #tpu.memory_space<vmem>>, vector<1x16xf32>,
        %get3A_548 = vector.shape_cast %get3A_547 : vector<1x16xf32> to vector<16xf32>
        %max3A_549 = arith.maximumf %select_n3A_544, %get3A_548 : vector<16xf32>
        %broadcast_in_dim3A_550 = arith.constant 0xFF800000 : f32
        %broadcast_in_dim3A_551 = vector.broadcast %broadcast_in_dim3A_550 : f32 to vector<16xf32>
        %select_n3A_552 = arith.select %ne3A_510, %broadcast_in_dim3A_551, %max3A_483 : vector<16xf32>
        %get3A_553 = arith.index_cast %add3A_517 : i32 to index
        %get3A_554 = arith.constant 64 : index
        %get3A_555 = tpu.vector_load %arg5[%get3A_553, %get3A_554] {strides = array<i32>} : memref<640x128xf32, #tpu.memory_space<vmem>>, vector<1x16xf32>,
        %get3A_556 = vector.shape_cast %get3A_555 : vector<1x16xf32> to vector<16xf32>
        %max3A_557 = arith.maximumf %select_n3A_552, %get3A_556 : vector<16xf32>
        %broadcast_in_dim3A_558 = arith.constant 0xFF800000 : f32
        %broadcast_in_dim3A_559 = vector.broadcast %broadcast_in_dim3A_558 : f32 to vector<16xf32>
        %select_n3A_560 = arith.select %ne3A_510, %broadcast_in_dim3A_559, %max3A_491 : vector<16xf32>
        %get3A_561 = arith.index_cast %add3A_517 : i32 to index
        %get3A_562 = arith.constant 80 : index
        %get3A_563 = tpu.vector_load %arg5[%get3A_561, %get3A_562] {strides = array<i32>} : memref<640x128xf32, #tpu.memory_space<vmem>>, vector<1x16xf32>,
        %get3A_564 = vector.shape_cast %get3A_563 : vector<1x16xf32> to vector<16xf32>
        %max3A_565 = arith.maximumf %select_n3A_560, %get3A_564 : vector<16xf32>
        %broadcast_in_dim3A_566 = arith.constant 0xFF800000 : f32
        %broadcast_in_dim3A_567 = vector.broadcast %broadcast_in_dim3A_566 : f32 to vector<16xf32>
        %select_n3A_568 = arith.select %ne3A_510, %broadcast_in_dim3A_567, %max3A_499 : vector<16xf32>
        %get3A_569 = arith.index_cast %add3A_517 : i32 to index
        %get3A_570 = arith.constant 96 : index
        %get3A_571 = tpu.vector_load %arg5[%get3A_569, %get3A_570] {strides = array<i32>} : memref<640x128xf32, #tpu.memory_space<vmem>>, vector<1x16xf32>,
        %get3A_572 = vector.shape_cast %get3A_571 : vector<1x16xf32> to vector<16xf32>
        %max3A_573 = arith.maximumf %select_n3A_568, %get3A_572 : vector<16xf32>
        %broadcast_in_dim3A_574 = arith.constant 0xFF800000 : f32
        %broadcast_in_dim3A_575 = vector.broadcast %broadcast_in_dim3A_574 : f32 to vector<16xf32>
        %select_n3A_576 = arith.select %ne3A_510, %broadcast_in_dim3A_575, %max3A_507 : vector<16xf32>
        %get3A_577 = arith.index_cast %add3A_517 : i32 to index
        %get3A_578 = arith.constant 112 : index
        %get3A_579 = tpu.vector_load %arg5[%get3A_577, %get3A_578] {strides = array<i32>} : memref<640x128xf32, #tpu.memory_space<vmem>>, vector<1x16xf32>,
        %get3A_580 = vector.shape_cast %get3A_579 : vector<1x16xf32> to vector<16xf32>
        %max3A_581 = arith.maximumf %select_n3A_576, %get3A_580 : vector<16xf32>
        %slice3A_582 = vector.extract_strided_slice %get3A_143 {offsets = [6], sizes = [1], strides = [1]} : vector<16xi32> to vector<1xi32>
        %squeeze3A_583 = vector.extract %slice3A_582[0] : i32 from vector<1xi32>
        %ne3A_584 = arith.cmpi ne, %squeeze3A_583, %squeeze3A_509 : i32
        %convert_element_type3A_585 = arith.extui %ne3A_584 : i1 to i32
        %cond3A_586 = arith.constant 0 : i32
        %cond3A_587 = arith.cmpi ne, %convert_element_type3A_585, %cond3A_586 : i32
        scf.if %cond3A_587 {
          %max3A_1322 = arith.constant 0 : i32
          %max3A_1323 = arith.maxsi %squeeze3A_509, %max3A_1322 : i32
          %get3A_1324 = arith.index_cast %max3A_1323 : i32 to index
          %get3A_1325 = arith.constant 0 : index
          %get3A_1326 = tpu.vector_load %arg7[%get3A_1324, %get3A_1325] {strides = array<i32>} : memref<64x128xf32, #tpu.memory_space<vmem>>, vector<1x16xf32>,
          %get3A_1327 = vector.shape_cast %get3A_1326 : vector<1x16xf32> to vector<16xf32>
          %max3A_1328 = arith.maximumf %get3A_1327, %max3A_525 : vector<16xf32>
          %swap3A_1329 = arith.index_cast %max3A_1323 : i32 to index
          %swap3A_1330 = arith.constant 0 : index
          %swap3A_1331 = tpu.vector_load %arg7[%swap3A_1329, %swap3A_1330] {strides = array<i32>} : memref<64x128xf32, #tpu.memory_space<vmem>>, vector<1x16xf32>,
          %swap3A_1332 = vector.shape_cast %swap3A_1331 : vector<1x16xf32> to vector<16xf32>
          %swap3A_1333 = vector.shape_cast %max3A_1328 : vector<16xf32> to vector<1x16xf32>
          tpu.vector_store %arg7[%swap3A_1329, %swap3A_1330], %swap3A_1333 {strides = array<i32>} : memref<64x128xf32, #tpu.memory_space<vmem>>, vector<1x16xf32>,
          %get3A_1334 = arith.index_cast %max3A_1323 : i32 to index
          %get3A_1335 = arith.constant 16 : index
          %get3A_1336 = tpu.vector_load %arg7[%get3A_1334, %get3A_1335] {strides = array<i32>} : memref<64x128xf32, #tpu.memory_space<vmem>>, vector<1x16xf32>,
          %get3A_1337 = vector.shape_cast %get3A_1336 : vector<1x16xf32> to vector<16xf32>
          %max3A_1338 = arith.maximumf %get3A_1337, %max3A_533 : vector<16xf32>
          %swap3A_1339 = arith.index_cast %max3A_1323 : i32 to index
          %swap3A_1340 = arith.constant 16 : index
          %swap3A_1341 = tpu.vector_load %arg7[%swap3A_1339, %swap3A_1340] {strides = array<i32>} : memref<64x128xf32, #tpu.memory_space<vmem>>, vector<1x16xf32>,
          %swap3A_1342 = vector.shape_cast %swap3A_1341 : vector<1x16xf32> to vector<16xf32>
          %swap3A_1343 = vector.shape_cast %max3A_1338 : vector<16xf32> to vector<1x16xf32>
          tpu.vector_store %arg7[%swap3A_1339, %swap3A_1340], %swap3A_1343 {strides = array<i32>} : memref<64x128xf32, #tpu.memory_space<vmem>>, vector<1x16xf32>,
          %get3A_1344 = arith.index_cast %max3A_1323 : i32 to index
          %get3A_1345 = arith.constant 32 : index
          %get3A_1346 = tpu.vector_load %arg7[%get3A_1344, %get3A_1345] {strides = array<i32>} : memref<64x128xf32, #tpu.memory_space<vmem>>, vector<1x16xf32>,
          %get3A_1347 = vector.shape_cast %get3A_1346 : vector<1x16xf32> to vector<16xf32>
          %max3A_1348 = arith.maximumf %get3A_1347, %max3A_541 : vector<16xf32>
          %swap3A_1349 = arith.index_cast %max3A_1323 : i32 to index
          %swap3A_1350 = arith.constant 32 : index
          %swap3A_1351 = tpu.vector_load %arg7[%swap3A_1349, %swap3A_1350] {strides = array<i32>} : memref<64x128xf32, #tpu.memory_space<vmem>>, vector<1x16xf32>,
          %swap3A_1352 = vector.shape_cast %swap3A_1351 : vector<1x16xf32> to vector<16xf32>
          %swap3A_1353 = vector.shape_cast %max3A_1348 : vector<16xf32> to vector<1x16xf32>
          tpu.vector_store %arg7[%swap3A_1349, %swap3A_1350], %swap3A_1353 {strides = array<i32>} : memref<64x128xf32, #tpu.memory_space<vmem>>, vector<1x16xf32>,
          %get3A_1354 = arith.index_cast %max3A_1323 : i32 to index
          %get3A_1355 = arith.constant 48 : index
          %get3A_1356 = tpu.vector_load %arg7[%get3A_1354, %get3A_1355] {strides = array<i32>} : memref<64x128xf32, #tpu.memory_space<vmem>>, vector<1x16xf32>,
          %get3A_1357 = vector.shape_cast %get3A_1356 : vector<1x16xf32> to vector<16xf32>
          %max3A_1358 = arith.maximumf %get3A_1357, %max3A_549 : vector<16xf32>
          %swap3A_1359 = arith.index_cast %max3A_1323 : i32 to index
          %swap3A_1360 = arith.constant 48 : index
          %swap3A_1361 = tpu.vector_load %arg7[%swap3A_1359, %swap3A_1360] {strides = array<i32>} : memref<64x128xf32, #tpu.memory_space<vmem>>, vector<1x16xf32>,
          %swap3A_1362 = vector.shape_cast %swap3A_1361 : vector<1x16xf32> to vector<16xf32>
          %swap3A_1363 = vector.shape_cast %max3A_1358 : vector<16xf32> to vector<1x16xf32>
          tpu.vector_store %arg7[%swap3A_1359, %swap3A_1360], %swap3A_1363 {strides = array<i32>} : memref<64x128xf32, #tpu.memory_space<vmem>>, vector<1x16xf32>,
          %get3A_1364 = arith.index_cast %max3A_1323 : i32 to index
          %get3A_1365 = arith.constant 64 : index
          %get3A_1366 = tpu.vector_load %arg7[%get3A_1364, %get3A_1365] {strides = array<i32>} : memref<64x128xf32, #tpu.memory_space<vmem>>, vector<1x16xf32>,
          %get3A_1367 = vector.shape_cast %get3A_1366 : vector<1x16xf32> to vector<16xf32>
          %max3A_1368 = arith.maximumf %get3A_1367, %max3A_557 : vector<16xf32>
          %swap3A_1369 = arith.index_cast %max3A_1323 : i32 to index
          %swap3A_1370 = arith.constant 64 : index
          %swap3A_1371 = tpu.vector_load %arg7[%swap3A_1369, %swap3A_1370] {strides = array<i32>} : memref<64x128xf32, #tpu.memory_space<vmem>>, vector<1x16xf32>,
          %swap3A_1372 = vector.shape_cast %swap3A_1371 : vector<1x16xf32> to vector<16xf32>
          %swap3A_1373 = vector.shape_cast %max3A_1368 : vector<16xf32> to vector<1x16xf32>
          tpu.vector_store %arg7[%swap3A_1369, %swap3A_1370], %swap3A_1373 {strides = array<i32>} : memref<64x128xf32, #tpu.memory_space<vmem>>, vector<1x16xf32>,
          %get3A_1374 = arith.index_cast %max3A_1323 : i32 to index
          %get3A_1375 = arith.constant 80 : index
          %get3A_1376 = tpu.vector_load %arg7[%get3A_1374, %get3A_1375] {strides = array<i32>} : memref<64x128xf32, #tpu.memory_space<vmem>>, vector<1x16xf32>,
          %get3A_1377 = vector.shape_cast %get3A_1376 : vector<1x16xf32> to vector<16xf32>
          %max3A_1378 = arith.maximumf %get3A_1377, %max3A_565 : vector<16xf32>
          %swap3A_1379 = arith.index_cast %max3A_1323 : i32 to index
          %swap3A_1380 = arith.constant 80 : index
          %swap3A_1381 = tpu.vector_load %arg7[%swap3A_1379, %swap3A_1380] {strides = array<i32>} : memref<64x128xf32, #tpu.memory_space<vmem>>, vector<1x16xf32>,
          %swap3A_1382 = vector.shape_cast %swap3A_1381 : vector<1x16xf32> to vector<16xf32>
          %swap3A_1383 = vector.shape_cast %max3A_1378 : vector<16xf32> to vector<1x16xf32>
          tpu.vector_store %arg7[%swap3A_1379, %swap3A_1380], %swap3A_1383 {strides = array<i32>} : memref<64x128xf32, #tpu.memory_space<vmem>>, vector<1x16xf32>,
          %get3A_1384 = arith.index_cast %max3A_1323 : i32 to index
          %get3A_1385 = arith.constant 96 : index
          %get3A_1386 = tpu.vector_load %arg7[%get3A_1384, %get3A_1385] {strides = array<i32>} : memref<64x128xf32, #tpu.memory_space<vmem>>, vector<1x16xf32>,
          %get3A_1387 = vector.shape_cast %get3A_1386 : vector<1x16xf32> to vector<16xf32>
          %max3A_1388 = arith.maximumf %get3A_1387, %max3A_573 : vector<16xf32>
          %swap3A_1389 = arith.index_cast %max3A_1323 : i32 to index
          %swap3A_1390 = arith.constant 96 : index
          %swap3A_1391 = tpu.vector_load %arg7[%swap3A_1389, %swap3A_1390] {strides = array<i32>} : memref<64x128xf32, #tpu.memory_space<vmem>>, vector<1x16xf32>,
          %swap3A_1392 = vector.shape_cast %swap3A_1391 : vector<1x16xf32> to vector<16xf32>
          %swap3A_1393 = vector.shape_cast %max3A_1388 : vector<16xf32> to vector<1x16xf32>
          tpu.vector_store %arg7[%swap3A_1389, %swap3A_1390], %swap3A_1393 {strides = array<i32>} : memref<64x128xf32, #tpu.memory_space<vmem>>, vector<1x16xf32>,
          %get3A_1394 = arith.index_cast %max3A_1323 : i32 to index
          %get3A_1395 = arith.constant 112 : index
          %get3A_1396 = tpu.vector_load %arg7[%get3A_1394, %get3A_1395] {strides = array<i32>} : memref<64x128xf32, #tpu.memory_space<vmem>>, vector<1x16xf32>,
          %get3A_1397 = vector.shape_cast %get3A_1396 : vector<1x16xf32> to vector<16xf32>
          %max3A_1398 = arith.maximumf %get3A_1397, %max3A_581 : vector<16xf32>
          %swap3A_1399 = arith.index_cast %max3A_1323 : i32 to index
          %swap3A_1400 = arith.constant 112 : index
          %swap3A_1401 = tpu.vector_load %arg7[%swap3A_1399, %swap3A_1400] {strides = array<i32>} : memref<64x128xf32, #tpu.memory_space<vmem>>, vector<1x16xf32>,
          %swap3A_1402 = vector.shape_cast %swap3A_1401 : vector<1x16xf32> to vector<16xf32>
          %swap3A_1403 = vector.shape_cast %max3A_1398 : vector<16xf32> to vector<1x16xf32>
          tpu.vector_store %arg7[%swap3A_1399, %swap3A_1400], %swap3A_1403 {strides = array<i32>} : memref<64x128xf32, #tpu.memory_space<vmem>>, vector<1x16xf32>,
        } else {
        }
        %mul3A_588 = arith.constant 16 : i32
        %mul3A_589 = arith.muli %scan3A_129, %mul3A_588 : i32
        %add3A_590 = arith.constant 6 : i32
        %add3A_591 = arith.addi %mul3A_589, %add3A_590 : i32
        %broadcast_in_dim3A_592 = arith.constant 0xFF800000 : f32
        %broadcast_in_dim3A_593 = vector.broadcast %broadcast_in_dim3A_592 : f32 to vector<16xf32>
        %select_n3A_594 = arith.select %ne3A_584, %broadcast_in_dim3A_593, %max3A_525 : vector<16xf32>
        %get3A_595 = arith.index_cast %add3A_591 : i32 to index
        %get3A_596 = arith.constant 0 : index
        %get3A_597 = tpu.vector_load %arg5[%get3A_595, %get3A_596] {strides = array<i32>} : memref<640x128xf32, #tpu.memory_space<vmem>>, vector<1x16xf32>,
        %get3A_598 = vector.shape_cast %get3A_597 : vector<1x16xf32> to vector<16xf32>
        %max3A_599 = arith.maximumf %select_n3A_594, %get3A_598 : vector<16xf32>
        %broadcast_in_dim3A_600 = arith.constant 0xFF800000 : f32
        %broadcast_in_dim3A_601 = vector.broadcast %broadcast_in_dim3A_600 : f32 to vector<16xf32>
        %select_n3A_602 = arith.select %ne3A_584, %broadcast_in_dim3A_601, %max3A_533 : vector<16xf32>
        %get3A_603 = arith.index_cast %add3A_591 : i32 to index
        %get3A_604 = arith.constant 16 : index
        %get3A_605 = tpu.vector_load %arg5[%get3A_603, %get3A_604] {strides = array<i32>} : memref<640x128xf32, #tpu.memory_space<vmem>>, vector<1x16xf32>,
        %get3A_606 = vector.shape_cast %get3A_605 : vector<1x16xf32> to vector<16xf32>
        %max3A_607 = arith.maximumf %select_n3A_602, %get3A_606 : vector<16xf32>
        %broadcast_in_dim3A_608 = arith.constant 0xFF800000 : f32
        %broadcast_in_dim3A_609 = vector.broadcast %broadcast_in_dim3A_608 : f32 to vector<16xf32>
        %select_n3A_610 = arith.select %ne3A_584, %broadcast_in_dim3A_609, %max3A_541 : vector<16xf32>
        %get3A_611 = arith.index_cast %add3A_591 : i32 to index
        %get3A_612 = arith.constant 32 : index
        %get3A_613 = tpu.vector_load %arg5[%get3A_611, %get3A_612] {strides = array<i32>} : memref<640x128xf32, #tpu.memory_space<vmem>>, vector<1x16xf32>,
        %get3A_614 = vector.shape_cast %get3A_613 : vector<1x16xf32> to vector<16xf32>
        %max3A_615 = arith.maximumf %select_n3A_610, %get3A_614 : vector<16xf32>
        %broadcast_in_dim3A_616 = arith.constant 0xFF800000 : f32
        %broadcast_in_dim3A_617 = vector.broadcast %broadcast_in_dim3A_616 : f32 to vector<16xf32>
        %select_n3A_618 = arith.select %ne3A_584, %broadcast_in_dim3A_617, %max3A_549 : vector<16xf32>
        %get3A_619 = arith.index_cast %add3A_591 : i32 to index
        %get3A_620 = arith.constant 48 : index
        %get3A_621 = tpu.vector_load %arg5[%get3A_619, %get3A_620] {strides = array<i32>} : memref<640x128xf32, #tpu.memory_space<vmem>>, vector<1x16xf32>,
        %get3A_622 = vector.shape_cast %get3A_621 : vector<1x16xf32> to vector<16xf32>
        %max3A_623 = arith.maximumf %select_n3A_618, %get3A_622 : vector<16xf32>
        %broadcast_in_dim3A_624 = arith.constant 0xFF800000 : f32
        %broadcast_in_dim3A_625 = vector.broadcast %broadcast_in_dim3A_624 : f32 to vector<16xf32>
        %select_n3A_626 = arith.select %ne3A_584, %broadcast_in_dim3A_625, %max3A_557 : vector<16xf32>
        %get3A_627 = arith.index_cast %add3A_591 : i32 to index
        %get3A_628 = arith.constant 64 : index
        %get3A_629 = tpu.vector_load %arg5[%get3A_627, %get3A_628] {strides = array<i32>} : memref<640x128xf32, #tpu.memory_space<vmem>>, vector<1x16xf32>,
        %get3A_630 = vector.shape_cast %get3A_629 : vector<1x16xf32> to vector<16xf32>
        %max3A_631 = arith.maximumf %select_n3A_626, %get3A_630 : vector<16xf32>
        %broadcast_in_dim3A_632 = arith.constant 0xFF800000 : f32
        %broadcast_in_dim3A_633 = vector.broadcast %broadcast_in_dim3A_632 : f32 to vector<16xf32>
        %select_n3A_634 = arith.select %ne3A_584, %broadcast_in_dim3A_633, %max3A_565 : vector<16xf32>
        %get3A_635 = arith.index_cast %add3A_591 : i32 to index
        %get3A_636 = arith.constant 80 : index
        %get3A_637 = tpu.vector_load %arg5[%get3A_635, %get3A_636] {strides = array<i32>} : memref<640x128xf32, #tpu.memory_space<vmem>>, vector<1x16xf32>,
        %get3A_638 = vector.shape_cast %get3A_637 : vector<1x16xf32> to vector<16xf32>
        %max3A_639 = arith.maximumf %select_n3A_634, %get3A_638 : vector<16xf32>
        %broadcast_in_dim3A_640 = arith.constant 0xFF800000 : f32
        %broadcast_in_dim3A_641 = vector.broadcast %broadcast_in_dim3A_640 : f32 to vector<16xf32>
        %select_n3A_642 = arith.select %ne3A_584, %broadcast_in_dim3A_641, %max3A_573 : vector<16xf32>
        %get3A_643 = arith.index_cast %add3A_591 : i32 to index
        %get3A_644 = arith.constant 96 : index
        %get3A_645 = tpu.vector_load %arg5[%get3A_643, %get3A_644] {strides = array<i32>} : memref<640x128xf32, #tpu.memory_space<vmem>>, vector<1x16xf32>,
        %get3A_646 = vector.shape_cast %get3A_645 : vector<1x16xf32> to vector<16xf32>
        %max3A_647 = arith.maximumf %select_n3A_642, %get3A_646 : vector<16xf32>
        %broadcast_in_dim3A_648 = arith.constant 0xFF800000 : f32
        %broadcast_in_dim3A_649 = vector.broadcast %broadcast_in_dim3A_648 : f32 to vector<16xf32>
        %select_n3A_650 = arith.select %ne3A_584, %broadcast_in_dim3A_649, %max3A_581 : vector<16xf32>
        %get3A_651 = arith.index_cast %add3A_591 : i32 to index
        %get3A_652 = arith.constant 112 : index
        %get3A_653 = tpu.vector_load %arg5[%get3A_651, %get3A_652] {strides = array<i32>} : memref<640x128xf32, #tpu.memory_space<vmem>>, vector<1x16xf32>,
        %get3A_654 = vector.shape_cast %get3A_653 : vector<1x16xf32> to vector<16xf32>
        %max3A_655 = arith.maximumf %select_n3A_650, %get3A_654 : vector<16xf32>
        %slice3A_656 = vector.extract_strided_slice %get3A_143 {offsets = [7], sizes = [1], strides = [1]} : vector<16xi32> to vector<1xi32>
        %squeeze3A_657 = vector.extract %slice3A_656[0] : i32 from vector<1xi32>
        %ne3A_658 = arith.cmpi ne, %squeeze3A_657, %squeeze3A_583 : i32
        %convert_element_type3A_659 = arith.extui %ne3A_658 : i1 to i32
        %cond3A_660 = arith.constant 0 : i32
        %cond3A_661 = arith.cmpi ne, %convert_element_type3A_659, %cond3A_660 : i32
        scf.if %cond3A_661 {
          %max3A_1322 = arith.constant 0 : i32
          %max3A_1323 = arith.maxsi %squeeze3A_583, %max3A_1322 : i32
          %get3A_1324 = arith.index_cast %max3A_1323 : i32 to index
          %get3A_1325 = arith.constant 0 : index
          %get3A_1326 = tpu.vector_load %arg7[%get3A_1324, %get3A_1325] {strides = array<i32>} : memref<64x128xf32, #tpu.memory_space<vmem>>, vector<1x16xf32>,
          %get3A_1327 = vector.shape_cast %get3A_1326 : vector<1x16xf32> to vector<16xf32>
          %max3A_1328 = arith.maximumf %get3A_1327, %max3A_599 : vector<16xf32>
          %swap3A_1329 = arith.index_cast %max3A_1323 : i32 to index
          %swap3A_1330 = arith.constant 0 : index
          %swap3A_1331 = tpu.vector_load %arg7[%swap3A_1329, %swap3A_1330] {strides = array<i32>} : memref<64x128xf32, #tpu.memory_space<vmem>>, vector<1x16xf32>,
          %swap3A_1332 = vector.shape_cast %swap3A_1331 : vector<1x16xf32> to vector<16xf32>
          %swap3A_1333 = vector.shape_cast %max3A_1328 : vector<16xf32> to vector<1x16xf32>
          tpu.vector_store %arg7[%swap3A_1329, %swap3A_1330], %swap3A_1333 {strides = array<i32>} : memref<64x128xf32, #tpu.memory_space<vmem>>, vector<1x16xf32>,
          %get3A_1334 = arith.index_cast %max3A_1323 : i32 to index
          %get3A_1335 = arith.constant 16 : index
          %get3A_1336 = tpu.vector_load %arg7[%get3A_1334, %get3A_1335] {strides = array<i32>} : memref<64x128xf32, #tpu.memory_space<vmem>>, vector<1x16xf32>,
          %get3A_1337 = vector.shape_cast %get3A_1336 : vector<1x16xf32> to vector<16xf32>
          %max3A_1338 = arith.maximumf %get3A_1337, %max3A_607 : vector<16xf32>
          %swap3A_1339 = arith.index_cast %max3A_1323 : i32 to index
          %swap3A_1340 = arith.constant 16 : index
          %swap3A_1341 = tpu.vector_load %arg7[%swap3A_1339, %swap3A_1340] {strides = array<i32>} : memref<64x128xf32, #tpu.memory_space<vmem>>, vector<1x16xf32>,
          %swap3A_1342 = vector.shape_cast %swap3A_1341 : vector<1x16xf32> to vector<16xf32>
          %swap3A_1343 = vector.shape_cast %max3A_1338 : vector<16xf32> to vector<1x16xf32>
          tpu.vector_store %arg7[%swap3A_1339, %swap3A_1340], %swap3A_1343 {strides = array<i32>} : memref<64x128xf32, #tpu.memory_space<vmem>>, vector<1x16xf32>,
          %get3A_1344 = arith.index_cast %max3A_1323 : i32 to index
          %get3A_1345 = arith.constant 32 : index
          %get3A_1346 = tpu.vector_load %arg7[%get3A_1344, %get3A_1345] {strides = array<i32>} : memref<64x128xf32, #tpu.memory_space<vmem>>, vector<1x16xf32>,
          %get3A_1347 = vector.shape_cast %get3A_1346 : vector<1x16xf32> to vector<16xf32>
          %max3A_1348 = arith.maximumf %get3A_1347, %max3A_615 : vector<16xf32>
          %swap3A_1349 = arith.index_cast %max3A_1323 : i32 to index
          %swap3A_1350 = arith.constant 32 : index
          %swap3A_1351 = tpu.vector_load %arg7[%swap3A_1349, %swap3A_1350] {strides = array<i32>} : memref<64x128xf32, #tpu.memory_space<vmem>>, vector<1x16xf32>,
          %swap3A_1352 = vector.shape_cast %swap3A_1351 : vector<1x16xf32> to vector<16xf32>
          %swap3A_1353 = vector.shape_cast %max3A_1348 : vector<16xf32> to vector<1x16xf32>
          tpu.vector_store %arg7[%swap3A_1349, %swap3A_1350], %swap3A_1353 {strides = array<i32>} : memref<64x128xf32, #tpu.memory_space<vmem>>, vector<1x16xf32>,
          %get3A_1354 = arith.index_cast %max3A_1323 : i32 to index
          %get3A_1355 = arith.constant 48 : index
          %get3A_1356 = tpu.vector_load %arg7[%get3A_1354, %get3A_1355] {strides = array<i32>} : memref<64x128xf32, #tpu.memory_space<vmem>>, vector<1x16xf32>,
          %get3A_1357 = vector.shape_cast %get3A_1356 : vector<1x16xf32> to vector<16xf32>
          %max3A_1358 = arith.maximumf %get3A_1357, %max3A_623 : vector<16xf32>
          %swap3A_1359 = arith.index_cast %max3A_1323 : i32 to index
          %swap3A_1360 = arith.constant 48 : index
          %swap3A_1361 = tpu.vector_load %arg7[%swap3A_1359, %swap3A_1360] {strides = array<i32>} : memref<64x128xf32, #tpu.memory_space<vmem>>, vector<1x16xf32>,
          %swap3A_1362 = vector.shape_cast %swap3A_1361 : vector<1x16xf32> to vector<16xf32>
          %swap3A_1363 = vector.shape_cast %max3A_1358 : vector<16xf32> to vector<1x16xf32>
          tpu.vector_store %arg7[%swap3A_1359, %swap3A_1360], %swap3A_1363 {strides = array<i32>} : memref<64x128xf32, #tpu.memory_space<vmem>>, vector<1x16xf32>,
          %get3A_1364 = arith.index_cast %max3A_1323 : i32 to index
          %get3A_1365 = arith.constant 64 : index
          %get3A_1366 = tpu.vector_load %arg7[%get3A_1364, %get3A_1365] {strides = array<i32>} : memref<64x128xf32, #tpu.memory_space<vmem>>, vector<1x16xf32>,
          %get3A_1367 = vector.shape_cast %get3A_1366 : vector<1x16xf32> to vector<16xf32>
          %max3A_1368 = arith.maximumf %get3A_1367, %max3A_631 : vector<16xf32>
          %swap3A_1369 = arith.index_cast %max3A_1323 : i32 to index
          %swap3A_1370 = arith.constant 64 : index
          %swap3A_1371 = tpu.vector_load %arg7[%swap3A_1369, %swap3A_1370] {strides = array<i32>} : memref<64x128xf32, #tpu.memory_space<vmem>>, vector<1x16xf32>,
          %swap3A_1372 = vector.shape_cast %swap3A_1371 : vector<1x16xf32> to vector<16xf32>
          %swap3A_1373 = vector.shape_cast %max3A_1368 : vector<16xf32> to vector<1x16xf32>
          tpu.vector_store %arg7[%swap3A_1369, %swap3A_1370], %swap3A_1373 {strides = array<i32>} : memref<64x128xf32, #tpu.memory_space<vmem>>, vector<1x16xf32>,
          %get3A_1374 = arith.index_cast %max3A_1323 : i32 to index
          %get3A_1375 = arith.constant 80 : index
          %get3A_1376 = tpu.vector_load %arg7[%get3A_1374, %get3A_1375] {strides = array<i32>} : memref<64x128xf32, #tpu.memory_space<vmem>>, vector<1x16xf32>,
          %get3A_1377 = vector.shape_cast %get3A_1376 : vector<1x16xf32> to vector<16xf32>
          %max3A_1378 = arith.maximumf %get3A_1377, %max3A_639 : vector<16xf32>
          %swap3A_1379 = arith.index_cast %max3A_1323 : i32 to index
          %swap3A_1380 = arith.constant 80 : index
          %swap3A_1381 = tpu.vector_load %arg7[%swap3A_1379, %swap3A_1380] {strides = array<i32>} : memref<64x128xf32, #tpu.memory_space<vmem>>, vector<1x16xf32>,
          %swap3A_1382 = vector.shape_cast %swap3A_1381 : vector<1x16xf32> to vector<16xf32>
          %swap3A_1383 = vector.shape_cast %max3A_1378 : vector<16xf32> to vector<1x16xf32>
          tpu.vector_store %arg7[%swap3A_1379, %swap3A_1380], %swap3A_1383 {strides = array<i32>} : memref<64x128xf32, #tpu.memory_space<vmem>>, vector<1x16xf32>,
          %get3A_1384 = arith.index_cast %max3A_1323 : i32 to index
          %get3A_1385 = arith.constant 96 : index
          %get3A_1386 = tpu.vector_load %arg7[%get3A_1384, %get3A_1385] {strides = array<i32>} : memref<64x128xf32, #tpu.memory_space<vmem>>, vector<1x16xf32>,
          %get3A_1387 = vector.shape_cast %get3A_1386 : vector<1x16xf32> to vector<16xf32>
          %max3A_1388 = arith.maximumf %get3A_1387, %max3A_647 : vector<16xf32>
          %swap3A_1389 = arith.index_cast %max3A_1323 : i32 to index
          %swap3A_1390 = arith.constant 96 : index
          %swap3A_1391 = tpu.vector_load %arg7[%swap3A_1389, %swap3A_1390] {strides = array<i32>} : memref<64x128xf32, #tpu.memory_space<vmem>>, vector<1x16xf32>,
          %swap3A_1392 = vector.shape_cast %swap3A_1391 : vector<1x16xf32> to vector<16xf32>
          %swap3A_1393 = vector.shape_cast %max3A_1388 : vector<16xf32> to vector<1x16xf32>
          tpu.vector_store %arg7[%swap3A_1389, %swap3A_1390], %swap3A_1393 {strides = array<i32>} : memref<64x128xf32, #tpu.memory_space<vmem>>, vector<1x16xf32>,
          %get3A_1394 = arith.index_cast %max3A_1323 : i32 to index
          %get3A_1395 = arith.constant 112 : index
          %get3A_1396 = tpu.vector_load %arg7[%get3A_1394, %get3A_1395] {strides = array<i32>} : memref<64x128xf32, #tpu.memory_space<vmem>>, vector<1x16xf32>,
          %get3A_1397 = vector.shape_cast %get3A_1396 : vector<1x16xf32> to vector<16xf32>
          %max3A_1398 = arith.maximumf %get3A_1397, %max3A_655 : vector<16xf32>
          %swap3A_1399 = arith.index_cast %max3A_1323 : i32 to index
          %swap3A_1400 = arith.constant 112 : index
          %swap3A_1401 = tpu.vector_load %arg7[%swap3A_1399, %swap3A_1400] {strides = array<i32>} : memref<64x128xf32, #tpu.memory_space<vmem>>, vector<1x16xf32>,
          %swap3A_1402 = vector.shape_cast %swap3A_1401 : vector<1x16xf32> to vector<16xf32>
          %swap3A_1403 = vector.shape_cast %max3A_1398 : vector<16xf32> to vector<1x16xf32>
          tpu.vector_store %arg7[%swap3A_1399, %swap3A_1400], %swap3A_1403 {strides = array<i32>} : memref<64x128xf32, #tpu.memory_space<vmem>>, vector<1x16xf32>,
        } else {
        }
        %mul3A_662 = arith.constant 16 : i32
        %mul3A_663 = arith.muli %scan3A_129, %mul3A_662 : i32
        %add3A_664 = arith.constant 7 : i32
        %add3A_665 = arith.addi %mul3A_663, %add3A_664 : i32
        %broadcast_in_dim3A_666 = arith.constant 0xFF800000 : f32
        %broadcast_in_dim3A_667 = vector.broadcast %broadcast_in_dim3A_666 : f32 to vector<16xf32>
        %select_n3A_668 = arith.select %ne3A_658, %broadcast_in_dim3A_667, %max3A_599 : vector<16xf32>
        %get3A_669 = arith.index_cast %add3A_665 : i32 to index
        %get3A_670 = arith.constant 0 : index
        %get3A_671 = tpu.vector_load %arg5[%get3A_669, %get3A_670] {strides = array<i32>} : memref<640x128xf32, #tpu.memory_space<vmem>>, vector<1x16xf32>,
        %get3A_672 = vector.shape_cast %get3A_671 : vector<1x16xf32> to vector<16xf32>
        %max3A_673 = arith.maximumf %select_n3A_668, %get3A_672 : vector<16xf32>
        %broadcast_in_dim3A_674 = arith.constant 0xFF800000 : f32
        %broadcast_in_dim3A_675 = vector.broadcast %broadcast_in_dim3A_674 : f32 to vector<16xf32>
        %select_n3A_676 = arith.select %ne3A_658, %broadcast_in_dim3A_675, %max3A_607 : vector<16xf32>
        %get3A_677 = arith.index_cast %add3A_665 : i32 to index
        %get3A_678 = arith.constant 16 : index
        %get3A_679 = tpu.vector_load %arg5[%get3A_677, %get3A_678] {strides = array<i32>} : memref<640x128xf32, #tpu.memory_space<vmem>>, vector<1x16xf32>,
        %get3A_680 = vector.shape_cast %get3A_679 : vector<1x16xf32> to vector<16xf32>
        %max3A_681 = arith.maximumf %select_n3A_676, %get3A_680 : vector<16xf32>
        %broadcast_in_dim3A_682 = arith.constant 0xFF800000 : f32
        %broadcast_in_dim3A_683 = vector.broadcast %broadcast_in_dim3A_682 : f32 to vector<16xf32>
        %select_n3A_684 = arith.select %ne3A_658, %broadcast_in_dim3A_683, %max3A_615 : vector<16xf32>
        %get3A_685 = arith.index_cast %add3A_665 : i32 to index
        %get3A_686 = arith.constant 32 : index
        %get3A_687 = tpu.vector_load %arg5[%get3A_685, %get3A_686] {strides = array<i32>} : memref<640x128xf32, #tpu.memory_space<vmem>>, vector<1x16xf32>,
        %get3A_688 = vector.shape_cast %get3A_687 : vector<1x16xf32> to vector<16xf32>
        %max3A_689 = arith.maximumf %select_n3A_684, %get3A_688 : vector<16xf32>
        %broadcast_in_dim3A_690 = arith.constant 0xFF800000 : f32
        %broadcast_in_dim3A_691 = vector.broadcast %broadcast_in_dim3A_690 : f32 to vector<16xf32>
        %select_n3A_692 = arith.select %ne3A_658, %broadcast_in_dim3A_691, %max3A_623 : vector<16xf32>
        %get3A_693 = arith.index_cast %add3A_665 : i32 to index
        %get3A_694 = arith.constant 48 : index
        %get3A_695 = tpu.vector_load %arg5[%get3A_693, %get3A_694] {strides = array<i32>} : memref<640x128xf32, #tpu.memory_space<vmem>>, vector<1x16xf32>,
        %get3A_696 = vector.shape_cast %get3A_695 : vector<1x16xf32> to vector<16xf32>
        %max3A_697 = arith.maximumf %select_n3A_692, %get3A_696 : vector<16xf32>
        %broadcast_in_dim3A_698 = arith.constant 0xFF800000 : f32
        %broadcast_in_dim3A_699 = vector.broadcast %broadcast_in_dim3A_698 : f32 to vector<16xf32>
        %select_n3A_700 = arith.select %ne3A_658, %broadcast_in_dim3A_699, %max3A_631 : vector<16xf32>
        %get3A_701 = arith.index_cast %add3A_665 : i32 to index
        %get3A_702 = arith.constant 64 : index
        %get3A_703 = tpu.vector_load %arg5[%get3A_701, %get3A_702] {strides = array<i32>} : memref<640x128xf32, #tpu.memory_space<vmem>>, vector<1x16xf32>,
        %get3A_704 = vector.shape_cast %get3A_703 : vector<1x16xf32> to vector<16xf32>
        %max3A_705 = arith.maximumf %select_n3A_700, %get3A_704 : vector<16xf32>
        %broadcast_in_dim3A_706 = arith.constant 0xFF800000 : f32
        %broadcast_in_dim3A_707 = vector.broadcast %broadcast_in_dim3A_706 : f32 to vector<16xf32>
        %select_n3A_708 = arith.select %ne3A_658, %broadcast_in_dim3A_707, %max3A_639 : vector<16xf32>
        %get3A_709 = arith.index_cast %add3A_665 : i32 to index
        %get3A_710 = arith.constant 80 : index
        %get3A_711 = tpu.vector_load %arg5[%get3A_709, %get3A_710] {strides = array<i32>} : memref<640x128xf32, #tpu.memory_space<vmem>>, vector<1x16xf32>,
        %get3A_712 = vector.shape_cast %get3A_711 : vector<1x16xf32> to vector<16xf32>
        %max3A_713 = arith.maximumf %select_n3A_708, %get3A_712 : vector<16xf32>
        %broadcast_in_dim3A_714 = arith.constant 0xFF800000 : f32
        %broadcast_in_dim3A_715 = vector.broadcast %broadcast_in_dim3A_714 : f32 to vector<16xf32>
        %select_n3A_716 = arith.select %ne3A_658, %broadcast_in_dim3A_715, %max3A_647 : vector<16xf32>
        %get3A_717 = arith.index_cast %add3A_665 : i32 to index
        %get3A_718 = arith.constant 96 : index
        %get3A_719 = tpu.vector_load %arg5[%get3A_717, %get3A_718] {strides = array<i32>} : memref<640x128xf32, #tpu.memory_space<vmem>>, vector<1x16xf32>,
        %get3A_720 = vector.shape_cast %get3A_719 : vector<1x16xf32> to vector<16xf32>
        %max3A_721 = arith.maximumf %select_n3A_716, %get3A_720 : vector<16xf32>
        %broadcast_in_dim3A_722 = arith.constant 0xFF800000 : f32
        %broadcast_in_dim3A_723 = vector.broadcast %broadcast_in_dim3A_722 : f32 to vector<16xf32>
        %select_n3A_724 = arith.select %ne3A_658, %broadcast_in_dim3A_723, %max3A_655 : vector<16xf32>
        %get3A_725 = arith.index_cast %add3A_665 : i32 to index
        %get3A_726 = arith.constant 112 : index
        %get3A_727 = tpu.vector_load %arg5[%get3A_725, %get3A_726] {strides = array<i32>} : memref<640x128xf32, #tpu.memory_space<vmem>>, vector<1x16xf32>,
        %get3A_728 = vector.shape_cast %get3A_727 : vector<1x16xf32> to vector<16xf32>
        %max3A_729 = arith.maximumf %select_n3A_724, %get3A_728 : vector<16xf32>
        %slice3A_730 = vector.extract_strided_slice %get3A_143 {offsets = [8], sizes = [1], strides = [1]} : vector<16xi32> to vector<1xi32>
        %squeeze3A_731 = vector.extract %slice3A_730[0] : i32 from vector<1xi32>
        %ne3A_732 = arith.cmpi ne, %squeeze3A_731, %squeeze3A_657 : i32
        %convert_element_type3A_733 = arith.extui %ne3A_732 : i1 to i32
        %cond3A_734 = arith.constant 0 : i32
        %cond3A_735 = arith.cmpi ne, %convert_element_type3A_733, %cond3A_734 : i32
        scf.if %cond3A_735 {
          %max3A_1322 = arith.constant 0 : i32
          %max3A_1323 = arith.maxsi %squeeze3A_657, %max3A_1322 : i32
          %get3A_1324 = arith.index_cast %max3A_1323 : i32 to index
          %get3A_1325 = arith.constant 0 : index
          %get3A_1326 = tpu.vector_load %arg7[%get3A_1324, %get3A_1325] {strides = array<i32>} : memref<64x128xf32, #tpu.memory_space<vmem>>, vector<1x16xf32>,
          %get3A_1327 = vector.shape_cast %get3A_1326 : vector<1x16xf32> to vector<16xf32>
          %max3A_1328 = arith.maximumf %get3A_1327, %max3A_673 : vector<16xf32>
          %swap3A_1329 = arith.index_cast %max3A_1323 : i32 to index
          %swap3A_1330 = arith.constant 0 : index
          %swap3A_1331 = tpu.vector_load %arg7[%swap3A_1329, %swap3A_1330] {strides = array<i32>} : memref<64x128xf32, #tpu.memory_space<vmem>>, vector<1x16xf32>,
          %swap3A_1332 = vector.shape_cast %swap3A_1331 : vector<1x16xf32> to vector<16xf32>
          %swap3A_1333 = vector.shape_cast %max3A_1328 : vector<16xf32> to vector<1x16xf32>
          tpu.vector_store %arg7[%swap3A_1329, %swap3A_1330], %swap3A_1333 {strides = array<i32>} : memref<64x128xf32, #tpu.memory_space<vmem>>, vector<1x16xf32>,
          %get3A_1334 = arith.index_cast %max3A_1323 : i32 to index
          %get3A_1335 = arith.constant 16 : index
          %get3A_1336 = tpu.vector_load %arg7[%get3A_1334, %get3A_1335] {strides = array<i32>} : memref<64x128xf32, #tpu.memory_space<vmem>>, vector<1x16xf32>,
          %get3A_1337 = vector.shape_cast %get3A_1336 : vector<1x16xf32> to vector<16xf32>
          %max3A_1338 = arith.maximumf %get3A_1337, %max3A_681 : vector<16xf32>
          %swap3A_1339 = arith.index_cast %max3A_1323 : i32 to index
          %swap3A_1340 = arith.constant 16 : index
          %swap3A_1341 = tpu.vector_load %arg7[%swap3A_1339, %swap3A_1340] {strides = array<i32>} : memref<64x128xf32, #tpu.memory_space<vmem>>, vector<1x16xf32>,
          %swap3A_1342 = vector.shape_cast %swap3A_1341 : vector<1x16xf32> to vector<16xf32>
          %swap3A_1343 = vector.shape_cast %max3A_1338 : vector<16xf32> to vector<1x16xf32>
          tpu.vector_store %arg7[%swap3A_1339, %swap3A_1340], %swap3A_1343 {strides = array<i32>} : memref<64x128xf32, #tpu.memory_space<vmem>>, vector<1x16xf32>,
          %get3A_1344 = arith.index_cast %max3A_1323 : i32 to index
          %get3A_1345 = arith.constant 32 : index
          %get3A_1346 = tpu.vector_load %arg7[%get3A_1344, %get3A_1345] {strides = array<i32>} : memref<64x128xf32, #tpu.memory_space<vmem>>, vector<1x16xf32>,
          %get3A_1347 = vector.shape_cast %get3A_1346 : vector<1x16xf32> to vector<16xf32>
          %max3A_1348 = arith.maximumf %get3A_1347, %max3A_689 : vector<16xf32>
          %swap3A_1349 = arith.index_cast %max3A_1323 : i32 to index
          %swap3A_1350 = arith.constant 32 : index
          %swap3A_1351 = tpu.vector_load %arg7[%swap3A_1349, %swap3A_1350] {strides = array<i32>} : memref<64x128xf32, #tpu.memory_space<vmem>>, vector<1x16xf32>,
          %swap3A_1352 = vector.shape_cast %swap3A_1351 : vector<1x16xf32> to vector<16xf32>
          %swap3A_1353 = vector.shape_cast %max3A_1348 : vector<16xf32> to vector<1x16xf32>
          tpu.vector_store %arg7[%swap3A_1349, %swap3A_1350], %swap3A_1353 {strides = array<i32>} : memref<64x128xf32, #tpu.memory_space<vmem>>, vector<1x16xf32>,
          %get3A_1354 = arith.index_cast %max3A_1323 : i32 to index
          %get3A_1355 = arith.constant 48 : index
          %get3A_1356 = tpu.vector_load %arg7[%get3A_1354, %get3A_1355] {strides = array<i32>} : memref<64x128xf32, #tpu.memory_space<vmem>>, vector<1x16xf32>,
          %get3A_1357 = vector.shape_cast %get3A_1356 : vector<1x16xf32> to vector<16xf32>
          %max3A_1358 = arith.maximumf %get3A_1357, %max3A_697 : vector<16xf32>
          %swap3A_1359 = arith.index_cast %max3A_1323 : i32 to index
          %swap3A_1360 = arith.constant 48 : index
          %swap3A_1361 = tpu.vector_load %arg7[%swap3A_1359, %swap3A_1360] {strides = array<i32>} : memref<64x128xf32, #tpu.memory_space<vmem>>, vector<1x16xf32>,
          %swap3A_1362 = vector.shape_cast %swap3A_1361 : vector<1x16xf32> to vector<16xf32>
          %swap3A_1363 = vector.shape_cast %max3A_1358 : vector<16xf32> to vector<1x16xf32>
          tpu.vector_store %arg7[%swap3A_1359, %swap3A_1360], %swap3A_1363 {strides = array<i32>} : memref<64x128xf32, #tpu.memory_space<vmem>>, vector<1x16xf32>,
          %get3A_1364 = arith.index_cast %max3A_1323 : i32 to index
          %get3A_1365 = arith.constant 64 : index
          %get3A_1366 = tpu.vector_load %arg7[%get3A_1364, %get3A_1365] {strides = array<i32>} : memref<64x128xf32, #tpu.memory_space<vmem>>, vector<1x16xf32>,
          %get3A_1367 = vector.shape_cast %get3A_1366 : vector<1x16xf32> to vector<16xf32>
          %max3A_1368 = arith.maximumf %get3A_1367, %max3A_705 : vector<16xf32>
          %swap3A_1369 = arith.index_cast %max3A_1323 : i32 to index
          %swap3A_1370 = arith.constant 64 : index
          %swap3A_1371 = tpu.vector_load %arg7[%swap3A_1369, %swap3A_1370] {strides = array<i32>} : memref<64x128xf32, #tpu.memory_space<vmem>>, vector<1x16xf32>,
          %swap3A_1372 = vector.shape_cast %swap3A_1371 : vector<1x16xf32> to vector<16xf32>
          %swap3A_1373 = vector.shape_cast %max3A_1368 : vector<16xf32> to vector<1x16xf32>
          tpu.vector_store %arg7[%swap3A_1369, %swap3A_1370], %swap3A_1373 {strides = array<i32>} : memref<64x128xf32, #tpu.memory_space<vmem>>, vector<1x16xf32>,
          %get3A_1374 = arith.index_cast %max3A_1323 : i32 to index
          %get3A_1375 = arith.constant 80 : index
          %get3A_1376 = tpu.vector_load %arg7[%get3A_1374, %get3A_1375] {strides = array<i32>} : memref<64x128xf32, #tpu.memory_space<vmem>>, vector<1x16xf32>,
          %get3A_1377 = vector.shape_cast %get3A_1376 : vector<1x16xf32> to vector<16xf32>
          %max3A_1378 = arith.maximumf %get3A_1377, %max3A_713 : vector<16xf32>
          %swap3A_1379 = arith.index_cast %max3A_1323 : i32 to index
          %swap3A_1380 = arith.constant 80 : index
          %swap3A_1381 = tpu.vector_load %arg7[%swap3A_1379, %swap3A_1380] {strides = array<i32>} : memref<64x128xf32, #tpu.memory_space<vmem>>, vector<1x16xf32>,
          %swap3A_1382 = vector.shape_cast %swap3A_1381 : vector<1x16xf32> to vector<16xf32>
          %swap3A_1383 = vector.shape_cast %max3A_1378 : vector<16xf32> to vector<1x16xf32>
          tpu.vector_store %arg7[%swap3A_1379, %swap3A_1380], %swap3A_1383 {strides = array<i32>} : memref<64x128xf32, #tpu.memory_space<vmem>>, vector<1x16xf32>,
          %get3A_1384 = arith.index_cast %max3A_1323 : i32 to index
          %get3A_1385 = arith.constant 96 : index
          %get3A_1386 = tpu.vector_load %arg7[%get3A_1384, %get3A_1385] {strides = array<i32>} : memref<64x128xf32, #tpu.memory_space<vmem>>, vector<1x16xf32>,
          %get3A_1387 = vector.shape_cast %get3A_1386 : vector<1x16xf32> to vector<16xf32>
          %max3A_1388 = arith.maximumf %get3A_1387, %max3A_721 : vector<16xf32>
          %swap3A_1389 = arith.index_cast %max3A_1323 : i32 to index
          %swap3A_1390 = arith.constant 96 : index
          %swap3A_1391 = tpu.vector_load %arg7[%swap3A_1389, %swap3A_1390] {strides = array<i32>} : memref<64x128xf32, #tpu.memory_space<vmem>>, vector<1x16xf32>,
          %swap3A_1392 = vector.shape_cast %swap3A_1391 : vector<1x16xf32> to vector<16xf32>
          %swap3A_1393 = vector.shape_cast %max3A_1388 : vector<16xf32> to vector<1x16xf32>
          tpu.vector_store %arg7[%swap3A_1389, %swap3A_1390], %swap3A_1393 {strides = array<i32>} : memref<64x128xf32, #tpu.memory_space<vmem>>, vector<1x16xf32>,
          %get3A_1394 = arith.index_cast %max3A_1323 : i32 to index
          %get3A_1395 = arith.constant 112 : index
          %get3A_1396 = tpu.vector_load %arg7[%get3A_1394, %get3A_1395] {strides = array<i32>} : memref<64x128xf32, #tpu.memory_space<vmem>>, vector<1x16xf32>,
          %get3A_1397 = vector.shape_cast %get3A_1396 : vector<1x16xf32> to vector<16xf32>
          %max3A_1398 = arith.maximumf %get3A_1397, %max3A_729 : vector<16xf32>
          %swap3A_1399 = arith.index_cast %max3A_1323 : i32 to index
          %swap3A_1400 = arith.constant 112 : index
          %swap3A_1401 = tpu.vector_load %arg7[%swap3A_1399, %swap3A_1400] {strides = array<i32>} : memref<64x128xf32, #tpu.memory_space<vmem>>, vector<1x16xf32>,
          %swap3A_1402 = vector.shape_cast %swap3A_1401 : vector<1x16xf32> to vector<16xf32>
          %swap3A_1403 = vector.shape_cast %max3A_1398 : vector<16xf32> to vector<1x16xf32>
          tpu.vector_store %arg7[%swap3A_1399, %swap3A_1400], %swap3A_1403 {strides = array<i32>} : memref<64x128xf32, #tpu.memory_space<vmem>>, vector<1x16xf32>,
        } else {
        }
        %mul3A_736 = arith.constant 16 : i32
        %mul3A_737 = arith.muli %scan3A_129, %mul3A_736 : i32
        %add3A_738 = arith.constant 8 : i32
        %add3A_739 = arith.addi %mul3A_737, %add3A_738 : i32
        %broadcast_in_dim3A_740 = arith.constant 0xFF800000 : f32
        %broadcast_in_dim3A_741 = vector.broadcast %broadcast_in_dim3A_740 : f32 to vector<16xf32>
        %select_n3A_742 = arith.select %ne3A_732, %broadcast_in_dim3A_741, %max3A_673 : vector<16xf32>
        %get3A_743 = arith.index_cast %add3A_739 : i32 to index
        %get3A_744 = arith.constant 0 : index
        %get3A_745 = tpu.vector_load %arg5[%get3A_743, %get3A_744] {strides = array<i32>} : memref<640x128xf32, #tpu.memory_space<vmem>>, vector<1x16xf32>,
        %get3A_746 = vector.shape_cast %get3A_745 : vector<1x16xf32> to vector<16xf32>
        %max3A_747 = arith.maximumf %select_n3A_742, %get3A_746 : vector<16xf32>
        %broadcast_in_dim3A_748 = arith.constant 0xFF800000 : f32
        %broadcast_in_dim3A_749 = vector.broadcast %broadcast_in_dim3A_748 : f32 to vector<16xf32>
        %select_n3A_750 = arith.select %ne3A_732, %broadcast_in_dim3A_749, %max3A_681 : vector<16xf32>
        %get3A_751 = arith.index_cast %add3A_739 : i32 to index
        %get3A_752 = arith.constant 16 : index
        %get3A_753 = tpu.vector_load %arg5[%get3A_751, %get3A_752] {strides = array<i32>} : memref<640x128xf32, #tpu.memory_space<vmem>>, vector<1x16xf32>,
        %get3A_754 = vector.shape_cast %get3A_753 : vector<1x16xf32> to vector<16xf32>
        %max3A_755 = arith.maximumf %select_n3A_750, %get3A_754 : vector<16xf32>
        %broadcast_in_dim3A_756 = arith.constant 0xFF800000 : f32
        %broadcast_in_dim3A_757 = vector.broadcast %broadcast_in_dim3A_756 : f32 to vector<16xf32>
        %select_n3A_758 = arith.select %ne3A_732, %broadcast_in_dim3A_757, %max3A_689 : vector<16xf32>
        %get3A_759 = arith.index_cast %add3A_739 : i32 to index
        %get3A_760 = arith.constant 32 : index
        %get3A_761 = tpu.vector_load %arg5[%get3A_759, %get3A_760] {strides = array<i32>} : memref<640x128xf32, #tpu.memory_space<vmem>>, vector<1x16xf32>,
        %get3A_762 = vector.shape_cast %get3A_761 : vector<1x16xf32> to vector<16xf32>
        %max3A_763 = arith.maximumf %select_n3A_758, %get3A_762 : vector<16xf32>
        %broadcast_in_dim3A_764 = arith.constant 0xFF800000 : f32
        %broadcast_in_dim3A_765 = vector.broadcast %broadcast_in_dim3A_764 : f32 to vector<16xf32>
        %select_n3A_766 = arith.select %ne3A_732, %broadcast_in_dim3A_765, %max3A_697 : vector<16xf32>
        %get3A_767 = arith.index_cast %add3A_739 : i32 to index
        %get3A_768 = arith.constant 48 : index
        %get3A_769 = tpu.vector_load %arg5[%get3A_767, %get3A_768] {strides = array<i32>} : memref<640x128xf32, #tpu.memory_space<vmem>>, vector<1x16xf32>,
        %get3A_770 = vector.shape_cast %get3A_769 : vector<1x16xf32> to vector<16xf32>
        %max3A_771 = arith.maximumf %select_n3A_766, %get3A_770 : vector<16xf32>
        %broadcast_in_dim3A_772 = arith.constant 0xFF800000 : f32
        %broadcast_in_dim3A_773 = vector.broadcast %broadcast_in_dim3A_772 : f32 to vector<16xf32>
        %select_n3A_774 = arith.select %ne3A_732, %broadcast_in_dim3A_773, %max3A_705 : vector<16xf32>
        %get3A_775 = arith.index_cast %add3A_739 : i32 to index
        %get3A_776 = arith.constant 64 : index
        %get3A_777 = tpu.vector_load %arg5[%get3A_775, %get3A_776] {strides = array<i32>} : memref<640x128xf32, #tpu.memory_space<vmem>>, vector<1x16xf32>,
        %get3A_778 = vector.shape_cast %get3A_777 : vector<1x16xf32> to vector<16xf32>
        %max3A_779 = arith.maximumf %select_n3A_774, %get3A_778 : vector<16xf32>
        %broadcast_in_dim3A_780 = arith.constant 0xFF800000 : f32
        %broadcast_in_dim3A_781 = vector.broadcast %broadcast_in_dim3A_780 : f32 to vector<16xf32>
        %select_n3A_782 = arith.select %ne3A_732, %broadcast_in_dim3A_781, %max3A_713 : vector<16xf32>
        %get3A_783 = arith.index_cast %add3A_739 : i32 to index
        %get3A_784 = arith.constant 80 : index
        %get3A_785 = tpu.vector_load %arg5[%get3A_783, %get3A_784] {strides = array<i32>} : memref<640x128xf32, #tpu.memory_space<vmem>>, vector<1x16xf32>,
        %get3A_786 = vector.shape_cast %get3A_785 : vector<1x16xf32> to vector<16xf32>
        %max3A_787 = arith.maximumf %select_n3A_782, %get3A_786 : vector<16xf32>
        %broadcast_in_dim3A_788 = arith.constant 0xFF800000 : f32
        %broadcast_in_dim3A_789 = vector.broadcast %broadcast_in_dim3A_788 : f32 to vector<16xf32>
        %select_n3A_790 = arith.select %ne3A_732, %broadcast_in_dim3A_789, %max3A_721 : vector<16xf32>
        %get3A_791 = arith.index_cast %add3A_739 : i32 to index
        %get3A_792 = arith.constant 96 : index
        %get3A_793 = tpu.vector_load %arg5[%get3A_791, %get3A_792] {strides = array<i32>} : memref<640x128xf32, #tpu.memory_space<vmem>>, vector<1x16xf32>,
        %get3A_794 = vector.shape_cast %get3A_793 : vector<1x16xf32> to vector<16xf32>
        %max3A_795 = arith.maximumf %select_n3A_790, %get3A_794 : vector<16xf32>
        %broadcast_in_dim3A_796 = arith.constant 0xFF800000 : f32
        %broadcast_in_dim3A_797 = vector.broadcast %broadcast_in_dim3A_796 : f32 to vector<16xf32>
        %select_n3A_798 = arith.select %ne3A_732, %broadcast_in_dim3A_797, %max3A_729 : vector<16xf32>
        %get3A_799 = arith.index_cast %add3A_739 : i32 to index
        %get3A_800 = arith.constant 112 : index
        %get3A_801 = tpu.vector_load %arg5[%get3A_799, %get3A_800] {strides = array<i32>} : memref<640x128xf32, #tpu.memory_space<vmem>>, vector<1x16xf32>,
        %get3A_802 = vector.shape_cast %get3A_801 : vector<1x16xf32> to vector<16xf32>
        %max3A_803 = arith.maximumf %select_n3A_798, %get3A_802 : vector<16xf32>
        %slice3A_804 = vector.extract_strided_slice %get3A_143 {offsets = [9], sizes = [1], strides = [1]} : vector<16xi32> to vector<1xi32>
        %squeeze3A_805 = vector.extract %slice3A_804[0] : i32 from vector<1xi32>
        %ne3A_806 = arith.cmpi ne, %squeeze3A_805, %squeeze3A_731 : i32
        %convert_element_type3A_807 = arith.extui %ne3A_806 : i1 to i32
        %cond3A_808 = arith.constant 0 : i32
        %cond3A_809 = arith.cmpi ne, %convert_element_type3A_807, %cond3A_808 : i32
        scf.if %cond3A_809 {
          %max3A_1322 = arith.constant 0 : i32
          %max3A_1323 = arith.maxsi %squeeze3A_731, %max3A_1322 : i32
          %get3A_1324 = arith.index_cast %max3A_1323 : i32 to index
          %get3A_1325 = arith.constant 0 : index
          %get3A_1326 = tpu.vector_load %arg7[%get3A_1324, %get3A_1325] {strides = array<i32>} : memref<64x128xf32, #tpu.memory_space<vmem>>, vector<1x16xf32>,
          %get3A_1327 = vector.shape_cast %get3A_1326 : vector<1x16xf32> to vector<16xf32>
          %max3A_1328 = arith.maximumf %get3A_1327, %max3A_747 : vector<16xf32>
          %swap3A_1329 = arith.index_cast %max3A_1323 : i32 to index
          %swap3A_1330 = arith.constant 0 : index
          %swap3A_1331 = tpu.vector_load %arg7[%swap3A_1329, %swap3A_1330] {strides = array<i32>} : memref<64x128xf32, #tpu.memory_space<vmem>>, vector<1x16xf32>,
          %swap3A_1332 = vector.shape_cast %swap3A_1331 : vector<1x16xf32> to vector<16xf32>
          %swap3A_1333 = vector.shape_cast %max3A_1328 : vector<16xf32> to vector<1x16xf32>
          tpu.vector_store %arg7[%swap3A_1329, %swap3A_1330], %swap3A_1333 {strides = array<i32>} : memref<64x128xf32, #tpu.memory_space<vmem>>, vector<1x16xf32>,
          %get3A_1334 = arith.index_cast %max3A_1323 : i32 to index
          %get3A_1335 = arith.constant 16 : index
          %get3A_1336 = tpu.vector_load %arg7[%get3A_1334, %get3A_1335] {strides = array<i32>} : memref<64x128xf32, #tpu.memory_space<vmem>>, vector<1x16xf32>,
          %get3A_1337 = vector.shape_cast %get3A_1336 : vector<1x16xf32> to vector<16xf32>
          %max3A_1338 = arith.maximumf %get3A_1337, %max3A_755 : vector<16xf32>
          %swap3A_1339 = arith.index_cast %max3A_1323 : i32 to index
          %swap3A_1340 = arith.constant 16 : index
          %swap3A_1341 = tpu.vector_load %arg7[%swap3A_1339, %swap3A_1340] {strides = array<i32>} : memref<64x128xf32, #tpu.memory_space<vmem>>, vector<1x16xf32>,
          %swap3A_1342 = vector.shape_cast %swap3A_1341 : vector<1x16xf32> to vector<16xf32>
          %swap3A_1343 = vector.shape_cast %max3A_1338 : vector<16xf32> to vector<1x16xf32>
          tpu.vector_store %arg7[%swap3A_1339, %swap3A_1340], %swap3A_1343 {strides = array<i32>} : memref<64x128xf32, #tpu.memory_space<vmem>>, vector<1x16xf32>,
          %get3A_1344 = arith.index_cast %max3A_1323 : i32 to index
          %get3A_1345 = arith.constant 32 : index
          %get3A_1346 = tpu.vector_load %arg7[%get3A_1344, %get3A_1345] {strides = array<i32>} : memref<64x128xf32, #tpu.memory_space<vmem>>, vector<1x16xf32>,
          %get3A_1347 = vector.shape_cast %get3A_1346 : vector<1x16xf32> to vector<16xf32>
          %max3A_1348 = arith.maximumf %get3A_1347, %max3A_763 : vector<16xf32>
          %swap3A_1349 = arith.index_cast %max3A_1323 : i32 to index
          %swap3A_1350 = arith.constant 32 : index
          %swap3A_1351 = tpu.vector_load %arg7[%swap3A_1349, %swap3A_1350] {strides = array<i32>} : memref<64x128xf32, #tpu.memory_space<vmem>>, vector<1x16xf32>,
          %swap3A_1352 = vector.shape_cast %swap3A_1351 : vector<1x16xf32> to vector<16xf32>
          %swap3A_1353 = vector.shape_cast %max3A_1348 : vector<16xf32> to vector<1x16xf32>
          tpu.vector_store %arg7[%swap3A_1349, %swap3A_1350], %swap3A_1353 {strides = array<i32>} : memref<64x128xf32, #tpu.memory_space<vmem>>, vector<1x16xf32>,
          %get3A_1354 = arith.index_cast %max3A_1323 : i32 to index
          %get3A_1355 = arith.constant 48 : index
          %get3A_1356 = tpu.vector_load %arg7[%get3A_1354, %get3A_1355] {strides = array<i32>} : memref<64x128xf32, #tpu.memory_space<vmem>>, vector<1x16xf32>,
          %get3A_1357 = vector.shape_cast %get3A_1356 : vector<1x16xf32> to vector<16xf32>
          %max3A_1358 = arith.maximumf %get3A_1357, %max3A_771 : vector<16xf32>
          %swap3A_1359 = arith.index_cast %max3A_1323 : i32 to index
          %swap3A_1360 = arith.constant 48 : index
          %swap3A_1361 = tpu.vector_load %arg7[%swap3A_1359, %swap3A_1360] {strides = array<i32>} : memref<64x128xf32, #tpu.memory_space<vmem>>, vector<1x16xf32>,
          %swap3A_1362 = vector.shape_cast %swap3A_1361 : vector<1x16xf32> to vector<16xf32>
          %swap3A_1363 = vector.shape_cast %max3A_1358 : vector<16xf32> to vector<1x16xf32>
          tpu.vector_store %arg7[%swap3A_1359, %swap3A_1360], %swap3A_1363 {strides = array<i32>} : memref<64x128xf32, #tpu.memory_space<vmem>>, vector<1x16xf32>,
          %get3A_1364 = arith.index_cast %max3A_1323 : i32 to index
          %get3A_1365 = arith.constant 64 : index
          %get3A_1366 = tpu.vector_load %arg7[%get3A_1364, %get3A_1365] {strides = array<i32>} : memref<64x128xf32, #tpu.memory_space<vmem>>, vector<1x16xf32>,
          %get3A_1367 = vector.shape_cast %get3A_1366 : vector<1x16xf32> to vector<16xf32>
          %max3A_1368 = arith.maximumf %get3A_1367, %max3A_779 : vector<16xf32>
          %swap3A_1369 = arith.index_cast %max3A_1323 : i32 to index
          %swap3A_1370 = arith.constant 64 : index
          %swap3A_1371 = tpu.vector_load %arg7[%swap3A_1369, %swap3A_1370] {strides = array<i32>} : memref<64x128xf32, #tpu.memory_space<vmem>>, vector<1x16xf32>,
          %swap3A_1372 = vector.shape_cast %swap3A_1371 : vector<1x16xf32> to vector<16xf32>
          %swap3A_1373 = vector.shape_cast %max3A_1368 : vector<16xf32> to vector<1x16xf32>
          tpu.vector_store %arg7[%swap3A_1369, %swap3A_1370], %swap3A_1373 {strides = array<i32>} : memref<64x128xf32, #tpu.memory_space<vmem>>, vector<1x16xf32>,
          %get3A_1374 = arith.index_cast %max3A_1323 : i32 to index
          %get3A_1375 = arith.constant 80 : index
          %get3A_1376 = tpu.vector_load %arg7[%get3A_1374, %get3A_1375] {strides = array<i32>} : memref<64x128xf32, #tpu.memory_space<vmem>>, vector<1x16xf32>,
          %get3A_1377 = vector.shape_cast %get3A_1376 : vector<1x16xf32> to vector<16xf32>
          %max3A_1378 = arith.maximumf %get3A_1377, %max3A_787 : vector<16xf32>
          %swap3A_1379 = arith.index_cast %max3A_1323 : i32 to index
          %swap3A_1380 = arith.constant 80 : index
          %swap3A_1381 = tpu.vector_load %arg7[%swap3A_1379, %swap3A_1380] {strides = array<i32>} : memref<64x128xf32, #tpu.memory_space<vmem>>, vector<1x16xf32>,
          %swap3A_1382 = vector.shape_cast %swap3A_1381 : vector<1x16xf32> to vector<16xf32>
          %swap3A_1383 = vector.shape_cast %max3A_1378 : vector<16xf32> to vector<1x16xf32>
          tpu.vector_store %arg7[%swap3A_1379, %swap3A_1380], %swap3A_1383 {strides = array<i32>} : memref<64x128xf32, #tpu.memory_space<vmem>>, vector<1x16xf32>,
          %get3A_1384 = arith.index_cast %max3A_1323 : i32 to index
          %get3A_1385 = arith.constant 96 : index
          %get3A_1386 = tpu.vector_load %arg7[%get3A_1384, %get3A_1385] {strides = array<i32>} : memref<64x128xf32, #tpu.memory_space<vmem>>, vector<1x16xf32>,
          %get3A_1387 = vector.shape_cast %get3A_1386 : vector<1x16xf32> to vector<16xf32>
          %max3A_1388 = arith.maximumf %get3A_1387, %max3A_795 : vector<16xf32>
          %swap3A_1389 = arith.index_cast %max3A_1323 : i32 to index
          %swap3A_1390 = arith.constant 96 : index
          %swap3A_1391 = tpu.vector_load %arg7[%swap3A_1389, %swap3A_1390] {strides = array<i32>} : memref<64x128xf32, #tpu.memory_space<vmem>>, vector<1x16xf32>,
          %swap3A_1392 = vector.shape_cast %swap3A_1391 : vector<1x16xf32> to vector<16xf32>
          %swap3A_1393 = vector.shape_cast %max3A_1388 : vector<16xf32> to vector<1x16xf32>
          tpu.vector_store %arg7[%swap3A_1389, %swap3A_1390], %swap3A_1393 {strides = array<i32>} : memref<64x128xf32, #tpu.memory_space<vmem>>, vector<1x16xf32>,
          %get3A_1394 = arith.index_cast %max3A_1323 : i32 to index
          %get3A_1395 = arith.constant 112 : index
          %get3A_1396 = tpu.vector_load %arg7[%get3A_1394, %get3A_1395] {strides = array<i32>} : memref<64x128xf32, #tpu.memory_space<vmem>>, vector<1x16xf32>,
          %get3A_1397 = vector.shape_cast %get3A_1396 : vector<1x16xf32> to vector<16xf32>
          %max3A_1398 = arith.maximumf %get3A_1397, %max3A_803 : vector<16xf32>
          %swap3A_1399 = arith.index_cast %max3A_1323 : i32 to index
          %swap3A_1400 = arith.constant 112 : index
          %swap3A_1401 = tpu.vector_load %arg7[%swap3A_1399, %swap3A_1400] {strides = array<i32>} : memref<64x128xf32, #tpu.memory_space<vmem>>, vector<1x16xf32>,
          %swap3A_1402 = vector.shape_cast %swap3A_1401 : vector<1x16xf32> to vector<16xf32>
          %swap3A_1403 = vector.shape_cast %max3A_1398 : vector<16xf32> to vector<1x16xf32>
          tpu.vector_store %arg7[%swap3A_1399, %swap3A_1400], %swap3A_1403 {strides = array<i32>} : memref<64x128xf32, #tpu.memory_space<vmem>>, vector<1x16xf32>,
        } else {
        }
        %mul3A_810 = arith.constant 16 : i32
        %mul3A_811 = arith.muli %scan3A_129, %mul3A_810 : i32
        %add3A_812 = arith.constant 9 : i32
        %add3A_813 = arith.addi %mul3A_811, %add3A_812 : i32
        %broadcast_in_dim3A_814 = arith.constant 0xFF800000 : f32
        %broadcast_in_dim3A_815 = vector.broadcast %broadcast_in_dim3A_814 : f32 to vector<16xf32>
        %select_n3A_816 = arith.select %ne3A_806, %broadcast_in_dim3A_815, %max3A_747 : vector<16xf32>
        %get3A_817 = arith.index_cast %add3A_813 : i32 to index
        %get3A_818 = arith.constant 0 : index
        %get3A_819 = tpu.vector_load %arg5[%get3A_817, %get3A_818] {strides = array<i32>} : memref<640x128xf32, #tpu.memory_space<vmem>>, vector<1x16xf32>,
        %get3A_820 = vector.shape_cast %get3A_819 : vector<1x16xf32> to vector<16xf32>
        %max3A_821 = arith.maximumf %select_n3A_816, %get3A_820 : vector<16xf32>
        %broadcast_in_dim3A_822 = arith.constant 0xFF800000 : f32
        %broadcast_in_dim3A_823 = vector.broadcast %broadcast_in_dim3A_822 : f32 to vector<16xf32>
        %select_n3A_824 = arith.select %ne3A_806, %broadcast_in_dim3A_823, %max3A_755 : vector<16xf32>
        %get3A_825 = arith.index_cast %add3A_813 : i32 to index
        %get3A_826 = arith.constant 16 : index
        %get3A_827 = tpu.vector_load %arg5[%get3A_825, %get3A_826] {strides = array<i32>} : memref<640x128xf32, #tpu.memory_space<vmem>>, vector<1x16xf32>,
        %get3A_828 = vector.shape_cast %get3A_827 : vector<1x16xf32> to vector<16xf32>
        %max3A_829 = arith.maximumf %select_n3A_824, %get3A_828 : vector<16xf32>
        %broadcast_in_dim3A_830 = arith.constant 0xFF800000 : f32
        %broadcast_in_dim3A_831 = vector.broadcast %broadcast_in_dim3A_830 : f32 to vector<16xf32>
        %select_n3A_832 = arith.select %ne3A_806, %broadcast_in_dim3A_831, %max3A_763 : vector<16xf32>
        %get3A_833 = arith.index_cast %add3A_813 : i32 to index
        %get3A_834 = arith.constant 32 : index
        %get3A_835 = tpu.vector_load %arg5[%get3A_833, %get3A_834] {strides = array<i32>} : memref<640x128xf32, #tpu.memory_space<vmem>>, vector<1x16xf32>,
        %get3A_836 = vector.shape_cast %get3A_835 : vector<1x16xf32> to vector<16xf32>
        %max3A_837 = arith.maximumf %select_n3A_832, %get3A_836 : vector<16xf32>
        %broadcast_in_dim3A_838 = arith.constant 0xFF800000 : f32
        %broadcast_in_dim3A_839 = vector.broadcast %broadcast_in_dim3A_838 : f32 to vector<16xf32>
        %select_n3A_840 = arith.select %ne3A_806, %broadcast_in_dim3A_839, %max3A_771 : vector<16xf32>
        %get3A_841 = arith.index_cast %add3A_813 : i32 to index
        %get3A_842 = arith.constant 48 : index
        %get3A_843 = tpu.vector_load %arg5[%get3A_841, %get3A_842] {strides = array<i32>} : memref<640x128xf32, #tpu.memory_space<vmem>>, vector<1x16xf32>,
        %get3A_844 = vector.shape_cast %get3A_843 : vector<1x16xf32> to vector<16xf32>
        %max3A_845 = arith.maximumf %select_n3A_840, %get3A_844 : vector<16xf32>
        %broadcast_in_dim3A_846 = arith.constant 0xFF800000 : f32
        %broadcast_in_dim3A_847 = vector.broadcast %broadcast_in_dim3A_846 : f32 to vector<16xf32>
        %select_n3A_848 = arith.select %ne3A_806, %broadcast_in_dim3A_847, %max3A_779 : vector<16xf32>
        %get3A_849 = arith.index_cast %add3A_813 : i32 to index
        %get3A_850 = arith.constant 64 : index
        %get3A_851 = tpu.vector_load %arg5[%get3A_849, %get3A_850] {strides = array<i32>} : memref<640x128xf32, #tpu.memory_space<vmem>>, vector<1x16xf32>,
        %get3A_852 = vector.shape_cast %get3A_851 : vector<1x16xf32> to vector<16xf32>
        %max3A_853 = arith.maximumf %select_n3A_848, %get3A_852 : vector<16xf32>
        %broadcast_in_dim3A_854 = arith.constant 0xFF800000 : f32
        %broadcast_in_dim3A_855 = vector.broadcast %broadcast_in_dim3A_854 : f32 to vector<16xf32>
        %select_n3A_856 = arith.select %ne3A_806, %broadcast_in_dim3A_855, %max3A_787 : vector<16xf32>
        %get3A_857 = arith.index_cast %add3A_813 : i32 to index
        %get3A_858 = arith.constant 80 : index
        %get3A_859 = tpu.vector_load %arg5[%get3A_857, %get3A_858] {strides = array<i32>} : memref<640x128xf32, #tpu.memory_space<vmem>>, vector<1x16xf32>,
        %get3A_860 = vector.shape_cast %get3A_859 : vector<1x16xf32> to vector<16xf32>
        %max3A_861 = arith.maximumf %select_n3A_856, %get3A_860 : vector<16xf32>
        %broadcast_in_dim3A_862 = arith.constant 0xFF800000 : f32
        %broadcast_in_dim3A_863 = vector.broadcast %broadcast_in_dim3A_862 : f32 to vector<16xf32>
        %select_n3A_864 = arith.select %ne3A_806, %broadcast_in_dim3A_863, %max3A_795 : vector<16xf32>
        %get3A_865 = arith.index_cast %add3A_813 : i32 to index
        %get3A_866 = arith.constant 96 : index
        %get3A_867 = tpu.vector_load %arg5[%get3A_865, %get3A_866] {strides = array<i32>} : memref<640x128xf32, #tpu.memory_space<vmem>>, vector<1x16xf32>,
        %get3A_868 = vector.shape_cast %get3A_867 : vector<1x16xf32> to vector<16xf32>
        %max3A_869 = arith.maximumf %select_n3A_864, %get3A_868 : vector<16xf32>
        %broadcast_in_dim3A_870 = arith.constant 0xFF800000 : f32
        %broadcast_in_dim3A_871 = vector.broadcast %broadcast_in_dim3A_870 : f32 to vector<16xf32>
        %select_n3A_872 = arith.select %ne3A_806, %broadcast_in_dim3A_871, %max3A_803 : vector<16xf32>
        %get3A_873 = arith.index_cast %add3A_813 : i32 to index
        %get3A_874 = arith.constant 112 : index
        %get3A_875 = tpu.vector_load %arg5[%get3A_873, %get3A_874] {strides = array<i32>} : memref<640x128xf32, #tpu.memory_space<vmem>>, vector<1x16xf32>,
        %get3A_876 = vector.shape_cast %get3A_875 : vector<1x16xf32> to vector<16xf32>
        %max3A_877 = arith.maximumf %select_n3A_872, %get3A_876 : vector<16xf32>
        %slice3A_878 = vector.extract_strided_slice %get3A_143 {offsets = [10], sizes = [1], strides = [1]} : vector<16xi32> to vector<1xi32>
        %squeeze3A_879 = vector.extract %slice3A_878[0] : i32 from vector<1xi32>
        %ne3A_880 = arith.cmpi ne, %squeeze3A_879, %squeeze3A_805 : i32
        %convert_element_type3A_881 = arith.extui %ne3A_880 : i1 to i32
        %cond3A_882 = arith.constant 0 : i32
        %cond3A_883 = arith.cmpi ne, %convert_element_type3A_881, %cond3A_882 : i32
        scf.if %cond3A_883 {
          %max3A_1322 = arith.constant 0 : i32
          %max3A_1323 = arith.maxsi %squeeze3A_805, %max3A_1322 : i32
          %get3A_1324 = arith.index_cast %max3A_1323 : i32 to index
          %get3A_1325 = arith.constant 0 : index
          %get3A_1326 = tpu.vector_load %arg7[%get3A_1324, %get3A_1325] {strides = array<i32>} : memref<64x128xf32, #tpu.memory_space<vmem>>, vector<1x16xf32>,
          %get3A_1327 = vector.shape_cast %get3A_1326 : vector<1x16xf32> to vector<16xf32>
          %max3A_1328 = arith.maximumf %get3A_1327, %max3A_821 : vector<16xf32>
          %swap3A_1329 = arith.index_cast %max3A_1323 : i32 to index
          %swap3A_1330 = arith.constant 0 : index
          %swap3A_1331 = tpu.vector_load %arg7[%swap3A_1329, %swap3A_1330] {strides = array<i32>} : memref<64x128xf32, #tpu.memory_space<vmem>>, vector<1x16xf32>,
          %swap3A_1332 = vector.shape_cast %swap3A_1331 : vector<1x16xf32> to vector<16xf32>
          %swap3A_1333 = vector.shape_cast %max3A_1328 : vector<16xf32> to vector<1x16xf32>
          tpu.vector_store %arg7[%swap3A_1329, %swap3A_1330], %swap3A_1333 {strides = array<i32>} : memref<64x128xf32, #tpu.memory_space<vmem>>, vector<1x16xf32>,
          %get3A_1334 = arith.index_cast %max3A_1323 : i32 to index
          %get3A_1335 = arith.constant 16 : index
          %get3A_1336 = tpu.vector_load %arg7[%get3A_1334, %get3A_1335] {strides = array<i32>} : memref<64x128xf32, #tpu.memory_space<vmem>>, vector<1x16xf32>,
          %get3A_1337 = vector.shape_cast %get3A_1336 : vector<1x16xf32> to vector<16xf32>
          %max3A_1338 = arith.maximumf %get3A_1337, %max3A_829 : vector<16xf32>
          %swap3A_1339 = arith.index_cast %max3A_1323 : i32 to index
          %swap3A_1340 = arith.constant 16 : index
          %swap3A_1341 = tpu.vector_load %arg7[%swap3A_1339, %swap3A_1340] {strides = array<i32>} : memref<64x128xf32, #tpu.memory_space<vmem>>, vector<1x16xf32>,
          %swap3A_1342 = vector.shape_cast %swap3A_1341 : vector<1x16xf32> to vector<16xf32>
          %swap3A_1343 = vector.shape_cast %max3A_1338 : vector<16xf32> to vector<1x16xf32>
          tpu.vector_store %arg7[%swap3A_1339, %swap3A_1340], %swap3A_1343 {strides = array<i32>} : memref<64x128xf32, #tpu.memory_space<vmem>>, vector<1x16xf32>,
          %get3A_1344 = arith.index_cast %max3A_1323 : i32 to index
          %get3A_1345 = arith.constant 32 : index
          %get3A_1346 = tpu.vector_load %arg7[%get3A_1344, %get3A_1345] {strides = array<i32>} : memref<64x128xf32, #tpu.memory_space<vmem>>, vector<1x16xf32>,
          %get3A_1347 = vector.shape_cast %get3A_1346 : vector<1x16xf32> to vector<16xf32>
          %max3A_1348 = arith.maximumf %get3A_1347, %max3A_837 : vector<16xf32>
          %swap3A_1349 = arith.index_cast %max3A_1323 : i32 to index
          %swap3A_1350 = arith.constant 32 : index
          %swap3A_1351 = tpu.vector_load %arg7[%swap3A_1349, %swap3A_1350] {strides = array<i32>} : memref<64x128xf32, #tpu.memory_space<vmem>>, vector<1x16xf32>,
          %swap3A_1352 = vector.shape_cast %swap3A_1351 : vector<1x16xf32> to vector<16xf32>
          %swap3A_1353 = vector.shape_cast %max3A_1348 : vector<16xf32> to vector<1x16xf32>
          tpu.vector_store %arg7[%swap3A_1349, %swap3A_1350], %swap3A_1353 {strides = array<i32>} : memref<64x128xf32, #tpu.memory_space<vmem>>, vector<1x16xf32>,
          %get3A_1354 = arith.index_cast %max3A_1323 : i32 to index
          %get3A_1355 = arith.constant 48 : index
          %get3A_1356 = tpu.vector_load %arg7[%get3A_1354, %get3A_1355] {strides = array<i32>} : memref<64x128xf32, #tpu.memory_space<vmem>>, vector<1x16xf32>,
          %get3A_1357 = vector.shape_cast %get3A_1356 : vector<1x16xf32> to vector<16xf32>
          %max3A_1358 = arith.maximumf %get3A_1357, %max3A_845 : vector<16xf32>
          %swap3A_1359 = arith.index_cast %max3A_1323 : i32 to index
          %swap3A_1360 = arith.constant 48 : index
          %swap3A_1361 = tpu.vector_load %arg7[%swap3A_1359, %swap3A_1360] {strides = array<i32>} : memref<64x128xf32, #tpu.memory_space<vmem>>, vector<1x16xf32>,
          %swap3A_1362 = vector.shape_cast %swap3A_1361 : vector<1x16xf32> to vector<16xf32>
          %swap3A_1363 = vector.shape_cast %max3A_1358 : vector<16xf32> to vector<1x16xf32>
          tpu.vector_store %arg7[%swap3A_1359, %swap3A_1360], %swap3A_1363 {strides = array<i32>} : memref<64x128xf32, #tpu.memory_space<vmem>>, vector<1x16xf32>,
          %get3A_1364 = arith.index_cast %max3A_1323 : i32 to index
          %get3A_1365 = arith.constant 64 : index
          %get3A_1366 = tpu.vector_load %arg7[%get3A_1364, %get3A_1365] {strides = array<i32>} : memref<64x128xf32, #tpu.memory_space<vmem>>, vector<1x16xf32>,
          %get3A_1367 = vector.shape_cast %get3A_1366 : vector<1x16xf32> to vector<16xf32>
          %max3A_1368 = arith.maximumf %get3A_1367, %max3A_853 : vector<16xf32>
          %swap3A_1369 = arith.index_cast %max3A_1323 : i32 to index
          %swap3A_1370 = arith.constant 64 : index
          %swap3A_1371 = tpu.vector_load %arg7[%swap3A_1369, %swap3A_1370] {strides = array<i32>} : memref<64x128xf32, #tpu.memory_space<vmem>>, vector<1x16xf32>,
          %swap3A_1372 = vector.shape_cast %swap3A_1371 : vector<1x16xf32> to vector<16xf32>
          %swap3A_1373 = vector.shape_cast %max3A_1368 : vector<16xf32> to vector<1x16xf32>
          tpu.vector_store %arg7[%swap3A_1369, %swap3A_1370], %swap3A_1373 {strides = array<i32>} : memref<64x128xf32, #tpu.memory_space<vmem>>, vector<1x16xf32>,
          %get3A_1374 = arith.index_cast %max3A_1323 : i32 to index
          %get3A_1375 = arith.constant 80 : index
          %get3A_1376 = tpu.vector_load %arg7[%get3A_1374, %get3A_1375] {strides = array<i32>} : memref<64x128xf32, #tpu.memory_space<vmem>>, vector<1x16xf32>,
          %get3A_1377 = vector.shape_cast %get3A_1376 : vector<1x16xf32> to vector<16xf32>
          %max3A_1378 = arith.maximumf %get3A_1377, %max3A_861 : vector<16xf32>
          %swap3A_1379 = arith.index_cast %max3A_1323 : i32 to index
          %swap3A_1380 = arith.constant 80 : index
          %swap3A_1381 = tpu.vector_load %arg7[%swap3A_1379, %swap3A_1380] {strides = array<i32>} : memref<64x128xf32, #tpu.memory_space<vmem>>, vector<1x16xf32>,
          %swap3A_1382 = vector.shape_cast %swap3A_1381 : vector<1x16xf32> to vector<16xf32>
          %swap3A_1383 = vector.shape_cast %max3A_1378 : vector<16xf32> to vector<1x16xf32>
          tpu.vector_store %arg7[%swap3A_1379, %swap3A_1380], %swap3A_1383 {strides = array<i32>} : memref<64x128xf32, #tpu.memory_space<vmem>>, vector<1x16xf32>,
          %get3A_1384 = arith.index_cast %max3A_1323 : i32 to index
          %get3A_1385 = arith.constant 96 : index
          %get3A_1386 = tpu.vector_load %arg7[%get3A_1384, %get3A_1385] {strides = array<i32>} : memref<64x128xf32, #tpu.memory_space<vmem>>, vector<1x16xf32>,
          %get3A_1387 = vector.shape_cast %get3A_1386 : vector<1x16xf32> to vector<16xf32>
          %max3A_1388 = arith.maximumf %get3A_1387, %max3A_869 : vector<16xf32>
          %swap3A_1389 = arith.index_cast %max3A_1323 : i32 to index
          %swap3A_1390 = arith.constant 96 : index
          %swap3A_1391 = tpu.vector_load %arg7[%swap3A_1389, %swap3A_1390] {strides = array<i32>} : memref<64x128xf32, #tpu.memory_space<vmem>>, vector<1x16xf32>,
          %swap3A_1392 = vector.shape_cast %swap3A_1391 : vector<1x16xf32> to vector<16xf32>
          %swap3A_1393 = vector.shape_cast %max3A_1388 : vector<16xf32> to vector<1x16xf32>
          tpu.vector_store %arg7[%swap3A_1389, %swap3A_1390], %swap3A_1393 {strides = array<i32>} : memref<64x128xf32, #tpu.memory_space<vmem>>, vector<1x16xf32>,
          %get3A_1394 = arith.index_cast %max3A_1323 : i32 to index
          %get3A_1395 = arith.constant 112 : index
          %get3A_1396 = tpu.vector_load %arg7[%get3A_1394, %get3A_1395] {strides = array<i32>} : memref<64x128xf32, #tpu.memory_space<vmem>>, vector<1x16xf32>,
          %get3A_1397 = vector.shape_cast %get3A_1396 : vector<1x16xf32> to vector<16xf32>
          %max3A_1398 = arith.maximumf %get3A_1397, %max3A_877 : vector<16xf32>
          %swap3A_1399 = arith.index_cast %max3A_1323 : i32 to index
          %swap3A_1400 = arith.constant 112 : index
          %swap3A_1401 = tpu.vector_load %arg7[%swap3A_1399, %swap3A_1400] {strides = array<i32>} : memref<64x128xf32, #tpu.memory_space<vmem>>, vector<1x16xf32>,
          %swap3A_1402 = vector.shape_cast %swap3A_1401 : vector<1x16xf32> to vector<16xf32>
          %swap3A_1403 = vector.shape_cast %max3A_1398 : vector<16xf32> to vector<1x16xf32>
          tpu.vector_store %arg7[%swap3A_1399, %swap3A_1400], %swap3A_1403 {strides = array<i32>} : memref<64x128xf32, #tpu.memory_space<vmem>>, vector<1x16xf32>,
        } else {
        }
        %mul3A_884 = arith.constant 16 : i32
        %mul3A_885 = arith.muli %scan3A_129, %mul3A_884 : i32
        %add3A_886 = arith.constant 10 : i32
        %add3A_887 = arith.addi %mul3A_885, %add3A_886 : i32
        %broadcast_in_dim3A_888 = arith.constant 0xFF800000 : f32
        %broadcast_in_dim3A_889 = vector.broadcast %broadcast_in_dim3A_888 : f32 to vector<16xf32>
        %select_n3A_890 = arith.select %ne3A_880, %broadcast_in_dim3A_889, %max3A_821 : vector<16xf32>
        %get3A_891 = arith.index_cast %add3A_887 : i32 to index
        %get3A_892 = arith.constant 0 : index
        %get3A_893 = tpu.vector_load %arg5[%get3A_891, %get3A_892] {strides = array<i32>} : memref<640x128xf32, #tpu.memory_space<vmem>>, vector<1x16xf32>,
        %get3A_894 = vector.shape_cast %get3A_893 : vector<1x16xf32> to vector<16xf32>
        %max3A_895 = arith.maximumf %select_n3A_890, %get3A_894 : vector<16xf32>
        %broadcast_in_dim3A_896 = arith.constant 0xFF800000 : f32
        %broadcast_in_dim3A_897 = vector.broadcast %broadcast_in_dim3A_896 : f32 to vector<16xf32>
        %select_n3A_898 = arith.select %ne3A_880, %broadcast_in_dim3A_897, %max3A_829 : vector<16xf32>
        %get3A_899 = arith.index_cast %add3A_887 : i32 to index
        %get3A_900 = arith.constant 16 : index
        %get3A_901 = tpu.vector_load %arg5[%get3A_899, %get3A_900] {strides = array<i32>} : memref<640x128xf32, #tpu.memory_space<vmem>>, vector<1x16xf32>,
        %get3A_902 = vector.shape_cast %get3A_901 : vector<1x16xf32> to vector<16xf32>
        %max3A_903 = arith.maximumf %select_n3A_898, %get3A_902 : vector<16xf32>
        %broadcast_in_dim3A_904 = arith.constant 0xFF800000 : f32
        %broadcast_in_dim3A_905 = vector.broadcast %broadcast_in_dim3A_904 : f32 to vector<16xf32>
        %select_n3A_906 = arith.select %ne3A_880, %broadcast_in_dim3A_905, %max3A_837 : vector<16xf32>
        %get3A_907 = arith.index_cast %add3A_887 : i32 to index
        %get3A_908 = arith.constant 32 : index
        %get3A_909 = tpu.vector_load %arg5[%get3A_907, %get3A_908] {strides = array<i32>} : memref<640x128xf32, #tpu.memory_space<vmem>>, vector<1x16xf32>,
        %get3A_910 = vector.shape_cast %get3A_909 : vector<1x16xf32> to vector<16xf32>
        %max3A_911 = arith.maximumf %select_n3A_906, %get3A_910 : vector<16xf32>
        %broadcast_in_dim3A_912 = arith.constant 0xFF800000 : f32
        %broadcast_in_dim3A_913 = vector.broadcast %broadcast_in_dim3A_912 : f32 to vector<16xf32>
        %select_n3A_914 = arith.select %ne3A_880, %broadcast_in_dim3A_913, %max3A_845 : vector<16xf32>
        %get3A_915 = arith.index_cast %add3A_887 : i32 to index
        %get3A_916 = arith.constant 48 : index
        %get3A_917 = tpu.vector_load %arg5[%get3A_915, %get3A_916] {strides = array<i32>} : memref<640x128xf32, #tpu.memory_space<vmem>>, vector<1x16xf32>,
        %get3A_918 = vector.shape_cast %get3A_917 : vector<1x16xf32> to vector<16xf32>
        %max3A_919 = arith.maximumf %select_n3A_914, %get3A_918 : vector<16xf32>
        %broadcast_in_dim3A_920 = arith.constant 0xFF800000 : f32
        %broadcast_in_dim3A_921 = vector.broadcast %broadcast_in_dim3A_920 : f32 to vector<16xf32>
        %select_n3A_922 = arith.select %ne3A_880, %broadcast_in_dim3A_921, %max3A_853 : vector<16xf32>
        %get3A_923 = arith.index_cast %add3A_887 : i32 to index
        %get3A_924 = arith.constant 64 : index
        %get3A_925 = tpu.vector_load %arg5[%get3A_923, %get3A_924] {strides = array<i32>} : memref<640x128xf32, #tpu.memory_space<vmem>>, vector<1x16xf32>,
        %get3A_926 = vector.shape_cast %get3A_925 : vector<1x16xf32> to vector<16xf32>
        %max3A_927 = arith.maximumf %select_n3A_922, %get3A_926 : vector<16xf32>
        %broadcast_in_dim3A_928 = arith.constant 0xFF800000 : f32
        %broadcast_in_dim3A_929 = vector.broadcast %broadcast_in_dim3A_928 : f32 to vector<16xf32>
        %select_n3A_930 = arith.select %ne3A_880, %broadcast_in_dim3A_929, %max3A_861 : vector<16xf32>
        %get3A_931 = arith.index_cast %add3A_887 : i32 to index
        %get3A_932 = arith.constant 80 : index
        %get3A_933 = tpu.vector_load %arg5[%get3A_931, %get3A_932] {strides = array<i32>} : memref<640x128xf32, #tpu.memory_space<vmem>>, vector<1x16xf32>,
        %get3A_934 = vector.shape_cast %get3A_933 : vector<1x16xf32> to vector<16xf32>
        %max3A_935 = arith.maximumf %select_n3A_930, %get3A_934 : vector<16xf32>
        %broadcast_in_dim3A_936 = arith.constant 0xFF800000 : f32
        %broadcast_in_dim3A_937 = vector.broadcast %broadcast_in_dim3A_936 : f32 to vector<16xf32>
        %select_n3A_938 = arith.select %ne3A_880, %broadcast_in_dim3A_937, %max3A_869 : vector<16xf32>
        %get3A_939 = arith.index_cast %add3A_887 : i32 to index
        %get3A_940 = arith.constant 96 : index
        %get3A_941 = tpu.vector_load %arg5[%get3A_939, %get3A_940] {strides = array<i32>} : memref<640x128xf32, #tpu.memory_space<vmem>>, vector<1x16xf32>,
        %get3A_942 = vector.shape_cast %get3A_941 : vector<1x16xf32> to vector<16xf32>
        %max3A_943 = arith.maximumf %select_n3A_938, %get3A_942 : vector<16xf32>
        %broadcast_in_dim3A_944 = arith.constant 0xFF800000 : f32
        %broadcast_in_dim3A_945 = vector.broadcast %broadcast_in_dim3A_944 : f32 to vector<16xf32>
        %select_n3A_946 = arith.select %ne3A_880, %broadcast_in_dim3A_945, %max3A_877 : vector<16xf32>
        %get3A_947 = arith.index_cast %add3A_887 : i32 to index
        %get3A_948 = arith.constant 112 : index
        %get3A_949 = tpu.vector_load %arg5[%get3A_947, %get3A_948] {strides = array<i32>} : memref<640x128xf32, #tpu.memory_space<vmem>>, vector<1x16xf32>,
        %get3A_950 = vector.shape_cast %get3A_949 : vector<1x16xf32> to vector<16xf32>
        %max3A_951 = arith.maximumf %select_n3A_946, %get3A_950 : vector<16xf32>
        %slice3A_952 = vector.extract_strided_slice %get3A_143 {offsets = [11], sizes = [1], strides = [1]} : vector<16xi32> to vector<1xi32>
        %squeeze3A_953 = vector.extract %slice3A_952[0] : i32 from vector<1xi32>
        %ne3A_954 = arith.cmpi ne, %squeeze3A_953, %squeeze3A_879 : i32
        %convert_element_type3A_955 = arith.extui %ne3A_954 : i1 to i32
        %cond3A_956 = arith.constant 0 : i32
        %cond3A_957 = arith.cmpi ne, %convert_element_type3A_955, %cond3A_956 : i32
        scf.if %cond3A_957 {
          %max3A_1322 = arith.constant 0 : i32
          %max3A_1323 = arith.maxsi %squeeze3A_879, %max3A_1322 : i32
          %get3A_1324 = arith.index_cast %max3A_1323 : i32 to index
          %get3A_1325 = arith.constant 0 : index
          %get3A_1326 = tpu.vector_load %arg7[%get3A_1324, %get3A_1325] {strides = array<i32>} : memref<64x128xf32, #tpu.memory_space<vmem>>, vector<1x16xf32>,
          %get3A_1327 = vector.shape_cast %get3A_1326 : vector<1x16xf32> to vector<16xf32>
          %max3A_1328 = arith.maximumf %get3A_1327, %max3A_895 : vector<16xf32>
          %swap3A_1329 = arith.index_cast %max3A_1323 : i32 to index
          %swap3A_1330 = arith.constant 0 : index
          %swap3A_1331 = tpu.vector_load %arg7[%swap3A_1329, %swap3A_1330] {strides = array<i32>} : memref<64x128xf32, #tpu.memory_space<vmem>>, vector<1x16xf32>,
          %swap3A_1332 = vector.shape_cast %swap3A_1331 : vector<1x16xf32> to vector<16xf32>
          %swap3A_1333 = vector.shape_cast %max3A_1328 : vector<16xf32> to vector<1x16xf32>
          tpu.vector_store %arg7[%swap3A_1329, %swap3A_1330], %swap3A_1333 {strides = array<i32>} : memref<64x128xf32, #tpu.memory_space<vmem>>, vector<1x16xf32>,
          %get3A_1334 = arith.index_cast %max3A_1323 : i32 to index
          %get3A_1335 = arith.constant 16 : index
          %get3A_1336 = tpu.vector_load %arg7[%get3A_1334, %get3A_1335] {strides = array<i32>} : memref<64x128xf32, #tpu.memory_space<vmem>>, vector<1x16xf32>,
          %get3A_1337 = vector.shape_cast %get3A_1336 : vector<1x16xf32> to vector<16xf32>
          %max3A_1338 = arith.maximumf %get3A_1337, %max3A_903 : vector<16xf32>
          %swap3A_1339 = arith.index_cast %max3A_1323 : i32 to index
          %swap3A_1340 = arith.constant 16 : index
          %swap3A_1341 = tpu.vector_load %arg7[%swap3A_1339, %swap3A_1340] {strides = array<i32>} : memref<64x128xf32, #tpu.memory_space<vmem>>, vector<1x16xf32>,
          %swap3A_1342 = vector.shape_cast %swap3A_1341 : vector<1x16xf32> to vector<16xf32>
          %swap3A_1343 = vector.shape_cast %max3A_1338 : vector<16xf32> to vector<1x16xf32>
          tpu.vector_store %arg7[%swap3A_1339, %swap3A_1340], %swap3A_1343 {strides = array<i32>} : memref<64x128xf32, #tpu.memory_space<vmem>>, vector<1x16xf32>,
          %get3A_1344 = arith.index_cast %max3A_1323 : i32 to index
          %get3A_1345 = arith.constant 32 : index
          %get3A_1346 = tpu.vector_load %arg7[%get3A_1344, %get3A_1345] {strides = array<i32>} : memref<64x128xf32, #tpu.memory_space<vmem>>, vector<1x16xf32>,
          %get3A_1347 = vector.shape_cast %get3A_1346 : vector<1x16xf32> to vector<16xf32>
          %max3A_1348 = arith.maximumf %get3A_1347, %max3A_911 : vector<16xf32>
          %swap3A_1349 = arith.index_cast %max3A_1323 : i32 to index
          %swap3A_1350 = arith.constant 32 : index
          %swap3A_1351 = tpu.vector_load %arg7[%swap3A_1349, %swap3A_1350] {strides = array<i32>} : memref<64x128xf32, #tpu.memory_space<vmem>>, vector<1x16xf32>,
          %swap3A_1352 = vector.shape_cast %swap3A_1351 : vector<1x16xf32> to vector<16xf32>
          %swap3A_1353 = vector.shape_cast %max3A_1348 : vector<16xf32> to vector<1x16xf32>
          tpu.vector_store %arg7[%swap3A_1349, %swap3A_1350], %swap3A_1353 {strides = array<i32>} : memref<64x128xf32, #tpu.memory_space<vmem>>, vector<1x16xf32>,
          %get3A_1354 = arith.index_cast %max3A_1323 : i32 to index
          %get3A_1355 = arith.constant 48 : index
          %get3A_1356 = tpu.vector_load %arg7[%get3A_1354, %get3A_1355] {strides = array<i32>} : memref<64x128xf32, #tpu.memory_space<vmem>>, vector<1x16xf32>,
          %get3A_1357 = vector.shape_cast %get3A_1356 : vector<1x16xf32> to vector<16xf32>
          %max3A_1358 = arith.maximumf %get3A_1357, %max3A_919 : vector<16xf32>
          %swap3A_1359 = arith.index_cast %max3A_1323 : i32 to index
          %swap3A_1360 = arith.constant 48 : index
          %swap3A_1361 = tpu.vector_load %arg7[%swap3A_1359, %swap3A_1360] {strides = array<i32>} : memref<64x128xf32, #tpu.memory_space<vmem>>, vector<1x16xf32>,
          %swap3A_1362 = vector.shape_cast %swap3A_1361 : vector<1x16xf32> to vector<16xf32>
          %swap3A_1363 = vector.shape_cast %max3A_1358 : vector<16xf32> to vector<1x16xf32>
          tpu.vector_store %arg7[%swap3A_1359, %swap3A_1360], %swap3A_1363 {strides = array<i32>} : memref<64x128xf32, #tpu.memory_space<vmem>>, vector<1x16xf32>,
          %get3A_1364 = arith.index_cast %max3A_1323 : i32 to index
          %get3A_1365 = arith.constant 64 : index
          %get3A_1366 = tpu.vector_load %arg7[%get3A_1364, %get3A_1365] {strides = array<i32>} : memref<64x128xf32, #tpu.memory_space<vmem>>, vector<1x16xf32>,
          %get3A_1367 = vector.shape_cast %get3A_1366 : vector<1x16xf32> to vector<16xf32>
          %max3A_1368 = arith.maximumf %get3A_1367, %max3A_927 : vector<16xf32>
          %swap3A_1369 = arith.index_cast %max3A_1323 : i32 to index
          %swap3A_1370 = arith.constant 64 : index
          %swap3A_1371 = tpu.vector_load %arg7[%swap3A_1369, %swap3A_1370] {strides = array<i32>} : memref<64x128xf32, #tpu.memory_space<vmem>>, vector<1x16xf32>,
          %swap3A_1372 = vector.shape_cast %swap3A_1371 : vector<1x16xf32> to vector<16xf32>
          %swap3A_1373 = vector.shape_cast %max3A_1368 : vector<16xf32> to vector<1x16xf32>
          tpu.vector_store %arg7[%swap3A_1369, %swap3A_1370], %swap3A_1373 {strides = array<i32>} : memref<64x128xf32, #tpu.memory_space<vmem>>, vector<1x16xf32>,
          %get3A_1374 = arith.index_cast %max3A_1323 : i32 to index
          %get3A_1375 = arith.constant 80 : index
          %get3A_1376 = tpu.vector_load %arg7[%get3A_1374, %get3A_1375] {strides = array<i32>} : memref<64x128xf32, #tpu.memory_space<vmem>>, vector<1x16xf32>,
          %get3A_1377 = vector.shape_cast %get3A_1376 : vector<1x16xf32> to vector<16xf32>
          %max3A_1378 = arith.maximumf %get3A_1377, %max3A_935 : vector<16xf32>
          %swap3A_1379 = arith.index_cast %max3A_1323 : i32 to index
          %swap3A_1380 = arith.constant 80 : index
          %swap3A_1381 = tpu.vector_load %arg7[%swap3A_1379, %swap3A_1380] {strides = array<i32>} : memref<64x128xf32, #tpu.memory_space<vmem>>, vector<1x16xf32>,
          %swap3A_1382 = vector.shape_cast %swap3A_1381 : vector<1x16xf32> to vector<16xf32>
          %swap3A_1383 = vector.shape_cast %max3A_1378 : vector<16xf32> to vector<1x16xf32>
          tpu.vector_store %arg7[%swap3A_1379, %swap3A_1380], %swap3A_1383 {strides = array<i32>} : memref<64x128xf32, #tpu.memory_space<vmem>>, vector<1x16xf32>,
          %get3A_1384 = arith.index_cast %max3A_1323 : i32 to index
          %get3A_1385 = arith.constant 96 : index
          %get3A_1386 = tpu.vector_load %arg7[%get3A_1384, %get3A_1385] {strides = array<i32>} : memref<64x128xf32, #tpu.memory_space<vmem>>, vector<1x16xf32>,
          %get3A_1387 = vector.shape_cast %get3A_1386 : vector<1x16xf32> to vector<16xf32>
          %max3A_1388 = arith.maximumf %get3A_1387, %max3A_943 : vector<16xf32>
          %swap3A_1389 = arith.index_cast %max3A_1323 : i32 to index
          %swap3A_1390 = arith.constant 96 : index
          %swap3A_1391 = tpu.vector_load %arg7[%swap3A_1389, %swap3A_1390] {strides = array<i32>} : memref<64x128xf32, #tpu.memory_space<vmem>>, vector<1x16xf32>,
          %swap3A_1392 = vector.shape_cast %swap3A_1391 : vector<1x16xf32> to vector<16xf32>
          %swap3A_1393 = vector.shape_cast %max3A_1388 : vector<16xf32> to vector<1x16xf32>
          tpu.vector_store %arg7[%swap3A_1389, %swap3A_1390], %swap3A_1393 {strides = array<i32>} : memref<64x128xf32, #tpu.memory_space<vmem>>, vector<1x16xf32>,
          %get3A_1394 = arith.index_cast %max3A_1323 : i32 to index
          %get3A_1395 = arith.constant 112 : index
          %get3A_1396 = tpu.vector_load %arg7[%get3A_1394, %get3A_1395] {strides = array<i32>} : memref<64x128xf32, #tpu.memory_space<vmem>>, vector<1x16xf32>,
          %get3A_1397 = vector.shape_cast %get3A_1396 : vector<1x16xf32> to vector<16xf32>
          %max3A_1398 = arith.maximumf %get3A_1397, %max3A_951 : vector<16xf32>
          %swap3A_1399 = arith.index_cast %max3A_1323 : i32 to index
          %swap3A_1400 = arith.constant 112 : index
          %swap3A_1401 = tpu.vector_load %arg7[%swap3A_1399, %swap3A_1400] {strides = array<i32>} : memref<64x128xf32, #tpu.memory_space<vmem>>, vector<1x16xf32>,
          %swap3A_1402 = vector.shape_cast %swap3A_1401 : vector<1x16xf32> to vector<16xf32>
          %swap3A_1403 = vector.shape_cast %max3A_1398 : vector<16xf32> to vector<1x16xf32>
          tpu.vector_store %arg7[%swap3A_1399, %swap3A_1400], %swap3A_1403 {strides = array<i32>} : memref<64x128xf32, #tpu.memory_space<vmem>>, vector<1x16xf32>,
        } else {
        }
        %mul3A_958 = arith.constant 16 : i32
        %mul3A_959 = arith.muli %scan3A_129, %mul3A_958 : i32
        %add3A_960 = arith.constant 11 : i32
        %add3A_961 = arith.addi %mul3A_959, %add3A_960 : i32
        %broadcast_in_dim3A_962 = arith.constant 0xFF800000 : f32
        %broadcast_in_dim3A_963 = vector.broadcast %broadcast_in_dim3A_962 : f32 to vector<16xf32>
        %select_n3A_964 = arith.select %ne3A_954, %broadcast_in_dim3A_963, %max3A_895 : vector<16xf32>
        %get3A_965 = arith.index_cast %add3A_961 : i32 to index
        %get3A_966 = arith.constant 0 : index
        %get3A_967 = tpu.vector_load %arg5[%get3A_965, %get3A_966] {strides = array<i32>} : memref<640x128xf32, #tpu.memory_space<vmem>>, vector<1x16xf32>,
        %get3A_968 = vector.shape_cast %get3A_967 : vector<1x16xf32> to vector<16xf32>
        %max3A_969 = arith.maximumf %select_n3A_964, %get3A_968 : vector<16xf32>
        %broadcast_in_dim3A_970 = arith.constant 0xFF800000 : f32
        %broadcast_in_dim3A_971 = vector.broadcast %broadcast_in_dim3A_970 : f32 to vector<16xf32>
        %select_n3A_972 = arith.select %ne3A_954, %broadcast_in_dim3A_971, %max3A_903 : vector<16xf32>
        %get3A_973 = arith.index_cast %add3A_961 : i32 to index
        %get3A_974 = arith.constant 16 : index
        %get3A_975 = tpu.vector_load %arg5[%get3A_973, %get3A_974] {strides = array<i32>} : memref<640x128xf32, #tpu.memory_space<vmem>>, vector<1x16xf32>,
        %get3A_976 = vector.shape_cast %get3A_975 : vector<1x16xf32> to vector<16xf32>
        %max3A_977 = arith.maximumf %select_n3A_972, %get3A_976 : vector<16xf32>
        %broadcast_in_dim3A_978 = arith.constant 0xFF800000 : f32
        %broadcast_in_dim3A_979 = vector.broadcast %broadcast_in_dim3A_978 : f32 to vector<16xf32>
        %select_n3A_980 = arith.select %ne3A_954, %broadcast_in_dim3A_979, %max3A_911 : vector<16xf32>
        %get3A_981 = arith.index_cast %add3A_961 : i32 to index
        %get3A_982 = arith.constant 32 : index
        %get3A_983 = tpu.vector_load %arg5[%get3A_981, %get3A_982] {strides = array<i32>} : memref<640x128xf32, #tpu.memory_space<vmem>>, vector<1x16xf32>,
        %get3A_984 = vector.shape_cast %get3A_983 : vector<1x16xf32> to vector<16xf32>
        %max3A_985 = arith.maximumf %select_n3A_980, %get3A_984 : vector<16xf32>
        %broadcast_in_dim3A_986 = arith.constant 0xFF800000 : f32
        %broadcast_in_dim3A_987 = vector.broadcast %broadcast_in_dim3A_986 : f32 to vector<16xf32>
        %select_n3A_988 = arith.select %ne3A_954, %broadcast_in_dim3A_987, %max3A_919 : vector<16xf32>
        %get3A_989 = arith.index_cast %add3A_961 : i32 to index
        %get3A_990 = arith.constant 48 : index
        %get3A_991 = tpu.vector_load %arg5[%get3A_989, %get3A_990] {strides = array<i32>} : memref<640x128xf32, #tpu.memory_space<vmem>>, vector<1x16xf32>,
        %get3A_992 = vector.shape_cast %get3A_991 : vector<1x16xf32> to vector<16xf32>
        %max3A_993 = arith.maximumf %select_n3A_988, %get3A_992 : vector<16xf32>
        %broadcast_in_dim3A_994 = arith.constant 0xFF800000 : f32
        %broadcast_in_dim3A_995 = vector.broadcast %broadcast_in_dim3A_994 : f32 to vector<16xf32>
        %select_n3A_996 = arith.select %ne3A_954, %broadcast_in_dim3A_995, %max3A_927 : vector<16xf32>
        %get3A_997 = arith.index_cast %add3A_961 : i32 to index
        %get3A_998 = arith.constant 64 : index
        %get3A_999 = tpu.vector_load %arg5[%get3A_997, %get3A_998] {strides = array<i32>} : memref<640x128xf32, #tpu.memory_space<vmem>>, vector<1x16xf32>,
        %get3A_1000 = vector.shape_cast %get3A_999 : vector<1x16xf32> to vector<16xf32>
        %max3A_1001 = arith.maximumf %select_n3A_996, %get3A_1000 : vector<16xf32>
        %broadcast_in_dim3A_1002 = arith.constant 0xFF800000 : f32
        %broadcast_in_dim3A_1003 = vector.broadcast %broadcast_in_dim3A_1002 : f32 to vector<16xf32>
        %select_n3A_1004 = arith.select %ne3A_954, %broadcast_in_dim3A_1003, %max3A_935 : vector<16xf32>
        %get3A_1005 = arith.index_cast %add3A_961 : i32 to index
        %get3A_1006 = arith.constant 80 : index
        %get3A_1007 = tpu.vector_load %arg5[%get3A_1005, %get3A_1006] {strides = array<i32>} : memref<640x128xf32, #tpu.memory_space<vmem>>, vector<1x16xf32>,
        %get3A_1008 = vector.shape_cast %get3A_1007 : vector<1x16xf32> to vector<16xf32>
        %max3A_1009 = arith.maximumf %select_n3A_1004, %get3A_1008 : vector<16xf32>
        %broadcast_in_dim3A_1010 = arith.constant 0xFF800000 : f32
        %broadcast_in_dim3A_1011 = vector.broadcast %broadcast_in_dim3A_1010 : f32 to vector<16xf32>
        %select_n3A_1012 = arith.select %ne3A_954, %broadcast_in_dim3A_1011, %max3A_943 : vector<16xf32>
        %get3A_1013 = arith.index_cast %add3A_961 : i32 to index
        %get3A_1014 = arith.constant 96 : index
        %get3A_1015 = tpu.vector_load %arg5[%get3A_1013, %get3A_1014] {strides = array<i32>} : memref<640x128xf32, #tpu.memory_space<vmem>>, vector<1x16xf32>,
        %get3A_1016 = vector.shape_cast %get3A_1015 : vector<1x16xf32> to vector<16xf32>
        %max3A_1017 = arith.maximumf %select_n3A_1012, %get3A_1016 : vector<16xf32>
        %broadcast_in_dim3A_1018 = arith.constant 0xFF800000 : f32
        %broadcast_in_dim3A_1019 = vector.broadcast %broadcast_in_dim3A_1018 : f32 to vector<16xf32>
        %select_n3A_1020 = arith.select %ne3A_954, %broadcast_in_dim3A_1019, %max3A_951 : vector<16xf32>
        %get3A_1021 = arith.index_cast %add3A_961 : i32 to index
        %get3A_1022 = arith.constant 112 : index
        %get3A_1023 = tpu.vector_load %arg5[%get3A_1021, %get3A_1022] {strides = array<i32>} : memref<640x128xf32, #tpu.memory_space<vmem>>, vector<1x16xf32>,
        %get3A_1024 = vector.shape_cast %get3A_1023 : vector<1x16xf32> to vector<16xf32>
        %max3A_1025 = arith.maximumf %select_n3A_1020, %get3A_1024 : vector<16xf32>
        %slice3A_1026 = vector.extract_strided_slice %get3A_143 {offsets = [12], sizes = [1], strides = [1]} : vector<16xi32> to vector<1xi32>
        %squeeze3A_1027 = vector.extract %slice3A_1026[0] : i32 from vector<1xi32>
        %ne3A_1028 = arith.cmpi ne, %squeeze3A_1027, %squeeze3A_953 : i32
        %convert_element_type3A_1029 = arith.extui %ne3A_1028 : i1 to i32
        %cond3A_1030 = arith.constant 0 : i32
        %cond3A_1031 = arith.cmpi ne, %convert_element_type3A_1029, %cond3A_1030 : i32
        scf.if %cond3A_1031 {
          %max3A_1322 = arith.constant 0 : i32
          %max3A_1323 = arith.maxsi %squeeze3A_953, %max3A_1322 : i32
          %get3A_1324 = arith.index_cast %max3A_1323 : i32 to index
          %get3A_1325 = arith.constant 0 : index
          %get3A_1326 = tpu.vector_load %arg7[%get3A_1324, %get3A_1325] {strides = array<i32>} : memref<64x128xf32, #tpu.memory_space<vmem>>, vector<1x16xf32>,
          %get3A_1327 = vector.shape_cast %get3A_1326 : vector<1x16xf32> to vector<16xf32>
          %max3A_1328 = arith.maximumf %get3A_1327, %max3A_969 : vector<16xf32>
          %swap3A_1329 = arith.index_cast %max3A_1323 : i32 to index
          %swap3A_1330 = arith.constant 0 : index
          %swap3A_1331 = tpu.vector_load %arg7[%swap3A_1329, %swap3A_1330] {strides = array<i32>} : memref<64x128xf32, #tpu.memory_space<vmem>>, vector<1x16xf32>,
          %swap3A_1332 = vector.shape_cast %swap3A_1331 : vector<1x16xf32> to vector<16xf32>
          %swap3A_1333 = vector.shape_cast %max3A_1328 : vector<16xf32> to vector<1x16xf32>
          tpu.vector_store %arg7[%swap3A_1329, %swap3A_1330], %swap3A_1333 {strides = array<i32>} : memref<64x128xf32, #tpu.memory_space<vmem>>, vector<1x16xf32>,
          %get3A_1334 = arith.index_cast %max3A_1323 : i32 to index
          %get3A_1335 = arith.constant 16 : index
          %get3A_1336 = tpu.vector_load %arg7[%get3A_1334, %get3A_1335] {strides = array<i32>} : memref<64x128xf32, #tpu.memory_space<vmem>>, vector<1x16xf32>,
          %get3A_1337 = vector.shape_cast %get3A_1336 : vector<1x16xf32> to vector<16xf32>
          %max3A_1338 = arith.maximumf %get3A_1337, %max3A_977 : vector<16xf32>
          %swap3A_1339 = arith.index_cast %max3A_1323 : i32 to index
          %swap3A_1340 = arith.constant 16 : index
          %swap3A_1341 = tpu.vector_load %arg7[%swap3A_1339, %swap3A_1340] {strides = array<i32>} : memref<64x128xf32, #tpu.memory_space<vmem>>, vector<1x16xf32>,
          %swap3A_1342 = vector.shape_cast %swap3A_1341 : vector<1x16xf32> to vector<16xf32>
          %swap3A_1343 = vector.shape_cast %max3A_1338 : vector<16xf32> to vector<1x16xf32>
          tpu.vector_store %arg7[%swap3A_1339, %swap3A_1340], %swap3A_1343 {strides = array<i32>} : memref<64x128xf32, #tpu.memory_space<vmem>>, vector<1x16xf32>,
          %get3A_1344 = arith.index_cast %max3A_1323 : i32 to index
          %get3A_1345 = arith.constant 32 : index
          %get3A_1346 = tpu.vector_load %arg7[%get3A_1344, %get3A_1345] {strides = array<i32>} : memref<64x128xf32, #tpu.memory_space<vmem>>, vector<1x16xf32>,
          %get3A_1347 = vector.shape_cast %get3A_1346 : vector<1x16xf32> to vector<16xf32>
          %max3A_1348 = arith.maximumf %get3A_1347, %max3A_985 : vector<16xf32>
          %swap3A_1349 = arith.index_cast %max3A_1323 : i32 to index
          %swap3A_1350 = arith.constant 32 : index
          %swap3A_1351 = tpu.vector_load %arg7[%swap3A_1349, %swap3A_1350] {strides = array<i32>} : memref<64x128xf32, #tpu.memory_space<vmem>>, vector<1x16xf32>,
          %swap3A_1352 = vector.shape_cast %swap3A_1351 : vector<1x16xf32> to vector<16xf32>
          %swap3A_1353 = vector.shape_cast %max3A_1348 : vector<16xf32> to vector<1x16xf32>
          tpu.vector_store %arg7[%swap3A_1349, %swap3A_1350], %swap3A_1353 {strides = array<i32>} : memref<64x128xf32, #tpu.memory_space<vmem>>, vector<1x16xf32>,
          %get3A_1354 = arith.index_cast %max3A_1323 : i32 to index
          %get3A_1355 = arith.constant 48 : index
          %get3A_1356 = tpu.vector_load %arg7[%get3A_1354, %get3A_1355] {strides = array<i32>} : memref<64x128xf32, #tpu.memory_space<vmem>>, vector<1x16xf32>,
          %get3A_1357 = vector.shape_cast %get3A_1356 : vector<1x16xf32> to vector<16xf32>
          %max3A_1358 = arith.maximumf %get3A_1357, %max3A_993 : vector<16xf32>
          %swap3A_1359 = arith.index_cast %max3A_1323 : i32 to index
          %swap3A_1360 = arith.constant 48 : index
          %swap3A_1361 = tpu.vector_load %arg7[%swap3A_1359, %swap3A_1360] {strides = array<i32>} : memref<64x128xf32, #tpu.memory_space<vmem>>, vector<1x16xf32>,
          %swap3A_1362 = vector.shape_cast %swap3A_1361 : vector<1x16xf32> to vector<16xf32>
          %swap3A_1363 = vector.shape_cast %max3A_1358 : vector<16xf32> to vector<1x16xf32>
          tpu.vector_store %arg7[%swap3A_1359, %swap3A_1360], %swap3A_1363 {strides = array<i32>} : memref<64x128xf32, #tpu.memory_space<vmem>>, vector<1x16xf32>,
          %get3A_1364 = arith.index_cast %max3A_1323 : i32 to index
          %get3A_1365 = arith.constant 64 : index
          %get3A_1366 = tpu.vector_load %arg7[%get3A_1364, %get3A_1365] {strides = array<i32>} : memref<64x128xf32, #tpu.memory_space<vmem>>, vector<1x16xf32>,
          %get3A_1367 = vector.shape_cast %get3A_1366 : vector<1x16xf32> to vector<16xf32>
          %max3A_1368 = arith.maximumf %get3A_1367, %max3A_1001 : vector<16xf32>
          %swap3A_1369 = arith.index_cast %max3A_1323 : i32 to index
          %swap3A_1370 = arith.constant 64 : index
          %swap3A_1371 = tpu.vector_load %arg7[%swap3A_1369, %swap3A_1370] {strides = array<i32>} : memref<64x128xf32, #tpu.memory_space<vmem>>, vector<1x16xf32>,
          %swap3A_1372 = vector.shape_cast %swap3A_1371 : vector<1x16xf32> to vector<16xf32>
          %swap3A_1373 = vector.shape_cast %max3A_1368 : vector<16xf32> to vector<1x16xf32>
          tpu.vector_store %arg7[%swap3A_1369, %swap3A_1370], %swap3A_1373 {strides = array<i32>} : memref<64x128xf32, #tpu.memory_space<vmem>>, vector<1x16xf32>,
          %get3A_1374 = arith.index_cast %max3A_1323 : i32 to index
          %get3A_1375 = arith.constant 80 : index
          %get3A_1376 = tpu.vector_load %arg7[%get3A_1374, %get3A_1375] {strides = array<i32>} : memref<64x128xf32, #tpu.memory_space<vmem>>, vector<1x16xf32>,
          %get3A_1377 = vector.shape_cast %get3A_1376 : vector<1x16xf32> to vector<16xf32>
          %max3A_1378 = arith.maximumf %get3A_1377, %max3A_1009 : vector<16xf32>
          %swap3A_1379 = arith.index_cast %max3A_1323 : i32 to index
          %swap3A_1380 = arith.constant 80 : index
          %swap3A_1381 = tpu.vector_load %arg7[%swap3A_1379, %swap3A_1380] {strides = array<i32>} : memref<64x128xf32, #tpu.memory_space<vmem>>, vector<1x16xf32>,
          %swap3A_1382 = vector.shape_cast %swap3A_1381 : vector<1x16xf32> to vector<16xf32>
          %swap3A_1383 = vector.shape_cast %max3A_1378 : vector<16xf32> to vector<1x16xf32>
          tpu.vector_store %arg7[%swap3A_1379, %swap3A_1380], %swap3A_1383 {strides = array<i32>} : memref<64x128xf32, #tpu.memory_space<vmem>>, vector<1x16xf32>,
          %get3A_1384 = arith.index_cast %max3A_1323 : i32 to index
          %get3A_1385 = arith.constant 96 : index
          %get3A_1386 = tpu.vector_load %arg7[%get3A_1384, %get3A_1385] {strides = array<i32>} : memref<64x128xf32, #tpu.memory_space<vmem>>, vector<1x16xf32>,
          %get3A_1387 = vector.shape_cast %get3A_1386 : vector<1x16xf32> to vector<16xf32>
          %max3A_1388 = arith.maximumf %get3A_1387, %max3A_1017 : vector<16xf32>
          %swap3A_1389 = arith.index_cast %max3A_1323 : i32 to index
          %swap3A_1390 = arith.constant 96 : index
          %swap3A_1391 = tpu.vector_load %arg7[%swap3A_1389, %swap3A_1390] {strides = array<i32>} : memref<64x128xf32, #tpu.memory_space<vmem>>, vector<1x16xf32>,
          %swap3A_1392 = vector.shape_cast %swap3A_1391 : vector<1x16xf32> to vector<16xf32>
          %swap3A_1393 = vector.shape_cast %max3A_1388 : vector<16xf32> to vector<1x16xf32>
          tpu.vector_store %arg7[%swap3A_1389, %swap3A_1390], %swap3A_1393 {strides = array<i32>} : memref<64x128xf32, #tpu.memory_space<vmem>>, vector<1x16xf32>,
          %get3A_1394 = arith.index_cast %max3A_1323 : i32 to index
          %get3A_1395 = arith.constant 112 : index
          %get3A_1396 = tpu.vector_load %arg7[%get3A_1394, %get3A_1395] {strides = array<i32>} : memref<64x128xf32, #tpu.memory_space<vmem>>, vector<1x16xf32>,
          %get3A_1397 = vector.shape_cast %get3A_1396 : vector<1x16xf32> to vector<16xf32>
          %max3A_1398 = arith.maximumf %get3A_1397, %max3A_1025 : vector<16xf32>
          %swap3A_1399 = arith.index_cast %max3A_1323 : i32 to index
          %swap3A_1400 = arith.constant 112 : index
          %swap3A_1401 = tpu.vector_load %arg7[%swap3A_1399, %swap3A_1400] {strides = array<i32>} : memref<64x128xf32, #tpu.memory_space<vmem>>, vector<1x16xf32>,
          %swap3A_1402 = vector.shape_cast %swap3A_1401 : vector<1x16xf32> to vector<16xf32>
          %swap3A_1403 = vector.shape_cast %max3A_1398 : vector<16xf32> to vector<1x16xf32>
          tpu.vector_store %arg7[%swap3A_1399, %swap3A_1400], %swap3A_1403 {strides = array<i32>} : memref<64x128xf32, #tpu.memory_space<vmem>>, vector<1x16xf32>,
        } else {
        }
        %mul3A_1032 = arith.constant 16 : i32
        %mul3A_1033 = arith.muli %scan3A_129, %mul3A_1032 : i32
        %add3A_1034 = arith.constant 12 : i32
        %add3A_1035 = arith.addi %mul3A_1033, %add3A_1034 : i32
        %broadcast_in_dim3A_1036 = arith.constant 0xFF800000 : f32
        %broadcast_in_dim3A_1037 = vector.broadcast %broadcast_in_dim3A_1036 : f32 to vector<16xf32>
        %select_n3A_1038 = arith.select %ne3A_1028, %broadcast_in_dim3A_1037, %max3A_969 : vector<16xf32>
        %get3A_1039 = arith.index_cast %add3A_1035 : i32 to index
        %get3A_1040 = arith.constant 0 : index
        %get3A_1041 = tpu.vector_load %arg5[%get3A_1039, %get3A_1040] {strides = array<i32>} : memref<640x128xf32, #tpu.memory_space<vmem>>, vector<1x16xf32>,
        %get3A_1042 = vector.shape_cast %get3A_1041 : vector<1x16xf32> to vector<16xf32>
        %max3A_1043 = arith.maximumf %select_n3A_1038, %get3A_1042 : vector<16xf32>
        %broadcast_in_dim3A_1044 = arith.constant 0xFF800000 : f32
        %broadcast_in_dim3A_1045 = vector.broadcast %broadcast_in_dim3A_1044 : f32 to vector<16xf32>
        %select_n3A_1046 = arith.select %ne3A_1028, %broadcast_in_dim3A_1045, %max3A_977 : vector<16xf32>
        %get3A_1047 = arith.index_cast %add3A_1035 : i32 to index
        %get3A_1048 = arith.constant 16 : index
        %get3A_1049 = tpu.vector_load %arg5[%get3A_1047, %get3A_1048] {strides = array<i32>} : memref<640x128xf32, #tpu.memory_space<vmem>>, vector<1x16xf32>,
        %get3A_1050 = vector.shape_cast %get3A_1049 : vector<1x16xf32> to vector<16xf32>
        %max3A_1051 = arith.maximumf %select_n3A_1046, %get3A_1050 : vector<16xf32>
        %broadcast_in_dim3A_1052 = arith.constant 0xFF800000 : f32
        %broadcast_in_dim3A_1053 = vector.broadcast %broadcast_in_dim3A_1052 : f32 to vector<16xf32>
        %select_n3A_1054 = arith.select %ne3A_1028, %broadcast_in_dim3A_1053, %max3A_985 : vector<16xf32>
        %get3A_1055 = arith.index_cast %add3A_1035 : i32 to index
        %get3A_1056 = arith.constant 32 : index
        %get3A_1057 = tpu.vector_load %arg5[%get3A_1055, %get3A_1056] {strides = array<i32>} : memref<640x128xf32, #tpu.memory_space<vmem>>, vector<1x16xf32>,
        %get3A_1058 = vector.shape_cast %get3A_1057 : vector<1x16xf32> to vector<16xf32>
        %max3A_1059 = arith.maximumf %select_n3A_1054, %get3A_1058 : vector<16xf32>
        %broadcast_in_dim3A_1060 = arith.constant 0xFF800000 : f32
        %broadcast_in_dim3A_1061 = vector.broadcast %broadcast_in_dim3A_1060 : f32 to vector<16xf32>
        %select_n3A_1062 = arith.select %ne3A_1028, %broadcast_in_dim3A_1061, %max3A_993 : vector<16xf32>
        %get3A_1063 = arith.index_cast %add3A_1035 : i32 to index
        %get3A_1064 = arith.constant 48 : index
        %get3A_1065 = tpu.vector_load %arg5[%get3A_1063, %get3A_1064] {strides = array<i32>} : memref<640x128xf32, #tpu.memory_space<vmem>>, vector<1x16xf32>,
        %get3A_1066 = vector.shape_cast %get3A_1065 : vector<1x16xf32> to vector<16xf32>
        %max3A_1067 = arith.maximumf %select_n3A_1062, %get3A_1066 : vector<16xf32>
        %broadcast_in_dim3A_1068 = arith.constant 0xFF800000 : f32
        %broadcast_in_dim3A_1069 = vector.broadcast %broadcast_in_dim3A_1068 : f32 to vector<16xf32>
        %select_n3A_1070 = arith.select %ne3A_1028, %broadcast_in_dim3A_1069, %max3A_1001 : vector<16xf32>
        %get3A_1071 = arith.index_cast %add3A_1035 : i32 to index
        %get3A_1072 = arith.constant 64 : index
        %get3A_1073 = tpu.vector_load %arg5[%get3A_1071, %get3A_1072] {strides = array<i32>} : memref<640x128xf32, #tpu.memory_space<vmem>>, vector<1x16xf32>,
        %get3A_1074 = vector.shape_cast %get3A_1073 : vector<1x16xf32> to vector<16xf32>
        %max3A_1075 = arith.maximumf %select_n3A_1070, %get3A_1074 : vector<16xf32>
        %broadcast_in_dim3A_1076 = arith.constant 0xFF800000 : f32
        %broadcast_in_dim3A_1077 = vector.broadcast %broadcast_in_dim3A_1076 : f32 to vector<16xf32>
        %select_n3A_1078 = arith.select %ne3A_1028, %broadcast_in_dim3A_1077, %max3A_1009 : vector<16xf32>
        %get3A_1079 = arith.index_cast %add3A_1035 : i32 to index
        %get3A_1080 = arith.constant 80 : index
        %get3A_1081 = tpu.vector_load %arg5[%get3A_1079, %get3A_1080] {strides = array<i32>} : memref<640x128xf32, #tpu.memory_space<vmem>>, vector<1x16xf32>,
        %get3A_1082 = vector.shape_cast %get3A_1081 : vector<1x16xf32> to vector<16xf32>
        %max3A_1083 = arith.maximumf %select_n3A_1078, %get3A_1082 : vector<16xf32>
        %broadcast_in_dim3A_1084 = arith.constant 0xFF800000 : f32
        %broadcast_in_dim3A_1085 = vector.broadcast %broadcast_in_dim3A_1084 : f32 to vector<16xf32>
        %select_n3A_1086 = arith.select %ne3A_1028, %broadcast_in_dim3A_1085, %max3A_1017 : vector<16xf32>
        %get3A_1087 = arith.index_cast %add3A_1035 : i32 to index
        %get3A_1088 = arith.constant 96 : index
        %get3A_1089 = tpu.vector_load %arg5[%get3A_1087, %get3A_1088] {strides = array<i32>} : memref<640x128xf32, #tpu.memory_space<vmem>>, vector<1x16xf32>,
        %get3A_1090 = vector.shape_cast %get3A_1089 : vector<1x16xf32> to vector<16xf32>
        %max3A_1091 = arith.maximumf %select_n3A_1086, %get3A_1090 : vector<16xf32>
        %broadcast_in_dim3A_1092 = arith.constant 0xFF800000 : f32
        %broadcast_in_dim3A_1093 = vector.broadcast %broadcast_in_dim3A_1092 : f32 to vector<16xf32>
        %select_n3A_1094 = arith.select %ne3A_1028, %broadcast_in_dim3A_1093, %max3A_1025 : vector<16xf32>
        %get3A_1095 = arith.index_cast %add3A_1035 : i32 to index
        %get3A_1096 = arith.constant 112 : index
        %get3A_1097 = tpu.vector_load %arg5[%get3A_1095, %get3A_1096] {strides = array<i32>} : memref<640x128xf32, #tpu.memory_space<vmem>>, vector<1x16xf32>,
        %get3A_1098 = vector.shape_cast %get3A_1097 : vector<1x16xf32> to vector<16xf32>
        %max3A_1099 = arith.maximumf %select_n3A_1094, %get3A_1098 : vector<16xf32>
        %slice3A_1100 = vector.extract_strided_slice %get3A_143 {offsets = [13], sizes = [1], strides = [1]} : vector<16xi32> to vector<1xi32>
        %squeeze3A_1101 = vector.extract %slice3A_1100[0] : i32 from vector<1xi32>
        %ne3A_1102 = arith.cmpi ne, %squeeze3A_1101, %squeeze3A_1027 : i32
        %convert_element_type3A_1103 = arith.extui %ne3A_1102 : i1 to i32
        %cond3A_1104 = arith.constant 0 : i32
        %cond3A_1105 = arith.cmpi ne, %convert_element_type3A_1103, %cond3A_1104 : i32
        scf.if %cond3A_1105 {
          %max3A_1322 = arith.constant 0 : i32
          %max3A_1323 = arith.maxsi %squeeze3A_1027, %max3A_1322 : i32
          %get3A_1324 = arith.index_cast %max3A_1323 : i32 to index
          %get3A_1325 = arith.constant 0 : index
          %get3A_1326 = tpu.vector_load %arg7[%get3A_1324, %get3A_1325] {strides = array<i32>} : memref<64x128xf32, #tpu.memory_space<vmem>>, vector<1x16xf32>,
          %get3A_1327 = vector.shape_cast %get3A_1326 : vector<1x16xf32> to vector<16xf32>
          %max3A_1328 = arith.maximumf %get3A_1327, %max3A_1043 : vector<16xf32>
          %swap3A_1329 = arith.index_cast %max3A_1323 : i32 to index
          %swap3A_1330 = arith.constant 0 : index
          %swap3A_1331 = tpu.vector_load %arg7[%swap3A_1329, %swap3A_1330] {strides = array<i32>} : memref<64x128xf32, #tpu.memory_space<vmem>>, vector<1x16xf32>,
          %swap3A_1332 = vector.shape_cast %swap3A_1331 : vector<1x16xf32> to vector<16xf32>
          %swap3A_1333 = vector.shape_cast %max3A_1328 : vector<16xf32> to vector<1x16xf32>
          tpu.vector_store %arg7[%swap3A_1329, %swap3A_1330], %swap3A_1333 {strides = array<i32>} : memref<64x128xf32, #tpu.memory_space<vmem>>, vector<1x16xf32>,
          %get3A_1334 = arith.index_cast %max3A_1323 : i32 to index
          %get3A_1335 = arith.constant 16 : index
          %get3A_1336 = tpu.vector_load %arg7[%get3A_1334, %get3A_1335] {strides = array<i32>} : memref<64x128xf32, #tpu.memory_space<vmem>>, vector<1x16xf32>,
          %get3A_1337 = vector.shape_cast %get3A_1336 : vector<1x16xf32> to vector<16xf32>
          %max3A_1338 = arith.maximumf %get3A_1337, %max3A_1051 : vector<16xf32>
          %swap3A_1339 = arith.index_cast %max3A_1323 : i32 to index
          %swap3A_1340 = arith.constant 16 : index
          %swap3A_1341 = tpu.vector_load %arg7[%swap3A_1339, %swap3A_1340] {strides = array<i32>} : memref<64x128xf32, #tpu.memory_space<vmem>>, vector<1x16xf32>,
          %swap3A_1342 = vector.shape_cast %swap3A_1341 : vector<1x16xf32> to vector<16xf32>
          %swap3A_1343 = vector.shape_cast %max3A_1338 : vector<16xf32> to vector<1x16xf32>
          tpu.vector_store %arg7[%swap3A_1339, %swap3A_1340], %swap3A_1343 {strides = array<i32>} : memref<64x128xf32, #tpu.memory_space<vmem>>, vector<1x16xf32>,
          %get3A_1344 = arith.index_cast %max3A_1323 : i32 to index
          %get3A_1345 = arith.constant 32 : index
          %get3A_1346 = tpu.vector_load %arg7[%get3A_1344, %get3A_1345] {strides = array<i32>} : memref<64x128xf32, #tpu.memory_space<vmem>>, vector<1x16xf32>,
          %get3A_1347 = vector.shape_cast %get3A_1346 : vector<1x16xf32> to vector<16xf32>
          %max3A_1348 = arith.maximumf %get3A_1347, %max3A_1059 : vector<16xf32>
          %swap3A_1349 = arith.index_cast %max3A_1323 : i32 to index
          %swap3A_1350 = arith.constant 32 : index
          %swap3A_1351 = tpu.vector_load %arg7[%swap3A_1349, %swap3A_1350] {strides = array<i32>} : memref<64x128xf32, #tpu.memory_space<vmem>>, vector<1x16xf32>,
          %swap3A_1352 = vector.shape_cast %swap3A_1351 : vector<1x16xf32> to vector<16xf32>
          %swap3A_1353 = vector.shape_cast %max3A_1348 : vector<16xf32> to vector<1x16xf32>
          tpu.vector_store %arg7[%swap3A_1349, %swap3A_1350], %swap3A_1353 {strides = array<i32>} : memref<64x128xf32, #tpu.memory_space<vmem>>, vector<1x16xf32>,
          %get3A_1354 = arith.index_cast %max3A_1323 : i32 to index
          %get3A_1355 = arith.constant 48 : index
          %get3A_1356 = tpu.vector_load %arg7[%get3A_1354, %get3A_1355] {strides = array<i32>} : memref<64x128xf32, #tpu.memory_space<vmem>>, vector<1x16xf32>,
          %get3A_1357 = vector.shape_cast %get3A_1356 : vector<1x16xf32> to vector<16xf32>
          %max3A_1358 = arith.maximumf %get3A_1357, %max3A_1067 : vector<16xf32>
          %swap3A_1359 = arith.index_cast %max3A_1323 : i32 to index
          %swap3A_1360 = arith.constant 48 : index
          %swap3A_1361 = tpu.vector_load %arg7[%swap3A_1359, %swap3A_1360] {strides = array<i32>} : memref<64x128xf32, #tpu.memory_space<vmem>>, vector<1x16xf32>,
          %swap3A_1362 = vector.shape_cast %swap3A_1361 : vector<1x16xf32> to vector<16xf32>
          %swap3A_1363 = vector.shape_cast %max3A_1358 : vector<16xf32> to vector<1x16xf32>
          tpu.vector_store %arg7[%swap3A_1359, %swap3A_1360], %swap3A_1363 {strides = array<i32>} : memref<64x128xf32, #tpu.memory_space<vmem>>, vector<1x16xf32>,
          %get3A_1364 = arith.index_cast %max3A_1323 : i32 to index
          %get3A_1365 = arith.constant 64 : index
          %get3A_1366 = tpu.vector_load %arg7[%get3A_1364, %get3A_1365] {strides = array<i32>} : memref<64x128xf32, #tpu.memory_space<vmem>>, vector<1x16xf32>,
          %get3A_1367 = vector.shape_cast %get3A_1366 : vector<1x16xf32> to vector<16xf32>
          %max3A_1368 = arith.maximumf %get3A_1367, %max3A_1075 : vector<16xf32>
          %swap3A_1369 = arith.index_cast %max3A_1323 : i32 to index
          %swap3A_1370 = arith.constant 64 : index
          %swap3A_1371 = tpu.vector_load %arg7[%swap3A_1369, %swap3A_1370] {strides = array<i32>} : memref<64x128xf32, #tpu.memory_space<vmem>>, vector<1x16xf32>,
          %swap3A_1372 = vector.shape_cast %swap3A_1371 : vector<1x16xf32> to vector<16xf32>
          %swap3A_1373 = vector.shape_cast %max3A_1368 : vector<16xf32> to vector<1x16xf32>
          tpu.vector_store %arg7[%swap3A_1369, %swap3A_1370], %swap3A_1373 {strides = array<i32>} : memref<64x128xf32, #tpu.memory_space<vmem>>, vector<1x16xf32>,
          %get3A_1374 = arith.index_cast %max3A_1323 : i32 to index
          %get3A_1375 = arith.constant 80 : index
          %get3A_1376 = tpu.vector_load %arg7[%get3A_1374, %get3A_1375] {strides = array<i32>} : memref<64x128xf32, #tpu.memory_space<vmem>>, vector<1x16xf32>,
          %get3A_1377 = vector.shape_cast %get3A_1376 : vector<1x16xf32> to vector<16xf32>
          %max3A_1378 = arith.maximumf %get3A_1377, %max3A_1083 : vector<16xf32>
          %swap3A_1379 = arith.index_cast %max3A_1323 : i32 to index
          %swap3A_1380 = arith.constant 80 : index
          %swap3A_1381 = tpu.vector_load %arg7[%swap3A_1379, %swap3A_1380] {strides = array<i32>} : memref<64x128xf32, #tpu.memory_space<vmem>>, vector<1x16xf32>,
          %swap3A_1382 = vector.shape_cast %swap3A_1381 : vector<1x16xf32> to vector<16xf32>
          %swap3A_1383 = vector.shape_cast %max3A_1378 : vector<16xf32> to vector<1x16xf32>
          tpu.vector_store %arg7[%swap3A_1379, %swap3A_1380], %swap3A_1383 {strides = array<i32>} : memref<64x128xf32, #tpu.memory_space<vmem>>, vector<1x16xf32>,
          %get3A_1384 = arith.index_cast %max3A_1323 : i32 to index
          %get3A_1385 = arith.constant 96 : index
          %get3A_1386 = tpu.vector_load %arg7[%get3A_1384, %get3A_1385] {strides = array<i32>} : memref<64x128xf32, #tpu.memory_space<vmem>>, vector<1x16xf32>,
          %get3A_1387 = vector.shape_cast %get3A_1386 : vector<1x16xf32> to vector<16xf32>
          %max3A_1388 = arith.maximumf %get3A_1387, %max3A_1091 : vector<16xf32>
          %swap3A_1389 = arith.index_cast %max3A_1323 : i32 to index
          %swap3A_1390 = arith.constant 96 : index
          %swap3A_1391 = tpu.vector_load %arg7[%swap3A_1389, %swap3A_1390] {strides = array<i32>} : memref<64x128xf32, #tpu.memory_space<vmem>>, vector<1x16xf32>,
          %swap3A_1392 = vector.shape_cast %swap3A_1391 : vector<1x16xf32> to vector<16xf32>
          %swap3A_1393 = vector.shape_cast %max3A_1388 : vector<16xf32> to vector<1x16xf32>
          tpu.vector_store %arg7[%swap3A_1389, %swap3A_1390], %swap3A_1393 {strides = array<i32>} : memref<64x128xf32, #tpu.memory_space<vmem>>, vector<1x16xf32>,
          %get3A_1394 = arith.index_cast %max3A_1323 : i32 to index
          %get3A_1395 = arith.constant 112 : index
          %get3A_1396 = tpu.vector_load %arg7[%get3A_1394, %get3A_1395] {strides = array<i32>} : memref<64x128xf32, #tpu.memory_space<vmem>>, vector<1x16xf32>,
          %get3A_1397 = vector.shape_cast %get3A_1396 : vector<1x16xf32> to vector<16xf32>
          %max3A_1398 = arith.maximumf %get3A_1397, %max3A_1099 : vector<16xf32>
          %swap3A_1399 = arith.index_cast %max3A_1323 : i32 to index
          %swap3A_1400 = arith.constant 112 : index
          %swap3A_1401 = tpu.vector_load %arg7[%swap3A_1399, %swap3A_1400] {strides = array<i32>} : memref<64x128xf32, #tpu.memory_space<vmem>>, vector<1x16xf32>,
          %swap3A_1402 = vector.shape_cast %swap3A_1401 : vector<1x16xf32> to vector<16xf32>
          %swap3A_1403 = vector.shape_cast %max3A_1398 : vector<16xf32> to vector<1x16xf32>
          tpu.vector_store %arg7[%swap3A_1399, %swap3A_1400], %swap3A_1403 {strides = array<i32>} : memref<64x128xf32, #tpu.memory_space<vmem>>, vector<1x16xf32>,
        } else {
        }
        %mul3A_1106 = arith.constant 16 : i32
        %mul3A_1107 = arith.muli %scan3A_129, %mul3A_1106 : i32
        %add3A_1108 = arith.constant 13 : i32
        %add3A_1109 = arith.addi %mul3A_1107, %add3A_1108 : i32
        %broadcast_in_dim3A_1110 = arith.constant 0xFF800000 : f32
        %broadcast_in_dim3A_1111 = vector.broadcast %broadcast_in_dim3A_1110 : f32 to vector<16xf32>
        %select_n3A_1112 = arith.select %ne3A_1102, %broadcast_in_dim3A_1111, %max3A_1043 : vector<16xf32>
        %get3A_1113 = arith.index_cast %add3A_1109 : i32 to index
        %get3A_1114 = arith.constant 0 : index
        %get3A_1115 = tpu.vector_load %arg5[%get3A_1113, %get3A_1114] {strides = array<i32>} : memref<640x128xf32, #tpu.memory_space<vmem>>, vector<1x16xf32>,
        %get3A_1116 = vector.shape_cast %get3A_1115 : vector<1x16xf32> to vector<16xf32>
        %max3A_1117 = arith.maximumf %select_n3A_1112, %get3A_1116 : vector<16xf32>
        %broadcast_in_dim3A_1118 = arith.constant 0xFF800000 : f32
        %broadcast_in_dim3A_1119 = vector.broadcast %broadcast_in_dim3A_1118 : f32 to vector<16xf32>
        %select_n3A_1120 = arith.select %ne3A_1102, %broadcast_in_dim3A_1119, %max3A_1051 : vector<16xf32>
        %get3A_1121 = arith.index_cast %add3A_1109 : i32 to index
        %get3A_1122 = arith.constant 16 : index
        %get3A_1123 = tpu.vector_load %arg5[%get3A_1121, %get3A_1122] {strides = array<i32>} : memref<640x128xf32, #tpu.memory_space<vmem>>, vector<1x16xf32>,
        %get3A_1124 = vector.shape_cast %get3A_1123 : vector<1x16xf32> to vector<16xf32>
        %max3A_1125 = arith.maximumf %select_n3A_1120, %get3A_1124 : vector<16xf32>
        %broadcast_in_dim3A_1126 = arith.constant 0xFF800000 : f32
        %broadcast_in_dim3A_1127 = vector.broadcast %broadcast_in_dim3A_1126 : f32 to vector<16xf32>
        %select_n3A_1128 = arith.select %ne3A_1102, %broadcast_in_dim3A_1127, %max3A_1059 : vector<16xf32>
        %get3A_1129 = arith.index_cast %add3A_1109 : i32 to index
        %get3A_1130 = arith.constant 32 : index
        %get3A_1131 = tpu.vector_load %arg5[%get3A_1129, %get3A_1130] {strides = array<i32>} : memref<640x128xf32, #tpu.memory_space<vmem>>, vector<1x16xf32>,
        %get3A_1132 = vector.shape_cast %get3A_1131 : vector<1x16xf32> to vector<16xf32>
        %max3A_1133 = arith.maximumf %select_n3A_1128, %get3A_1132 : vector<16xf32>
        %broadcast_in_dim3A_1134 = arith.constant 0xFF800000 : f32
        %broadcast_in_dim3A_1135 = vector.broadcast %broadcast_in_dim3A_1134 : f32 to vector<16xf32>
        %select_n3A_1136 = arith.select %ne3A_1102, %broadcast_in_dim3A_1135, %max3A_1067 : vector<16xf32>
        %get3A_1137 = arith.index_cast %add3A_1109 : i32 to index
        %get3A_1138 = arith.constant 48 : index
        %get3A_1139 = tpu.vector_load %arg5[%get3A_1137, %get3A_1138] {strides = array<i32>} : memref<640x128xf32, #tpu.memory_space<vmem>>, vector<1x16xf32>,
        %get3A_1140 = vector.shape_cast %get3A_1139 : vector<1x16xf32> to vector<16xf32>
        %max3A_1141 = arith.maximumf %select_n3A_1136, %get3A_1140 : vector<16xf32>
        %broadcast_in_dim3A_1142 = arith.constant 0xFF800000 : f32
        %broadcast_in_dim3A_1143 = vector.broadcast %broadcast_in_dim3A_1142 : f32 to vector<16xf32>
        %select_n3A_1144 = arith.select %ne3A_1102, %broadcast_in_dim3A_1143, %max3A_1075 : vector<16xf32>
        %get3A_1145 = arith.index_cast %add3A_1109 : i32 to index
        %get3A_1146 = arith.constant 64 : index
        %get3A_1147 = tpu.vector_load %arg5[%get3A_1145, %get3A_1146] {strides = array<i32>} : memref<640x128xf32, #tpu.memory_space<vmem>>, vector<1x16xf32>,
        %get3A_1148 = vector.shape_cast %get3A_1147 : vector<1x16xf32> to vector<16xf32>
        %max3A_1149 = arith.maximumf %select_n3A_1144, %get3A_1148 : vector<16xf32>
        %broadcast_in_dim3A_1150 = arith.constant 0xFF800000 : f32
        %broadcast_in_dim3A_1151 = vector.broadcast %broadcast_in_dim3A_1150 : f32 to vector<16xf32>
        %select_n3A_1152 = arith.select %ne3A_1102, %broadcast_in_dim3A_1151, %max3A_1083 : vector<16xf32>
        %get3A_1153 = arith.index_cast %add3A_1109 : i32 to index
        %get3A_1154 = arith.constant 80 : index
        %get3A_1155 = tpu.vector_load %arg5[%get3A_1153, %get3A_1154] {strides = array<i32>} : memref<640x128xf32, #tpu.memory_space<vmem>>, vector<1x16xf32>,
        %get3A_1156 = vector.shape_cast %get3A_1155 : vector<1x16xf32> to vector<16xf32>
        %max3A_1157 = arith.maximumf %select_n3A_1152, %get3A_1156 : vector<16xf32>
        %broadcast_in_dim3A_1158 = arith.constant 0xFF800000 : f32
        %broadcast_in_dim3A_1159 = vector.broadcast %broadcast_in_dim3A_1158 : f32 to vector<16xf32>
        %select_n3A_1160 = arith.select %ne3A_1102, %broadcast_in_dim3A_1159, %max3A_1091 : vector<16xf32>
        %get3A_1161 = arith.index_cast %add3A_1109 : i32 to index
        %get3A_1162 = arith.constant 96 : index
        %get3A_1163 = tpu.vector_load %arg5[%get3A_1161, %get3A_1162] {strides = array<i32>} : memref<640x128xf32, #tpu.memory_space<vmem>>, vector<1x16xf32>,
        %get3A_1164 = vector.shape_cast %get3A_1163 : vector<1x16xf32> to vector<16xf32>
        %max3A_1165 = arith.maximumf %select_n3A_1160, %get3A_1164 : vector<16xf32>
        %broadcast_in_dim3A_1166 = arith.constant 0xFF800000 : f32
        %broadcast_in_dim3A_1167 = vector.broadcast %broadcast_in_dim3A_1166 : f32 to vector<16xf32>
        %select_n3A_1168 = arith.select %ne3A_1102, %broadcast_in_dim3A_1167, %max3A_1099 : vector<16xf32>
        %get3A_1169 = arith.index_cast %add3A_1109 : i32 to index
        %get3A_1170 = arith.constant 112 : index
        %get3A_1171 = tpu.vector_load %arg5[%get3A_1169, %get3A_1170] {strides = array<i32>} : memref<640x128xf32, #tpu.memory_space<vmem>>, vector<1x16xf32>,
        %get3A_1172 = vector.shape_cast %get3A_1171 : vector<1x16xf32> to vector<16xf32>
        %max3A_1173 = arith.maximumf %select_n3A_1168, %get3A_1172 : vector<16xf32>
        %slice3A_1174 = vector.extract_strided_slice %get3A_143 {offsets = [14], sizes = [1], strides = [1]} : vector<16xi32> to vector<1xi32>
        %squeeze3A_1175 = vector.extract %slice3A_1174[0] : i32 from vector<1xi32>
        %ne3A_1176 = arith.cmpi ne, %squeeze3A_1175, %squeeze3A_1101 : i32
        %convert_element_type3A_1177 = arith.extui %ne3A_1176 : i1 to i32
        %cond3A_1178 = arith.constant 0 : i32
        %cond3A_1179 = arith.cmpi ne, %convert_element_type3A_1177, %cond3A_1178 : i32
        scf.if %cond3A_1179 {
          %max3A_1322 = arith.constant 0 : i32
          %max3A_1323 = arith.maxsi %squeeze3A_1101, %max3A_1322 : i32
          %get3A_1324 = arith.index_cast %max3A_1323 : i32 to index
          %get3A_1325 = arith.constant 0 : index
          %get3A_1326 = tpu.vector_load %arg7[%get3A_1324, %get3A_1325] {strides = array<i32>} : memref<64x128xf32, #tpu.memory_space<vmem>>, vector<1x16xf32>,
          %get3A_1327 = vector.shape_cast %get3A_1326 : vector<1x16xf32> to vector<16xf32>
          %max3A_1328 = arith.maximumf %get3A_1327, %max3A_1117 : vector<16xf32>
          %swap3A_1329 = arith.index_cast %max3A_1323 : i32 to index
          %swap3A_1330 = arith.constant 0 : index
          %swap3A_1331 = tpu.vector_load %arg7[%swap3A_1329, %swap3A_1330] {strides = array<i32>} : memref<64x128xf32, #tpu.memory_space<vmem>>, vector<1x16xf32>,
          %swap3A_1332 = vector.shape_cast %swap3A_1331 : vector<1x16xf32> to vector<16xf32>
          %swap3A_1333 = vector.shape_cast %max3A_1328 : vector<16xf32> to vector<1x16xf32>
          tpu.vector_store %arg7[%swap3A_1329, %swap3A_1330], %swap3A_1333 {strides = array<i32>} : memref<64x128xf32, #tpu.memory_space<vmem>>, vector<1x16xf32>,
          %get3A_1334 = arith.index_cast %max3A_1323 : i32 to index
          %get3A_1335 = arith.constant 16 : index
          %get3A_1336 = tpu.vector_load %arg7[%get3A_1334, %get3A_1335] {strides = array<i32>} : memref<64x128xf32, #tpu.memory_space<vmem>>, vector<1x16xf32>,
          %get3A_1337 = vector.shape_cast %get3A_1336 : vector<1x16xf32> to vector<16xf32>
          %max3A_1338 = arith.maximumf %get3A_1337, %max3A_1125 : vector<16xf32>
          %swap3A_1339 = arith.index_cast %max3A_1323 : i32 to index
          %swap3A_1340 = arith.constant 16 : index
          %swap3A_1341 = tpu.vector_load %arg7[%swap3A_1339, %swap3A_1340] {strides = array<i32>} : memref<64x128xf32, #tpu.memory_space<vmem>>, vector<1x16xf32>,
          %swap3A_1342 = vector.shape_cast %swap3A_1341 : vector<1x16xf32> to vector<16xf32>
          %swap3A_1343 = vector.shape_cast %max3A_1338 : vector<16xf32> to vector<1x16xf32>
          tpu.vector_store %arg7[%swap3A_1339, %swap3A_1340], %swap3A_1343 {strides = array<i32>} : memref<64x128xf32, #tpu.memory_space<vmem>>, vector<1x16xf32>,
          %get3A_1344 = arith.index_cast %max3A_1323 : i32 to index
          %get3A_1345 = arith.constant 32 : index
          %get3A_1346 = tpu.vector_load %arg7[%get3A_1344, %get3A_1345] {strides = array<i32>} : memref<64x128xf32, #tpu.memory_space<vmem>>, vector<1x16xf32>,
          %get3A_1347 = vector.shape_cast %get3A_1346 : vector<1x16xf32> to vector<16xf32>
          %max3A_1348 = arith.maximumf %get3A_1347, %max3A_1133 : vector<16xf32>
          %swap3A_1349 = arith.index_cast %max3A_1323 : i32 to index
          %swap3A_1350 = arith.constant 32 : index
          %swap3A_1351 = tpu.vector_load %arg7[%swap3A_1349, %swap3A_1350] {strides = array<i32>} : memref<64x128xf32, #tpu.memory_space<vmem>>, vector<1x16xf32>,
          %swap3A_1352 = vector.shape_cast %swap3A_1351 : vector<1x16xf32> to vector<16xf32>
          %swap3A_1353 = vector.shape_cast %max3A_1348 : vector<16xf32> to vector<1x16xf32>
          tpu.vector_store %arg7[%swap3A_1349, %swap3A_1350], %swap3A_1353 {strides = array<i32>} : memref<64x128xf32, #tpu.memory_space<vmem>>, vector<1x16xf32>,
          %get3A_1354 = arith.index_cast %max3A_1323 : i32 to index
          %get3A_1355 = arith.constant 48 : index
          %get3A_1356 = tpu.vector_load %arg7[%get3A_1354, %get3A_1355] {strides = array<i32>} : memref<64x128xf32, #tpu.memory_space<vmem>>, vector<1x16xf32>,
          %get3A_1357 = vector.shape_cast %get3A_1356 : vector<1x16xf32> to vector<16xf32>
          %max3A_1358 = arith.maximumf %get3A_1357, %max3A_1141 : vector<16xf32>
          %swap3A_1359 = arith.index_cast %max3A_1323 : i32 to index
          %swap3A_1360 = arith.constant 48 : index
          %swap3A_1361 = tpu.vector_load %arg7[%swap3A_1359, %swap3A_1360] {strides = array<i32>} : memref<64x128xf32, #tpu.memory_space<vmem>>, vector<1x16xf32>,
          %swap3A_1362 = vector.shape_cast %swap3A_1361 : vector<1x16xf32> to vector<16xf32>
          %swap3A_1363 = vector.shape_cast %max3A_1358 : vector<16xf32> to vector<1x16xf32>
          tpu.vector_store %arg7[%swap3A_1359, %swap3A_1360], %swap3A_1363 {strides = array<i32>} : memref<64x128xf32, #tpu.memory_space<vmem>>, vector<1x16xf32>,
          %get3A_1364 = arith.index_cast %max3A_1323 : i32 to index
          %get3A_1365 = arith.constant 64 : index
          %get3A_1366 = tpu.vector_load %arg7[%get3A_1364, %get3A_1365] {strides = array<i32>} : memref<64x128xf32, #tpu.memory_space<vmem>>, vector<1x16xf32>,
          %get3A_1367 = vector.shape_cast %get3A_1366 : vector<1x16xf32> to vector<16xf32>
          %max3A_1368 = arith.maximumf %get3A_1367, %max3A_1149 : vector<16xf32>
          %swap3A_1369 = arith.index_cast %max3A_1323 : i32 to index
          %swap3A_1370 = arith.constant 64 : index
          %swap3A_1371 = tpu.vector_load %arg7[%swap3A_1369, %swap3A_1370] {strides = array<i32>} : memref<64x128xf32, #tpu.memory_space<vmem>>, vector<1x16xf32>,
          %swap3A_1372 = vector.shape_cast %swap3A_1371 : vector<1x16xf32> to vector<16xf32>
          %swap3A_1373 = vector.shape_cast %max3A_1368 : vector<16xf32> to vector<1x16xf32>
          tpu.vector_store %arg7[%swap3A_1369, %swap3A_1370], %swap3A_1373 {strides = array<i32>} : memref<64x128xf32, #tpu.memory_space<vmem>>, vector<1x16xf32>,
          %get3A_1374 = arith.index_cast %max3A_1323 : i32 to index
          %get3A_1375 = arith.constant 80 : index
          %get3A_1376 = tpu.vector_load %arg7[%get3A_1374, %get3A_1375] {strides = array<i32>} : memref<64x128xf32, #tpu.memory_space<vmem>>, vector<1x16xf32>,
          %get3A_1377 = vector.shape_cast %get3A_1376 : vector<1x16xf32> to vector<16xf32>
          %max3A_1378 = arith.maximumf %get3A_1377, %max3A_1157 : vector<16xf32>
          %swap3A_1379 = arith.index_cast %max3A_1323 : i32 to index
          %swap3A_1380 = arith.constant 80 : index
          %swap3A_1381 = tpu.vector_load %arg7[%swap3A_1379, %swap3A_1380] {strides = array<i32>} : memref<64x128xf32, #tpu.memory_space<vmem>>, vector<1x16xf32>,
          %swap3A_1382 = vector.shape_cast %swap3A_1381 : vector<1x16xf32> to vector<16xf32>
          %swap3A_1383 = vector.shape_cast %max3A_1378 : vector<16xf32> to vector<1x16xf32>
          tpu.vector_store %arg7[%swap3A_1379, %swap3A_1380], %swap3A_1383 {strides = array<i32>} : memref<64x128xf32, #tpu.memory_space<vmem>>, vector<1x16xf32>,
          %get3A_1384 = arith.index_cast %max3A_1323 : i32 to index
          %get3A_1385 = arith.constant 96 : index
          %get3A_1386 = tpu.vector_load %arg7[%get3A_1384, %get3A_1385] {strides = array<i32>} : memref<64x128xf32, #tpu.memory_space<vmem>>, vector<1x16xf32>,
          %get3A_1387 = vector.shape_cast %get3A_1386 : vector<1x16xf32> to vector<16xf32>
          %max3A_1388 = arith.maximumf %get3A_1387, %max3A_1165 : vector<16xf32>
          %swap3A_1389 = arith.index_cast %max3A_1323 : i32 to index
          %swap3A_1390 = arith.constant 96 : index
          %swap3A_1391 = tpu.vector_load %arg7[%swap3A_1389, %swap3A_1390] {strides = array<i32>} : memref<64x128xf32, #tpu.memory_space<vmem>>, vector<1x16xf32>,
          %swap3A_1392 = vector.shape_cast %swap3A_1391 : vector<1x16xf32> to vector<16xf32>
          %swap3A_1393 = vector.shape_cast %max3A_1388 : vector<16xf32> to vector<1x16xf32>
          tpu.vector_store %arg7[%swap3A_1389, %swap3A_1390], %swap3A_1393 {strides = array<i32>} : memref<64x128xf32, #tpu.memory_space<vmem>>, vector<1x16xf32>,
          %get3A_1394 = arith.index_cast %max3A_1323 : i32 to index
          %get3A_1395 = arith.constant 112 : index
          %get3A_1396 = tpu.vector_load %arg7[%get3A_1394, %get3A_1395] {strides = array<i32>} : memref<64x128xf32, #tpu.memory_space<vmem>>, vector<1x16xf32>,
          %get3A_1397 = vector.shape_cast %get3A_1396 : vector<1x16xf32> to vector<16xf32>
          %max3A_1398 = arith.maximumf %get3A_1397, %max3A_1173 : vector<16xf32>
          %swap3A_1399 = arith.index_cast %max3A_1323 : i32 to index
          %swap3A_1400 = arith.constant 112 : index
          %swap3A_1401 = tpu.vector_load %arg7[%swap3A_1399, %swap3A_1400] {strides = array<i32>} : memref<64x128xf32, #tpu.memory_space<vmem>>, vector<1x16xf32>,
          %swap3A_1402 = vector.shape_cast %swap3A_1401 : vector<1x16xf32> to vector<16xf32>
          %swap3A_1403 = vector.shape_cast %max3A_1398 : vector<16xf32> to vector<1x16xf32>
          tpu.vector_store %arg7[%swap3A_1399, %swap3A_1400], %swap3A_1403 {strides = array<i32>} : memref<64x128xf32, #tpu.memory_space<vmem>>, vector<1x16xf32>,
        } else {
        }
        %mul3A_1180 = arith.constant 16 : i32
        %mul3A_1181 = arith.muli %scan3A_129, %mul3A_1180 : i32
        %add3A_1182 = arith.constant 14 : i32
        %add3A_1183 = arith.addi %mul3A_1181, %add3A_1182 : i32
        %broadcast_in_dim3A_1184 = arith.constant 0xFF800000 : f32
        %broadcast_in_dim3A_1185 = vector.broadcast %broadcast_in_dim3A_1184 : f32 to vector<16xf32>
        %select_n3A_1186 = arith.select %ne3A_1176, %broadcast_in_dim3A_1185, %max3A_1117 : vector<16xf32>
        %get3A_1187 = arith.index_cast %add3A_1183 : i32 to index
        %get3A_1188 = arith.constant 0 : index
        %get3A_1189 = tpu.vector_load %arg5[%get3A_1187, %get3A_1188] {strides = array<i32>} : memref<640x128xf32, #tpu.memory_space<vmem>>, vector<1x16xf32>,
        %get3A_1190 = vector.shape_cast %get3A_1189 : vector<1x16xf32> to vector<16xf32>
        %max3A_1191 = arith.maximumf %select_n3A_1186, %get3A_1190 : vector<16xf32>
        %broadcast_in_dim3A_1192 = arith.constant 0xFF800000 : f32
        %broadcast_in_dim3A_1193 = vector.broadcast %broadcast_in_dim3A_1192 : f32 to vector<16xf32>
        %select_n3A_1194 = arith.select %ne3A_1176, %broadcast_in_dim3A_1193, %max3A_1125 : vector<16xf32>
        %get3A_1195 = arith.index_cast %add3A_1183 : i32 to index
        %get3A_1196 = arith.constant 16 : index
        %get3A_1197 = tpu.vector_load %arg5[%get3A_1195, %get3A_1196] {strides = array<i32>} : memref<640x128xf32, #tpu.memory_space<vmem>>, vector<1x16xf32>,
        %get3A_1198 = vector.shape_cast %get3A_1197 : vector<1x16xf32> to vector<16xf32>
        %max3A_1199 = arith.maximumf %select_n3A_1194, %get3A_1198 : vector<16xf32>
        %broadcast_in_dim3A_1200 = arith.constant 0xFF800000 : f32
        %broadcast_in_dim3A_1201 = vector.broadcast %broadcast_in_dim3A_1200 : f32 to vector<16xf32>
        %select_n3A_1202 = arith.select %ne3A_1176, %broadcast_in_dim3A_1201, %max3A_1133 : vector<16xf32>
        %get3A_1203 = arith.index_cast %add3A_1183 : i32 to index
        %get3A_1204 = arith.constant 32 : index
        %get3A_1205 = tpu.vector_load %arg5[%get3A_1203, %get3A_1204] {strides = array<i32>} : memref<640x128xf32, #tpu.memory_space<vmem>>, vector<1x16xf32>,
        %get3A_1206 = vector.shape_cast %get3A_1205 : vector<1x16xf32> to vector<16xf32>
        %max3A_1207 = arith.maximumf %select_n3A_1202, %get3A_1206 : vector<16xf32>
        %broadcast_in_dim3A_1208 = arith.constant 0xFF800000 : f32
        %broadcast_in_dim3A_1209 = vector.broadcast %broadcast_in_dim3A_1208 : f32 to vector<16xf32>
        %select_n3A_1210 = arith.select %ne3A_1176, %broadcast_in_dim3A_1209, %max3A_1141 : vector<16xf32>
        %get3A_1211 = arith.index_cast %add3A_1183 : i32 to index
        %get3A_1212 = arith.constant 48 : index
        %get3A_1213 = tpu.vector_load %arg5[%get3A_1211, %get3A_1212] {strides = array<i32>} : memref<640x128xf32, #tpu.memory_space<vmem>>, vector<1x16xf32>,
        %get3A_1214 = vector.shape_cast %get3A_1213 : vector<1x16xf32> to vector<16xf32>
        %max3A_1215 = arith.maximumf %select_n3A_1210, %get3A_1214 : vector<16xf32>
        %broadcast_in_dim3A_1216 = arith.constant 0xFF800000 : f32
        %broadcast_in_dim3A_1217 = vector.broadcast %broadcast_in_dim3A_1216 : f32 to vector<16xf32>
        %select_n3A_1218 = arith.select %ne3A_1176, %broadcast_in_dim3A_1217, %max3A_1149 : vector<16xf32>
        %get3A_1219 = arith.index_cast %add3A_1183 : i32 to index
        %get3A_1220 = arith.constant 64 : index
        %get3A_1221 = tpu.vector_load %arg5[%get3A_1219, %get3A_1220] {strides = array<i32>} : memref<640x128xf32, #tpu.memory_space<vmem>>, vector<1x16xf32>,
        %get3A_1222 = vector.shape_cast %get3A_1221 : vector<1x16xf32> to vector<16xf32>
        %max3A_1223 = arith.maximumf %select_n3A_1218, %get3A_1222 : vector<16xf32>
        %broadcast_in_dim3A_1224 = arith.constant 0xFF800000 : f32
        %broadcast_in_dim3A_1225 = vector.broadcast %broadcast_in_dim3A_1224 : f32 to vector<16xf32>
        %select_n3A_1226 = arith.select %ne3A_1176, %broadcast_in_dim3A_1225, %max3A_1157 : vector<16xf32>
        %get3A_1227 = arith.index_cast %add3A_1183 : i32 to index
        %get3A_1228 = arith.constant 80 : index
        %get3A_1229 = tpu.vector_load %arg5[%get3A_1227, %get3A_1228] {strides = array<i32>} : memref<640x128xf32, #tpu.memory_space<vmem>>, vector<1x16xf32>,
        %get3A_1230 = vector.shape_cast %get3A_1229 : vector<1x16xf32> to vector<16xf32>
        %max3A_1231 = arith.maximumf %select_n3A_1226, %get3A_1230 : vector<16xf32>
        %broadcast_in_dim3A_1232 = arith.constant 0xFF800000 : f32
        %broadcast_in_dim3A_1233 = vector.broadcast %broadcast_in_dim3A_1232 : f32 to vector<16xf32>
        %select_n3A_1234 = arith.select %ne3A_1176, %broadcast_in_dim3A_1233, %max3A_1165 : vector<16xf32>
        %get3A_1235 = arith.index_cast %add3A_1183 : i32 to index
        %get3A_1236 = arith.constant 96 : index
        %get3A_1237 = tpu.vector_load %arg5[%get3A_1235, %get3A_1236] {strides = array<i32>} : memref<640x128xf32, #tpu.memory_space<vmem>>, vector<1x16xf32>,
        %get3A_1238 = vector.shape_cast %get3A_1237 : vector<1x16xf32> to vector<16xf32>
        %max3A_1239 = arith.maximumf %select_n3A_1234, %get3A_1238 : vector<16xf32>
        %broadcast_in_dim3A_1240 = arith.constant 0xFF800000 : f32
        %broadcast_in_dim3A_1241 = vector.broadcast %broadcast_in_dim3A_1240 : f32 to vector<16xf32>
        %select_n3A_1242 = arith.select %ne3A_1176, %broadcast_in_dim3A_1241, %max3A_1173 : vector<16xf32>
        %get3A_1243 = arith.index_cast %add3A_1183 : i32 to index
        %get3A_1244 = arith.constant 112 : index
        %get3A_1245 = tpu.vector_load %arg5[%get3A_1243, %get3A_1244] {strides = array<i32>} : memref<640x128xf32, #tpu.memory_space<vmem>>, vector<1x16xf32>,
        %get3A_1246 = vector.shape_cast %get3A_1245 : vector<1x16xf32> to vector<16xf32>
        %max3A_1247 = arith.maximumf %select_n3A_1242, %get3A_1246 : vector<16xf32>
        %slice3A_1248 = vector.extract_strided_slice %get3A_143 {offsets = [15], sizes = [1], strides = [1]} : vector<16xi32> to vector<1xi32>
        %squeeze3A_1249 = vector.extract %slice3A_1248[0] : i32 from vector<1xi32>
        %ne3A_1250 = arith.cmpi ne, %squeeze3A_1249, %squeeze3A_1175 : i32
        %convert_element_type3A_1251 = arith.extui %ne3A_1250 : i1 to i32
        %cond3A_1252 = arith.constant 0 : i32
        %cond3A_1253 = arith.cmpi ne, %convert_element_type3A_1251, %cond3A_1252 : i32
        scf.if %cond3A_1253 {
          %max3A_1322 = arith.constant 0 : i32
          %max3A_1323 = arith.maxsi %squeeze3A_1175, %max3A_1322 : i32
          %get3A_1324 = arith.index_cast %max3A_1323 : i32 to index
          %get3A_1325 = arith.constant 0 : index
          %get3A_1326 = tpu.vector_load %arg7[%get3A_1324, %get3A_1325] {strides = array<i32>} : memref<64x128xf32, #tpu.memory_space<vmem>>, vector<1x16xf32>,
          %get3A_1327 = vector.shape_cast %get3A_1326 : vector<1x16xf32> to vector<16xf32>
          %max3A_1328 = arith.maximumf %get3A_1327, %max3A_1191 : vector<16xf32>
          %swap3A_1329 = arith.index_cast %max3A_1323 : i32 to index
          %swap3A_1330 = arith.constant 0 : index
          %swap3A_1331 = tpu.vector_load %arg7[%swap3A_1329, %swap3A_1330] {strides = array<i32>} : memref<64x128xf32, #tpu.memory_space<vmem>>, vector<1x16xf32>,
          %swap3A_1332 = vector.shape_cast %swap3A_1331 : vector<1x16xf32> to vector<16xf32>
          %swap3A_1333 = vector.shape_cast %max3A_1328 : vector<16xf32> to vector<1x16xf32>
          tpu.vector_store %arg7[%swap3A_1329, %swap3A_1330], %swap3A_1333 {strides = array<i32>} : memref<64x128xf32, #tpu.memory_space<vmem>>, vector<1x16xf32>,
          %get3A_1334 = arith.index_cast %max3A_1323 : i32 to index
          %get3A_1335 = arith.constant 16 : index
          %get3A_1336 = tpu.vector_load %arg7[%get3A_1334, %get3A_1335] {strides = array<i32>} : memref<64x128xf32, #tpu.memory_space<vmem>>, vector<1x16xf32>,
          %get3A_1337 = vector.shape_cast %get3A_1336 : vector<1x16xf32> to vector<16xf32>
          %max3A_1338 = arith.maximumf %get3A_1337, %max3A_1199 : vector<16xf32>
          %swap3A_1339 = arith.index_cast %max3A_1323 : i32 to index
          %swap3A_1340 = arith.constant 16 : index
          %swap3A_1341 = tpu.vector_load %arg7[%swap3A_1339, %swap3A_1340] {strides = array<i32>} : memref<64x128xf32, #tpu.memory_space<vmem>>, vector<1x16xf32>,
          %swap3A_1342 = vector.shape_cast %swap3A_1341 : vector<1x16xf32> to vector<16xf32>
          %swap3A_1343 = vector.shape_cast %max3A_1338 : vector<16xf32> to vector<1x16xf32>
          tpu.vector_store %arg7[%swap3A_1339, %swap3A_1340], %swap3A_1343 {strides = array<i32>} : memref<64x128xf32, #tpu.memory_space<vmem>>, vector<1x16xf32>,
          %get3A_1344 = arith.index_cast %max3A_1323 : i32 to index
          %get3A_1345 = arith.constant 32 : index
          %get3A_1346 = tpu.vector_load %arg7[%get3A_1344, %get3A_1345] {strides = array<i32>} : memref<64x128xf32, #tpu.memory_space<vmem>>, vector<1x16xf32>,
          %get3A_1347 = vector.shape_cast %get3A_1346 : vector<1x16xf32> to vector<16xf32>
          %max3A_1348 = arith.maximumf %get3A_1347, %max3A_1207 : vector<16xf32>
          %swap3A_1349 = arith.index_cast %max3A_1323 : i32 to index
          %swap3A_1350 = arith.constant 32 : index
          %swap3A_1351 = tpu.vector_load %arg7[%swap3A_1349, %swap3A_1350] {strides = array<i32>} : memref<64x128xf32, #tpu.memory_space<vmem>>, vector<1x16xf32>,
          %swap3A_1352 = vector.shape_cast %swap3A_1351 : vector<1x16xf32> to vector<16xf32>
          %swap3A_1353 = vector.shape_cast %max3A_1348 : vector<16xf32> to vector<1x16xf32>
          tpu.vector_store %arg7[%swap3A_1349, %swap3A_1350], %swap3A_1353 {strides = array<i32>} : memref<64x128xf32, #tpu.memory_space<vmem>>, vector<1x16xf32>,
          %get3A_1354 = arith.index_cast %max3A_1323 : i32 to index
          %get3A_1355 = arith.constant 48 : index
          %get3A_1356 = tpu.vector_load %arg7[%get3A_1354, %get3A_1355] {strides = array<i32>} : memref<64x128xf32, #tpu.memory_space<vmem>>, vector<1x16xf32>,
          %get3A_1357 = vector.shape_cast %get3A_1356 : vector<1x16xf32> to vector<16xf32>
          %max3A_1358 = arith.maximumf %get3A_1357, %max3A_1215 : vector<16xf32>
          %swap3A_1359 = arith.index_cast %max3A_1323 : i32 to index
          %swap3A_1360 = arith.constant 48 : index
          %swap3A_1361 = tpu.vector_load %arg7[%swap3A_1359, %swap3A_1360] {strides = array<i32>} : memref<64x128xf32, #tpu.memory_space<vmem>>, vector<1x16xf32>,
          %swap3A_1362 = vector.shape_cast %swap3A_1361 : vector<1x16xf32> to vector<16xf32>
          %swap3A_1363 = vector.shape_cast %max3A_1358 : vector<16xf32> to vector<1x16xf32>
          tpu.vector_store %arg7[%swap3A_1359, %swap3A_1360], %swap3A_1363 {strides = array<i32>} : memref<64x128xf32, #tpu.memory_space<vmem>>, vector<1x16xf32>,
          %get3A_1364 = arith.index_cast %max3A_1323 : i32 to index
          %get3A_1365 = arith.constant 64 : index
          %get3A_1366 = tpu.vector_load %arg7[%get3A_1364, %get3A_1365] {strides = array<i32>} : memref<64x128xf32, #tpu.memory_space<vmem>>, vector<1x16xf32>,
          %get3A_1367 = vector.shape_cast %get3A_1366 : vector<1x16xf32> to vector<16xf32>
          %max3A_1368 = arith.maximumf %get3A_1367, %max3A_1223 : vector<16xf32>
          %swap3A_1369 = arith.index_cast %max3A_1323 : i32 to index
          %swap3A_1370 = arith.constant 64 : index
          %swap3A_1371 = tpu.vector_load %arg7[%swap3A_1369, %swap3A_1370] {strides = array<i32>} : memref<64x128xf32, #tpu.memory_space<vmem>>, vector<1x16xf32>,
          %swap3A_1372 = vector.shape_cast %swap3A_1371 : vector<1x16xf32> to vector<16xf32>
          %swap3A_1373 = vector.shape_cast %max3A_1368 : vector<16xf32> to vector<1x16xf32>
          tpu.vector_store %arg7[%swap3A_1369, %swap3A_1370], %swap3A_1373 {strides = array<i32>} : memref<64x128xf32, #tpu.memory_space<vmem>>, vector<1x16xf32>,
          %get3A_1374 = arith.index_cast %max3A_1323 : i32 to index
          %get3A_1375 = arith.constant 80 : index
          %get3A_1376 = tpu.vector_load %arg7[%get3A_1374, %get3A_1375] {strides = array<i32>} : memref<64x128xf32, #tpu.memory_space<vmem>>, vector<1x16xf32>,
          %get3A_1377 = vector.shape_cast %get3A_1376 : vector<1x16xf32> to vector<16xf32>
          %max3A_1378 = arith.maximumf %get3A_1377, %max3A_1231 : vector<16xf32>
          %swap3A_1379 = arith.index_cast %max3A_1323 : i32 to index
          %swap3A_1380 = arith.constant 80 : index
          %swap3A_1381 = tpu.vector_load %arg7[%swap3A_1379, %swap3A_1380] {strides = array<i32>} : memref<64x128xf32, #tpu.memory_space<vmem>>, vector<1x16xf32>,
          %swap3A_1382 = vector.shape_cast %swap3A_1381 : vector<1x16xf32> to vector<16xf32>
          %swap3A_1383 = vector.shape_cast %max3A_1378 : vector<16xf32> to vector<1x16xf32>
          tpu.vector_store %arg7[%swap3A_1379, %swap3A_1380], %swap3A_1383 {strides = array<i32>} : memref<64x128xf32, #tpu.memory_space<vmem>>, vector<1x16xf32>,
          %get3A_1384 = arith.index_cast %max3A_1323 : i32 to index
          %get3A_1385 = arith.constant 96 : index
          %get3A_1386 = tpu.vector_load %arg7[%get3A_1384, %get3A_1385] {strides = array<i32>} : memref<64x128xf32, #tpu.memory_space<vmem>>, vector<1x16xf32>,
          %get3A_1387 = vector.shape_cast %get3A_1386 : vector<1x16xf32> to vector<16xf32>
          %max3A_1388 = arith.maximumf %get3A_1387, %max3A_1239 : vector<16xf32>
          %swap3A_1389 = arith.index_cast %max3A_1323 : i32 to index
          %swap3A_1390 = arith.constant 96 : index
          %swap3A_1391 = tpu.vector_load %arg7[%swap3A_1389, %swap3A_1390] {strides = array<i32>} : memref<64x128xf32, #tpu.memory_space<vmem>>, vector<1x16xf32>,
          %swap3A_1392 = vector.shape_cast %swap3A_1391 : vector<1x16xf32> to vector<16xf32>
          %swap3A_1393 = vector.shape_cast %max3A_1388 : vector<16xf32> to vector<1x16xf32>
          tpu.vector_store %arg7[%swap3A_1389, %swap3A_1390], %swap3A_1393 {strides = array<i32>} : memref<64x128xf32, #tpu.memory_space<vmem>>, vector<1x16xf32>,
          %get3A_1394 = arith.index_cast %max3A_1323 : i32 to index
          %get3A_1395 = arith.constant 112 : index
          %get3A_1396 = tpu.vector_load %arg7[%get3A_1394, %get3A_1395] {strides = array<i32>} : memref<64x128xf32, #tpu.memory_space<vmem>>, vector<1x16xf32>,
          %get3A_1397 = vector.shape_cast %get3A_1396 : vector<1x16xf32> to vector<16xf32>
          %max3A_1398 = arith.maximumf %get3A_1397, %max3A_1247 : vector<16xf32>
          %swap3A_1399 = arith.index_cast %max3A_1323 : i32 to index
          %swap3A_1400 = arith.constant 112 : index
          %swap3A_1401 = tpu.vector_load %arg7[%swap3A_1399, %swap3A_1400] {strides = array<i32>} : memref<64x128xf32, #tpu.memory_space<vmem>>, vector<1x16xf32>,
          %swap3A_1402 = vector.shape_cast %swap3A_1401 : vector<1x16xf32> to vector<16xf32>
          %swap3A_1403 = vector.shape_cast %max3A_1398 : vector<16xf32> to vector<1x16xf32>
          tpu.vector_store %arg7[%swap3A_1399, %swap3A_1400], %swap3A_1403 {strides = array<i32>} : memref<64x128xf32, #tpu.memory_space<vmem>>, vector<1x16xf32>,
        } else {
        }
        %mul3A_1254 = arith.constant 16 : i32
        %mul3A_1255 = arith.muli %scan3A_129, %mul3A_1254 : i32
        %add3A_1256 = arith.constant 15 : i32
        %add3A_1257 = arith.addi %mul3A_1255, %add3A_1256 : i32
        %broadcast_in_dim3A_1258 = arith.constant 0xFF800000 : f32
        %broadcast_in_dim3A_1259 = vector.broadcast %broadcast_in_dim3A_1258 : f32 to vector<16xf32>
        %select_n3A_1260 = arith.select %ne3A_1250, %broadcast_in_dim3A_1259, %max3A_1191 : vector<16xf32>
        %get3A_1261 = arith.index_cast %add3A_1257 : i32 to index
        %get3A_1262 = arith.constant 0 : index
        %get3A_1263 = tpu.vector_load %arg5[%get3A_1261, %get3A_1262] {strides = array<i32>} : memref<640x128xf32, #tpu.memory_space<vmem>>, vector<1x16xf32>,
        %get3A_1264 = vector.shape_cast %get3A_1263 : vector<1x16xf32> to vector<16xf32>
        %max3A_1265 = arith.maximumf %select_n3A_1260, %get3A_1264 : vector<16xf32>
        %broadcast_in_dim3A_1266 = arith.constant 0xFF800000 : f32
        %broadcast_in_dim3A_1267 = vector.broadcast %broadcast_in_dim3A_1266 : f32 to vector<16xf32>
        %select_n3A_1268 = arith.select %ne3A_1250, %broadcast_in_dim3A_1267, %max3A_1199 : vector<16xf32>
        %get3A_1269 = arith.index_cast %add3A_1257 : i32 to index
        %get3A_1270 = arith.constant 16 : index
        %get3A_1271 = tpu.vector_load %arg5[%get3A_1269, %get3A_1270] {strides = array<i32>} : memref<640x128xf32, #tpu.memory_space<vmem>>, vector<1x16xf32>,
        %get3A_1272 = vector.shape_cast %get3A_1271 : vector<1x16xf32> to vector<16xf32>
        %max3A_1273 = arith.maximumf %select_n3A_1268, %get3A_1272 : vector<16xf32>
        %broadcast_in_dim3A_1274 = arith.constant 0xFF800000 : f32
        %broadcast_in_dim3A_1275 = vector.broadcast %broadcast_in_dim3A_1274 : f32 to vector<16xf32>
        %select_n3A_1276 = arith.select %ne3A_1250, %broadcast_in_dim3A_1275, %max3A_1207 : vector<16xf32>
        %get3A_1277 = arith.index_cast %add3A_1257 : i32 to index
        %get3A_1278 = arith.constant 32 : index
        %get3A_1279 = tpu.vector_load %arg5[%get3A_1277, %get3A_1278] {strides = array<i32>} : memref<640x128xf32, #tpu.memory_space<vmem>>, vector<1x16xf32>,
        %get3A_1280 = vector.shape_cast %get3A_1279 : vector<1x16xf32> to vector<16xf32>
        %max3A_1281 = arith.maximumf %select_n3A_1276, %get3A_1280 : vector<16xf32>
        %broadcast_in_dim3A_1282 = arith.constant 0xFF800000 : f32
        %broadcast_in_dim3A_1283 = vector.broadcast %broadcast_in_dim3A_1282 : f32 to vector<16xf32>
        %select_n3A_1284 = arith.select %ne3A_1250, %broadcast_in_dim3A_1283, %max3A_1215 : vector<16xf32>
        %get3A_1285 = arith.index_cast %add3A_1257 : i32 to index
        %get3A_1286 = arith.constant 48 : index
        %get3A_1287 = tpu.vector_load %arg5[%get3A_1285, %get3A_1286] {strides = array<i32>} : memref<640x128xf32, #tpu.memory_space<vmem>>, vector<1x16xf32>,
        %get3A_1288 = vector.shape_cast %get3A_1287 : vector<1x16xf32> to vector<16xf32>
        %max3A_1289 = arith.maximumf %select_n3A_1284, %get3A_1288 : vector<16xf32>
        %broadcast_in_dim3A_1290 = arith.constant 0xFF800000 : f32
        %broadcast_in_dim3A_1291 = vector.broadcast %broadcast_in_dim3A_1290 : f32 to vector<16xf32>
        %select_n3A_1292 = arith.select %ne3A_1250, %broadcast_in_dim3A_1291, %max3A_1223 : vector<16xf32>
        %get3A_1293 = arith.index_cast %add3A_1257 : i32 to index
        %get3A_1294 = arith.constant 64 : index
        %get3A_1295 = tpu.vector_load %arg5[%get3A_1293, %get3A_1294] {strides = array<i32>} : memref<640x128xf32, #tpu.memory_space<vmem>>, vector<1x16xf32>,
        %get3A_1296 = vector.shape_cast %get3A_1295 : vector<1x16xf32> to vector<16xf32>
        %max3A_1297 = arith.maximumf %select_n3A_1292, %get3A_1296 : vector<16xf32>
        %broadcast_in_dim3A_1298 = arith.constant 0xFF800000 : f32
        %broadcast_in_dim3A_1299 = vector.broadcast %broadcast_in_dim3A_1298 : f32 to vector<16xf32>
        %select_n3A_1300 = arith.select %ne3A_1250, %broadcast_in_dim3A_1299, %max3A_1231 : vector<16xf32>
        %get3A_1301 = arith.index_cast %add3A_1257 : i32 to index
        %get3A_1302 = arith.constant 80 : index
        %get3A_1303 = tpu.vector_load %arg5[%get3A_1301, %get3A_1302] {strides = array<i32>} : memref<640x128xf32, #tpu.memory_space<vmem>>, vector<1x16xf32>,
        %get3A_1304 = vector.shape_cast %get3A_1303 : vector<1x16xf32> to vector<16xf32>
        %max3A_1305 = arith.maximumf %select_n3A_1300, %get3A_1304 : vector<16xf32>
        %broadcast_in_dim3A_1306 = arith.constant 0xFF800000 : f32
        %broadcast_in_dim3A_1307 = vector.broadcast %broadcast_in_dim3A_1306 : f32 to vector<16xf32>
        %select_n3A_1308 = arith.select %ne3A_1250, %broadcast_in_dim3A_1307, %max3A_1239 : vector<16xf32>
        %get3A_1309 = arith.index_cast %add3A_1257 : i32 to index
        %get3A_1310 = arith.constant 96 : index
        %get3A_1311 = tpu.vector_load %arg5[%get3A_1309, %get3A_1310] {strides = array<i32>} : memref<640x128xf32, #tpu.memory_space<vmem>>, vector<1x16xf32>,
        %get3A_1312 = vector.shape_cast %get3A_1311 : vector<1x16xf32> to vector<16xf32>
        %max3A_1313 = arith.maximumf %select_n3A_1308, %get3A_1312 : vector<16xf32>
        %broadcast_in_dim3A_1314 = arith.constant 0xFF800000 : f32
        %broadcast_in_dim3A_1315 = vector.broadcast %broadcast_in_dim3A_1314 : f32 to vector<16xf32>
        %select_n3A_1316 = arith.select %ne3A_1250, %broadcast_in_dim3A_1315, %max3A_1247 : vector<16xf32>
        %get3A_1317 = arith.index_cast %add3A_1257 : i32 to index
        %get3A_1318 = arith.constant 112 : index
        %get3A_1319 = tpu.vector_load %arg5[%get3A_1317, %get3A_1318] {strides = array<i32>} : memref<640x128xf32, #tpu.memory_space<vmem>>, vector<1x16xf32>,
        %get3A_1320 = vector.shape_cast %get3A_1319 : vector<1x16xf32> to vector<16xf32>
        %max3A_1321 = arith.maximumf %select_n3A_1316, %get3A_1320 : vector<16xf32>
        scf.yield %squeeze3A_1249, %max3A_1265, %max3A_1273, %max3A_1281, %max3A_1289, %max3A_1297, %max3A_1305, %max3A_1313, %max3A_1321 : i32, vector<16xf32>, vector<16xf32>, vector<16xf32>, vector<16xf32>, vector<16xf32>, vector<16xf32>, vector<16xf32>, vector<16xf32>
      }
      %scan3A_128 = arith.constant 40 : i32
      scf.yield %scan3A_127#0, %scan3A_127#1, %scan3A_127#2, %scan3A_127#3, %scan3A_127#4, %scan3A_127#5, %scan3A_127#6, %scan3A_127#7, %scan3A_127#8 : i32, vector<16xf32>, vector<16xf32>, vector<16xf32>, vector<16xf32>, vector<16xf32>, vector<16xf32>, vector<16xf32>, vector<16xf32>
    }
    %scan3A_29 = arith.constant 5 : i32
    %max3A = arith.constant 0 : i32
    %max3A_30 = arith.maxsi %scan3A_28#0, %max3A : i32
    %get3A = arith.index_cast %max3A_30 : i32 to index
    %get3A_31 = arith.constant 0 : index
    %get3A_32 = tpu.vector_load %arg7[%get3A, %get3A_31] {strides = array<i32>} : memref<64x128xf32, #tpu.memory_space<vmem>>, vector<1x16xf32>,
    %get3A_33 = vector.shape_cast %get3A_32 : vector<1x16xf32> to vector<16xf32>
    %max3A_34 = arith.maximumf %get3A_33, %scan3A_28#1 : vector<16xf32>
    %swap3A = arith.index_cast %max3A_30 : i32 to index
    %swap3A_35 = arith.constant 0 : index
    %swap3A_36 = tpu.vector_load %arg7[%swap3A, %swap3A_35] {strides = array<i32>} : memref<64x128xf32, #tpu.memory_space<vmem>>, vector<1x16xf32>,
    %swap3A_37 = vector.shape_cast %swap3A_36 : vector<1x16xf32> to vector<16xf32>
    %swap3A_38 = vector.shape_cast %max3A_34 : vector<16xf32> to vector<1x16xf32>
    tpu.vector_store %arg7[%swap3A, %swap3A_35], %swap3A_38 {strides = array<i32>} : memref<64x128xf32, #tpu.memory_space<vmem>>, vector<1x16xf32>,
    %get3A_39 = arith.index_cast %max3A_30 : i32 to index
    %get3A_40 = arith.constant 16 : index
    %get3A_41 = tpu.vector_load %arg7[%get3A_39, %get3A_40] {strides = array<i32>} : memref<64x128xf32, #tpu.memory_space<vmem>>, vector<1x16xf32>,
    %get3A_42 = vector.shape_cast %get3A_41 : vector<1x16xf32> to vector<16xf32>
    %max3A_43 = arith.maximumf %get3A_42, %scan3A_28#2 : vector<16xf32>
    %swap3A_44 = arith.index_cast %max3A_30 : i32 to index
    %swap3A_45 = arith.constant 16 : index
    %swap3A_46 = tpu.vector_load %arg7[%swap3A_44, %swap3A_45] {strides = array<i32>} : memref<64x128xf32, #tpu.memory_space<vmem>>, vector<1x16xf32>,
    %swap3A_47 = vector.shape_cast %swap3A_46 : vector<1x16xf32> to vector<16xf32>
    %swap3A_48 = vector.shape_cast %max3A_43 : vector<16xf32> to vector<1x16xf32>
    tpu.vector_store %arg7[%swap3A_44, %swap3A_45], %swap3A_48 {strides = array<i32>} : memref<64x128xf32, #tpu.memory_space<vmem>>, vector<1x16xf32>,
    %get3A_49 = arith.index_cast %max3A_30 : i32 to index
    %get3A_50 = arith.constant 32 : index
    %get3A_51 = tpu.vector_load %arg7[%get3A_49, %get3A_50] {strides = array<i32>} : memref<64x128xf32, #tpu.memory_space<vmem>>, vector<1x16xf32>,
    %get3A_52 = vector.shape_cast %get3A_51 : vector<1x16xf32> to vector<16xf32>
    %max3A_53 = arith.maximumf %get3A_52, %scan3A_28#3 : vector<16xf32>
    %swap3A_54 = arith.index_cast %max3A_30 : i32 to index
    %swap3A_55 = arith.constant 32 : index
    %swap3A_56 = tpu.vector_load %arg7[%swap3A_54, %swap3A_55] {strides = array<i32>} : memref<64x128xf32, #tpu.memory_space<vmem>>, vector<1x16xf32>,
    %swap3A_57 = vector.shape_cast %swap3A_56 : vector<1x16xf32> to vector<16xf32>
    %swap3A_58 = vector.shape_cast %max3A_53 : vector<16xf32> to vector<1x16xf32>
    tpu.vector_store %arg7[%swap3A_54, %swap3A_55], %swap3A_58 {strides = array<i32>} : memref<64x128xf32, #tpu.memory_space<vmem>>, vector<1x16xf32>,
    %get3A_59 = arith.index_cast %max3A_30 : i32 to index
    %get3A_60 = arith.constant 48 : index
    %get3A_61 = tpu.vector_load %arg7[%get3A_59, %get3A_60] {strides = array<i32>} : memref<64x128xf32, #tpu.memory_space<vmem>>, vector<1x16xf32>,
    %get3A_62 = vector.shape_cast %get3A_61 : vector<1x16xf32> to vector<16xf32>
    %max3A_63 = arith.maximumf %get3A_62, %scan3A_28#4 : vector<16xf32>
    %swap3A_64 = arith.index_cast %max3A_30 : i32 to index
    %swap3A_65 = arith.constant 48 : index
    %swap3A_66 = tpu.vector_load %arg7[%swap3A_64, %swap3A_65] {strides = array<i32>} : memref<64x128xf32, #tpu.memory_space<vmem>>, vector<1x16xf32>,
    %swap3A_67 = vector.shape_cast %swap3A_66 : vector<1x16xf32> to vector<16xf32>
    %swap3A_68 = vector.shape_cast %max3A_63 : vector<16xf32> to vector<1x16xf32>
    tpu.vector_store %arg7[%swap3A_64, %swap3A_65], %swap3A_68 {strides = array<i32>} : memref<64x128xf32, #tpu.memory_space<vmem>>, vector<1x16xf32>,
    %get3A_69 = arith.index_cast %max3A_30 : i32 to index
    %get3A_70 = arith.constant 64 : index
    %get3A_71 = tpu.vector_load %arg7[%get3A_69, %get3A_70] {strides = array<i32>} : memref<64x128xf32, #tpu.memory_space<vmem>>, vector<1x16xf32>,
    %get3A_72 = vector.shape_cast %get3A_71 : vector<1x16xf32> to vector<16xf32>
    %max3A_73 = arith.maximumf %get3A_72, %scan3A_28#5 : vector<16xf32>
    %swap3A_74 = arith.index_cast %max3A_30 : i32 to index
    %swap3A_75 = arith.constant 64 : index
    %swap3A_76 = tpu.vector_load %arg7[%swap3A_74, %swap3A_75] {strides = array<i32>} : memref<64x128xf32, #tpu.memory_space<vmem>>, vector<1x16xf32>,
    %swap3A_77 = vector.shape_cast %swap3A_76 : vector<1x16xf32> to vector<16xf32>
    %swap3A_78 = vector.shape_cast %max3A_73 : vector<16xf32> to vector<1x16xf32>
    tpu.vector_store %arg7[%swap3A_74, %swap3A_75], %swap3A_78 {strides = array<i32>} : memref<64x128xf32, #tpu.memory_space<vmem>>, vector<1x16xf32>,
    %get3A_79 = arith.index_cast %max3A_30 : i32 to index
    %get3A_80 = arith.constant 80 : index
    %get3A_81 = tpu.vector_load %arg7[%get3A_79, %get3A_80] {strides = array<i32>} : memref<64x128xf32, #tpu.memory_space<vmem>>, vector<1x16xf32>,
    %get3A_82 = vector.shape_cast %get3A_81 : vector<1x16xf32> to vector<16xf32>
    %max3A_83 = arith.maximumf %get3A_82, %scan3A_28#6 : vector<16xf32>
    %swap3A_84 = arith.index_cast %max3A_30 : i32 to index
    %swap3A_85 = arith.constant 80 : index
    %swap3A_86 = tpu.vector_load %arg7[%swap3A_84, %swap3A_85] {strides = array<i32>} : memref<64x128xf32, #tpu.memory_space<vmem>>, vector<1x16xf32>,
    %swap3A_87 = vector.shape_cast %swap3A_86 : vector<1x16xf32> to vector<16xf32>
    %swap3A_88 = vector.shape_cast %max3A_83 : vector<16xf32> to vector<1x16xf32>
    tpu.vector_store %arg7[%swap3A_84, %swap3A_85], %swap3A_88 {strides = array<i32>} : memref<64x128xf32, #tpu.memory_space<vmem>>, vector<1x16xf32>,
    %get3A_89 = arith.index_cast %max3A_30 : i32 to index
    %get3A_90 = arith.constant 96 : index
    %get3A_91 = tpu.vector_load %arg7[%get3A_89, %get3A_90] {strides = array<i32>} : memref<64x128xf32, #tpu.memory_space<vmem>>, vector<1x16xf32>,
    %get3A_92 = vector.shape_cast %get3A_91 : vector<1x16xf32> to vector<16xf32>
    %max3A_93 = arith.maximumf %get3A_92, %scan3A_28#7 : vector<16xf32>
    %swap3A_94 = arith.index_cast %max3A_30 : i32 to index
    %swap3A_95 = arith.constant 96 : index
    %swap3A_96 = tpu.vector_load %arg7[%swap3A_94, %swap3A_95] {strides = array<i32>} : memref<64x128xf32, #tpu.memory_space<vmem>>, vector<1x16xf32>,
    %swap3A_97 = vector.shape_cast %swap3A_96 : vector<1x16xf32> to vector<16xf32>
    %swap3A_98 = vector.shape_cast %max3A_93 : vector<16xf32> to vector<1x16xf32>
    tpu.vector_store %arg7[%swap3A_94, %swap3A_95], %swap3A_98 {strides = array<i32>} : memref<64x128xf32, #tpu.memory_space<vmem>>, vector<1x16xf32>,
    %get3A_99 = arith.index_cast %max3A_30 : i32 to index
    %get3A_100 = arith.constant 112 : index
    %get3A_101 = tpu.vector_load %arg7[%get3A_99, %get3A_100] {strides = array<i32>} : memref<64x128xf32, #tpu.memory_space<vmem>>, vector<1x16xf32>,
    %get3A_102 = vector.shape_cast %get3A_101 : vector<1x16xf32> to vector<16xf32>
    %max3A_103 = arith.maximumf %get3A_102, %scan3A_28#8 : vector<16xf32>
    %swap3A_104 = arith.index_cast %max3A_30 : i32 to index
    %swap3A_105 = arith.constant 112 : index
    %swap3A_106 = tpu.vector_load %arg7[%swap3A_104, %swap3A_105] {strides = array<i32>} : memref<64x128xf32, #tpu.memory_space<vmem>>, vector<1x16xf32>,
    %swap3A_107 = vector.shape_cast %swap3A_106 : vector<1x16xf32> to vector<16xf32>
    %swap3A_108 = vector.shape_cast %max3A_103 : vector<16xf32> to vector<1x16xf32>
    tpu.vector_store %arg7[%swap3A_104, %swap3A_105], %swap3A_108 {strides = array<i32>} : memref<64x128xf32, #tpu.memory_space<vmem>>, vector<1x16xf32>,
    "tpu.region"() ({
      %run_scoped3A = tpu.sem_alloc : memref<!tpu.dma_semaphore, #tpu.memory_space<semaphore_mem>>
      %dma_start3A = arith.constant 0 : i32
      %dma_start3A_109 = arith.constant 0 : i32
      %dma_start3A_110 = tpu.memref_slice %arg4[%add3A, %dma_start3A, %dma_start3A_109] : memref<32x64x128xf32, #tpu.memory_space<hbm>> -> memref<1x64x128xf32, #tpu.memory_space<hbm>>
      %dma_start3A_111 = tpu.memref_squeeze %dma_start3A_110 : memref<1x64x128xf32, #tpu.memory_space<hbm>> -> memref<64x128xf32, #tpu.memory_space<hbm>>
      %dma_start3A_112 = arith.constant 0 : i32
      %dma_start3A_113 = arith.constant 0 : i32
      %dma_start3A_114 = tpu.memref_slice %arg4[%add3A, %dma_start3A_112, %dma_start3A_113] : memref<32x64x128xf32, #tpu.memory_space<hbm>> -> memref<1x64x128xf32, #tpu.memory_space<hbm>>
      %dma_start3A_115 = tpu.memref_squeeze %dma_start3A_114 : memref<1x64x128xf32, #tpu.memory_space<hbm>> -> memref<64x128xf32, #tpu.memory_space<hbm>>
      tpu.enqueue_dma source(%arg7 : memref<64x128xf32, #tpu.memory_space<vmem>>) target(%dma_start3A_115 : memref<64x128xf32, #tpu.memory_space<hbm>>) target_semaphore(%run_scoped3A : memref<!tpu.dma_semaphore, #tpu.memory_space<semaphore_mem>>)
      %dma_wait3A = arith.constant 0 : i32
      %dma_wait3A_116 = arith.constant 0 : i32
      %dma_wait3A_117 = tpu.memref_slice %arg4[%add3A, %dma_wait3A, %dma_wait3A_116] : memref<32x64x128xf32, #tpu.memory_space<hbm>> -> memref<1x64x128xf32, #tpu.memory_space<hbm>>
      %dma_wait3A_118 = tpu.memref_squeeze %dma_wait3A_117 : memref<1x64x128xf32, #tpu.memory_space<hbm>> -> memref<64x128xf32, #tpu.memory_space<hbm>>
      %dma_wait3A_119 = arith.constant 0 : i32
      %dma_wait3A_120 = arith.constant 0 : i32
      %dma_wait3A_121 = tpu.memref_slice %arg4[%add3A, %dma_wait3A_119, %dma_wait3A_120] : memref<32x64x128xf32, #tpu.memory_space<hbm>> -> memref<1x64x128xf32, #tpu.memory_space<hbm>>
      %dma_wait3A_122 = tpu.memref_squeeze %dma_wait3A_121 : memref<1x64x128xf32, #tpu.memory_space<hbm>> -> memref<64x128xf32, #tpu.memory_space<hbm>>
      tpu.wait_dma2 semaphore(%run_scoped3A : memref<!tpu.dma_semaphore, #tpu.memory_space<semaphore_mem>>) src(%arg7 : memref<64x128xf32, #tpu.memory_space<vmem>>) dst(%dma_wait3A_122 : memref<64x128xf32, #tpu.memory_space<hbm>>)
      tpu.yield
    }) : () -> ()
    return
  }
}

module attributes {stable_mosaic.version = 14 : i64} {
  func.func @_pass1(%arg0: i32, %arg1: memref<1x2000x1xi32, #tpu.memory_space<vmem>>, %arg2: memref<1x1x2000xi32, #tpu.memory_space<vmem>>, %arg3: memref<2000x128xf32, #tpu.memory_space<vmem>>, %arg4: memref<1x128xf32, #tpu.memory_space<vmem>>, %arg5: memref<64x128xf32, #tpu.memory_space<vmem>>, %arg6: memref<64x128xf32, #tpu.memory_space<vmem>>, %arg7: memref<64x128xf32, #tpu.memory_space<vmem>>) attributes {dimension_semantics = [#tpu.dimension_semantics<arbitrary>], iteration_bounds = array<i64: 50>, scalar_prefetch = 0 : i64, scratch_operands = 0 : i64, tpu.core_type = #tpu.core_type<tc>, window_params = [{transform_indices = @transform_0, window_bounds = array<i64: 1, 2000, 1>}, {transform_indices = @transform_1, window_bounds = array<i64: 1, 1, 2000>}, {transform_indices = @transform_2, window_bounds = array<i64: 2000, 128>}, {pipeline_mode = #tpu.pipeline_mode<synchronous>, transform_indices = @transform_3, window_bounds = array<i64: 1, 128>}, {pipeline_mode = #tpu.pipeline_mode<synchronous>, transform_indices = @transform_4, window_bounds = array<i64: 64, 128>}, {pipeline_mode = #tpu.pipeline_mode<synchronous>, transform_indices = @transform_5, window_bounds = array<i64: 64, 128>}, {pipeline_mode = #tpu.pipeline_mode<synchronous>, transform_indices = @transform_6, window_bounds = array<i64: 64, 128>}]} {
    %eq3A = arith.constant 0 : i32
    %eq3A_0 = arith.cmpi eq, %arg0, %eq3A : i32
    %convert_element_type3A = arith.extui %eq3A_0 : i1 to i32
    %cond3A = arith.constant 0 : i32
    %cond3A_1 = arith.cmpi ne, %convert_element_type3A, %cond3A : i32
    scf.if %cond3A_1 {
      %broadcast_in_dim3A = arith.constant 0.000000e+00 : f32
      %broadcast_in_dim3A_48 = vector.broadcast %broadcast_in_dim3A : f32 to vector<64x128xf32>
      %swap3A_49 = arith.constant 0 : index
      %swap3A_50 = arith.constant 0 : index
      %swap3A_51 = vector.load %arg5[%swap3A_49, %swap3A_50] : memref<64x128xf32, #tpu.memory_space<vmem>>, vector<64x128xf32>
      tpu.vector_store %arg5[%swap3A_49, %swap3A_50], %broadcast_in_dim3A_48 {strides = array<i32>} : memref<64x128xf32, #tpu.memory_space<vmem>>, vector<64x128xf32>,
      %swap3A_52 = arith.constant 0 : index
      %swap3A_53 = arith.constant 0 : index
      %swap3A_54 = vector.load %arg6[%swap3A_52, %swap3A_53] : memref<64x128xf32, #tpu.memory_space<vmem>>, vector<64x128xf32>
      tpu.vector_store %arg6[%swap3A_52, %swap3A_53], %broadcast_in_dim3A_48 {strides = array<i32>} : memref<64x128xf32, #tpu.memory_space<vmem>>, vector<64x128xf32>,
      %broadcast_in_dim3A_55 = arith.constant -1.000000e+30 : f32
      %broadcast_in_dim3A_56 = vector.broadcast %broadcast_in_dim3A_55 : f32 to vector<64x128xf32>
      %swap3A_57 = arith.constant 0 : index
      %swap3A_58 = arith.constant 0 : index
      %swap3A_59 = vector.load %arg7[%swap3A_57, %swap3A_58] : memref<64x128xf32, #tpu.memory_space<vmem>>, vector<64x128xf32>
      tpu.vector_store %arg7[%swap3A_57, %swap3A_58], %broadcast_in_dim3A_56 {strides = array<i32>} : memref<64x128xf32, #tpu.memory_space<vmem>>, vector<64x128xf32>,
    } else {
    }
    %get3A = arith.constant 0 : index
    %get3A_2 = arith.constant 0 : index
    %get3A_3 = vector.load %arg3[%get3A, %get3A_2] : memref<2000x128xf32, #tpu.memory_space<vmem>>, vector<2000x128xf32>
    %get3A_4 = arith.constant 0 : index
    %get3A_5 = arith.constant 0 : index
    %get3A_6 = arith.constant 0 : index
    %get3A_7 = vector.load %arg2[%get3A_4, %get3A_5, %get3A_6] : memref<1x1x2000xi32, #tpu.memory_space<vmem>>, vector<1x1x2000xi32>
    %get3A_8 = vector.shape_cast %get3A_7 : vector<1x1x2000xi32> to vector<1x2000xi32>
    %convert_element_type3A_9 = arith.truncf %get3A_3 : vector<2000x128xf32> to vector<2000x128xbf16>
    %get3A_10 = arith.constant 0 : index
    %get3A_11 = arith.constant 0 : index
    %get3A_12 = vector.load %arg4[%get3A_10, %get3A_11] : memref<1x128xf32, #tpu.memory_space<vmem>>, vector<1x128xf32>
    %convert_element_type3A_13 = arith.truncf %get3A_12 : vector<1x128xf32> to vector<1x128xbf16>
    %dot_general3A = arith.constant dense<0.000000e+00> : vector<1x2000xf32>
    %dot_general3A_14 = tpu.matmul %convert_element_type3A_13, %convert_element_type3A_9, %dot_general3A {dimension_numbers = #tpu.dot_dimension_numbers<[1], [1], [0], [0], [0, 0, 1, 0], [], []>, transpose_lhs_hint = false} : vector<1x128xbf16>, vector<2000x128xbf16>, vector<1x2000xf32> -> vector<1x2000xf32>
    %iota3A = tpu.iota {dimensions = array<i32: 0>} : vector<64x2000xi32>
    %eq3A_15 = vector.broadcast %get3A_8 : vector<1x2000xi32> to vector<64x2000xi32>
    %eq3A_16 = arith.cmpi eq, %iota3A, %eq3A_15 : vector<64x2000xi32>
    %convert_element_type3A_17 = arith.extui %eq3A_16 : vector<64x2000xi1> to vector<64x2000xi32>
    %convert_element_type3A_18 = arith.sitofp %convert_element_type3A_17 : vector<64x2000xi32> to vector<64x2000xf32>
    %convert_element_type3A_19 = arith.truncf %convert_element_type3A_18 : vector<64x2000xf32> to vector<64x2000xbf16>
    %get3A_20 = arith.constant 0 : index
    %get3A_21 = arith.constant 0 : index
    %get3A_22 = vector.load %arg5[%get3A_20, %get3A_21] : memref<64x128xf32, #tpu.memory_space<vmem>>, vector<64x128xf32>
    %dot_general3A_23 = arith.constant dense<0.000000e+00> : vector<64x128xf32>
    %dot_general3A_24 = tpu.matmul %convert_element_type3A_19, %convert_element_type3A_9, %dot_general3A_23 {dimension_numbers = #tpu.dot_dimension_numbers<[1], [0], [0], [1], [0, 0, 1, 1], [], []>, transpose_lhs_hint = false} : vector<64x2000xbf16>, vector<2000x128xbf16>, vector<64x128xf32> -> vector<64x128xf32>
    %add3A = arith.addf %get3A_22, %dot_general3A_24 : vector<64x128xf32>
    %swap3A = arith.constant 0 : index
    %swap3A_25 = arith.constant 0 : index
    %swap3A_26 = vector.load %arg5[%swap3A, %swap3A_25] : memref<64x128xf32, #tpu.memory_space<vmem>>, vector<64x128xf32>
    tpu.vector_store %arg5[%swap3A, %swap3A_25], %add3A {strides = array<i32>} : memref<64x128xf32, #tpu.memory_space<vmem>>, vector<64x128xf32>,
    %get3A_27 = arith.constant 0 : index
    %get3A_28 = arith.constant 0 : index
    %get3A_29 = arith.constant 0 : index
    %get3A_30 = vector.load %arg1[%get3A_27, %get3A_28, %get3A_29] : memref<1x2000x1xi32, #tpu.memory_space<vmem>>, vector<1x1x1xi32>
    %get3A_31 = vector.extract %get3A_30[0, 0, 0] : i32 from vector<1x1x1xi32>
    %get3A_32 = arith.constant 0 : index
    %get3A_33 = arith.constant 1999 : index
    %get3A_34 = arith.constant 0 : index
    %get3A_35 = vector.load %arg1[%get3A_32, %get3A_33, %get3A_34] : memref<1x2000x1xi32, #tpu.memory_space<vmem>>, vector<1x1x1xi32>
    %get3A_36 = vector.extract %get3A_35[0, 0, 0] : i32 from vector<1x1x1xi32>
    %min3A = arith.constant 63 : i32
    %min3A_37 = arith.minsi %get3A_36, %min3A : i32
    %add3A_38 = arith.constant 1 : i32
    %add3A_39 = arith.addi %min3A_37, %add3A_38 : i32
    %while3A = arith.constant 0 : i32
    %while3A_40 = arith.subi %add3A_39, %get3A_31 : i32
    %while3A_41 = arith.addi %get3A_31, %while3A_40 : i32
    %while3A_42 = arith.constant 1 : i32
    %while3A_43 = arith.divsi %while3A_40, %while3A_42 : i32
    %while3A_44 = arith.muli %while3A_43, %while3A_42 : i32
    %while3A_45 = arith.addi %get3A_31, %while3A_44 : i32
    %while3A_46 = arith.constant 1 : i32
    scf.for %while3A_48 = %get3A_31 to %while3A_45 step %while3A_46  : i32 {
      %eq3A_49 = vector.broadcast %while3A_48 : i32 to vector<1x2000xi32>
      %eq3A_50 = arith.cmpi eq, %get3A_8, %eq3A_49 : vector<1x2000xi32>
      %jit3A = arith.constant 0xFF800000 : f32
      %broadcast_in_dim3A = vector.broadcast %jit3A : f32 to vector<1x2000xf32>
      %select_n3A = arith.select %eq3A_50, %dot_general3A_14, %broadcast_in_dim3A : vector<1x2000xi1>, vector<1x2000xf32>
      %reduce_max3A = arith.constant dense<0xFF800000> : vector<1xf32>
      %reduce_max3A_51 = vector.multi_reduction <maximumf>, %select_n3A, %reduce_max3A [1] : vector<1x2000xf32> to vector<1xf32>
      %broadcast_in_dim3A_52 = vector.shape_cast %reduce_max3A_51 : vector<1xf32> to vector<1x1xf32>
      %get3A_53 = arith.index_cast %while3A_48 : i32 to index
      %get3A_54 = arith.constant 0 : index
      %get3A_55 = vector.load %arg7[%get3A_53, %get3A_54] : memref<64x128xf32, #tpu.memory_space<vmem>>, vector<1x128xf32>
      %broadcast_in_dim3A_56 = vector.shape_cast %broadcast_in_dim3A_52 : vector<1x1xf32> to vector<1x1xf32>
      %broadcast_in_dim3A_57 = vector.broadcast %broadcast_in_dim3A_56 : vector<1x1xf32> to vector<1x128xf32>
      %max3A = arith.maximumf %get3A_55, %broadcast_in_dim3A_57 : vector<1x128xf32>
      %swap3A_58 = arith.index_cast %while3A_48 : i32 to index
      %swap3A_59 = arith.constant 0 : index
      %swap3A_60 = vector.load %arg7[%swap3A_58, %swap3A_59] : memref<64x128xf32, #tpu.memory_space<vmem>>, vector<1x128xf32>
      tpu.vector_store %arg7[%swap3A_58, %swap3A_59], %max3A {strides = array<i32>} : memref<64x128xf32, #tpu.memory_space<vmem>>, vector<1x128xf32>,
      %jit3A_61 = arith.constant 1.000000e+00 : f32
      %jit3A_62 = arith.constant 0.000000e+00 : f32
      %broadcast_in_dim3A_63 = vector.broadcast %jit3A_61 : f32 to vector<1x2000xf32>
      %broadcast_in_dim3A_64 = vector.broadcast %jit3A_62 : f32 to vector<1x2000xf32>
      %select_n3A_65 = arith.select %eq3A_50, %broadcast_in_dim3A_63, %broadcast_in_dim3A_64 : vector<1x2000xi1>, vector<1x2000xf32>
      %reduce_sum3A = arith.constant dense<0.000000e+00> : vector<1xf32>
      %reduce_sum3A_66 = vector.multi_reduction <add>, %select_n3A_65, %reduce_sum3A [1] : vector<1x2000xf32> to vector<1xf32>
      %broadcast_in_dim3A_67 = vector.shape_cast %reduce_sum3A_66 : vector<1xf32> to vector<1x1xf32>
      %get3A_68 = arith.index_cast %while3A_48 : i32 to index
      %get3A_69 = arith.constant 0 : index
      %get3A_70 = vector.load %arg6[%get3A_68, %get3A_69] : memref<64x128xf32, #tpu.memory_space<vmem>>, vector<1x128xf32>
      %broadcast_in_dim3A_71 = vector.shape_cast %broadcast_in_dim3A_67 : vector<1x1xf32> to vector<1x1xf32>
      %broadcast_in_dim3A_72 = vector.broadcast %broadcast_in_dim3A_71 : vector<1x1xf32> to vector<1x128xf32>
      %add3A_73 = arith.addf %get3A_70, %broadcast_in_dim3A_72 : vector<1x128xf32>
      %swap3A_74 = arith.index_cast %while3A_48 : i32 to index
      %swap3A_75 = arith.constant 0 : index
      %swap3A_76 = vector.load %arg6[%swap3A_74, %swap3A_75] : memref<64x128xf32, #tpu.memory_space<vmem>>, vector<1x128xf32>
      tpu.vector_store %arg6[%swap3A_74, %swap3A_75], %add3A_73 {strides = array<i32>} : memref<64x128xf32, #tpu.memory_space<vmem>>, vector<1x128xf32>,
    }
    %while3A_47 = arith.constant 1 : i32
    scf.for %while3A_48 = %while3A_45 to %while3A_41 step %while3A_47  : i32 {
      %eq3A_49 = vector.broadcast %while3A_48 : i32 to vector<1x2000xi32>
      %eq3A_50 = arith.cmpi eq, %get3A_8, %eq3A_49 : vector<1x2000xi32>
      %jit3A = arith.constant 0xFF800000 : f32
      %broadcast_in_dim3A = vector.broadcast %jit3A : f32 to vector<1x2000xf32>
      %select_n3A = arith.select %eq3A_50, %dot_general3A_14, %broadcast_in_dim3A : vector<1x2000xi1>, vector<1x2000xf32>
      %reduce_max3A = arith.constant dense<0xFF800000> : vector<1xf32>
      %reduce_max3A_51 = vector.multi_reduction <maximumf>, %select_n3A, %reduce_max3A [1] : vector<1x2000xf32> to vector<1xf32>
      %broadcast_in_dim3A_52 = vector.shape_cast %reduce_max3A_51 : vector<1xf32> to vector<1x1xf32>
      %get3A_53 = arith.index_cast %while3A_48 : i32 to index
      %get3A_54 = arith.constant 0 : index
      %get3A_55 = vector.load %arg7[%get3A_53, %get3A_54] : memref<64x128xf32, #tpu.memory_space<vmem>>, vector<1x128xf32>
      %broadcast_in_dim3A_56 = vector.shape_cast %broadcast_in_dim3A_52 : vector<1x1xf32> to vector<1x1xf32>
      %broadcast_in_dim3A_57 = vector.broadcast %broadcast_in_dim3A_56 : vector<1x1xf32> to vector<1x128xf32>
      %max3A = arith.maximumf %get3A_55, %broadcast_in_dim3A_57 : vector<1x128xf32>
      %swap3A_58 = arith.index_cast %while3A_48 : i32 to index
      %swap3A_59 = arith.constant 0 : index
      %swap3A_60 = vector.load %arg7[%swap3A_58, %swap3A_59] : memref<64x128xf32, #tpu.memory_space<vmem>>, vector<1x128xf32>
      tpu.vector_store %arg7[%swap3A_58, %swap3A_59], %max3A {strides = array<i32>} : memref<64x128xf32, #tpu.memory_space<vmem>>, vector<1x128xf32>,
      %jit3A_61 = arith.constant 1.000000e+00 : f32
      %jit3A_62 = arith.constant 0.000000e+00 : f32
      %broadcast_in_dim3A_63 = vector.broadcast %jit3A_61 : f32 to vector<1x2000xf32>
      %broadcast_in_dim3A_64 = vector.broadcast %jit3A_62 : f32 to vector<1x2000xf32>
      %select_n3A_65 = arith.select %eq3A_50, %broadcast_in_dim3A_63, %broadcast_in_dim3A_64 : vector<1x2000xi1>, vector<1x2000xf32>
      %reduce_sum3A = arith.constant dense<0.000000e+00> : vector<1xf32>
      %reduce_sum3A_66 = vector.multi_reduction <add>, %select_n3A_65, %reduce_sum3A [1] : vector<1x2000xf32> to vector<1xf32>
      %broadcast_in_dim3A_67 = vector.shape_cast %reduce_sum3A_66 : vector<1xf32> to vector<1x1xf32>
      %get3A_68 = arith.index_cast %while3A_48 : i32 to index
      %get3A_69 = arith.constant 0 : index
      %get3A_70 = vector.load %arg6[%get3A_68, %get3A_69] : memref<64x128xf32, #tpu.memory_space<vmem>>, vector<1x128xf32>
      %broadcast_in_dim3A_71 = vector.shape_cast %broadcast_in_dim3A_67 : vector<1x1xf32> to vector<1x1xf32>
      %broadcast_in_dim3A_72 = vector.broadcast %broadcast_in_dim3A_71 : vector<1x1xf32> to vector<1x128xf32>
      %add3A_73 = arith.addf %get3A_70, %broadcast_in_dim3A_72 : vector<1x128xf32>
      %swap3A_74 = arith.index_cast %while3A_48 : i32 to index
      %swap3A_75 = arith.constant 0 : index
      %swap3A_76 = vector.load %arg6[%swap3A_74, %swap3A_75] : memref<64x128xf32, #tpu.memory_space<vmem>>, vector<1x128xf32>
      tpu.vector_store %arg6[%swap3A_74, %swap3A_75], %add3A_73 {strides = array<i32>} : memref<64x128xf32, #tpu.memory_space<vmem>>, vector<1x128xf32>,
    }
    return
  }
  func.func @transform_0(%arg0: i32) -> (i32, i32, i32) {
    %c0_i32 = arith.constant 0 : i32
    %c0_i32_0 = arith.constant 0 : i32
    %c0_i32_1 = arith.constant 0 : i32
    return %arg0, %c0_i32, %c0_i32_0 : i32, i32, i32
  }
  func.func @transform_1(%arg0: i32) -> (i32, i32, i32) {
    %c0_i32 = arith.constant 0 : i32
    %c0_i32_0 = arith.constant 0 : i32
    %c0_i32_1 = arith.constant 0 : i32
    return %arg0, %c0_i32, %c0_i32_0 : i32, i32, i32
  }
  func.func @transform_2(%arg0: i32) -> (i32, i32) {
    %c0_i32 = arith.constant 0 : i32
    %c0_i32_0 = arith.constant 0 : i32
    return %arg0, %c0_i32 : i32, i32
  }
  func.func @transform_3(%arg0: i32) -> (i32, i32) {
    %c0_i32 = arith.constant 0 : i32
    %c0_i32_0 = arith.constant 0 : i32
    %c0_i32_1 = arith.constant 0 : i32
    return %c0_i32, %c0_i32_0 : i32, i32
  }
  func.func @transform_4(%arg0: i32) -> (i32, i32) {
    %c0_i32 = arith.constant 0 : i32
    %c0_i32_0 = arith.constant 0 : i32
    %c0_i32_1 = arith.constant 0 : i32
    return %c0_i32, %c0_i32_0 : i32, i32
  }
  func.func @transform_5(%arg0: i32) -> (i32, i32) {
    %c0_i32 = arith.constant 0 : i32
    %c0_i32_0 = arith.constant 0 : i32
    %c0_i32_1 = arith.constant 0 : i32
    return %c0_i32, %c0_i32_0 : i32, i32
  }
  func.func @transform_6(%arg0: i32) -> (i32, i32) {
    %c0_i32 = arith.constant 0 : i32
    %c0_i32_0 = arith.constant 0 : i32
    %c0_i32_1 = arith.constant 0 : i32
    return %c0_i32, %c0_i32_0 : i32, i32
  }
}

module attributes {stable_mosaic.version = 14 : i64} {
  func.func @_pass2(%arg0: i32, %arg1: memref<1x4000x1xi32, #tpu.memory_space<vmem>>, %arg2: memref<1x1x4000xi32, #tpu.memory_space<vmem>>, %arg3: memref<4000x128xf32, #tpu.memory_space<vmem>>, %arg4: memref<128x128xf32, #tpu.memory_space<vmem>>, %arg5: memref<128x1xf32, #tpu.memory_space<vmem>>, %arg6: memref<128x128xf32, #tpu.memory_space<vmem>>, %arg7: memref<128x1xf32, #tpu.memory_space<vmem>>, %arg8: memref<64x128xf32, #tpu.memory_space<vmem>>, %arg9: memref<64x128xf32, #tpu.memory_space<vmem>>, %arg10: memref<32x64x128xf32, #tpu.memory_space<vmem>>, %arg11: memref<64x128xf32, #tpu.memory_space<vmem>>, %arg12: memref<1x128xf32, #tpu.memory_space<vmem>>, %arg13: memref<640x256xf32, #tpu.memory_space<vmem>>, %arg14: memref<1x256xf32, #tpu.memory_space<vmem>>, %arg15: memref<256x128xf32, #tpu.memory_space<vmem>>, %arg16: memref<1x128xf32, #tpu.memory_space<vmem>>, %arg17: memref<64x128xf32, #tpu.memory_space<vmem>>, %arg18: memref<128x64xf32, #tpu.memory_space<vmem>>, %arg19: memref<64x128xf32, #tpu.memory_space<vmem>>, %arg20: memref<1x64xf32, #tpu.memory_space<vmem>>, %arg21: memref<128x64xf32, #tpu.memory_space<vmem>>, %arg22: memref<64x128xf32, #tpu.memory_space<vmem>>, %arg23: memref<64x128xf32, #tpu.memory_space<vmem>>) attributes {dimension_semantics = [#tpu.dimension_semantics<arbitrary>], iteration_bounds = array<i64: 25>, scalar_prefetch = 0 : i64, scratch_operands = 6 : i64, tpu.core_type = #tpu.core_type<tc>, window_params = [{transform_indices = @transform_0, window_bounds = array<i64: 1, 4000, 1>}, {transform_indices = @transform_1, window_bounds = array<i64: 1, 1, 4000>}, {transform_indices = @transform_2, window_bounds = array<i64: 4000, 128>}, {pipeline_mode = #tpu.pipeline_mode<synchronous>, transform_indices = @transform_3, window_bounds = array<i64: 128, 128>}, {pipeline_mode = #tpu.pipeline_mode<synchronous>, transform_indices = @transform_4, window_bounds = array<i64: 128, 1>}, {pipeline_mode = #tpu.pipeline_mode<synchronous>, transform_indices = @transform_5, window_bounds = array<i64: 128, 128>}, {pipeline_mode = #tpu.pipeline_mode<synchronous>, transform_indices = @transform_6, window_bounds = array<i64: 128, 1>}, {pipeline_mode = #tpu.pipeline_mode<synchronous>, transform_indices = @transform_7, window_bounds = array<i64: 64, 128>}, {pipeline_mode = #tpu.pipeline_mode<synchronous>, transform_indices = @transform_8, window_bounds = array<i64: 64, 128>}, {pipeline_mode = #tpu.pipeline_mode<synchronous>, transform_indices = @transform_9, window_bounds = array<i64: 32, 64, 128>}, {pipeline_mode = #tpu.pipeline_mode<synchronous>, transform_indices = @transform_10, window_bounds = array<i64: 64, 128>}, {pipeline_mode = #tpu.pipeline_mode<synchronous>, transform_indices = @transform_11, window_bounds = array<i64: 1, 128>}, {pipeline_mode = #tpu.pipeline_mode<synchronous>, transform_indices = @transform_12, window_bounds = array<i64: 640, 256>}, {pipeline_mode = #tpu.pipeline_mode<synchronous>, transform_indices = @transform_13, window_bounds = array<i64: 1, 256>}, {pipeline_mode = #tpu.pipeline_mode<synchronous>, transform_indices = @transform_14, window_bounds = array<i64: 256, 128>}, {pipeline_mode = #tpu.pipeline_mode<synchronous>, transform_indices = @transform_15, window_bounds = array<i64: 1, 128>}, {pipeline_mode = #tpu.pipeline_mode<synchronous>, transform_indices = @transform_16, window_bounds = array<i64: 64, 128>}]} {
    %eq3A = arith.constant 0 : i32
    %eq3A_0 = arith.cmpi eq, %arg0, %eq3A : i32
    %convert_element_type3A = arith.extui %eq3A_0 : i1 to i32
    %cond3A = arith.constant 0 : i32
    %cond3A_1 = arith.cmpi ne, %convert_element_type3A, %cond3A : i32
    scf.if %cond3A_1 {
      %broadcast_in_dim3A_94 = arith.constant 0.000000e+00 : f32
      %broadcast_in_dim3A_95 = vector.broadcast %broadcast_in_dim3A_94 : f32 to vector<1x64xf32>
      %swap3A_96 = arith.constant 0 : index
      %swap3A_97 = arith.constant 0 : index
      %swap3A_98 = vector.load %arg20[%swap3A_96, %swap3A_97] : memref<1x64xf32, #tpu.memory_space<vmem>>, vector<1x64xf32>
      tpu.vector_store %arg20[%swap3A_96, %swap3A_97], %broadcast_in_dim3A_95 {strides = array<i32>} : memref<1x64xf32, #tpu.memory_space<vmem>>, vector<1x64xf32>,
      %broadcast_in_dim3A_99 = arith.constant 0.000000e+00 : f32
      %broadcast_in_dim3A_100 = vector.broadcast %broadcast_in_dim3A_99 : f32 to vector<128x64xf32>
      %swap3A_101 = arith.constant 0 : index
      %swap3A_102 = arith.constant 0 : index
      %swap3A_103 = vector.load %arg21[%swap3A_101, %swap3A_102] : memref<128x64xf32, #tpu.memory_space<vmem>>, vector<128x64xf32>
      tpu.vector_store %arg21[%swap3A_101, %swap3A_102], %broadcast_in_dim3A_100 {strides = array<i32>} : memref<128x64xf32, #tpu.memory_space<vmem>>, vector<128x64xf32>,
      %broadcast_in_dim3A_104 = arith.constant 0.000000e+00 : f32
      %broadcast_in_dim3A_105 = vector.broadcast %broadcast_in_dim3A_104 : f32 to vector<64x128xf32>
      %swap3A_106 = arith.constant 0 : index
      %swap3A_107 = arith.constant 0 : index
      %swap3A_108 = vector.load %arg22[%swap3A_106, %swap3A_107] : memref<64x128xf32, #tpu.memory_space<vmem>>, vector<64x128xf32>
      tpu.vector_store %arg22[%swap3A_106, %swap3A_107], %broadcast_in_dim3A_105 {strides = array<i32>} : memref<64x128xf32, #tpu.memory_space<vmem>>, vector<64x128xf32>,
      %broadcast_in_dim3A_109 = arith.constant 0.000000e+00 : f32
      %broadcast_in_dim3A_110 = vector.broadcast %broadcast_in_dim3A_109 : f32 to vector<64x128xf32>
      %swap3A_111 = arith.constant 0 : index
      %swap3A_112 = arith.constant 0 : index
      %swap3A_113 = vector.load %arg23[%swap3A_111, %swap3A_112] : memref<64x128xf32, #tpu.memory_space<vmem>>, vector<64x128xf32>
      tpu.vector_store %arg23[%swap3A_111, %swap3A_112], %broadcast_in_dim3A_110 {strides = array<i32>} : memref<64x128xf32, #tpu.memory_space<vmem>>, vector<64x128xf32>,
      %broadcast_in_dim3A_114 = arith.constant -1.000000e+30 : f32
      %broadcast_in_dim3A_115 = vector.broadcast %broadcast_in_dim3A_114 : f32 to vector<64x128xf32>
      %swap3A_116 = arith.constant 0 : index
      %swap3A_117 = arith.constant 0 : index
      %swap3A_118 = vector.load %arg19[%swap3A_116, %swap3A_117] : memref<64x128xf32, #tpu.memory_space<vmem>>, vector<64x128xf32>
      tpu.vector_store %arg19[%swap3A_116, %swap3A_117], %broadcast_in_dim3A_115 {strides = array<i32>} : memref<64x128xf32, #tpu.memory_space<vmem>>, vector<64x128xf32>,
      %get3A_119 = arith.constant 0 : index
      %get3A_120 = arith.constant 0 : index
      %get3A_121 = vector.load %arg8[%get3A_119, %get3A_120] : memref<64x128xf32, #tpu.memory_space<vmem>>, vector<64x128xf32>
      %get3A_122 = arith.constant 0 : index
      %get3A_123 = arith.constant 0 : index
      %get3A_124 = vector.load %arg9[%get3A_122, %get3A_123] : memref<64x128xf32, #tpu.memory_space<vmem>>, vector<64x128xf32>
      %div3A = arith.divf %get3A_121, %get3A_124 : vector<64x128xf32>
      %get3A_125 = arith.constant 0 : index
      %get3A_126 = arith.constant 0 : index
      %get3A_127 = vector.load %arg6[%get3A_125, %get3A_126] : memref<128x128xf32, #tpu.memory_space<vmem>>, vector<128x128xf32>
      %dot_general3A_128 = arith.constant dense<0.000000e+00> : vector<128x64xf32>
      %dot_general3A_129 = tpu.matmul %get3A_127, %div3A, %dot_general3A_128 {dimension_numbers = #tpu.dot_dimension_numbers<[1], [1], [0], [0], [0, 0, 1, 0], [], []>, transpose_lhs_hint = false} : vector<128x128xf32>, vector<64x128xf32>, vector<128x64xf32> -> vector<128x64xf32>
      %get3A_130 = arith.constant 0 : index
      %get3A_131 = arith.constant 0 : index
      %get3A_132 = vector.load %arg7[%get3A_130, %get3A_131] : memref<128x1xf32, #tpu.memory_space<vmem>>, vector<128x1xf32>
      %add3A_133 = vector.broadcast %get3A_132 : vector<128x1xf32> to vector<128x64xf32>
      %add3A_134 = arith.addf %dot_general3A_129, %add3A_133 : vector<128x64xf32>
      %swap3A_135 = arith.constant 0 : index
      %swap3A_136 = arith.constant 0 : index
      %swap3A_137 = vector.load %arg18[%swap3A_135, %swap3A_136] : memref<128x64xf32, #tpu.memory_space<vmem>>, vector<128x64xf32>
      tpu.vector_store %arg18[%swap3A_135, %swap3A_136], %add3A_134 {strides = array<i32>} : memref<128x64xf32, #tpu.memory_space<vmem>>, vector<128x64xf32>,
    } else {
    }
    %get3A = arith.constant 0 : index
    %get3A_2 = arith.constant 0 : index
    %get3A_3 = vector.load %arg3[%get3A, %get3A_2] : memref<4000x128xf32, #tpu.memory_space<vmem>>, vector<4000x128xf32>
    %get3A_4 = arith.constant 0 : index
    %get3A_5 = arith.constant 0 : index
    %get3A_6 = arith.constant 0 : index
    %get3A_7 = vector.load %arg2[%get3A_4, %get3A_5, %get3A_6] : memref<1x1x4000xi32, #tpu.memory_space<vmem>>, vector<1x1x4000xi32>
    %get3A_8 = vector.shape_cast %get3A_7 : vector<1x1x4000xi32> to vector<1x4000xi32>
    %get3A_9 = arith.constant 0 : index
    %get3A_10 = arith.constant 0 : index
    %get3A_11 = arith.constant 0 : index
    %get3A_12 = vector.load %arg1[%get3A_9, %get3A_10, %get3A_11] : memref<1x4000x1xi32, #tpu.memory_space<vmem>>, vector<1x1x1xi32>
    %get3A_13 = vector.extract %get3A_12[0, 0, 0] : i32 from vector<1x1x1xi32>
    %get3A_14 = arith.constant 0 : index
    %get3A_15 = arith.constant 3999 : index
    %get3A_16 = arith.constant 0 : index
    %get3A_17 = vector.load %arg1[%get3A_14, %get3A_15, %get3A_16] : memref<1x4000x1xi32, #tpu.memory_space<vmem>>, vector<1x1x1xi32>
    %get3A_18 = vector.extract %get3A_17[0, 0, 0] : i32 from vector<1x1x1xi32>
    %min3A = arith.constant 63 : i32
    %min3A_19 = arith.minsi %get3A_18, %min3A : i32
    %convert_element_type3A_20 = arith.truncf %get3A_3 : vector<4000x128xf32> to vector<4000x128xbf16>
    %get3A_21 = arith.constant 0 : index
    %get3A_22 = arith.constant 0 : index
    %get3A_23 = vector.load %arg4[%get3A_21, %get3A_22] : memref<128x128xf32, #tpu.memory_space<vmem>>, vector<128x128xf32>
    %convert_element_type3A_24 = arith.truncf %get3A_23 : vector<128x128xf32> to vector<128x128xbf16>
    %dot_general3A = arith.constant dense<0.000000e+00> : vector<128x4000xf32>
    %dot_general3A_25 = tpu.matmul %convert_element_type3A_24, %convert_element_type3A_20, %dot_general3A {dimension_numbers = #tpu.dot_dimension_numbers<[1], [1], [0], [0], [0, 0, 1, 0], [], []>, transpose_lhs_hint = false} : vector<128x128xbf16>, vector<4000x128xbf16>, vector<128x4000xf32> -> vector<128x4000xf32>
    %get3A_26 = arith.constant 0 : index
    %get3A_27 = arith.constant 0 : index
    %get3A_28 = vector.load %arg5[%get3A_26, %get3A_27] : memref<128x1xf32, #tpu.memory_space<vmem>>, vector<128x1xf32>
    %add3A = vector.broadcast %get3A_28 : vector<128x1xf32> to vector<128x4000xf32>
    %add3A_29 = arith.addf %dot_general3A_25, %add3A : vector<128x4000xf32>
    %get3A_30 = arith.constant 0 : index
    %get3A_31 = arith.constant 0 : index
    %get3A_32 = vector.load %arg12[%get3A_30, %get3A_31] : memref<1x128xf32, #tpu.memory_space<vmem>>, vector<1x128xf32>
    %convert_element_type3A_33 = arith.truncf %get3A_32 : vector<1x128xf32> to vector<1x128xbf16>
    %dot_general3A_34 = arith.constant dense<0.000000e+00> : vector<1x4000xf32>
    %dot_general3A_35 = tpu.matmul %convert_element_type3A_33, %convert_element_type3A_20, %dot_general3A_34 {dimension_numbers = #tpu.dot_dimension_numbers<[1], [1], [0], [0], [0, 0, 1, 0], [], []>, transpose_lhs_hint = false} : vector<1x128xbf16>, vector<4000x128xbf16>, vector<1x4000xf32> -> vector<1x4000xf32>
    %iota3A = tpu.iota {dimensions = array<i32: 0>} : vector<64x4000xi32>
    %eq3A_36 = vector.broadcast %get3A_8 : vector<1x4000xi32> to vector<64x4000xi32>
    %eq3A_37 = arith.cmpi eq, %iota3A, %eq3A_36 : vector<64x4000xi32>
    %convert_element_type3A_38 = arith.extui %eq3A_37 : vector<64x4000xi1> to vector<64x4000xi32>
    %convert_element_type3A_39 = arith.sitofp %convert_element_type3A_38 : vector<64x4000xi32> to vector<64x4000xf32>
    %convert_element_type3A_40 = arith.truncf %convert_element_type3A_39 : vector<64x4000xf32> to vector<64x4000xbf16>
    %get3A_41 = arith.constant 0 : index
    %get3A_42 = arith.constant 0 : index
    %get3A_43 = vector.load %arg18[%get3A_41, %get3A_42] : memref<128x64xf32, #tpu.memory_space<vmem>>, vector<128x64xf32>
    %convert_element_type3A_44 = arith.truncf %get3A_43 : vector<128x64xf32> to vector<128x64xbf16>
    %dot_general3A_45 = arith.constant dense<0.000000e+00> : vector<128x4000xf32>
    %dot_general3A_46 = tpu.matmul %convert_element_type3A_44, %convert_element_type3A_40, %dot_general3A_45 {dimension_numbers = #tpu.dot_dimension_numbers<[1], [0], [0], [1], [0, 0, 1, 1], [], []>, transpose_lhs_hint = false} : vector<128x64xbf16>, vector<64x4000xbf16>, vector<128x4000xf32> -> vector<128x4000xf32>
    %mul3A = arith.mulf %add3A_29, %dot_general3A_46 : vector<128x4000xf32>
    %reduce_sum3A = arith.constant dense<0.000000e+00> : vector<4000xf32>
    %reduce_sum3A_47 = vector.multi_reduction <add>, %mul3A, %reduce_sum3A [0] : vector<128x4000xf32> to vector<4000xf32>
    %broadcast_in_dim3A = vector.shape_cast %reduce_sum3A_47 : vector<4000xf32> to vector<1x4000xf32>
    %mul3A_48 = arith.constant 0.0883883461 : f32
    %mul3A_49 = vector.broadcast %mul3A_48 : f32 to vector<1x4000xf32>
    %mul3A_50 = arith.mulf %broadcast_in_dim3A, %mul3A_49 : vector<1x4000xf32>
    %iota3A_51 = tpu.iota {dimensions = array<i32: 1>} : vector<1x64xi32>
    %broadcast_in_dim3A_52 = arith.constant 0.000000e+00 : f32
    %broadcast_in_dim3A_53 = vector.broadcast %broadcast_in_dim3A_52 : f32 to vector<1x4000xf32>
    %add3A_54 = arith.constant 1 : i32
    %add3A_55 = arith.addi %min3A_19, %add3A_54 : i32
    %while3A = arith.subi %add3A_55, %get3A_13 : i32
    %while3A_56 = arith.addi %get3A_13, %while3A : i32
    %while3A_57 = arith.constant 1 : i32
    %while3A_58 = arith.divsi %while3A, %while3A_57 : i32
    %while3A_59 = arith.muli %while3A_58, %while3A_57 : i32
    %while3A_60 = arith.addi %get3A_13, %while3A_59 : i32
    %while3A_61 = arith.constant 1 : i32
    %while3A_62:2 = scf.for %while3A_94 = %get3A_13 to %while3A_60 step %while3A_61 iter_args(%while3A_95 = %broadcast_in_dim3A_53, %while3A_96 = %broadcast_in_dim3A_53) -> (vector<1x4000xf32>, vector<1x4000xf32>)  : i32 {
      %eq3A_97 = vector.broadcast %while3A_94 : i32 to vector<1x4000xi32>
      %eq3A_98 = arith.cmpi eq, %get3A_8, %eq3A_97 : vector<1x4000xi32>
      %jit3A = arith.constant 0xFF800000 : f32
      %broadcast_in_dim3A_99 = vector.broadcast %jit3A : f32 to vector<1x4000xf32>
      %select_n3A = arith.select %eq3A_98, %mul3A_50, %broadcast_in_dim3A_99 : vector<1x4000xi1>, vector<1x4000xf32>
      %reduce_max3A = arith.constant dense<0xFF800000> : vector<1xf32>
      %reduce_max3A_100 = vector.multi_reduction <maximumf>, %select_n3A, %reduce_max3A [1] : vector<1x4000xf32> to vector<1xf32>
      %broadcast_in_dim3A_101 = vector.shape_cast %reduce_max3A_100 : vector<1xf32> to vector<1x1xf32>
      %get3A_102 = arith.index_cast %while3A_94 : i32 to index
      %get3A_103 = arith.constant 0 : index
      %get3A_104 = vector.load %arg19[%get3A_102, %get3A_103] : memref<64x128xf32, #tpu.memory_space<vmem>>, vector<1x128xf32>
      %broadcast_in_dim3A_105 = vector.shape_cast %broadcast_in_dim3A_101 : vector<1x1xf32> to vector<1x1xf32>
      %broadcast_in_dim3A_106 = vector.broadcast %broadcast_in_dim3A_105 : vector<1x1xf32> to vector<1x128xf32>
      %max3A = arith.maximumf %get3A_104, %broadcast_in_dim3A_106 : vector<1x128xf32>
      %sub3A = arith.subf %get3A_104, %max3A : vector<1x128xf32>
      %exp3A = math.exp %sub3A : vector<1x128xf32>
      %swap3A_107 = arith.index_cast %while3A_94 : i32 to index
      %swap3A_108 = arith.constant 0 : index
      %swap3A_109 = vector.load %arg19[%swap3A_107, %swap3A_108] : memref<64x128xf32, #tpu.memory_space<vmem>>, vector<1x128xf32>
      tpu.vector_store %arg19[%swap3A_107, %swap3A_108], %max3A {strides = array<i32>} : memref<64x128xf32, #tpu.memory_space<vmem>>, vector<1x128xf32>,
      %eq3A_110 = vector.broadcast %while3A_94 : i32 to vector<1x64xi32>
      %eq3A_111 = arith.cmpi eq, %iota3A_51, %eq3A_110 : vector<1x64xi32>
      %slice3A = vector.extract_strided_slice %exp3A {offsets = [0, 0], sizes = [1, 1], strides = [1, 1]} : vector<1x128xf32> to vector<1x1xf32>
      %jit3A_112 = arith.constant 1.000000e+00 : f32
      %broadcast_in_dim3A_113 = vector.shape_cast %slice3A : vector<1x1xf32> to vector<1x1xf32>
      %broadcast_in_dim3A_114 = vector.broadcast %broadcast_in_dim3A_113 : vector<1x1xf32> to vector<1x64xf32>
      %broadcast_in_dim3A_115 = vector.broadcast %jit3A_112 : f32 to vector<1x64xf32>
      %select_n3A_116 = arith.select %eq3A_111, %broadcast_in_dim3A_114, %broadcast_in_dim3A_115 : vector<1x64xi1>, vector<1x64xf32>
      %get3A_117 = arith.constant 0 : index
      %get3A_118 = arith.constant 0 : index
      %get3A_119 = vector.load %arg21[%get3A_117, %get3A_118] : memref<128x64xf32, #tpu.memory_space<vmem>>, vector<128x64xf32>
      %mul3A_120 = vector.broadcast %select_n3A_116 : vector<1x64xf32> to vector<128x64xf32>
      %mul3A_121 = arith.mulf %get3A_119, %mul3A_120 : vector<128x64xf32>
      %swap3A_122 = arith.constant 0 : index
      %swap3A_123 = arith.constant 0 : index
      %swap3A_124 = vector.load %arg21[%swap3A_122, %swap3A_123] : memref<128x64xf32, #tpu.memory_space<vmem>>, vector<128x64xf32>
      tpu.vector_store %arg21[%swap3A_122, %swap3A_123], %mul3A_121 {strides = array<i32>} : memref<128x64xf32, #tpu.memory_space<vmem>>, vector<128x64xf32>,
      %get3A_125 = arith.constant 0 : index
      %get3A_126 = arith.constant 0 : index
      %get3A_127 = vector.load %arg20[%get3A_125, %get3A_126] : memref<1x64xf32, #tpu.memory_space<vmem>>, vector<1x64xf32>
      %mul3A_128 = arith.mulf %get3A_127, %select_n3A_116 : vector<1x64xf32>
      %swap3A_129 = arith.constant 0 : index
      %swap3A_130 = arith.constant 0 : index
      %swap3A_131 = vector.load %arg20[%swap3A_129, %swap3A_130] : memref<1x64xf32, #tpu.memory_space<vmem>>, vector<1x64xf32>
      tpu.vector_store %arg20[%swap3A_129, %swap3A_130], %mul3A_128 {strides = array<i32>} : memref<1x64xf32, #tpu.memory_space<vmem>>, vector<1x64xf32>,
      %slice3A_132 = vector.extract_strided_slice %max3A {offsets = [0, 0], sizes = [1, 1], strides = [1, 1]} : vector<1x128xf32> to vector<1x1xf32>
      %sub3A_133 = vector.broadcast %slice3A_132 : vector<1x1xf32> to vector<1x4000xf32>
      %sub3A_134 = arith.subf %mul3A_50, %sub3A_133 : vector<1x4000xf32>
      %exp3A_135 = math.exp %sub3A_134 : vector<1x4000xf32>
      %get3A_136 = arith.constant 0 : index
      %get3A_137 = arith.constant 0 : index
      %get3A_138 = vector.load %arg20[%get3A_136, %get3A_137] : memref<1x64xf32, #tpu.memory_space<vmem>>, vector<1x64xf32>
      %eq3A_139 = vector.broadcast %while3A_94 : i32 to vector<1x64xi32>
      %eq3A_140 = arith.cmpi eq, %iota3A_51, %eq3A_139 : vector<1x64xi32>
      %jit3A_141 = arith.constant 0.000000e+00 : f32
      %broadcast_in_dim3A_142 = vector.broadcast %jit3A_141 : f32 to vector<1x4000xf32>
      %select_n3A_143 = arith.select %eq3A_98, %exp3A_135, %broadcast_in_dim3A_142 : vector<1x4000xi1>, vector<1x4000xf32>
      %reduce_sum3A_144 = arith.constant dense<0.000000e+00> : vector<1xf32>
      %reduce_sum3A_145 = vector.multi_reduction <add>, %select_n3A_143, %reduce_sum3A_144 [1] : vector<1x4000xf32> to vector<1xf32>
      %broadcast_in_dim3A_146 = vector.shape_cast %reduce_sum3A_145 : vector<1xf32> to vector<1x1xf32>
      %jit3A_147 = arith.constant 0.000000e+00 : f32
      %broadcast_in_dim3A_148 = vector.shape_cast %broadcast_in_dim3A_146 : vector<1x1xf32> to vector<1x1xf32>
      %broadcast_in_dim3A_149 = vector.broadcast %broadcast_in_dim3A_148 : vector<1x1xf32> to vector<1x64xf32>
      %broadcast_in_dim3A_150 = vector.broadcast %jit3A_147 : f32 to vector<1x64xf32>
      %select_n3A_151 = arith.select %eq3A_140, %broadcast_in_dim3A_149, %broadcast_in_dim3A_150 : vector<1x64xi1>, vector<1x64xf32>
      %add3A_152 = arith.addf %get3A_138, %select_n3A_151 : vector<1x64xf32>
      %swap3A_153 = arith.constant 0 : index
      %swap3A_154 = arith.constant 0 : index
      %swap3A_155 = vector.load %arg20[%swap3A_153, %swap3A_154] : memref<1x64xf32, #tpu.memory_space<vmem>>, vector<1x64xf32>
      tpu.vector_store %arg20[%swap3A_153, %swap3A_154], %add3A_152 {strides = array<i32>} : memref<1x64xf32, #tpu.memory_space<vmem>>, vector<1x64xf32>,
      %get3A_156 = arith.index_cast %while3A_94 : i32 to index
      %get3A_157 = arith.constant 0 : index
      %get3A_158 = vector.load %arg11[%get3A_156, %get3A_157] : memref<64x128xf32, #tpu.memory_space<vmem>>, vector<1x128xf32>
      %slice3A_159 = vector.extract_strided_slice %get3A_158 {offsets = [0, 0], sizes = [1, 1], strides = [1, 1]} : vector<1x128xf32> to vector<1x1xf32>
      %sub3A_160 = vector.broadcast %slice3A_159 : vector<1x1xf32> to vector<1x4000xf32>
      %sub3A_161 = arith.subf %dot_general3A_35, %sub3A_160 : vector<1x4000xf32>
      %exp3A_162 = math.exp %sub3A_161 : vector<1x4000xf32>
      %get3A_163 = arith.index_cast %while3A_94 : i32 to index
      %get3A_164 = arith.constant 0 : index
      %get3A_165 = vector.load %arg23[%get3A_163, %get3A_164] : memref<64x128xf32, #tpu.memory_space<vmem>>, vector<1x128xf32>
      %jit3A_166 = arith.constant 0.000000e+00 : f32
      %broadcast_in_dim3A_167 = vector.broadcast %jit3A_166 : f32 to vector<1x4000xf32>
      %select_n3A_168 = arith.select %eq3A_98, %exp3A_162, %broadcast_in_dim3A_167 : vector<1x4000xi1>, vector<1x4000xf32>
      %reduce_sum3A_169 = arith.constant dense<0.000000e+00> : vector<1xf32>
      %reduce_sum3A_170 = vector.multi_reduction <add>, %select_n3A_168, %reduce_sum3A_169 [1] : vector<1x4000xf32> to vector<1xf32>
      %broadcast_in_dim3A_171 = vector.shape_cast %reduce_sum3A_170 : vector<1xf32> to vector<1x1xf32>
      %broadcast_in_dim3A_172 = vector.shape_cast %broadcast_in_dim3A_171 : vector<1x1xf32> to vector<1x1xf32>
      %broadcast_in_dim3A_173 = vector.broadcast %broadcast_in_dim3A_172 : vector<1x1xf32> to vector<1x128xf32>
      %add3A_174 = arith.addf %get3A_165, %broadcast_in_dim3A_173 : vector<1x128xf32>
      %swap3A_175 = arith.index_cast %while3A_94 : i32 to index
      %swap3A_176 = arith.constant 0 : index
      %swap3A_177 = vector.load %arg23[%swap3A_175, %swap3A_176] : memref<64x128xf32, #tpu.memory_space<vmem>>, vector<1x128xf32>
      tpu.vector_store %arg23[%swap3A_175, %swap3A_176], %add3A_174 {strides = array<i32>} : memref<64x128xf32, #tpu.memory_space<vmem>>, vector<1x128xf32>,
      %select_n3A_178 = arith.select %eq3A_98, %exp3A_162, %while3A_95 : vector<1x4000xi1>, vector<1x4000xf32>
      %select_n3A_179 = arith.select %eq3A_98, %exp3A_135, %while3A_96 : vector<1x4000xi1>, vector<1x4000xf32>
      scf.yield %select_n3A_178, %select_n3A_179 : vector<1x4000xf32>, vector<1x4000xf32>
    }
    %while3A_63 = arith.constant 1 : i32
    %while3A_64:2 = scf.for %while3A_94 = %while3A_60 to %while3A_56 step %while3A_63 iter_args(%while3A_95 = %while3A_62#0, %while3A_96 = %while3A_62#1) -> (vector<1x4000xf32>, vector<1x4000xf32>)  : i32 {
      %eq3A_97 = vector.broadcast %while3A_94 : i32 to vector<1x4000xi32>
      %eq3A_98 = arith.cmpi eq, %get3A_8, %eq3A_97 : vector<1x4000xi32>
      %jit3A = arith.constant 0xFF800000 : f32
      %broadcast_in_dim3A_99 = vector.broadcast %jit3A : f32 to vector<1x4000xf32>
      %select_n3A = arith.select %eq3A_98, %mul3A_50, %broadcast_in_dim3A_99 : vector<1x4000xi1>, vector<1x4000xf32>
      %reduce_max3A = arith.constant dense<0xFF800000> : vector<1xf32>
      %reduce_max3A_100 = vector.multi_reduction <maximumf>, %select_n3A, %reduce_max3A [1] : vector<1x4000xf32> to vector<1xf32>
      %broadcast_in_dim3A_101 = vector.shape_cast %reduce_max3A_100 : vector<1xf32> to vector<1x1xf32>
      %get3A_102 = arith.index_cast %while3A_94 : i32 to index
      %get3A_103 = arith.constant 0 : index
      %get3A_104 = vector.load %arg19[%get3A_102, %get3A_103] : memref<64x128xf32, #tpu.memory_space<vmem>>, vector<1x128xf32>
      %broadcast_in_dim3A_105 = vector.shape_cast %broadcast_in_dim3A_101 : vector<1x1xf32> to vector<1x1xf32>
      %broadcast_in_dim3A_106 = vector.broadcast %broadcast_in_dim3A_105 : vector<1x1xf32> to vector<1x128xf32>
      %max3A = arith.maximumf %get3A_104, %broadcast_in_dim3A_106 : vector<1x128xf32>
      %sub3A = arith.subf %get3A_104, %max3A : vector<1x128xf32>
      %exp3A = math.exp %sub3A : vector<1x128xf32>
      %swap3A_107 = arith.index_cast %while3A_94 : i32 to index
      %swap3A_108 = arith.constant 0 : index
      %swap3A_109 = vector.load %arg19[%swap3A_107, %swap3A_108] : memref<64x128xf32, #tpu.memory_space<vmem>>, vector<1x128xf32>
      tpu.vector_store %arg19[%swap3A_107, %swap3A_108], %max3A {strides = array<i32>} : memref<64x128xf32, #tpu.memory_space<vmem>>, vector<1x128xf32>,
      %eq3A_110 = vector.broadcast %while3A_94 : i32 to vector<1x64xi32>
      %eq3A_111 = arith.cmpi eq, %iota3A_51, %eq3A_110 : vector<1x64xi32>
      %slice3A = vector.extract_strided_slice %exp3A {offsets = [0, 0], sizes = [1, 1], strides = [1, 1]} : vector<1x128xf32> to vector<1x1xf32>
      %jit3A_112 = arith.constant 1.000000e+00 : f32
      %broadcast_in_dim3A_113 = vector.shape_cast %slice3A : vector<1x1xf32> to vector<1x1xf32>
      %broadcast_in_dim3A_114 = vector.broadcast %broadcast_in_dim3A_113 : vector<1x1xf32> to vector<1x64xf32>
      %broadcast_in_dim3A_115 = vector.broadcast %jit3A_112 : f32 to vector<1x64xf32>
      %select_n3A_116 = arith.select %eq3A_111, %broadcast_in_dim3A_114, %broadcast_in_dim3A_115 : vector<1x64xi1>, vector<1x64xf32>
      %get3A_117 = arith.constant 0 : index
      %get3A_118 = arith.constant 0 : index
      %get3A_119 = vector.load %arg21[%get3A_117, %get3A_118] : memref<128x64xf32, #tpu.memory_space<vmem>>, vector<128x64xf32>
      %mul3A_120 = vector.broadcast %select_n3A_116 : vector<1x64xf32> to vector<128x64xf32>
      %mul3A_121 = arith.mulf %get3A_119, %mul3A_120 : vector<128x64xf32>
      %swap3A_122 = arith.constant 0 : index
      %swap3A_123 = arith.constant 0 : index
      %swap3A_124 = vector.load %arg21[%swap3A_122, %swap3A_123] : memref<128x64xf32, #tpu.memory_space<vmem>>, vector<128x64xf32>
      tpu.vector_store %arg21[%swap3A_122, %swap3A_123], %mul3A_121 {strides = array<i32>} : memref<128x64xf32, #tpu.memory_space<vmem>>, vector<128x64xf32>,
      %get3A_125 = arith.constant 0 : index
      %get3A_126 = arith.constant 0 : index
      %get3A_127 = vector.load %arg20[%get3A_125, %get3A_126] : memref<1x64xf32, #tpu.memory_space<vmem>>, vector<1x64xf32>
      %mul3A_128 = arith.mulf %get3A_127, %select_n3A_116 : vector<1x64xf32>
      %swap3A_129 = arith.constant 0 : index
      %swap3A_130 = arith.constant 0 : index
      %swap3A_131 = vector.load %arg20[%swap3A_129, %swap3A_130] : memref<1x64xf32, #tpu.memory_space<vmem>>, vector<1x64xf32>
      tpu.vector_store %arg20[%swap3A_129, %swap3A_130], %mul3A_128 {strides = array<i32>} : memref<1x64xf32, #tpu.memory_space<vmem>>, vector<1x64xf32>,
      %slice3A_132 = vector.extract_strided_slice %max3A {offsets = [0, 0], sizes = [1, 1], strides = [1, 1]} : vector<1x128xf32> to vector<1x1xf32>
      %sub3A_133 = vector.broadcast %slice3A_132 : vector<1x1xf32> to vector<1x4000xf32>
      %sub3A_134 = arith.subf %mul3A_50, %sub3A_133 : vector<1x4000xf32>
      %exp3A_135 = math.exp %sub3A_134 : vector<1x4000xf32>
      %get3A_136 = arith.constant 0 : index
      %get3A_137 = arith.constant 0 : index
      %get3A_138 = vector.load %arg20[%get3A_136, %get3A_137] : memref<1x64xf32, #tpu.memory_space<vmem>>, vector<1x64xf32>
      %eq3A_139 = vector.broadcast %while3A_94 : i32 to vector<1x64xi32>
      %eq3A_140 = arith.cmpi eq, %iota3A_51, %eq3A_139 : vector<1x64xi32>
      %jit3A_141 = arith.constant 0.000000e+00 : f32
      %broadcast_in_dim3A_142 = vector.broadcast %jit3A_141 : f32 to vector<1x4000xf32>
      %select_n3A_143 = arith.select %eq3A_98, %exp3A_135, %broadcast_in_dim3A_142 : vector<1x4000xi1>, vector<1x4000xf32>
      %reduce_sum3A_144 = arith.constant dense<0.000000e+00> : vector<1xf32>
      %reduce_sum3A_145 = vector.multi_reduction <add>, %select_n3A_143, %reduce_sum3A_144 [1] : vector<1x4000xf32> to vector<1xf32>
      %broadcast_in_dim3A_146 = vector.shape_cast %reduce_sum3A_145 : vector<1xf32> to vector<1x1xf32>
      %jit3A_147 = arith.constant 0.000000e+00 : f32
      %broadcast_in_dim3A_148 = vector.shape_cast %broadcast_in_dim3A_146 : vector<1x1xf32> to vector<1x1xf32>
      %broadcast_in_dim3A_149 = vector.broadcast %broadcast_in_dim3A_148 : vector<1x1xf32> to vector<1x64xf32>
      %broadcast_in_dim3A_150 = vector.broadcast %jit3A_147 : f32 to vector<1x64xf32>
      %select_n3A_151 = arith.select %eq3A_140, %broadcast_in_dim3A_149, %broadcast_in_dim3A_150 : vector<1x64xi1>, vector<1x64xf32>
      %add3A_152 = arith.addf %get3A_138, %select_n3A_151 : vector<1x64xf32>
      %swap3A_153 = arith.constant 0 : index
      %swap3A_154 = arith.constant 0 : index
      %swap3A_155 = vector.load %arg20[%swap3A_153, %swap3A_154] : memref<1x64xf32, #tpu.memory_space<vmem>>, vector<1x64xf32>
      tpu.vector_store %arg20[%swap3A_153, %swap3A_154], %add3A_152 {strides = array<i32>} : memref<1x64xf32, #tpu.memory_space<vmem>>, vector<1x64xf32>,
      %get3A_156 = arith.index_cast %while3A_94 : i32 to index
      %get3A_157 = arith.constant 0 : index
      %get3A_158 = vector.load %arg11[%get3A_156, %get3A_157] : memref<64x128xf32, #tpu.memory_space<vmem>>, vector<1x128xf32>
      %slice3A_159 = vector.extract_strided_slice %get3A_158 {offsets = [0, 0], sizes = [1, 1], strides = [1, 1]} : vector<1x128xf32> to vector<1x1xf32>
      %sub3A_160 = vector.broadcast %slice3A_159 : vector<1x1xf32> to vector<1x4000xf32>
      %sub3A_161 = arith.subf %dot_general3A_35, %sub3A_160 : vector<1x4000xf32>
      %exp3A_162 = math.exp %sub3A_161 : vector<1x4000xf32>
      %get3A_163 = arith.index_cast %while3A_94 : i32 to index
      %get3A_164 = arith.constant 0 : index
      %get3A_165 = vector.load %arg23[%get3A_163, %get3A_164] : memref<64x128xf32, #tpu.memory_space<vmem>>, vector<1x128xf32>
      %jit3A_166 = arith.constant 0.000000e+00 : f32
      %broadcast_in_dim3A_167 = vector.broadcast %jit3A_166 : f32 to vector<1x4000xf32>
      %select_n3A_168 = arith.select %eq3A_98, %exp3A_162, %broadcast_in_dim3A_167 : vector<1x4000xi1>, vector<1x4000xf32>
      %reduce_sum3A_169 = arith.constant dense<0.000000e+00> : vector<1xf32>
      %reduce_sum3A_170 = vector.multi_reduction <add>, %select_n3A_168, %reduce_sum3A_169 [1] : vector<1x4000xf32> to vector<1xf32>
      %broadcast_in_dim3A_171 = vector.shape_cast %reduce_sum3A_170 : vector<1xf32> to vector<1x1xf32>
      %broadcast_in_dim3A_172 = vector.shape_cast %broadcast_in_dim3A_171 : vector<1x1xf32> to vector<1x1xf32>
      %broadcast_in_dim3A_173 = vector.broadcast %broadcast_in_dim3A_172 : vector<1x1xf32> to vector<1x128xf32>
      %add3A_174 = arith.addf %get3A_165, %broadcast_in_dim3A_173 : vector<1x128xf32>
      %swap3A_175 = arith.index_cast %while3A_94 : i32 to index
      %swap3A_176 = arith.constant 0 : index
      %swap3A_177 = vector.load %arg23[%swap3A_175, %swap3A_176] : memref<64x128xf32, #tpu.memory_space<vmem>>, vector<1x128xf32>
      tpu.vector_store %arg23[%swap3A_175, %swap3A_176], %add3A_174 {strides = array<i32>} : memref<64x128xf32, #tpu.memory_space<vmem>>, vector<1x128xf32>,
      %select_n3A_178 = arith.select %eq3A_98, %exp3A_162, %while3A_95 : vector<1x4000xi1>, vector<1x4000xf32>
      %select_n3A_179 = arith.select %eq3A_98, %exp3A_135, %while3A_96 : vector<1x4000xi1>, vector<1x4000xf32>
      scf.yield %select_n3A_178, %select_n3A_179 : vector<1x4000xf32>, vector<1x4000xf32>
    }
    %convert_element_type3A_65 = arith.truncf %while3A_64#0 : vector<1x4000xf32> to vector<1x4000xbf16>
    %mul3A_66 = vector.broadcast %convert_element_type3A_65 : vector<1x4000xbf16> to vector<64x4000xbf16>
    %mul3A_67 = arith.mulf %convert_element_type3A_40, %mul3A_66 : vector<64x4000xbf16>
    %convert_element_type3A_68 = arith.truncf %while3A_64#1 : vector<1x4000xf32> to vector<1x4000xbf16>
    %mul3A_69 = vector.broadcast %convert_element_type3A_68 : vector<1x4000xbf16> to vector<64x4000xbf16>
    %mul3A_70 = arith.mulf %convert_element_type3A_40, %mul3A_69 : vector<64x4000xbf16>
    %get3A_71 = arith.constant 0 : index
    %get3A_72 = arith.constant 0 : index
    %get3A_73 = vector.load %arg22[%get3A_71, %get3A_72] : memref<64x128xf32, #tpu.memory_space<vmem>>, vector<64x128xf32>
    %dot_general3A_74 = arith.constant dense<0.000000e+00> : vector<64x128xf32>
    %dot_general3A_75 = tpu.matmul %mul3A_67, %convert_element_type3A_20, %dot_general3A_74 {dimension_numbers = #tpu.dot_dimension_numbers<[1], [0], [0], [1], [0, 0, 1, 1], [], []>, transpose_lhs_hint = false} : vector<64x4000xbf16>, vector<4000x128xbf16>, vector<64x128xf32> -> vector<64x128xf32>
    %add3A_76 = arith.addf %get3A_73, %dot_general3A_75 : vector<64x128xf32>
    %swap3A = arith.constant 0 : index
    %swap3A_77 = arith.constant 0 : index
    %swap3A_78 = vector.load %arg22[%swap3A, %swap3A_77] : memref<64x128xf32, #tpu.memory_space<vmem>>, vector<64x128xf32>
    tpu.vector_store %arg22[%swap3A, %swap3A_77], %add3A_76 {strides = array<i32>} : memref<64x128xf32, #tpu.memory_space<vmem>>, vector<64x128xf32>,
    %get3A_79 = arith.constant 0 : index
    %get3A_80 = arith.constant 0 : index
    %get3A_81 = vector.load %arg21[%get3A_79, %get3A_80] : memref<128x64xf32, #tpu.memory_space<vmem>>, vector<128x64xf32>
    %convert_element_type3A_82 = arith.truncf %add3A_29 : vector<128x4000xf32> to vector<128x4000xbf16>
    %dot_general3A_83 = arith.constant dense<0.000000e+00> : vector<128x64xf32>
    %dot_general3A_84 = tpu.matmul %convert_element_type3A_82, %mul3A_70, %dot_general3A_83 {dimension_numbers = #tpu.dot_dimension_numbers<[1], [1], [0], [0], [0, 0, 1, 0], [], []>, transpose_lhs_hint = false} : vector<128x4000xbf16>, vector<64x4000xbf16>, vector<128x64xf32> -> vector<128x64xf32>
    %add3A_85 = arith.addf %get3A_81, %dot_general3A_84 : vector<128x64xf32>
    %swap3A_86 = arith.constant 0 : index
    %swap3A_87 = arith.constant 0 : index
    %swap3A_88 = vector.load %arg21[%swap3A_86, %swap3A_87] : memref<128x64xf32, #tpu.memory_space<vmem>>, vector<128x64xf32>
    tpu.vector_store %arg21[%swap3A_86, %swap3A_87], %add3A_85 {strides = array<i32>} : memref<128x64xf32, #tpu.memory_space<vmem>>, vector<128x64xf32>,
    %eq3A_89 = arith.constant 24 : i32
    %eq3A_90 = arith.cmpi eq, %arg0, %eq3A_89 : i32
    %convert_element_type3A_91 = arith.extui %eq3A_90 : i1 to i32
    %cond3A_92 = arith.constant 0 : i32
    %cond3A_93 = arith.cmpi ne, %convert_element_type3A_91, %cond3A_92 : i32
    scf.if %cond3A_93 {
      %get3A_94 = arith.constant 0 : index
      %get3A_95 = arith.constant 0 : index
      %get3A_96 = vector.load %arg8[%get3A_94, %get3A_95] : memref<64x128xf32, #tpu.memory_space<vmem>>, vector<64x128xf32>
      %get3A_97 = arith.constant 0 : index
      %get3A_98 = arith.constant 0 : index
      %get3A_99 = vector.load %arg9[%get3A_97, %get3A_98] : memref<64x128xf32, #tpu.memory_space<vmem>>, vector<64x128xf32>
      %div3A = arith.divf %get3A_96, %get3A_99 : vector<64x128xf32>
      %get3A_100 = arith.constant 0 : index
      %get3A_101 = arith.constant 0 : index
      %get3A_102 = vector.load %arg22[%get3A_100, %get3A_101] : memref<64x128xf32, #tpu.memory_space<vmem>>, vector<64x128xf32>
      %get3A_103 = arith.constant 0 : index
      %get3A_104 = arith.constant 0 : index
      %get3A_105 = vector.load %arg23[%get3A_103, %get3A_104] : memref<64x128xf32, #tpu.memory_space<vmem>>, vector<64x128xf32>
      %div3A_106 = arith.divf %get3A_102, %get3A_105 : vector<64x128xf32>
      %iota3A_107 = tpu.iota {dimensions = array<i32: 0>} : vector<64x64xi32>
      %iota3A_108 = tpu.iota {dimensions = array<i32: 1>} : vector<64x64xi32>
      %eq3A_109 = arith.cmpi eq, %iota3A_107, %iota3A_108 : vector<64x64xi32>
      %convert_element_type3A_110 = arith.extui %eq3A_109 : vector<64x64xi1> to vector<64x64xi32>
      %convert_element_type3A_111 = arith.sitofp %convert_element_type3A_110 : vector<64x64xi32> to vector<64x64xf32>
      %get3A_112 = arith.constant 0 : index
      %get3A_113 = arith.constant 0 : index
      %get3A_114 = vector.load %arg21[%get3A_112, %get3A_113] : memref<128x64xf32, #tpu.memory_space<vmem>>, vector<128x64xf32>
      %dot_general3A_115 = arith.constant dense<0.000000e+00> : vector<64x128xf32>
      %dot_general3A_116 = tpu.matmul %convert_element_type3A_111, %get3A_114, %dot_general3A_115 {dimension_numbers = #tpu.dot_dimension_numbers<[1], [1], [0], [0], [0, 0, 1, 0], [], []>, transpose_lhs_hint = false} : vector<64x64xf32>, vector<128x64xf32>, vector<64x128xf32> -> vector<64x128xf32>
      %get3A_117 = arith.constant 0 : index
      %get3A_118 = arith.constant 0 : index
      %get3A_119 = vector.load %arg20[%get3A_117, %get3A_118] : memref<1x64xf32, #tpu.memory_space<vmem>>, vector<1x64xf32>
      %broadcast_in_dim3A_120 = vector.shape_cast %get3A_119 : vector<1x64xf32> to vector<1x64xf32>
      %broadcast_in_dim3A_121 = vector.broadcast %broadcast_in_dim3A_120 : vector<1x64xf32> to vector<128x64xf32>
      %dot_general3A_122 = arith.constant dense<0.000000e+00> : vector<64x128xf32>
      %dot_general3A_123 = tpu.matmul %convert_element_type3A_111, %broadcast_in_dim3A_121, %dot_general3A_122 {dimension_numbers = #tpu.dot_dimension_numbers<[1], [1], [0], [0], [0, 0, 1, 0], [], []>, transpose_lhs_hint = false} : vector<64x64xf32>, vector<128x64xf32>, vector<64x128xf32> -> vector<64x128xf32>
      %div3A_124 = arith.divf %dot_general3A_116, %dot_general3A_123 : vector<64x128xf32>
      %get3A_125 = arith.constant 0 : index
      %get3A_126 = arith.constant 0 : index
      %get3A_127 = arith.constant 0 : index
      %get3A_128 = vector.load %arg10[%get3A_125, %get3A_126, %get3A_127] : memref<32x64x128xf32, #tpu.memory_space<vmem>>, vector<32x64x128xf32>
      %reduce_max3A = arith.constant dense<0xFF800000> : vector<64x128xf32>
      %reduce_max3A_129 = vector.multi_reduction <maximumf>, %get3A_128, %reduce_max3A [0] : vector<32x64x128xf32> to vector<64x128xf32>
      %get3A_130 = arith.constant 0 : index
      %get3A_131 = arith.constant 0 : index
      %get3A_132 = vector.load %arg8[%get3A_130, %get3A_131] : memref<64x128xf32, #tpu.memory_space<vmem>>, vector<64x128xf32>
      %concatenate3A = tpu.concatenate %div3A, %reduce_max3A_129, %get3A_132, %div3A_106, %div3A_124 in 1 : vector<64x128xf32>, vector<64x128xf32>, vector<64x128xf32>, vector<64x128xf32>, vector<64x128xf32> -> vector<64x640xf32>
      %get3A_133 = arith.constant 0 : index
      %get3A_134 = arith.constant 0 : index
      %get3A_135 = vector.load %arg13[%get3A_133, %get3A_134] : memref<640x256xf32, #tpu.memory_space<vmem>>, vector<640x256xf32>
      %dot_general3A_136 = arith.constant dense<0.000000e+00> : vector<64x256xf32>
      %dot_general3A_137 = tpu.matmul %concatenate3A, %get3A_135, %dot_general3A_136 {dimension_numbers = #tpu.dot_dimension_numbers<[1], [0], [0], [1], [0, 0, 1, 1], [], []>, transpose_lhs_hint = false} : vector<64x640xf32>, vector<640x256xf32>, vector<64x256xf32> -> vector<64x256xf32>
      %get3A_138 = arith.constant 0 : index
      %get3A_139 = arith.constant 0 : index
      %get3A_140 = vector.load %arg14[%get3A_138, %get3A_139] : memref<1x256xf32, #tpu.memory_space<vmem>>, vector<1x256xf32>
      %add3A_141 = vector.broadcast %get3A_140 : vector<1x256xf32> to vector<64x256xf32>
      %add3A_142 = arith.addf %dot_general3A_137, %add3A_141 : vector<64x256xf32>
      %mul3A_143 = arith.constant 5.000000e-01 : f32
      %mul3A_144 = vector.broadcast %mul3A_143 : f32 to vector<64x256xf32>
      %mul3A_145 = arith.mulf %mul3A_144, %add3A_142 : vector<64x256xf32>
      %mul3A_146 = arith.constant 0.707106769 : f32
      %mul3A_147 = vector.broadcast %mul3A_146 : f32 to vector<64x256xf32>
      %mul3A_148 = arith.mulf %add3A_142, %mul3A_147 : vector<64x256xf32>
      %erf3A = math.erf %mul3A_148 : vector<64x256xf32>
      %add3A_149 = arith.constant 1.000000e+00 : f32
      %add3A_150 = vector.broadcast %add3A_149 : f32 to vector<64x256xf32>
      %add3A_151 = arith.addf %add3A_150, %erf3A : vector<64x256xf32>
      %mul3A_152 = arith.mulf %mul3A_145, %add3A_151 : vector<64x256xf32>
      %get3A_153 = arith.constant 0 : index
      %get3A_154 = arith.constant 0 : index
      %get3A_155 = vector.load %arg15[%get3A_153, %get3A_154] : memref<256x128xf32, #tpu.memory_space<vmem>>, vector<256x128xf32>
      %dot_general3A_156 = arith.constant dense<0.000000e+00> : vector<64x128xf32>
      %dot_general3A_157 = tpu.matmul %mul3A_152, %get3A_155, %dot_general3A_156 {dimension_numbers = #tpu.dot_dimension_numbers<[1], [0], [0], [1], [0, 0, 1, 1], [], []>, transpose_lhs_hint = false} : vector<64x256xf32>, vector<256x128xf32>, vector<64x128xf32> -> vector<64x128xf32>
      %get3A_158 = arith.constant 0 : index
      %get3A_159 = arith.constant 0 : index
      %get3A_160 = vector.load %arg16[%get3A_158, %get3A_159] : memref<1x128xf32, #tpu.memory_space<vmem>>, vector<1x128xf32>
      %add3A_161 = vector.broadcast %get3A_160 : vector<1x128xf32> to vector<64x128xf32>
      %add3A_162 = arith.addf %dot_general3A_157, %add3A_161 : vector<64x128xf32>
      %swap3A_163 = arith.constant 0 : index
      %swap3A_164 = arith.constant 0 : index
      %swap3A_165 = vector.load %arg17[%swap3A_163, %swap3A_164] : memref<64x128xf32, #tpu.memory_space<vmem>>, vector<64x128xf32>
      tpu.vector_store %arg17[%swap3A_163, %swap3A_164], %add3A_162 {strides = array<i32>} : memref<64x128xf32, #tpu.memory_space<vmem>>, vector<64x128xf32>,
    } else {
    }
    return
  }
  func.func @transform_0(%arg0: i32) -> (i32, i32, i32) {
    %c0_i32 = arith.constant 0 : i32
    %c0_i32_0 = arith.constant 0 : i32
    %c0_i32_1 = arith.constant 0 : i32
    return %arg0, %c0_i32, %c0_i32_0 : i32, i32, i32
  }
  func.func @transform_1(%arg0: i32) -> (i32, i32, i32) {
    %c0_i32 = arith.constant 0 : i32
    %c0_i32_0 = arith.constant 0 : i32
    %c0_i32_1 = arith.constant 0 : i32
    return %arg0, %c0_i32, %c0_i32_0 : i32, i32, i32
  }
  func.func @transform_2(%arg0: i32) -> (i32, i32) {
    %c0_i32 = arith.constant 0 : i32
    %c0_i32_0 = arith.constant 0 : i32
    return %arg0, %c0_i32 : i32, i32
  }
  func.func @transform_3(%arg0: i32) -> (i32, i32) {
    %c0_i32 = arith.constant 0 : i32
    %c0_i32_0 = arith.constant 0 : i32
    %c0_i32_1 = arith.constant 0 : i32
    return %c0_i32, %c0_i32_0 : i32, i32
  }
  func.func @transform_4(%arg0: i32) -> (i32, i32) {
    %c0_i32 = arith.constant 0 : i32
    %c0_i32_0 = arith.constant 0 : i32
    %c0_i32_1 = arith.constant 0 : i32
    return %c0_i32, %c0_i32_0 : i32, i32
  }
  func.func @transform_5(%arg0: i32) -> (i32, i32) {
    %c0_i32 = arith.constant 0 : i32
    %c0_i32_0 = arith.constant 0 : i32
    %c0_i32_1 = arith.constant 0 : i32
    return %c0_i32, %c0_i32_0 : i32, i32
  }
  func.func @transform_6(%arg0: i32) -> (i32, i32) {
    %c0_i32 = arith.constant 0 : i32
    %c0_i32_0 = arith.constant 0 : i32
    %c0_i32_1 = arith.constant 0 : i32
    return %c0_i32, %c0_i32_0 : i32, i32
  }
  func.func @transform_7(%arg0: i32) -> (i32, i32) {
    %c0_i32 = arith.constant 0 : i32
    %c0_i32_0 = arith.constant 0 : i32
    %c0_i32_1 = arith.constant 0 : i32
    return %c0_i32, %c0_i32_0 : i32, i32
  }
  func.func @transform_8(%arg0: i32) -> (i32, i32) {
    %c0_i32 = arith.constant 0 : i32
    %c0_i32_0 = arith.constant 0 : i32
    %c0_i32_1 = arith.constant 0 : i32
    return %c0_i32, %c0_i32_0 : i32, i32
  }
  func.func @transform_9(%arg0: i32) -> (i32, i32, i32) {
    %c0_i32 = arith.constant 0 : i32
    %c0_i32_0 = arith.constant 0 : i32
    %c0_i32_1 = arith.constant 0 : i32
    %c0_i32_2 = arith.constant 0 : i32
    return %c0_i32, %c0_i32_0, %c0_i32_1 : i32, i32, i32
  }
  func.func @transform_10(%arg0: i32) -> (i32, i32) {
    %c0_i32 = arith.constant 0 : i32
    %c0_i32_0 = arith.constant 0 : i32
    %c0_i32_1 = arith.constant 0 : i32
    return %c0_i32, %c0_i32_0 : i32, i32
  }
  func.func @transform_11(%arg0: i32) -> (i32, i32) {
    %c0_i32 = arith.constant 0 : i32
    %c0_i32_0 = arith.constant 0 : i32
    %c0_i32_1 = arith.constant 0 : i32
    return %c0_i32, %c0_i32_0 : i32, i32
  }
  func.func @transform_12(%arg0: i32) -> (i32, i32) {
    %c0_i32 = arith.constant 0 : i32
    %c0_i32_0 = arith.constant 0 : i32
    %c0_i32_1 = arith.constant 0 : i32
    return %c0_i32, %c0_i32_0 : i32, i32
  }
  func.func @transform_13(%arg0: i32) -> (i32, i32) {
    %c0_i32 = arith.constant 0 : i32
    %c0_i32_0 = arith.constant 0 : i32
    %c0_i32_1 = arith.constant 0 : i32
    return %c0_i32, %c0_i32_0 : i32, i32
  }
  func.func @transform_14(%arg0: i32) -> (i32, i32) {
    %c0_i32 = arith.constant 0 : i32
    %c0_i32_0 = arith.constant 0 : i32
    %c0_i32_1 = arith.constant 0 : i32
    return %c0_i32, %c0_i32_0 : i32, i32
  }
  func.func @transform_15(%arg0: i32) -> (i32, i32) {
    %c0_i32 = arith.constant 0 : i32
    %c0_i32_0 = arith.constant 0 : i32
    %c0_i32_1 = arith.constant 0 : i32
    return %c0_i32, %c0_i32_0 : i32, i32
  }
  func.func @transform_16(%arg0: i32) -> (i32, i32) {
    %c0_i32 = arith.constant 0 : i32
    %c0_i32_0 = arith.constant 0 : i32
    %c0_i32_1 = arith.constant 0 : i32
    return %c0_i32, %c0_i32_0 : i32, i32
  }
}

</mosaic_0001>

<sc_bundles>
// kernel: kernel.5.cloned.1.call-start
scs
__scs_entry_jumppad:
0x0: {  	(pc) =	sbr.rel $0x88, $3  }
0x1: {  	(tag) =	ssettag $0x0;
	lr =	simm.s32 $0x1  }
0x2: {  	[smem:$0x3F96] =	sst lr;
	_ =	strace $0xD0000000  }
0x3: {  	_ = 	snop  }
0x4: {  	_ = 	snop  }
0x5: {  	_ = 	snop  }
0x6: {  	_ = 	snop  }
0x7: {  	_ = 	snop  }
__scs_overlays_trampoline_lowered:
0x8: {  	[smem:$0x3FA5] =	sst s0  }
0x9: {  	[smem:$0x3FA6] =	sst s1  }
0xa: {  	[smem:$0x3FA7] =	sst s2  }
0xb: {  	[smem:$0x3FA8] =	sst s3  }
0xc: {  	[smem:$0x3FA9] =	sst s4  }
0xd: {  	[smem:$0x3FAA] =	sst s5  }
0xe: {  	[smem:$0x3FAB] =	sst s6  }
0xf: {  	[smem:$0x3FAC] =	sst s7  }
0x10: {  	[smem:$0x3FAD] =	sst s8  }
0x11: {  	[smem:$0x3FAE] =	sst s9;
	s0 =	simm.s32 @!p0 $0x0  }
0x12: {  	s1 =	sld [smem:$0x3F94];
	s0 =	simm.s32 @p0 $0x1  }
0x13: {  	[smem:$0x3FAF] =	sst s0;
	s0 =	simm.s32 @!p1 $0x0  }
0x14: {  	s2 =	sld [smem:$0x3F93];
	s0 =	simm.s32 @p1 $0x1  }
0x15: {  	[smem:$0x3FB0] =	sst s0;
	s0 =	simm.s32 @!p2 $0x0  }
0x16: {  	s3 =	sld [smem:$0x3FDB];
	s0 =	simm.s32 @p2 $0x1  }
0x17: {  	s4 =	simm.s32 $0x1BF5;
	[smem:$0x3FB2] =	sst s0  }
0x18: {  	s0 =	sld [smem:$0x3F95];
	_ =	swait.ge [sflag:s4], $0x0  }
0x19: {  	s7 =	sld [smem:$0x3F96]  }
0x1a: {  	s8 =	sadd.s32 $0xFFFFE003, lr  }
0x1b: {  	s9 =	sadd.s32 $0xFFFFFEF7, lr;
	s5 =	simm.s32 $0xFFFFFFFF;
	p2 =	slt.u32 s8, $0xFFFFF086  }
0x1c: {  	p1 =	slt.u32 s9, $0xF7A;
	s5 =	simm.s32 @!p2 $0x0  }
0x1d: {  	s5 =	simm.s32 @p1 $0x1;
	p0 =	seq.s32 s7, s2  }
0x1e: {  	s7 =	smul.u32 @!p0 $0xF7A, s2;
	p2 =	seq.s32 @!p0 s5, $0x0  }
0x1f: {  	s9 =	smul.u32 $0xF7A, s1;
	s8 =	simm.s32 @!p0 $0x1BF5;
	p2 =	por !p2, p0  }
0x20: {  	[sflag:s8] =	ssyncset.s32 @!p0 $0xFFFFF086;
	s6 =	sadd.s32 @!p0 s3, s7;
	s7 =	simm.s32 @!p0 $0x108  }
0x21: {  	s3 =	sadd.s32 s3, s9;
	s6 =	sadd.s32 @!p0 $0x88, s6;
	s7 =	simm.s32 @p2 $0x1082  }
0x22: {  	[simem:s7], [sflag:s8] =	dma.local @!p0 [hbm:s6], $0xF7A  }
0x23: {  	s9 =	sor.u32 $0xD0000000, s2;
	s6 =	simm.s32 $0x108;
	_ =	swait.ge @!p0 [sflag:s8], $0x0  }
0x24: {  	s3 =	sadd.s32 $0x88, s3;
	s6 =	simm.s32 @!p1 $0x1082;
	[sflag:s4] =	ssyncset.s32 $0xFFFFF086  }
0x25: {  	[simem:s6], [sflag:s4] =	dma.local [hbm:s3], $0xF7A  }
0x26: {  	[smem:$0x3F96] =	sst s1;
	(tag) =	ssettag s2;
	_ =	strace s9  }
0x27: {  	s1 =	sld [smem:$0x3FA6]  }
0x28: {  	s2 =	sld [smem:$0x3FA7]  }
0x29: {  	s4 =	sld [smem:$0x3FA9]  }
0x2a: {  	p0 =	seq.s32 s5, $0x0;
	s5 =	sld [smem:$0x3FAA]  }
0x2b: {  	s6 =	sld [smem:$0x3FAB]  }
0x2c: {  	s7 =	sld [smem:$0x3FAC]  }
0x2d: {  	s3 =	simm.s32 $0x108;
	s8 =	sld [smem:$0x3FAD]  }
0x2e: {  	s3 =	simm.s32 @!p0 $0x1082;
	s9 =	sld [smem:$0x3FAE]  }
0x2f: {  	lr =	sadd.s32 s0, s3;
	s0 =	sld [smem:$0x3FA5]  }
0x30: {  	s3 =	sld [smem:$0x3FA8]  }
0x31: {  	[smem:$0x3FB1] =	sst s10  }
0x32: {  	s10 =	sld [smem:$0x3FAF];
	_ =	sdelay $0x3  }
0x33: {  	p0 =	seq.s32 s10, $0x1;
	s10 =	sld [smem:$0x3FB1];
	_ =	sdelay $0x3  }
0x34: {  	[smem:$0x3FB1] =	sst s10  }
0x35: {  	s10 =	sld [smem:$0x3FB0];
	_ =	sdelay $0x3  }
0x36: {  	p1 =	seq.s32 s10, $0x1;
	s10 =	sld [smem:$0x3FB1];
	_ =	sdelay $0x3  }
0x37: {  	[smem:$0x3FB1] =	sst s10  }
0x38: {  	s10 =	sld [smem:$0x3FB2]  }
0x39: {  	_ = 	snop;
	(pc) =	sbr.ind lr, $3  }
0x3a: {  	_ = 	snop  }
0x3b: {  	_ = 	snop  }
0x3c: {  	p2 =	seq.s32 s10, $0x1;
	s10 =	sld [smem:$0x3FB1]  }
0x3d: {  	_ =	shalt  }
0x3e: {  	_ =	shalt  }
0x3f: {  	_ =	shalt  }
0x40: {  	_ =	shalt  }
0x41: {  	_ =	shalt  }
0x42: {  	_ =	shalt  }
0x43: {  	_ =	shalt  }
0x44: {  	_ =	shalt  }
0x45: {  	_ =	shalt  }
0x46: {  	_ =	shalt  }
0x47: {  	_ =	shalt  }
0x48: {  	_ =	shalt  }
0x49: {  	_ =	shalt  }
0x4a: {  	_ =	shalt  }
0x4b: {  	_ =	shalt  }
0x4c: {  	_ =	shalt  }
0x4d: {  	_ =	shalt  }
0x4e: {  	_ =	shalt  }
0x4f: {  	_ =	shalt  }
0x50: {  	_ =	shalt  }
0x51: {  	_ =	shalt  }
0x52: {  	_ =	shalt  }
0x53: {  	_ =	shalt  }
0x54: {  	_ =	shalt  }
0x55: {  	_ =	shalt  }
0x56: {  	_ =	shalt  }
0x57: {  	_ =	shalt  }
0x58: {  	_ =	shalt  }
0x59: {  	_ =	shalt  }
0x5a: {  	_ =	shalt  }
0x5b: {  	_ =	shalt  }
0x5c: {  	_ =	shalt  }
0x5d: {  	_ =	shalt  }
0x5e: {  	_ =	shalt  }
0x5f: {  	_ =	shalt  }
0x60: {  	_ =	shalt  }
0x61: {  	_ =	shalt  }
0x62: {  	_ =	shalt  }
0x63: {  	_ =	shalt  }
0x64: {  	_ =	shalt  }
0x65: {  	_ =	shalt  }
0x66: {  	_ =	shalt  }
0x67: {  	_ =	shalt  }
0x68: {  	_ =	shalt  }
0x69: {  	_ =	shalt  }
0x6a: {  	_ =	shalt  }
0x6b: {  	_ =	shalt  }
0x6c: {  	_ =	shalt  }
0x6d: {  	_ =	shalt  }
0x6e: {  	_ =	shalt  }
0x6f: {  	_ =	shalt  }
0x70: {  	_ =	shalt  }
0x71: {  	_ =	shalt  }
0x72: {  	_ =	shalt  }
0x73: {  	_ =	shalt  }
0x74: {  	_ =	shalt  }
0x75: {  	_ =	shalt  }
0x76: {  	_ =	shalt  }
0x77: {  	_ =	shalt  }
0x78: {  	_ =	shalt  }
0x79: {  	_ =	shalt  }
0x7a: {  	_ =	shalt  }
0x7b: {  	_ =	shalt  }
0x7c: {  	_ =	shalt  }
0x7d: {  	_ =	shalt  }
0x7e: {  	_ =	shalt  }
0x7f: {  	_ =	shalt  }
0x80: {  	_ =	shalt  }
0x81: {  	_ =	shalt  }
0x82: {  	_ =	shalt  }
0x83: {  	_ =	shalt  }
0x84: {  	_ =	shalt  }
0x85: {  	_ =	shalt  }
0x86: {  	_ =	shalt  }
0x87: {  	_ =	shalt  }
.Lfunc_end0:
.L_simem_size_0:
called_computation_lowered:
.L_overlay_start_0:
0x88: {  	s2 =	sld [smem:$0x3FD9]  }
0x89: {  	s3 =	sld [smem:$0x3FFE];
	_ =	sdelay $0x1  }
0x8a: {  	s1 =	srdreg.scid  }
0x8b: {  	s0 =	sand.u32 $0x1, s1  }
0x8c: {  	s17 =	sshll.u32 s0, $0xA;
	s2 =	sadd.s32 s3, s2  }
0x8d: {  	s2 =	sadd.s32 s2, s17  }
0x8e: {  	[smem:$0x3FBD] =	sst s2  }
0x8f: {  	_ = 	snop  }
0x90: {  	s2 =	sld [smem:$0x3FC9]  }
0x91: {  	s18 =	sld [smem:$0x3FC8];
	(tm) =	ssettm $0x1  }
0x92: {  	s4 =	sld [smem:$0x3FFB];
	_ =	sdelay $0x3  }
0x93: {  	_ =	strace s4  }
0x94: {  	s4 =	sld [smem:$0x3FFC];
	_ =	sdelay $0x3  }
0x95: {  	_ =	strace s4  }
0x96: {  	s4 =	sld [smem:$0x3FFD];
	_ =	sdelay $0x3  }
0x97: {  	_ =	strace s4  }
0x98: {  	_ =	strace $0x8FFFFFFF  }
0x99: {  	s19 =	sld [smem:$0x3FDB];
	_ =	sdelay $0x1  }
0x9a: {  	s5 =	simm.s32 $_scs_section_size  }
0x9b: {  	s6 =	simm.s32 $_size__tile_overlayer_lowered;
	s7 =	simm.s32 $_tile_overlayer_lowered  }
0x9c: {  	s22 =	simm.s32 $0x1BFF;
	s21 =	sshll.u32 s7, $0x1;
	s4 =	sadd.s32 s5, s19  }
0x9d: {  	s8 =	simm.s32 $0x0;
	s20 =	sshll.u32 s6, $0x1;
	s6 =	sadd.s32 s21, s4  }
0x9e: {  	[timem:s8], [sflag:s22] =	dma.local [hbm:s6], s20  }
0x9f: {  	_ =	swait.ge [sflag:s22], s20  }
0xa0: {  	s5 =	ssub.s32 $0x0, s20;
	[sflag:s22] =	ssyncset.done $0x0  }
0xa1: {  	[sflag:s22] =	ssyncadd.s32 s5;
	_ =	sdelay $0x1  }
0xa2: {  	s23 =	simm.s32 $0x1B8B  }
0xa3: {  	_ =	swait.ge [sflag:s23], $0x1  }
0xa4: {  	[sflag:s23] =	ssyncset.done $0x0  }
0xa5: {  	s25 =	simm.s32 $0x1B8E;
	s24 =	sld [smem:$0x3FFE];
	[sflag:s23] =	ssyncadd.s32 $0xFFFFFFFF  }
0xa6: {  	s26 =	simm.s32 $execute0_lowered;
	[smem:$0x3FD2] =	sst s25  }
0xa7: {  	s6 =	sshll.u32 s26, $0x1;
	_ =	strace $0x80000046;
	[dreg:$0x1] =	wrdreg $0xFFFFFFFF  }
0xa8: {  	s28 =	simm.s32 $_size_execute0_lowered;
	s4 =	sadd.s32 s4, s6;
	[dreg:$0x0] =	wrdreg $0x0  }
0xa9: {  	s6 =	sshll.u32 s28, $0x1;
	[dreg:$0x2] =	wrdreg s4  }
0xaa: {  	[dreg:$0x3] =	wrdreg s6  }
0xab: {  	[dreg:$0x4] =	wrdreg $0xC0  }
0xac: {  	_ =	task [dreg:s8], $0x5FFFF  }
0xad: {  	[dreg:$0x1] =	wrdreg $0xFFFFFFFF  }
0xae: {  	[dreg:$0x0] =	wrdreg $0x60  }
0xaf: {  	[dreg:$0x2] =	wrdreg s2  }
0xb0: {  	[dreg:$0x3] =	wrdreg s18  }
0xb1: {  	[dreg:$0x4] =	wrdreg s24  }
0xb2: {  	[dreg:$0x5] =	wrdreg $0x9  }
0xb3: {  	_ =	task.clear_ibuf [dreg:s8], $0x6FFFF;
	_ =	strace $0x90000046  }
0xb4: {  	s29 =	simm.s32 $0x9;
	_ =	strace $0x80000048  }
0xb5: {  	_ =	swait.ge [sflag:s29], $0x1  }
0xb6: {  	[sflag:s29] =	ssyncadd.s32 $0xFFFFFFFF  }
0xb7: {  	_ =	strace $0x90000048  }
0xb8: {  	_ =	sfence  }
0xb9: {  	s30 =	sld [smem:$0x0];
	_ =	sdelay $0x2  }
0xba: {  	s31 =	sshll.u32 s1, $0xD;
	s1 =	sshrl.u32 s1, $0x2  }
0xbb: {  	s3 =	sand.u32 $0x4000, s31;
	s1 =	sadd.s32 s1, s30  }
0xbc: {  	s0 =	sor.u32 s3, s0;
	s1 =	sshll.u32 s1, $0x11  }
0xbd: {  	s0 =	sor.u32 s1, s0  }
0xbe: {  	s0 =	sadd.s32 $0x8F2B, s0  }
0xbf: {  	[sflag:s0] =	ssyncadd.remote.s32 $0x1  }
0xc0: {  	_ =	sfence.sel $0xFFFF  }
0xc1: {  	[dreg:$0x0] =	wrdreg $0xFFFFFFFF;
	(pc) =	sbr.abs _section_cstart, $3  }
0xc2: {  	[dreg:$0x1] =	wrdreg $0xFFFFFFFF  }
0xc3: {  	_ =	task.clear_ibuf [dreg:s8], $0x2FFFF;
	_ =	strace $0x9FFFFFFF  }
0xc4: {  	(tm) =	ssettm $0x7FFFFFFF  }
0xc5: {  	_ =	shalt  }
tec
execute0_lowered:
.L_overlay_start_1:
0x0: {  	(tag) =	ssettag $0x1  }
0x1: {  	s1 =	rddreg [dreg:$0x0]  }
0x2: {  	s3 =	rddreg [dreg:$0x1]  }
0x3: {  	s5 =	rddreg [dreg:$0x2]  }
0x4: {  	s0 =	rddreg [dreg:$0x3]  }
0x5: {  	s6 =	srdreg.scid;
	s2 =	stileid.u32  }
0x6: {  	s4 =	simm.s32 $0x0;
	s6 =	sand.u32 $0x1, s6;
	s7 =	sshll.u32 s2, $0x1  }
0x7: {  	s10 =	simm.s32 $0x14280;
	s11 =	simm.s32 $0x0;
	s7 =	sor.u32 s6, s7  }
0x8: {  	[smem:$0x7FF] =	sst s4;
	s6 =	ssub.s32 $0x2, s6;
	s8 =	sshll.u32 s7, $0xA  }
0x9: {  	_ =	strace $0x80000047;
	s9 =	sshrl.u32 s6, $0x1;
	s8 =	sadd.s32 s8, s5  }
0xa: {  	s9 =	ssub.s32 s6, s9;
	s5 =	smul.u32 $0xC38, s7;
	s6 =	sadd.s32 $0x1C00, s8  }
0xb: {  	s7 =	smax.u32 s9, $0x1;
	s8 =	simm.s32 $0x1;
	s9 =	simm.s32 $0x14000  }
.LBB2_1:
0xc: {  	s13 =	simm.s32 $0x0;
	v1 =	vimm.f32 $-Inf;
	s12 =	simm.s32 $0x200  }
.LBB2_2:
0xd: {  	p0 =	sne.s32 s12, $0x7E00;
	[tilespmem:s13+$0x142F0] =	vst v1  }
0xe: {  	[tilespmem:s13+$0x14280] =	vst v1  }
0xf: {  	[tilespmem:s13+$0x14290] =	vst v1  }
.Ltmp0:
0x10: {  	[tilespmem:s13+$0x142A0] =	vst v1;
	(pc) =	sbr.rel @p0 .LBB2_2-.Ltmp0, $4  }
0x11: {  	[tilespmem:s13+$0x142B0] =	vst v1  }
0x12: {  	[tilespmem:s13+$0x142C0] =	vst v1  }
0x13: {  	[tilespmem:s13+$0x142D0] =	vst v1  }
0x14: {  	[tilespmem:s13+$0x142E0] =	vst v1;
	s13 =	sshra.s32 s12, $0x2;
	s12 =	sadd.s32 $0x200, s12  }
0x15: {  	[tilespmem:s13+$0x142F0] =	vst v1  }
0x16: {  	[tilespmem:s13+$0x14280] =	vst v1  }
0x17: {  	[tilespmem:s13+$0x14290] =	vst v1  }
0x18: {  	[tilespmem:s13+$0x142A0] =	vst v1  }
0x19: {  	[tilespmem:s13+$0x142B0] =	vst v1  }
0x1a: {  	[tilespmem:s13+$0x142C0] =	vst v1  }
0x1b: {  	[tilespmem:s13+$0x142D0] =	vst v1;
	v2 =	vmov v1;
	v3 =	vmov v1  }
0x1c: {  	s12 =	simm.s32 $0x0;
	[tilespmem:s13+$0x142E0] =	vst v1;
	v4 =	vmovc v1;
	v5 =	vmovc v1;
	v6 =	vmov v1;
	v7 =	vmov v1;
	v8 =	vmov v1;
	s16 =	simm.s32 $0x0;
	s13 =	simm.s32 $0x0  }
.LBB2_4:
0x1d: {  	s14 =	smul.u32 $0x280, s13;
	_ =	sdelay $0x1  }
0x1e: {  	s14 =	sadd.s32 s5, s14  }
0x1f: {  	p0 =	slt.s32 s14, $0x18420  }
0x20: {  	s14 =	simm.s32 @!p0 $0x18420  }
0x21: {  	s15 =	sshll.u32 s14, $0x4  }
0x22: {  	s15 =	sadd.s32 s1, s15  }
0x23: {  	[tilespmem:s12], [sflag:$0x1] =	stream.linear.gather [hbm4b:s15+s12], $0x14000, $0x38;
	[tilespmem:$0x16280] =	vst v63  }
0x24: {  	_ =	swait.ge [sflag:s8], $0x14000  }
0x25: {  	s14 =	sshrl.u32 s14, $0x3;
	[sflag:s8] =	ssyncset.done $0x0  }
0x26: {  	s14 =	sadd.s32 s3, s14;
	[sflag:s8] =	ssyncadd.s32 $0xFFFEC000  }
0x27: {  	[tilespmem:s9], [sflag:$0x1] =	stream.linear.gather [hbm4b:s14+s12], $0x280, $0x38;
	[tilespmem:$0x16280] =	vst v63  }
0x28: {  	_ =	swait.ge [sflag:s8], $0x280  }
0x29: {  	[sflag:s8] =	ssyncset.done $0x0  }
0x2a: {  	s15 =	simm.s32 $0x0;
	s14 =	simm.s32 $0x400;
	[sflag:s8] =	ssyncadd.s32 $0xFFFFFD80  }
.LBB2_5:
0x2b: {  	s17 =	sshra.s32 s15, $0x2  }
0x2c: {  	v0 =	vld [tilespmem:s17+$0x14000];
	_ =	sdelay $0x4  }
0x2d: {  	(v2sf) =	vpush v0, $0x0;
	_ =	sdelay $0xe  }
0x2e: {  	s17 =	spop (v2sf)  }
0x2f: {  	p1 =	seq.s32 s17, s16  }
0x30: {  	p0 =	sgt.s32 @!p1 s16, $0x0  }
0x31: {  	p0 =	por !p0, p1  }
0x32: {  	s16 =	simm.s32 @p0 $0x0  }
0x33: {  	s16 =	sshll.u32 @!p1 s16, $0x9  }
0x34: {  	s16 =	sshra.s32 @!p1 s16, $0x2  }
0x35: {  	(v2sf) =	vpush v0, $0x1;
	v9 =	vld @!p1 [tilespmem:s16+$0x14280]  }
0x36: {  	v10 =	vld @!p1 [tilespmem:s16+$0x14290]  }
0x37: {  	v11 =	vld @!p1 [tilespmem:s16+$0x142A0]  }
0x38: {  	v12 =	vld @!p1 [tilespmem:s16+$0x142B0]  }
0x39: {  	v13 =	vld @!p1 [tilespmem:s16+$0x142C0]  }
0x3a: {  	v14 =	vld @!p1 [tilespmem:s16+$0x142D0];
	v9 =	vmax.f32 @!p1 v9, v8  }
0x3b: {  	[tilespmem:s16+$0x14280] =	vst @!p1 v9;
	v9 =	vmax.f32 @!p1 v10, v7;
	v10 =	vld @!p1 [tilespmem:s16+$0x142E0]  }
0x3c: {  	[tilespmem:s16+$0x14290] =	vst @!p1 v9;
	v9 =	vmax.f32 @!p1 v11, v6;
	v11 =	vld @!p1 [tilespmem:s16+$0x142F0]  }
0x3d: {  	[tilespmem:s16+$0x142A0] =	vst @!p1 v9;
	v9 =	vmax.f32 @!p1 v12, v5  }
0x3e: {  	[tilespmem:s16+$0x142B0] =	vst @!p1 v9;
	v9 =	vmax.f32 @!p1 v13, v4  }
0x3f: {  	[tilespmem:s16+$0x142C0] =	vst @!p1 v9;
	v9 =	vmax.f32 @!p1 v14, v3  }
0x40: {  	[tilespmem:s16+$0x142D0] =	vst @!p1 v9;
	v9 =	vmax.f32 @!p1 v10, v2  }
0x41: {  	[tilespmem:s16+$0x142E0] =	vst @!p1 v9;
	v9 =	vmax.f32 @!p1 v11, v1  }
0x42: {  	[tilespmem:s16+$0x142F0] =	vst @!p1 v9  }
0x43: {  	v9 =	vld [tilespmem:s14+$0xFFFFFC00]  }
0x44: {  	s16 =	spop (v2sf);
	v10 =	vld [tilespmem:s14+$0xFFFFFC10]  }
0x45: {  	v11 =	vld [tilespmem:s14+$0xFFFFFC20];
	p0 =	seq.s32 s16, s17  }
0x46: {  	v28 =	vld [tilespmem:s14+$0xFFFFFC30];
	p2 =	sgt.s32 @!p0 s17, $0x0  }
0x47: {  	v29 =	vld [tilespmem:s14+$0xFFFFFC40];
	p2 =	por !p2, p0  }
0x48: {  	v30 =	vld [tilespmem:s14+$0xFFFFFC50];
	s17 =	simm.s32 @p2 $0x0  }
0x49: {  	v15 =	vld [tilespmem:s14+$0xFFFFFC60];
	s17 =	sshll.u32 @!p0 s17, $0x9  }
0x4a: {  	v16 =	vld [tilespmem:s14+$0xFFFFFC70];
	s17 =	sshra.s32 @!p0 s17, $0x2  }
0x4b: {  	v8 =	vpsel !p1, $0xFF800000, v8;
	(v2sf) =	vpush v0, $0x2;
	v17 =	vld @!p0 [tilespmem:s17+$0x14280]  }
0x4c: {  	v8 =	vmax.f32 v8, v9;
	v9 =	vld @!p0 [tilespmem:s17+$0x142C0]  }
0x4d: {  	v18 =	vld @!p0 [tilespmem:s17+$0x14290]  }
0x4e: {  	v19 =	vld @!p0 [tilespmem:s17+$0x142A0]  }
0x4f: {  	v7 =	vpsel !p1, $0xFF800000, v7;
	v6 =	vpsel !p1, $0xFF800000, v6;
	v4 =	vpsel !p1, $0xFF800000, v4;
	v20 =	vld @!p0 [tilespmem:s17+$0x142B0]  }
0x50: {  	v7 =	vmax.f32 v7, v10;
	v4 =	vmax.f32 v4, v29;
	v10 =	vmax.f32 @!p0 v17, v8;
	v17 =	vld @!p0 [tilespmem:s17+$0x142D0]  }
0x51: {  	v6 =	vmax.f32 v6, v11;
	v11 =	vld @!p0 [tilespmem:s17+$0x142E0];
	v9 =	vmax.f32 @!p0 v9, v4;
	[tilespmem:s17+$0x14280] =	vst @!p0 v10  }
0x52: {  	v5 =	vpsel !p1, $0xFF800000, v5;
	v12 =	vld @!p0 [tilespmem:s17+$0x142F0];
	v10 =	vmax.f32 @!p0 v18, v7;
	[tilespmem:s17+$0x142C0] =	vst @!p0 v9  }
0x53: {  	v3 =	vpsel !p1, $0xFF800000, v3;
	v5 =	vmax.f32 v5, v28;
	[tilespmem:s17+$0x14290] =	vst @!p0 v10;
	v10 =	vmax.f32 @!p0 v19, v6  }
0x54: {  	v2 =	vpsel !p1, $0xFF800000, v2;
	v3 =	vmax.f32 v3, v30;
	[tilespmem:s17+$0x142A0] =	vst @!p0 v10;
	v10 =	vmax.f32 @!p0 v20, v5  }
0x55: {  	v1 =	vpsel !p1, $0xFF800000, v1;
	v2 =	vmax.f32 v2, v15;
	[tilespmem:s17+$0x142B0] =	vst @!p0 v10;
	v9 =	vmax.f32 @!p0 v17, v3  }
0x56: {  	v1 =	vmax.f32 v1, v16;
	[tilespmem:s17+$0x142D0] =	vst @!p0 v9;
	v9 =	vmax.f32 @!p0 v11, v2  }
0x57: {  	[tilespmem:s17+$0x142E0] =	vst @!p0 v9;
	v9 =	vmax.f32 @!p0 v12, v1  }
0x58: {  	[tilespmem:s17+$0x142F0] =	vst @!p0 v9  }
0x59: {  	v9 =	vld [tilespmem:s14+$0xFFFFFC80]  }
0x5a: {  	s17 =	spop (v2sf);
	v10 =	vld [tilespmem:s14+$0xFFFFFC90]  }
0x5b: {  	v11 =	vld [tilespmem:s14+$0xFFFFFCA0];
	p1 =	seq.s32 s17, s16  }
0x5c: {  	v31 =	vld [tilespmem:s14+$0xFFFFFCB0];
	p2 =	sgt.s32 @!p1 s16, $0x0  }
0x5d: {  	v32 =	vld [tilespmem:s14+$0xFFFFFCC0];
	p2 =	por !p2, p1  }
0x5e: {  	v33 =	vld [tilespmem:s14+$0xFFFFFCD0];
	s16 =	simm.s32 @p2 $0x0  }
0x5f: {  	v34 =	vld [tilespmem:s14+$0xFFFFFCE0];
	s16 =	sshll.u32 @!p1 s16, $0x9  }
0x60: {  	v35 =	vld [tilespmem:s14+$0xFFFFFCF0];
	s16 =	sshra.s32 @!p1 s16, $0x2  }
0x61: {  	v8 =	vpsel !p0, $0xFF800000, v8;
	(v2sf) =	vpush v0, $0x3;
	v17 =	vld @!p1 [tilespmem:s16+$0x14280]  }
0x62: {  	v8 =	vmax.f32 v8, v9;
	v9 =	vld @!p1 [tilespmem:s16+$0x142C0]  }
0x63: {  	v18 =	vld @!p1 [tilespmem:s16+$0x14290]  }
0x64: {  	v19 =	vld @!p1 [tilespmem:s16+$0x142A0]  }
0x65: {  	v4 =	vpsel !p0, $0xFF800000, v4;
	v7 =	vpsel !p0, $0xFF800000, v7;
	v6 =	vpsel !p0, $0xFF800000, v6;
	v20 =	vld @!p1 [tilespmem:s16+$0x142B0]  }
0x66: {  	v7 =	vmax.f32 v7, v10;
	v4 =	vmax.f32 v4, v32;
	v10 =	vmax.f32 @!p1 v17, v8;
	v17 =	vld @!p1 [tilespmem:s16+$0x142D0]  }
0x67: {  	v6 =	vmax.f32 v6, v11;
	v11 =	vld @!p1 [tilespmem:s16+$0x142E0];
	v9 =	vmax.f32 @!p1 v9, v4;
	[tilespmem:s16+$0x14280] =	vst @!p1 v10  }
0x68: {  	v5 =	vpsel !p0, $0xFF800000, v5;
	v12 =	vld @!p1 [tilespmem:s16+$0x142F0];
	v10 =	vmax.f32 @!p1 v18, v7;
	[tilespmem:s16+$0x142C0] =	vst @!p1 v9  }
0x69: {  	v3 =	vpsel !p0, $0xFF800000, v3;
	v5 =	vmax.f32 v5, v31;
	[tilespmem:s16+$0x14290] =	vst @!p1 v10;
	v10 =	vmax.f32 @!p1 v19, v6  }
0x6a: {  	v2 =	vpsel !p0, $0xFF800000, v2;
	v3 =	vmax.f32 v3, v33;
	[tilespmem:s16+$0x142A0] =	vst @!p1 v10;
	v10 =	vmax.f32 @!p1 v20, v5  }
0x6b: {  	v1 =	vpsel !p0, $0xFF800000, v1;
	v2 =	vmax.f32 v2, v34;
	[tilespmem:s16+$0x142B0] =	vst @!p1 v10;
	v9 =	vmax.f32 @!p1 v17, v3  }
0x6c: {  	v1 =	vmax.f32 v1, v35;
	[tilespmem:s16+$0x142D0] =	vst @!p1 v9;
	v9 =	vmax.f32 @!p1 v11, v2  }
0x6d: {  	[tilespmem:s16+$0x142E0] =	vst @!p1 v9;
	v9 =	vmax.f32 @!p1 v12, v1  }
0x6e: {  	[tilespmem:s16+$0x142F0] =	vst @!p1 v9  }
0x6f: {  	v9 =	vld [tilespmem:s14+$0xFFFFFD00]  }
0x70: {  	s16 =	spop (v2sf);
	v10 =	vld [tilespmem:s14+$0xFFFFFD10]  }
0x71: {  	v11 =	vld [tilespmem:s14+$0xFFFFFD20];
	p0 =	seq.s32 s16, s17  }
0x72: {  	v36 =	vld [tilespmem:s14+$0xFFFFFD30];
	p2 =	sgt.s32 @!p0 s17, $0x0  }
0x73: {  	v37 =	vld [tilespmem:s14+$0xFFFFFD40];
	p2 =	por !p2, p0  }
0x74: {  	v38 =	vld [tilespmem:s14+$0xFFFFFD50];
	s17 =	simm.s32 @p2 $0x0  }
0x75: {  	v39 =	vld [tilespmem:s14+$0xFFFFFD60];
	s17 =	sshll.u32 @!p0 s17, $0x9  }
0x76: {  	v40 =	vld [tilespmem:s14+$0xFFFFFD70];
	s17 =	sshra.s32 @!p0 s17, $0x2  }
0x77: {  	v8 =	vpsel !p1, $0xFF800000, v8;
	(v2sf) =	vpush v0, $0x4;
	v17 =	vld @!p0 [tilespmem:s17+$0x14280]  }
0x78: {  	v8 =	vmax.f32 v8, v9;
	v9 =	vld @!p0 [tilespmem:s17+$0x142C0]  }
0x79: {  	v18 =	vld @!p0 [tilespmem:s17+$0x14290]  }
0x7a: {  	v19 =	vld @!p0 [tilespmem:s17+$0x142A0]  }
0x7b: {  	v4 =	vpsel !p1, $0xFF800000, v4;
	v7 =	vpsel !p1, $0xFF800000, v7;
	v6 =	vpsel !p1, $0xFF800000, v6;
	v20 =	vld @!p0 [tilespmem:s17+$0x142B0]  }
0x7c: {  	v7 =	vmax.f32 v7, v10;
	v4 =	vmax.f32 v4, v37;
	v10 =	vmax.f32 @!p0 v17, v8;
	v17 =	vld @!p0 [tilespmem:s17+$0x142D0]  }
0x7d: {  	v6 =	vmax.f32 v6, v11;
	v11 =	vld @!p0 [tilespmem:s17+$0x142E0];
	v9 =	vmax.f32 @!p0 v9, v4;
	[tilespmem:s17+$0x14280] =	vst @!p0 v10  }
0x7e: {  	v5 =	vpsel !p1, $0xFF800000, v5;
	v12 =	vld @!p0 [tilespmem:s17+$0x142F0];
	v10 =	vmax.f32 @!p0 v18, v7;
	[tilespmem:s17+$0x142C0] =	vst @!p0 v9  }
0x7f: {  	v3 =	vpsel !p1, $0xFF800000, v3;
	v5 =	vmax.f32 v5, v36;
	[tilespmem:s17+$0x14290] =	vst @!p0 v10;
	v10 =	vmax.f32 @!p0 v19, v6  }
0x80: {  	v2 =	vpsel !p1, $0xFF800000, v2;
	v3 =	vmax.f32 v3, v38;
	[tilespmem:s17+$0x142A0] =	vst @!p0 v10;
	v10 =	vmax.f32 @!p0 v20, v5  }
0x81: {  	v1 =	vpsel !p1, $0xFF800000, v1;
	v2 =	vmax.f32 v2, v39;
	[tilespmem:s17+$0x142B0] =	vst @!p0 v10;
	v9 =	vmax.f32 @!p0 v17, v3  }
0x82: {  	v1 =	vmax.f32 v1, v40;
	[tilespmem:s17+$0x142D0] =	vst @!p0 v9;
	v9 =	vmax.f32 @!p0 v11, v2  }
0x83: {  	[tilespmem:s17+$0x142E0] =	vst @!p0 v9;
	v9 =	vmax.f32 @!p0 v12, v1  }
0x84: {  	[tilespmem:s17+$0x142F0] =	vst @!p0 v9  }
0x85: {  	v9 =	vld [tilespmem:s14+$0xFFFFFD80]  }
0x86: {  	s17 =	spop (v2sf);
	v10 =	vld [tilespmem:s14+$0xFFFFFD90]  }
0x87: {  	v11 =	vld [tilespmem:s14+$0xFFFFFDA0];
	p1 =	seq.s32 s17, s16  }
0x88: {  	v41 =	vld [tilespmem:s14+$0xFFFFFDB0];
	p2 =	sgt.s32 @!p1 s16, $0x0  }
0x89: {  	v42 =	vld [tilespmem:s14+$0xFFFFFDC0];
	p2 =	por !p2, p1  }
0x8a: {  	v43 =	vld [tilespmem:s14+$0xFFFFFDD0];
	s16 =	simm.s32 @p2 $0x0  }
0x8b: {  	v44 =	vld [tilespmem:s14+$0xFFFFFDE0];
	s16 =	sshll.u32 @!p1 s16, $0x9  }
0x8c: {  	v45 =	vld [tilespmem:s14+$0xFFFFFDF0];
	s16 =	sshra.s32 @!p1 s16, $0x2  }
0x8d: {  	v8 =	vpsel !p0, $0xFF800000, v8;
	(v2sf) =	vpush v0, $0x5;
	v17 =	vld @!p1 [tilespmem:s16+$0x14280]  }
0x8e: {  	v8 =	vmax.f32 v8, v9;
	v9 =	vld @!p1 [tilespmem:s16+$0x142C0]  }
0x8f: {  	v18 =	vld @!p1 [tilespmem:s16+$0x14290]  }
0x90: {  	v19 =	vld @!p1 [tilespmem:s16+$0x142A0]  }
0x91: {  	v4 =	vpsel !p0, $0xFF800000, v4;
	v7 =	vpsel !p0, $0xFF800000, v7;
	v6 =	vpsel !p0, $0xFF800000, v6;
	v20 =	vld @!p1 [tilespmem:s16+$0x142B0]  }
0x92: {  	v7 =	vmax.f32 v7, v10;
	v4 =	vmax.f32 v4, v42;
	v10 =	vmax.f32 @!p1 v17, v8;
	v17 =	vld @!p1 [tilespmem:s16+$0x142D0]  }
0x93: {  	v6 =	vmax.f32 v6, v11;
	v11 =	vld @!p1 [tilespmem:s16+$0x142E0];
	v9 =	vmax.f32 @!p1 v9, v4;
	[tilespmem:s16+$0x14280] =	vst @!p1 v10  }
0x94: {  	v5 =	vpsel !p0, $0xFF800000, v5;
	v12 =	vld @!p1 [tilespmem:s16+$0x142F0];
	v10 =	vmax.f32 @!p1 v18, v7;
	[tilespmem:s16+$0x142C0] =	vst @!p1 v9  }
0x95: {  	v3 =	vpsel !p0, $0xFF800000, v3;
	v5 =	vmax.f32 v5, v41;
	[tilespmem:s16+$0x14290] =	vst @!p1 v10;
	v10 =	vmax.f32 @!p1 v19, v6  }
0x96: {  	v2 =	vpsel !p0, $0xFF800000, v2;
	v3 =	vmax.f32 v3, v43;
	[tilespmem:s16+$0x142A0] =	vst @!p1 v10;
	v10 =	vmax.f32 @!p1 v20, v5  }
0x97: {  	v1 =	vpsel !p0, $0xFF800000, v1;
	v2 =	vmax.f32 v2, v44;
	[tilespmem:s16+$0x142B0] =	vst @!p1 v10;
	v9 =	vmax.f32 @!p1 v17, v3  }
0x98: {  	v1 =	vmax.f32 v1, v45;
	[tilespmem:s16+$0x142D0] =	vst @!p1 v9;
	v9 =	vmax.f32 @!p1 v11, v2  }
0x99: {  	[tilespmem:s16+$0x142E0] =	vst @!p1 v9;
	v9 =	vmax.f32 @!p1 v12, v1  }
0x9a: {  	[tilespmem:s16+$0x142F0] =	vst @!p1 v9  }
0x9b: {  	v9 =	vld [tilespmem:s14+$0xFFFFFE00]  }
0x9c: {  	s16 =	spop (v2sf);
	v10 =	vld [tilespmem:s14+$0xFFFFFE10]  }
0x9d: {  	v11 =	vld [tilespmem:s14+$0xFFFFFE20];
	p0 =	seq.s32 s16, s17  }
0x9e: {  	v46 =	vld [tilespmem:s14+$0xFFFFFE30];
	p2 =	sgt.s32 @!p0 s17, $0x0  }
0x9f: {  	v47 =	vld [tilespmem:s14+$0xFFFFFE40];
	p2 =	por !p2, p0  }
0xa0: {  	v48 =	vld [tilespmem:s14+$0xFFFFFE50];
	s17 =	simm.s32 @p2 $0x0  }
0xa1: {  	v49 =	vld [tilespmem:s14+$0xFFFFFE60];
	s17 =	sshll.u32 @!p0 s17, $0x9  }
0xa2: {  	v50 =	vld [tilespmem:s14+$0xFFFFFE70];
	s17 =	sshra.s32 @!p0 s17, $0x2  }
0xa3: {  	v8 =	vpsel !p1, $0xFF800000, v8;
	(v2sf) =	vpush v0, $0x6;
	v17 =	vld @!p0 [tilespmem:s17+$0x14280]  }
0xa4: {  	v8 =	vmax.f32 v8, v9;
	v9 =	vld @!p0 [tilespmem:s17+$0x142C0]  }
0xa5: {  	v18 =	vld @!p0 [tilespmem:s17+$0x14290]  }
0xa6: {  	v19 =	vld @!p0 [tilespmem:s17+$0x142A0]  }
0xa7: {  	v4 =	vpsel !p1, $0xFF800000, v4;
	v7 =	vpsel !p1, $0xFF800000, v7;
	v6 =	vpsel !p1, $0xFF800000, v6;
	v20 =	vld @!p0 [tilespmem:s17+$0x142B0]  }
0xa8: {  	v7 =	vmax.f32 v7, v10;
	v4 =	vmax.f32 v4, v47;
	v10 =	vmax.f32 @!p0 v17, v8;
	v17 =	vld @!p0 [tilespmem:s17+$0x142D0]  }
0xa9: {  	v6 =	vmax.f32 v6, v11;
	v11 =	vld @!p0 [tilespmem:s17+$0x142E0];
	v9 =	vmax.f32 @!p0 v9, v4;
	[tilespmem:s17+$0x14280] =	vst @!p0 v10  }
0xaa: {  	v5 =	vpsel !p1, $0xFF800000, v5;
	v12 =	vld @!p0 [tilespmem:s17+$0x142F0];
	v10 =	vmax.f32 @!p0 v18, v7;
	[tilespmem:s17+$0x142C0] =	vst @!p0 v9  }
0xab: {  	v3 =	vpsel !p1, $0xFF800000, v3;
	v5 =	vmax.f32 v5, v46;
	[tilespmem:s17+$0x14290] =	vst @!p0 v10;
	v10 =	vmax.f32 @!p0 v19, v6  }
0xac: {  	v2 =	vpsel !p1, $0xFF800000, v2;
	v3 =	vmax.f32 v3, v48;
	[tilespmem:s17+$0x142A0] =	vst @!p0 v10;
	v10 =	vmax.f32 @!p0 v20, v5  }
0xad: {  	v1 =	vpsel !p1, $0xFF800000, v1;
	v2 =	vmax.f32 v2, v49;
	[tilespmem:s17+$0x142B0] =	vst @!p0 v10;
	v9 =	vmax.f32 @!p0 v17, v3  }
0xae: {  	v1 =	vmax.f32 v1, v50;
	[tilespmem:s17+$0x142D0] =	vst @!p0 v9;
	v9 =	vmax.f32 @!p0 v11, v2  }
0xaf: {  	[tilespmem:s17+$0x142E0] =	vst @!p0 v9;
	v9 =	vmax.f32 @!p0 v12, v1  }
0xb0: {  	[tilespmem:s17+$0x142F0] =	vst @!p0 v9  }
0xb1: {  	v9 =	vld [tilespmem:s14+$0xFFFFFE80]  }
0xb2: {  	s17 =	spop (v2sf);
	v10 =	vld [tilespmem:s14+$0xFFFFFE90]  }
0xb3: {  	v11 =	vld [tilespmem:s14+$0xFFFFFEA0];
	p1 =	seq.s32 s17, s16  }
0xb4: {  	v51 =	vld [tilespmem:s14+$0xFFFFFEB0];
	p2 =	sgt.s32 @!p1 s16, $0x0  }
0xb5: {  	v52 =	vld [tilespmem:s14+$0xFFFFFEC0];
	p2 =	por !p2, p1  }
0xb6: {  	v53 =	vld [tilespmem:s14+$0xFFFFFED0];
	s16 =	simm.s32 @p2 $0x0  }
0xb7: {  	v54 =	vld [tilespmem:s14+$0xFFFFFEE0];
	s16 =	sshll.u32 @!p1 s16, $0x9  }
0xb8: {  	v55 =	vld [tilespmem:s14+$0xFFFFFEF0];
	s16 =	sshra.s32 @!p1 s16, $0x2  }
0xb9: {  	v8 =	vpsel !p0, $0xFF800000, v8;
	(v2sf) =	vpush v0, $0x7;
	v17 =	vld @!p1 [tilespmem:s16+$0x14280]  }
0xba: {  	v8 =	vmax.f32 v8, v9;
	v9 =	vld @!p1 [tilespmem:s16+$0x142C0]  }
0xbb: {  	v18 =	vld @!p1 [tilespmem:s16+$0x14290]  }
0xbc: {  	v19 =	vld @!p1 [tilespmem:s16+$0x142A0]  }
0xbd: {  	v4 =	vpsel !p0, $0xFF800000, v4;
	v7 =	vpsel !p0, $0xFF800000, v7;
	v6 =	vpsel !p0, $0xFF800000, v6;
	v20 =	vld @!p1 [tilespmem:s16+$0x142B0]  }
0xbe: {  	v7 =	vmax.f32 v7, v10;
	v4 =	vmax.f32 v4, v52;
	v10 =	vmax.f32 @!p1 v17, v8;
	v17 =	vld @!p1 [tilespmem:s16+$0x142D0]  }
0xbf: {  	v6 =	vmax.f32 v6, v11;
	v11 =	vld @!p1 [tilespmem:s16+$0x142E0];
	v9 =	vmax.f32 @!p1 v9, v4;
	[tilespmem:s16+$0x14280] =	vst @!p1 v10  }
0xc0: {  	v5 =	vpsel !p0, $0xFF800000, v5;
	v12 =	vld @!p1 [tilespmem:s16+$0x142F0];
	v10 =	vmax.f32 @!p1 v18, v7;
	[tilespmem:s16+$0x142C0] =	vst @!p1 v9  }
0xc1: {  	v3 =	vpsel !p0, $0xFF800000, v3;
	v5 =	vmax.f32 v5, v51;
	[tilespmem:s16+$0x14290] =	vst @!p1 v10;
	v10 =	vmax.f32 @!p1 v19, v6  }
0xc2: {  	v2 =	vpsel !p0, $0xFF800000, v2;
	v3 =	vmax.f32 v3, v53;
	[tilespmem:s16+$0x142A0] =	vst @!p1 v10;
	v10 =	vmax.f32 @!p1 v20, v5  }
0xc3: {  	v1 =	vpsel !p0, $0xFF800000, v1;
	v2 =	vmax.f32 v2, v54;
	[tilespmem:s16+$0x142B0] =	vst @!p1 v10;
	v9 =	vmax.f32 @!p1 v17, v3  }
0xc4: {  	v1 =	vmax.f32 v1, v55;
	[tilespmem:s16+$0x142D0] =	vst @!p1 v9;
	v9 =	vmax.f32 @!p1 v11, v2  }
0xc5: {  	[tilespmem:s16+$0x142E0] =	vst @!p1 v9;
	v9 =	vmax.f32 @!p1 v12, v1  }
0xc6: {  	[tilespmem:s16+$0x142F0] =	vst @!p1 v9  }
0xc7: {  	v9 =	vld [tilespmem:s14+$0xFFFFFF00]  }
0xc8: {  	s16 =	spop (v2sf);
	v10 =	vld [tilespmem:s14+$0xFFFFFF10]  }
0xc9: {  	v11 =	vld [tilespmem:s14+$0xFFFFFF20];
	p0 =	seq.s32 s16, s17  }
0xca: {  	v56 =	vld [tilespmem:s14+$0xFFFFFF30];
	p2 =	sgt.s32 @!p0 s17, $0x0  }
0xcb: {  	v57 =	vld [tilespmem:s14+$0xFFFFFF40];
	p2 =	por !p2, p0  }
0xcc: {  	v58 =	vld [tilespmem:s14+$0xFFFFFF50];
	s17 =	simm.s32 @p2 $0x0  }
0xcd: {  	v59 =	vld [tilespmem:s14+$0xFFFFFF60];
	s17 =	sshll.u32 @!p0 s17, $0x9  }
0xce: {  	v60 =	vld [tilespmem:s14+$0xFFFFFF70];
	s17 =	sshra.s32 @!p0 s17, $0x2  }
0xcf: {  	v8 =	vpsel !p1, $0xFF800000, v8;
	(v2sf) =	vpush v0, $0x8;
	v17 =	vld @!p0 [tilespmem:s17+$0x14280]  }
0xd0: {  	v8 =	vmax.f32 v8, v9;
	v9 =	vld @!p0 [tilespmem:s17+$0x142C0]  }
0xd1: {  	v18 =	vld @!p0 [tilespmem:s17+$0x14290]  }
0xd2: {  	v19 =	vld @!p0 [tilespmem:s17+$0x142A0]  }
0xd3: {  	v4 =	vpsel !p1, $0xFF800000, v4;
	v7 =	vpsel !p1, $0xFF800000, v7;
	v6 =	vpsel !p1, $0xFF800000, v6;
	v20 =	vld @!p0 [tilespmem:s17+$0x142B0]  }
0xd4: {  	v7 =	vmax.f32 v7, v10;
	v4 =	vmax.f32 v4, v57;
	v10 =	vmax.f32 @!p0 v17, v8;
	v17 =	vld @!p0 [tilespmem:s17+$0x142D0]  }
0xd5: {  	v6 =	vmax.f32 v6, v11;
	v11 =	vld @!p0 [tilespmem:s17+$0x142E0];
	v9 =	vmax.f32 @!p0 v9, v4;
	[tilespmem:s17+$0x14280] =	vst @!p0 v10  }
0xd6: {  	v5 =	vpsel !p1, $0xFF800000, v5;
	v12 =	vld @!p0 [tilespmem:s17+$0x142F0];
	v10 =	vmax.f32 @!p0 v18, v7;
	[tilespmem:s17+$0x142C0] =	vst @!p0 v9  }
0xd7: {  	v3 =	vpsel !p1, $0xFF800000, v3;
	v5 =	vmax.f32 v5, v56;
	[tilespmem:s17+$0x14290] =	vst @!p0 v10;
	v10 =	vmax.f32 @!p0 v19, v6  }
0xd8: {  	v2 =	vpsel !p1, $0xFF800000, v2;
	v3 =	vmax.f32 v3, v58;
	[tilespmem:s17+$0x142A0] =	vst @!p0 v10;
	v10 =	vmax.f32 @!p0 v20, v5  }
0xd9: {  	v1 =	vpsel !p1, $0xFF800000, v1;
	v2 =	vmax.f32 v2, v59;
	[tilespmem:s17+$0x142B0] =	vst @!p0 v10;
	v9 =	vmax.f32 @!p0 v17, v3  }
0xda: {  	v1 =	vmax.f32 v1, v60;
	[tilespmem:s17+$0x142D0] =	vst @!p0 v9;
	v9 =	vmax.f32 @!p0 v11, v2  }
0xdb: {  	[tilespmem:s17+$0x142E0] =	vst @!p0 v9;
	v9 =	vmax.f32 @!p0 v12, v1  }
0xdc: {  	[tilespmem:s17+$0x142F0] =	vst @!p0 v9  }
0xdd: {  	v9 =	vld [tilespmem:s14+$0xFFFFFF80]  }
0xde: {  	s17 =	spop (v2sf);
	v10 =	vld [tilespmem:s14+$0xFFFFFF90]  }
0xdf: {  	v11 =	vld [tilespmem:s14+$0xFFFFFFA0];
	p1 =	seq.s32 s17, s16  }
0xe0: {  	v61 =	vld [tilespmem:s14+$0xFFFFFFB0];
	p2 =	sgt.s32 @!p1 s16, $0x0  }
0xe1: {  	v62 =	vld [tilespmem:s14+$0xFFFFFFC0];
	p2 =	por !p2, p1  }
0xe2: {  	v63 =	vld [tilespmem:s14+$0xFFFFFFD0];
	s16 =	simm.s32 @p2 $0x0  }
0xe3: {  	v24 =	vld [tilespmem:s14+$0xFFFFFFE0];
	s16 =	sshll.u32 @!p1 s16, $0x9  }
0xe4: {  	v25 =	vld [tilespmem:s14+$0xFFFFFFF0];
	s16 =	sshra.s32 @!p1 s16, $0x2  }
0xe5: {  	v8 =	vpsel !p0, $0xFF800000, v8;
	(v2sf) =	vpush v0, $0x9;
	v17 =	vld @!p1 [tilespmem:s16+$0x14280]  }
0xe6: {  	v8 =	vmax.f32 v8, v9;
	v9 =	vld @!p1 [tilespmem:s16+$0x142C0]  }
0xe7: {  	v18 =	vld @!p1 [tilespmem:s16+$0x14290]  }
0xe8: {  	v19 =	vld @!p1 [tilespmem:s16+$0x142A0]  }
0xe9: {  	v4 =	vpsel !p0, $0xFF800000, v4;
	v7 =	vpsel !p0, $0xFF800000, v7;
	v6 =	vpsel !p0, $0xFF800000, v6;
	v20 =	vld @!p1 [tilespmem:s16+$0x142B0]  }
0xea: {  	v7 =	vmax.f32 v7, v10;
	v4 =	vmax.f32 v4, v62;
	v10 =	vmax.f32 @!p1 v17, v8;
	v17 =	vld @!p1 [tilespmem:s16+$0x142D0]  }
0xeb: {  	v6 =	vmax.f32 v6, v11;
	v11 =	vld @!p1 [tilespmem:s16+$0x142E0];
	v9 =	vmax.f32 @!p1 v9, v4;
	[tilespmem:s16+$0x14280] =	vst @!p1 v10  }
0xec: {  	v5 =	vpsel !p0, $0xFF800000, v5;
	v12 =	vld @!p1 [tilespmem:s16+$0x142F0];
	v10 =	vmax.f32 @!p1 v18, v7;
	[tilespmem:s16+$0x142C0] =	vst @!p1 v9  }
0xed: {  	v3 =	vpsel !p0, $0xFF800000, v3;
	v5 =	vmax.f32 v5, v61;
	[tilespmem:s16+$0x14290] =	vst @!p1 v10;
	v10 =	vmax.f32 @!p1 v19, v6  }
0xee: {  	v2 =	vpsel !p0, $0xFF800000, v2;
	v3 =	vmax.f32 v3, v63;
	[tilespmem:s16+$0x142A0] =	vst @!p1 v10;
	v10 =	vmax.f32 @!p1 v20, v5  }
0xef: {  	v1 =	vpsel !p0, $0xFF800000, v1;
	v2 =	vmax.f32 v2, v24;
	[tilespmem:s16+$0x142B0] =	vst @!p1 v10;
	v9 =	vmax.f32 @!p1 v17, v3  }
0xf0: {  	v1 =	vmax.f32 v1, v25;
	[tilespmem:s16+$0x142D0] =	vst @!p1 v9;
	v9 =	vmax.f32 @!p1 v11, v2  }
0xf1: {  	[tilespmem:s16+$0x142E0] =	vst @!p1 v9;
	v9 =	vmax.f32 @!p1 v12, v1  }
0xf2: {  	[tilespmem:s16+$0x142F0] =	vst @!p1 v9  }
0xf3: {  	v9 =	vld [tilespmem:s14+$0x0]  }
0xf4: {  	s16 =	spop (v2sf);
	v10 =	vld [tilespmem:s14+$0x10]  }
0xf5: {  	v11 =	vld [tilespmem:s14+$0x20];
	p0 =	seq.s32 s16, s17  }
0xf6: {  	v26 =	vld [tilespmem:s14+$0x30];
	p2 =	sgt.s32 @!p0 s17, $0x0  }
0xf7: {  	v27 =	vld [tilespmem:s14+$0x40];
	p2 =	por !p2, p0  }
0xf8: {  	v28 =	vld [tilespmem:s14+$0x50];
	s17 =	simm.s32 @p2 $0x0  }
0xf9: {  	v29 =	vld [tilespmem:s14+$0x60];
	s17 =	sshll.u32 @!p0 s17, $0x9  }
0xfa: {  	v30 =	vld [tilespmem:s14+$0x70];
	s17 =	sshra.s32 @!p0 s17, $0x2  }
0xfb: {  	v8 =	vpsel !p1, $0xFF800000, v8;
	(v2sf) =	vpush v0, $0xA;
	v17 =	vld @!p0 [tilespmem:s17+$0x14280]  }
0xfc: {  	v8 =	vmax.f32 v8, v9;
	v9 =	vld @!p0 [tilespmem:s17+$0x142C0]  }
0xfd: {  	v18 =	vld @!p0 [tilespmem:s17+$0x14290]  }
0xfe: {  	v19 =	vld @!p0 [tilespmem:s17+$0x142A0]  }
0xff: {  	v4 =	vpsel !p1, $0xFF800000, v4;
	v7 =	vpsel !p1, $0xFF800000, v7;
	v6 =	vpsel !p1, $0xFF800000, v6;
	v20 =	vld @!p0 [tilespmem:s17+$0x142B0]  }
0x100: {  	v7 =	vmax.f32 v7, v10;
	v4 =	vmax.f32 v4, v27;
	v10 =	vmax.f32 @!p0 v17, v8;
	v17 =	vld @!p0 [tilespmem:s17+$0x142D0]  }
0x101: {  	v6 =	vmax.f32 v6, v11;
	v11 =	vld @!p0 [tilespmem:s17+$0x142E0];
	v9 =	vmax.f32 @!p0 v9, v4;
	[tilespmem:s17+$0x14280] =	vst @!p0 v10  }
0x102: {  	v5 =	vpsel !p1, $0xFF800000, v5;
	v12 =	vld @!p0 [tilespmem:s17+$0x142F0];
	v10 =	vmax.f32 @!p0 v18, v7;
	[tilespmem:s17+$0x142C0] =	vst @!p0 v9  }
0x103: {  	v3 =	vpsel !p1, $0xFF800000, v3;
	v5 =	vmax.f32 v5, v26;
	[tilespmem:s17+$0x14290] =	vst @!p0 v10;
	v10 =	vmax.f32 @!p0 v19, v6  }
0x104: {  	v2 =	vpsel !p1, $0xFF800000, v2;
	v3 =	vmax.f32 v3, v28;
	[tilespmem:s17+$0x142A0] =	vst @!p0 v10;
	v10 =	vmax.f32 @!p0 v20, v5  }
0x105: {  	v1 =	vpsel !p1, $0xFF800000, v1;
	v2 =	vmax.f32 v2, v29;
	[tilespmem:s17+$0x142B0] =	vst @!p0 v10;
	v9 =	vmax.f32 @!p0 v17, v3  }
0x106: {  	v1 =	vmax.f32 v1, v30;
	[tilespmem:s17+$0x142D0] =	vst @!p0 v9;
	v9 =	vmax.f32 @!p0 v11, v2  }
0x107: {  	[tilespmem:s17+$0x142E0] =	vst @!p0 v9;
	v9 =	vmax.f32 @!p0 v12, v1  }
0x108: {  	[tilespmem:s17+$0x142F0] =	vst @!p0 v9  }
0x109: {  	v9 =	vld [tilespmem:s14+$0x80]  }
0x10a: {  	s17 =	spop (v2sf);
	v10 =	vld [tilespmem:s14+$0x90]  }
0x10b: {  	v11 =	vld [tilespmem:s14+$0xA0];
	p1 =	seq.s32 s17, s16  }
0x10c: {  	v31 =	vld [tilespmem:s14+$0xB0];
	p2 =	sgt.s32 @!p1 s16, $0x0  }
0x10d: {  	v32 =	vld [tilespmem:s14+$0xC0];
	p2 =	por !p2, p1  }
0x10e: {  	v33 =	vld [tilespmem:s14+$0xD0];
	s16 =	simm.s32 @p2 $0x0  }
0x10f: {  	v34 =	vld [tilespmem:s14+$0xE0];
	s16 =	sshll.u32 @!p1 s16, $0x9  }
0x110: {  	v35 =	vld [tilespmem:s14+$0xF0];
	s16 =	sshra.s32 @!p1 s16, $0x2  }
0x111: {  	v8 =	vpsel !p0, $0xFF800000, v8;
	(v2sf) =	vpush v0, $0xB;
	v17 =	vld @!p1 [tilespmem:s16+$0x14280]  }
0x112: {  	v8 =	vmax.f32 v8, v9;
	v9 =	vld @!p1 [tilespmem:s16+$0x142C0]  }
0x113: {  	v18 =	vld @!p1 [tilespmem:s16+$0x14290]  }
0x114: {  	v19 =	vld @!p1 [tilespmem:s16+$0x142A0]  }
0x115: {  	v4 =	vpsel !p0, $0xFF800000, v4;
	v7 =	vpsel !p0, $0xFF800000, v7;
	v6 =	vpsel !p0, $0xFF800000, v6;
	v20 =	vld @!p1 [tilespmem:s16+$0x142B0]  }
0x116: {  	v7 =	vmax.f32 v7, v10;
	v4 =	vmax.f32 v4, v32;
	v10 =	vmax.f32 @!p1 v17, v8;
	v17 =	vld @!p1 [tilespmem:s16+$0x142D0]  }
0x117: {  	v6 =	vmax.f32 v6, v11;
	v11 =	vld @!p1 [tilespmem:s16+$0x142E0];
	v9 =	vmax.f32 @!p1 v9, v4;
	[tilespmem:s16+$0x14280] =	vst @!p1 v10  }
0x118: {  	v5 =	vpsel !p0, $0xFF800000, v5;
	v12 =	vld @!p1 [tilespmem:s16+$0x142F0];
	v10 =	vmax.f32 @!p1 v18, v7;
	[tilespmem:s16+$0x142C0] =	vst @!p1 v9  }
0x119: {  	v3 =	vpsel !p0, $0xFF800000, v3;
	v5 =	vmax.f32 v5, v31;
	[tilespmem:s16+$0x14290] =	vst @!p1 v10;
	v10 =	vmax.f32 @!p1 v19, v6  }
0x11a: {  	v2 =	vpsel !p0, $0xFF800000, v2;
	v3 =	vmax.f32 v3, v33;
	[tilespmem:s16+$0x142A0] =	vst @!p1 v10;
	v10 =	vmax.f32 @!p1 v20, v5  }
0x11b: {  	v1 =	vpsel !p0, $0xFF800000, v1;
	v2 =	vmax.f32 v2, v34;
	[tilespmem:s16+$0x142B0] =	vst @!p1 v10;
	v9 =	vmax.f32 @!p1 v17, v3  }
0x11c: {  	v1 =	vmax.f32 v1, v35;
	[tilespmem:s16+$0x142D0] =	vst @!p1 v9;
	v9 =	vmax.f32 @!p1 v11, v2  }
0x11d: {  	[tilespmem:s16+$0x142E0] =	vst @!p1 v9;
	v9 =	vmax.f32 @!p1 v12, v1  }
0x11e: {  	[tilespmem:s16+$0x142F0] =	vst @!p1 v9  }
0x11f: {  	v9 =	vld [tilespmem:s14+$0x100]  }
0x120: {  	s16 =	spop (v2sf);
	v10 =	vld [tilespmem:s14+$0x110]  }
0x121: {  	v11 =	vld [tilespmem:s14+$0x120];
	p0 =	seq.s32 s16, s17  }
0x122: {  	v36 =	vld [tilespmem:s14+$0x130];
	p2 =	sgt.s32 @!p0 s17, $0x0  }
0x123: {  	v37 =	vld [tilespmem:s14+$0x140];
	p2 =	por !p2, p0  }
0x124: {  	v38 =	vld [tilespmem:s14+$0x150];
	s17 =	simm.s32 @p2 $0x0  }
0x125: {  	v39 =	vld [tilespmem:s14+$0x160];
	s17 =	sshll.u32 @!p0 s17, $0x9  }
0x126: {  	v40 =	vld [tilespmem:s14+$0x170];
	s17 =	sshra.s32 @!p0 s17, $0x2  }
0x127: {  	v8 =	vpsel !p1, $0xFF800000, v8;
	(v2sf) =	vpush v0, $0xC;
	v17 =	vld @!p0 [tilespmem:s17+$0x14280]  }
0x128: {  	v8 =	vmax.f32 v8, v9;
	v9 =	vld @!p0 [tilespmem:s17+$0x142C0]  }
0x129: {  	v18 =	vld @!p0 [tilespmem:s17+$0x14290]  }
0x12a: {  	v19 =	vld @!p0 [tilespmem:s17+$0x142A0]  }
0x12b: {  	v4 =	vpsel !p1, $0xFF800000, v4;
	v7 =	vpsel !p1, $0xFF800000, v7;
	v6 =	vpsel !p1, $0xFF800000, v6;
	v20 =	vld @!p0 [tilespmem:s17+$0x142B0]  }
0x12c: {  	v7 =	vmax.f32 v7, v10;
	v4 =	vmax.f32 v4, v37;
	v10 =	vmax.f32 @!p0 v17, v8;
	v17 =	vld @!p0 [tilespmem:s17+$0x142D0]  }
0x12d: {  	v6 =	vmax.f32 v6, v11;
	v11 =	vld @!p0 [tilespmem:s17+$0x142E0];
	v9 =	vmax.f32 @!p0 v9, v4;
	[tilespmem:s17+$0x14280] =	vst @!p0 v10  }
0x12e: {  	v5 =	vpsel !p1, $0xFF800000, v5;
	v12 =	vld @!p0 [tilespmem:s17+$0x142F0];
	v10 =	vmax.f32 @!p0 v18, v7;
	[tilespmem:s17+$0x142C0] =	vst @!p0 v9  }
0x12f: {  	v3 =	vpsel !p1, $0xFF800000, v3;
	v5 =	vmax.f32 v5, v36;
	[tilespmem:s17+$0x14290] =	vst @!p0 v10;
	v10 =	vmax.f32 @!p0 v19, v6  }
0x130: {  	v2 =	vpsel !p1, $0xFF800000, v2;
	v3 =	vmax.f32 v3, v38;
	[tilespmem:s17+$0x142A0] =	vst @!p0 v10;
	v10 =	vmax.f32 @!p0 v20, v5  }
0x131: {  	v1 =	vpsel !p1, $0xFF800000, v1;
	v2 =	vmax.f32 v2, v39;
	[tilespmem:s17+$0x142B0] =	vst @!p0 v10;
	v9 =	vmax.f32 @!p0 v17, v3  }
0x132: {  	v1 =	vmax.f32 v1, v40;
	[tilespmem:s17+$0x142D0] =	vst @!p0 v9;
	v9 =	vmax.f32 @!p0 v11, v2  }
0x133: {  	[tilespmem:s17+$0x142E0] =	vst @!p0 v9;
	v9 =	vmax.f32 @!p0 v12, v1  }
0x134: {  	[tilespmem:s17+$0x142F0] =	vst @!p0 v9  }
0x135: {  	v9 =	vld [tilespmem:s14+$0x180]  }
0x136: {  	s17 =	spop (v2sf);
	v10 =	vld [tilespmem:s14+$0x190]  }
0x137: {  	v11 =	vld [tilespmem:s14+$0x1A0];
	p1 =	seq.s32 s17, s16  }
0x138: {  	v41 =	vld [tilespmem:s14+$0x1B0];
	p2 =	sgt.s32 @!p1 s16, $0x0  }
0x139: {  	v42 =	vld [tilespmem:s14+$0x1C0];
	p2 =	por !p2, p1  }
0x13a: {  	v43 =	vld [tilespmem:s14+$0x1D0];
	s16 =	simm.s32 @p2 $0x0  }
0x13b: {  	v44 =	vld [tilespmem:s14+$0x1E0];
	s16 =	sshll.u32 @!p1 s16, $0x9  }
0x13c: {  	v45 =	vld [tilespmem:s14+$0x1F0];
	s16 =	sshra.s32 @!p1 s16, $0x2  }
0x13d: {  	v8 =	vpsel !p0, $0xFF800000, v8;
	(v2sf) =	vpush v0, $0xD;
	v17 =	vld @!p1 [tilespmem:s16+$0x14280]  }
0x13e: {  	v8 =	vmax.f32 v8, v9;
	v9 =	vld @!p1 [tilespmem:s16+$0x142C0]  }
0x13f: {  	v18 =	vld @!p1 [tilespmem:s16+$0x14290]  }
0x140: {  	v19 =	vld @!p1 [tilespmem:s16+$0x142A0]  }
0x141: {  	v4 =	vpsel !p0, $0xFF800000, v4;
	v7 =	vpsel !p0, $0xFF800000, v7;
	v6 =	vpsel !p0, $0xFF800000, v6;
	v20 =	vld @!p1 [tilespmem:s16+$0x142B0]  }
0x142: {  	v7 =	vmax.f32 v7, v10;
	v4 =	vmax.f32 v4, v42;
	v10 =	vmax.f32 @!p1 v17, v8;
	v17 =	vld @!p1 [tilespmem:s16+$0x142D0]  }
0x143: {  	v6 =	vmax.f32 v6, v11;
	v11 =	vld @!p1 [tilespmem:s16+$0x142E0];
	v9 =	vmax.f32 @!p1 v9, v4;
	[tilespmem:s16+$0x14280] =	vst @!p1 v10  }
0x144: {  	v5 =	vpsel !p0, $0xFF800000, v5;
	v12 =	vld @!p1 [tilespmem:s16+$0x142F0];
	v10 =	vmax.f32 @!p1 v18, v7;
	[tilespmem:s16+$0x142C0] =	vst @!p1 v9  }
0x145: {  	v3 =	vpsel !p0, $0xFF800000, v3;
	v5 =	vmax.f32 v5, v41;
	[tilespmem:s16+$0x14290] =	vst @!p1 v10;
	v10 =	vmax.f32 @!p1 v19, v6  }
0x146: {  	v2 =	vpsel !p0, $0xFF800000, v2;
	v3 =	vmax.f32 v3, v43;
	[tilespmem:s16+$0x142A0] =	vst @!p1 v10;
	v10 =	vmax.f32 @!p1 v20, v5  }
0x147: {  	v1 =	vpsel !p0, $0xFF800000, v1;
	v2 =	vmax.f32 v2, v44;
	[tilespmem:s16+$0x142B0] =	vst @!p1 v10;
	v9 =	vmax.f32 @!p1 v17, v3  }
0x148: {  	v1 =	vmax.f32 v1, v45;
	[tilespmem:s16+$0x142D0] =	vst @!p1 v9;
	v9 =	vmax.f32 @!p1 v11, v2  }
0x149: {  	[tilespmem:s16+$0x142E0] =	vst @!p1 v9;
	v9 =	vmax.f32 @!p1 v12, v1  }
0x14a: {  	[tilespmem:s16+$0x142F0] =	vst @!p1 v9  }
0x14b: {  	v9 =	vld [tilespmem:s14+$0x200]  }
0x14c: {  	s16 =	spop (v2sf);
	v10 =	vld [tilespmem:s14+$0x210]  }
0x14d: {  	v11 =	vld [tilespmem:s14+$0x220];
	p0 =	seq.s32 s16, s17  }
0x14e: {  	v46 =	vld [tilespmem:s14+$0x230];
	p2 =	sgt.s32 @!p0 s17, $0x0  }
0x14f: {  	v47 =	vld [tilespmem:s14+$0x240];
	p2 =	por !p2, p0  }
0x150: {  	v48 =	vld [tilespmem:s14+$0x250];
	s17 =	simm.s32 @p2 $0x0  }
0x151: {  	v49 =	vld [tilespmem:s14+$0x260];
	s17 =	sshll.u32 @!p0 s17, $0x9  }
0x152: {  	v50 =	vld [tilespmem:s14+$0x270];
	s17 =	sshra.s32 @!p0 s17, $0x2  }
0x153: {  	v8 =	vpsel !p1, $0xFF800000, v8;
	(v2sf) =	vpush v0, $0xE;
	v17 =	vld @!p0 [tilespmem:s17+$0x14280]  }
0x154: {  	v8 =	vmax.f32 v8, v9;
	v9 =	vld @!p0 [tilespmem:s17+$0x142C0]  }
0x155: {  	v18 =	vld @!p0 [tilespmem:s17+$0x14290]  }
0x156: {  	v19 =	vld @!p0 [tilespmem:s17+$0x142A0]  }
0x157: {  	v4 =	vpsel !p1, $0xFF800000, v4;
	v7 =	vpsel !p1, $0xFF800000, v7;
	v6 =	vpsel !p1, $0xFF800000, v6;
	v20 =	vld @!p0 [tilespmem:s17+$0x142B0]  }
0x158: {  	v7 =	vmax.f32 v7, v10;
	v4 =	vmax.f32 v4, v47;
	v10 =	vmax.f32 @!p0 v17, v8;
	v17 =	vld @!p0 [tilespmem:s17+$0x142D0]  }
0x159: {  	v6 =	vmax.f32 v6, v11;
	v11 =	vld @!p0 [tilespmem:s17+$0x142E0];
	v9 =	vmax.f32 @!p0 v9, v4;
	[tilespmem:s17+$0x14280] =	vst @!p0 v10  }
0x15a: {  	v5 =	vpsel !p1, $0xFF800000, v5;
	v12 =	vld @!p0 [tilespmem:s17+$0x142F0];
	v10 =	vmax.f32 @!p0 v18, v7;
	[tilespmem:s17+$0x142C0] =	vst @!p0 v9  }
0x15b: {  	v3 =	vpsel !p1, $0xFF800000, v3;
	v5 =	vmax.f32 v5, v46;
	[tilespmem:s17+$0x14290] =	vst @!p0 v10;
	v10 =	vmax.f32 @!p0 v19, v6  }
0x15c: {  	v2 =	vpsel !p1, $0xFF800000, v2;
	v3 =	vmax.f32 v3, v48;
	[tilespmem:s17+$0x142A0] =	vst @!p0 v10;
	v10 =	vmax.f32 @!p0 v20, v5  }
0x15d: {  	v1 =	vpsel !p1, $0xFF800000, v1;
	v2 =	vmax.f32 v2, v49;
	[tilespmem:s17+$0x142B0] =	vst @!p0 v10;
	v9 =	vmax.f32 @!p0 v17, v3  }
0x15e: {  	v1 =	vmax.f32 v1, v50;
	[tilespmem:s17+$0x142D0] =	vst @!p0 v9;
	v9 =	vmax.f32 @!p0 v11, v2  }
0x15f: {  	[tilespmem:s17+$0x142E0] =	vst @!p0 v9;
	v9 =	vmax.f32 @!p0 v12, v1  }
0x160: {  	[tilespmem:s17+$0x142F0] =	vst @!p0 v9  }
0x161: {  	v9 =	vld [tilespmem:s14+$0x280]  }
0x162: {  	s17 =	spop (v2sf);
	v10 =	vld [tilespmem:s14+$0x290]  }
0x163: {  	v11 =	vld [tilespmem:s14+$0x2A0];
	p1 =	seq.s32 s17, s16  }
0x164: {  	v51 =	vld [tilespmem:s14+$0x2B0];
	p2 =	sgt.s32 @!p1 s16, $0x0  }
0x165: {  	v52 =	vld [tilespmem:s14+$0x2C0];
	p2 =	por !p2, p1  }
0x166: {  	v53 =	vld [tilespmem:s14+$0x2D0];
	s16 =	simm.s32 @p2 $0x0  }
0x167: {  	v54 =	vld [tilespmem:s14+$0x2E0];
	s16 =	sshll.u32 @!p1 s16, $0x9  }
0x168: {  	v55 =	vld [tilespmem:s14+$0x2F0];
	s16 =	sshra.s32 @!p1 s16, $0x2  }
0x169: {  	(v2sf) =	vpush v0, $0xF;
	v17 =	vld @!p1 [tilespmem:s16+$0x14280]  }
0x16a: {  	v0 =	vld @!p1 [tilespmem:s16+$0x14290]  }
0x16b: {  	v18 =	vld @!p1 [tilespmem:s16+$0x142A0]  }
0x16c: {  	v8 =	vpsel !p0, $0xFF800000, v8;
	v19 =	vld @!p1 [tilespmem:s16+$0x142B0]  }
0x16d: {  	v7 =	vpsel !p0, $0xFF800000, v7;
	v8 =	vmax.f32 v8, v9;
	v9 =	vld @!p1 [tilespmem:s16+$0x142C0]  }
0x16e: {  	v6 =	vpsel !p0, $0xFF800000, v6;
	v7 =	vmax.f32 v7, v10;
	v10 =	vmax.f32 @!p1 v17, v8;
	v17 =	vld @!p1 [tilespmem:s16+$0x142D0]  }
0x16f: {  	v5 =	vpsel !p0, $0xFF800000, v5;
	v6 =	vmax.f32 v6, v11;
	v0 =	vmax.f32 @!p1 v0, v7;
	[tilespmem:s16+$0x14280] =	vst @!p1 v10;
	v10 =	vld @!p1 [tilespmem:s16+$0x142E0]  }
0x170: {  	v4 =	vpsel !p0, $0xFF800000, v4;
	v5 =	vmax.f32 v5, v51;
	v11 =	vld @!p1 [tilespmem:s16+$0x142F0];
	[tilespmem:s16+$0x14290] =	vst @!p1 v0;
	v0 =	vmax.f32 @!p1 v18, v6  }
0x171: {  	v3 =	vpsel !p0, $0xFF800000, v3;
	v4 =	vmax.f32 v4, v52;
	[tilespmem:s16+$0x142A0] =	vst @!p1 v0;
	v0 =	vmax.f32 @!p1 v19, v5  }
0x172: {  	v2 =	vpsel !p0, $0xFF800000, v2;
	v3 =	vmax.f32 v3, v53;
	[tilespmem:s16+$0x142B0] =	vst @!p1 v0;
	v0 =	vmax.f32 @!p1 v9, v4  }
0x173: {  	v1 =	vpsel !p0, $0xFF800000, v1;
	v2 =	vmax.f32 v2, v54;
	[tilespmem:s16+$0x142C0] =	vst @!p1 v0;
	v0 =	vmax.f32 @!p1 v17, v3  }
0x174: {  	v1 =	vmax.f32 v1, v55;
	[tilespmem:s16+$0x142D0] =	vst @!p1 v0;
	v0 =	vmax.f32 @!p1 v10, v2  }
0x175: {  	[tilespmem:s16+$0x142E0] =	vst @!p1 v0;
	v0 =	vmax.f32 @!p1 v11, v1  }
0x176: {  	[tilespmem:s16+$0x142F0] =	vst @!p1 v0  }
0x177: {  	v0 =	vld [tilespmem:s14+$0x300]  }
0x178: {  	s16 =	spop (v2sf);
	v9 =	vld [tilespmem:s14+$0x310]  }
0x179: {  	v10 =	vld [tilespmem:s14+$0x320];
	p0 =	seq.s32 s16, s17  }
0x17a: {  	v11 =	vld [tilespmem:s14+$0x330];
	p2 =	sgt.s32 @!p0 s17, $0x0  }
0x17b: {  	v56 =	vld [tilespmem:s14+$0x340];
	p2 =	por !p2, p0  }
0x17c: {  	v57 =	vld [tilespmem:s14+$0x350];
	s17 =	simm.s32 @p2 $0x0  }
0x17d: {  	v58 =	vld [tilespmem:s14+$0x360];
	s17 =	sshll.u32 @!p0 s17, $0x9  }
0x17e: {  	v59 =	vld [tilespmem:s14+$0x370];
	s17 =	sshra.s32 @!p0 s17, $0x2  }
0x17f: {  	v8 =	vpsel !p1, $0xFF800000, v8;
	v16 =	vld @!p0 [tilespmem:s17+$0x14280]  }
0x180: {  	v0 =	vmax.f32 v8, v0;
	v8 =	vld @!p0 [tilespmem:s17+$0x142C0]  }
0x181: {  	v17 =	vld @!p0 [tilespmem:s17+$0x14290]  }
0x182: {  	v18 =	vld @!p0 [tilespmem:s17+$0x142A0]  }
0x183: {  	v7 =	vpsel !p1, $0xFF800000, v7;
	v6 =	vpsel !p1, $0xFF800000, v6;
	v4 =	vpsel !p1, $0xFF800000, v4;
	v19 =	vld @!p0 [tilespmem:s17+$0x142B0]  }
0x184: {  	v7 =	vmax.f32 v7, v9;
	v4 =	vmax.f32 v4, v56;
	v9 =	vmax.f32 @!p0 v16, v0;
	v16 =	vld @!p0 [tilespmem:s17+$0x142D0]  }
0x185: {  	v5 =	vpsel !p1, $0xFF800000, v5;
	v6 =	vmax.f32 v6, v10;
	v10 =	vld @!p0 [tilespmem:s17+$0x142E0];
	v8 =	vmax.f32 @!p0 v8, v4;
	[tilespmem:s17+$0x14280] =	vst @!p0 v9  }
0x186: {  	v5 =	vmax.f32 v5, v11;
	v11 =	vld @!p0 [tilespmem:s17+$0x142F0];
	v9 =	vmax.f32 @!p0 v17, v7;
	[tilespmem:s17+$0x142C0] =	vst @!p0 v8  }
0x187: {  	v3 =	vpsel !p1, $0xFF800000, v3;
	[tilespmem:s17+$0x14290] =	vst @!p0 v9;
	v9 =	vmax.f32 @!p0 v18, v6  }
0x188: {  	v2 =	vpsel !p1, $0xFF800000, v2;
	v3 =	vmax.f32 v3, v57;
	[tilespmem:s17+$0x142A0] =	vst @!p0 v9;
	v9 =	vmax.f32 @!p0 v19, v5  }
0x189: {  	v1 =	vpsel !p1, $0xFF800000, v1;
	v2 =	vmax.f32 v2, v58;
	[tilespmem:s17+$0x142B0] =	vst @!p0 v9;
	v8 =	vmax.f32 @!p0 v16, v3  }
0x18a: {  	v1 =	vmax.f32 v1, v59;
	[tilespmem:s17+$0x142D0] =	vst @!p0 v8;
	v8 =	vmax.f32 @!p0 v10, v2  }
0x18b: {  	[tilespmem:s17+$0x142E0] =	vst @!p0 v8;
	v8 =	vmax.f32 @!p0 v11, v1  }
0x18c: {  	[tilespmem:s17+$0x142F0] =	vst @!p0 v8  }
0x18d: {  	v8 =	vld [tilespmem:s14+$0x380]  }
0x18e: {  	v10 =	vld [tilespmem:s14+$0x3A0]  }
0x18f: {  	v11 =	vld [tilespmem:s14+$0x3B0]  }
0x190: {  	v60 =	vld [tilespmem:s14+$0x3C0];
	_ =	sdelay $0x1  }
0x191: {  	v0 =	vpsel !p0, $0xFF800000, v0  }
0x192: {  	v7 =	vpsel !p0, $0xFF800000, v7;
	v9 =	vld [tilespmem:s14+$0x390];
	v8 =	vmax.f32 v0, v8  }
0x193: {  	v61 =	vld [tilespmem:s14+$0x3D0];
	v0 =	vpsel !p0, $0xFF800000, v4;
	v4 =	vpsel !p0, $0xFF800000, v5;
	v5 =	vpsel !p0, $0xFF800000, v6  }
0x194: {  	s15 =	sadd.s32 $0x40, s15;
	v62 =	vld [tilespmem:s14+$0x3E0];
	v6 =	vmax.f32 v5, v10;
	v5 =	vmax.f32 v4, v11;
	v4 =	vmax.f32 v0, v60  }
0x195: {  	v63 =	vld [tilespmem:s14+$0x3F0];
	v0 =	vpsel !p0, $0xFF800000, v1;
	v1 =	vpsel !p0, $0xFF800000, v2;
	v2 =	vpsel !p0, $0xFF800000, v3;
	p0 =	sne.s32 s15, $0xA00  }
.Ltmp1:
0x196: {  	_ = 	snop;
	(pc) =	sbr.rel @p0 .LBB2_5-.Ltmp1, $3  }
0x197: {  	_ =	sdelay $0x1  }
0x198: {  	v7 =	vmax.f32 v7, v9  }
0x199: {  	s14 =	sadd.s32 $0x800, s14;
	v3 =	vmax.f32 v2, v61;
	v2 =	vmax.f32 v1, v62;
	v1 =	vmax.f32 v0, v63  }
0x19a: {  	s13 =	sadd.s32 $0x1, s13  }
0x19b: {  	p0 =	sne.s32 s13, $0x5  }
.Ltmp2:
0x19c: {  	_ = 	snop;
	(pc) =	sbr.rel @p0 .LBB2_4-.Ltmp2, $1  }
0x19d: {  	_ =	sdelay $0x3  }
0x19e: {  	p0 =	sgt.s32 s16, $0x0  }
0x19f: {  	s16 =	simm.s32 @!p0 $0x0  }
0x1a0: {  	s12 =	sshll.u32 s16, $0x9  }
0x1a1: {  	s12 =	sshra.s32 s12, $0x2  }
0x1a2: {  	v0 =	vld [tilespmem:s12+$0x14280]  }
0x1a3: {  	v9 =	vld [tilespmem:s12+$0x14290]  }
0x1a4: {  	v10 =	vld [tilespmem:s12+$0x142A0]  }
0x1a5: {  	v11 =	vld [tilespmem:s12+$0x142B0]  }
0x1a6: {  	v12 =	vld [tilespmem:s12+$0x142C0]  }
0x1a7: {  	v54 =	vld [tilespmem:s12+$0x142D0];
	v0 =	vmax.f32 v0, v8  }
0x1a8: {  	v56 =	vld [tilespmem:s12+$0x142E0];
	v55 =	vmax.f32 v9, v7;
	[tilespmem:s12+$0x14280] =	vst v0  }
0x1a9: {  	v58 =	vld [tilespmem:s12+$0x142F0];
	v57 =	vmax.f32 v10, v6;
	[tilespmem:s12+$0x14290] =	vst v55  }
0x1aa: {  	v59 =	vmax.f32 v11, v5;
	[tilespmem:s12+$0x142A0] =	vst v57  }
0x1ab: {  	v60 =	vmax.f32 v12, v4;
	[tilespmem:s12+$0x142B0] =	vst v59  }
0x1ac: {  	v61 =	vmax.f32 v54, v3;
	[tilespmem:s12+$0x142C0] =	vst v60  }
0x1ad: {  	s11 =	sadd.s32 $0x1, s11;
	v62 =	vmax.f32 v56, v2;
	[tilespmem:s12+$0x142D0] =	vst v61  }
0x1ae: {  	p0 =	sne.s32 s11, s7;
	v63 =	vmax.f32 v58, v1;
	[tilespmem:s12+$0x142E0] =	vst v62  }
.Ltmp3:
0x1af: {  	[tilespmem:s12+$0x142F0] =	vst v63;
	(pc) =	sbr.rel @p0 .LBB2_1-.Ltmp3, $4  }
0x1b0: {  	[hbm4b:s6+s4] =	stream.linear.scatter [tilespmem:s10], [sflag:$0x1], $0x2000, $0x38;
	[tilespmem:$0x16280] =	vst v63  }
0x1b1: {  	_ =	swait.ge [sflag:s8], $0x2000  }
0x1b2: {  	[sflag:s8] =	ssyncset.done $0x0  }
0x1b3: {  	[sflag:s8] =	ssyncadd.s32 $0xFFFFE000  }
0x1b4: {  	_ =	sfence.sel $0x180000  }
0x1b5: {  	[bflag:$0x0] =	sbarrier.arrive $0xFFFF  }
0x1b6: {  	p0 =	sne.s32 s2, $0x0;
	_ =	strace $0x90000047  }
0x1b7: {  	s0 =	sadd.s32 @!p0 $0x100000, s0;
	[bflag:$0x2] =	sbarrier.arrive $0xFFFF  }
0x1b8: {  	[sflag:s0] =	ssyncadd.tile.s32 @!p0 $0x1;
	_ =	shalt  }
.Lfunc_end2:
_tile_overlayer_lowered:
.L_overlay_start_2:
0x1b9: {  	(tag) =	ssettag $0x2  }
0x1ba: {  	s0 =	rddreg [dreg:$0x0];
	s2 =	stileid.u32  }
0x1bb: {  	s1 =	rddreg [dreg:$0x1];
	p0 =	sne.s32 s2, $0x0  }
0x1bc: {  	s3 =	rddreg [dreg:$0x2];
	[bflag:$0x3] =	sbarrier.arrive $0xFFFF;
	s2 =	simm.s32 @!p0 $0x1C01  }
0x1bd: {  	[timem:s3], [sflag:s2] =	dma.local @!p0 [hbm:s0], s1  }
0x1be: {  	s0 =	simm.s32 @!p0 $0x1  }
0x1bf: {  	_ =	swait.ge @!p0 [sflag:s0], s1  }
0x1c0: {  	s1 =	ssub.s32 @!p0 $0x0, s1;
	[sflag:s0] =	ssyncset.done @!p0 $0x0  }
0x1c1: {  	[sflag:s0] =	ssyncadd.s32 @!p0 s1  }
0x1c2: {  	[bflag:$0x3] =	sbarrier.arrive $0xFFFF  }
0x1c3: {  	_ =	shalt  }

</sc_bundles>
